<compile_context>
chip_gen: v7x
topology: tpu7x:2x2x1
jax: 0.10.2.dev20260603
libtpu: 0.0.44.dev20260713+nightly
codegen_flags: <defaults>
</compile_context>

<pallas_src>
import functools

import jax
import jax.numpy as jnp
from jax import lax
from jax.experimental import pallas as pl
from jax.experimental.pallas import tpu as pltpu
from jax.experimental.pallas import tpu_sc as plsc

BS = 4
H = W = 512
C = 12
G1 = G2 = 16
G3 = 8
ROWS = BS * H
SLAB = G2 * C * G3
CJK = G2 * G3
PKW = (C // 2) * CJK
OUTW = W * C

NUM_CORES = 2
NUM_SUBCORES = 16
LANES = 16
NW = NUM_CORES * NUM_SUBCORES
RPW = ROWS // NW
GRPS = W // LANES


def _axis_tables():
    g = jnp.linspace(-1.0, 1.0, W, dtype=jnp.float32)
    t = jnp.clip((g + 1.0) * 0.5 * (G1 - 1), 0.0, float(G1 - 1))
    i0 = jnp.clip(jnp.floor(t), 0.0, float(G1 - 2)).astype(jnp.int32)
    f = t - i0.astype(jnp.float32)
    return i0, f


def _x_onehot():
    i0, f = _axis_tables()
    oh0 = jax.nn.one_hot(i0, G1, dtype=jnp.float32)
    oh1 = jax.nn.one_hot(i0 + 1, G1, dtype=jnp.float32)
    return oh0 * (1.0 - f)[:, None] + oh1 * f[:, None]


def _ax_matmul_kernel(wx_ref, at_ref, out_ref):
    r = jnp.dot(wx_ref[...], at_ref[0], preferred_element_type=jnp.float32)
    for m in range(C // 2):
        a = r[:, (2 * m) * CJK:(2 * m + 1) * CJK]
        b = r[:, (2 * m + 1) * CJK:(2 * m + 2) * CJK]
        aw = jax.lax.bitcast_convert_type(
            a.astype(jnp.bfloat16), jnp.uint16).astype(jnp.uint32)
        bw = jax.lax.bitcast_convert_type(
            b.astype(jnp.bfloat16), jnp.uint16).astype(jnp.uint32)
        word = aw | (bw << 16)
        out_ref[0, :, m * CJK:(m + 1) * CJK] = jax.lax.bitcast_convert_type(
            word, jnp.int32)


def _compute_ax(A, wx):
    at = jnp.transpose(A, (0, 2, 1, 3, 4)).reshape(BS, G1, SLAB)
    return pl.pallas_call(
        _ax_matmul_kernel,
        grid=(BS,),
        in_specs=[
            pl.BlockSpec((H, G1), lambda b: (0, 0)),
            pl.BlockSpec((1, G1, SLAB), lambda b: (b, 0, 0)),
        ],
        out_specs=pl.BlockSpec((1, H, PKW), lambda b: (b, 0, 0)),
        out_shape=jax.ShapeDtypeStruct((BS, H, PKW), jnp.int32),
    )(wx, at)


def _sc_slice_kernel(ax_hbm, g_hbm, iy_hbm, fy_hbm, out_hbm,
                     slab0, slab1, g0, g1, out0, out1, iy_v, fy_v,
                     isem0, isem1, osem0, osem1):
    wid = lax.axis_index("s") * NUM_CORES + lax.axis_index("c")
    base = wid * RPW
    b_idx = base // H
    h0 = base - b_idx * H
    orow0 = b_idx * (C * H) + h0
    pltpu.sync_copy(iy_hbm, iy_v)
    pltpu.sync_copy(fy_hbm, fy_v)
    slabs = (slab0, slab1)
    gbufs = (g0, g1)
    obufs = (out0, out1)
    isems = (isem0, isem1)
    osems = (osem0, osem1)

    def start_in(row, ph):
        pltpu.async_copy(ax_hbm.at[row], slabs[ph], isems[ph])
        pltpu.async_copy(g_hbm.at[row], gbufs[ph], isems[ph])

    def wait_in(ph):
        pltpu.make_async_copy(ax_hbm.at[base], slabs[ph], isems[ph]).wait()
        pltpu.make_async_copy(g_hbm.at[base], gbufs[ph], isems[ph]).wait()

    def start_out(r, ph):
        for c in range(C):
            pltpu.async_copy(obufs[ph].at[c], out_hbm.at[orow0 + r + c * H],
                             osems[ph])

    def wait_out(ph):
        for c in range(C):
            pltpu.make_async_copy(out_hbm.at[0], obufs[ph].at[c],
                                  osems[ph]).wait()

    def compute_row(slab_v, g_v, out_v):

        @plsc.parallel_loop(0, W, step=LANES, unroll=4)
        def grp_body(off):
            g = g_v[pl.ds(off, LANES)]
            tz = (g + 1.0) * 3.5
            iz = jnp.minimum(tz.astype(jnp.int32), G3 - 2)
            fz = tz - iz.astype(jnp.float32)
            iy8 = iy_v[pl.ds(off, LANES)]
            fy = fy_v[pl.ds(off, LANES)]
            b00 = iy8 + iz
            b01 = b00 + 1
            b10 = b00 + G3
            b11 = b00 + G3 + 1
            wz1 = fz
            wz0 = 1.0 - fz
            w00 = (1.0 - fy) * wz0
            w01 = (1.0 - fy) * wz1
            w10 = fy * wz0
            w11 = fy * wz1
            pk = plsc.PackFormat.INTERLEAVED
            W00 = plsc.pack(w00, w00, format=pk)
            W01 = plsc.pack(w01, w01, format=pk)
            W10 = plsc.pack(w10, w10, format=pk)
            W11 = plsc.pack(w11, w11, format=pk)
            gslice = CJK
            accs = []
            for m in range(C // 2):
                sub = slab_v.at[pl.ds(m * CJK, gslice)]
                v00 = plsc.bitcast(plsc.load_gather(sub, [b00]), jnp.bfloat16)
                v01 = plsc.bitcast(plsc.load_gather(sub, [b01]), jnp.bfloat16)
                v10 = plsc.bitcast(plsc.load_gather(sub, [b10]), jnp.bfloat16)
                v11 = plsc.bitcast(plsc.load_gather(sub, [b11]), jnp.bfloat16)
                accs.append((v00 * W00 + v01 * W01) + (v10 * W10 + v11 * W11))
            for m in range(C // 2):
                e, o = plsc.unpack(accs[m], format=pk)
                out_v[2 * m, pl.ds(off, LANES)] = e
                out_v[2 * m + 1, pl.ds(off, LANES)] = o

    start_in(base, 0)

    def lbody(i, carry):
        for ph in range(2):
            r = 2 * i + ph
            row = base + r

            @pl.when(r + 1 < RPW)
            def _():
                start_in(row + 1, 1 - ph)

            wait_in(ph)

            @pl.when(r >= 2)
            def _():
                wait_out(ph)

            compute_row(slabs[ph], gbufs[ph], obufs[ph])
            start_out(r, ph)
        return carry

    lax.fori_loop(0, RPW // 2, lbody, 0)
    wait_out(0)
    wait_out(1)


@functools.partial(
    pl.kernel,
    mesh=plsc.VectorSubcoreMesh(core_axis_name="c", subcore_axis_name="s"),
    out_type=jax.ShapeDtypeStruct((BS * C * H, W), jnp.float32),
    compiler_params=pltpu.CompilerParams(needs_layout_passes=False),
    scratch_types=[
        pltpu.VMEM((PKW,), jnp.int32),
        pltpu.VMEM((PKW,), jnp.int32),
        pltpu.VMEM((W,), jnp.float32),
        pltpu.VMEM((W,), jnp.float32),
        pltpu.VMEM((C, W), jnp.float32),
        pltpu.VMEM((C, W), jnp.float32),
        pltpu.VMEM((W,), jnp.int32),
        pltpu.VMEM((W,), jnp.float32),
        pltpu.SemaphoreType.DMA,
        pltpu.SemaphoreType.DMA,
        pltpu.SemaphoreType.DMA,
        pltpu.SemaphoreType.DMA,
    ],
)
def _sc_slice(ax_hbm, g_hbm, iy_hbm, fy_hbm, out_hbm,
              slab0, slab1, g0, g1, out0, out1, iy_v, fy_v,
              isem0, isem1, osem0, osem1):
    _sc_slice_kernel(ax_hbm, g_hbm, iy_hbm, fy_hbm, out_hbm,
                     slab0, slab1, g0, g1, out0, out1, iy_v, fy_v,
                     isem0, isem1, osem0, osem1)


def kernel(A, guide):
    wx = _x_onehot()
    iy, fy = _axis_tables()
    iy = iy * G3
    ax = _compute_ax(A, wx).reshape(ROWS, PKW)
    g2 = guide.reshape(ROWS, W)
    out = _sc_slice(ax, g2, iy, fy)
    return out.reshape(BS, C, H, W).transpose(0, 2, 3, 1)

# --- scband reference (transcript-rebuilt; emitter-appended) ---
"""Pipeline reference for scband-slice-25031069401469 (READ-ONLY COPY).

The authoritative reference and input builder live on the scoring server;
editing this copy changes nothing except your own understanding.
"""

import jax, jax.numpy as jnp
import numpy as np


def _trilinear_interp(A, pts):
    # A: [bs, C, g1, g2, g3]; pts: [bs, C, P, 3] with coords in [-1, 1]
    g1, g2, g3 = A.shape[-3], A.shape[-2], A.shape[-1]

    def coord(c, n):
        t = (c + 1.0) * 0.5 * (n - 1)
        t = jnp.clip(t, 0.0, float(n - 1))
        i0 = jnp.clip(jnp.floor(t), 0.0, float(n - 2)).astype(jnp.int32)
        f = t - i0.astype(t.dtype)
        return i0, f

    ix, fx = coord(pts[..., 0], g1)
    iy, fy = coord(pts[..., 1], g2)
    iz, fz = coord(pts[..., 2], g3)
    bs, C, P = ix.shape
    b = jnp.arange(bs)[:, None, None]
    c = jnp.arange(C)[None, :, None]
    out = jnp.zeros(ix.shape, dtype=A.dtype)
    for dx in (0, 1):
        wx = fx if dx == 1 else (1.0 - fx)
        for dy in (0, 1):
            wy = fy if dy == 1 else (1.0 - fy)
            for dz in (0, 1):
                wz = fz if dz == 1 else (1.0 - fz)
                v = A[b, c, ix + dx, iy + dy, iz + dz]
                out = out + wx * wy * wz * v
    return out


def setup_inputs(seed: int = 0) -> dict:
    key = jax.random.key(seed)
    k1, k2 = jax.random.split(key)
    A = jax.random.normal(k1, (4, 12, 16, 16, 8), dtype=jnp.float32)
    guide = jax.random.uniform(k2, (4, 512, 512, 1), dtype=jnp.float32)
    return {"A": A, "guide": guide}


def reference(A, guide):
    bs, H, W, _ = guide.shape
    gx = jnp.linspace(-1.0, 1.0, W, dtype=jnp.float32)
    gy = jnp.linspace(-1.0, 1.0, H, dtype=jnp.float32)
    mx, my = jnp.meshgrid(gx, gy, indexing='ij')  # [W, H] each
    mesh = jnp.stack([mx, my], axis=-1).reshape(-1, 2)  # [W*H, 2]
    mesh = jnp.broadcast_to(mesh[None, None], (bs, 12, W * H, 2)).astype(jnp.float32)
    intensity = jnp.reshape(guide, (bs, 1, W * H, 1))
    intensity = jnp.broadcast_to(intensity, (bs, 12, W * H, 1)).astype(jnp.float32)
    guidemap = jnp.concatenate([mesh, intensity], axis=-1)  # [bs, 12, W*H, 3]
    coeffs = _trilinear_interp(A, guidemap)  # [bs, 12, W*H]
    coeffs = jnp.reshape(coeffs, (bs, 12, H, W))
    coeffs = jnp.transpose(coeffs, (0, 2, 3, 1))
    return coeffs

if __name__ == "__main__":
    import jax
    _d = setup_inputs()
    print(jax.jit(kernel)(*tuple(_d.values())))

</pallas_src>

<mosaic_0001>
#map = affine_map<(d0, d1) -> (0, 0)>
#map1 = affine_map<(d0, d1) -> (0)>
module attributes {stable_mosaic.version = 14 : i64} {
  func.func @_sc_slice(%arg0: i32, %arg1: i32, %arg2: memref<2048x768xi32, #tpu.memory_space<hbm>>, %arg3: memref<2048x512xf32, #tpu.memory_space<hbm>>, %arg4: memref<512xi32, #tpu.memory_space<hbm>>, %arg5: memref<512xf32, #tpu.memory_space<hbm>>, %arg6: memref<24576x512xf32, #tpu.memory_space<hbm>>, %arg7: memref<768xi32, #tpu.memory_space<vmem>>, %arg8: memref<768xi32, #tpu.memory_space<vmem>>, %arg9: memref<512xf32, #tpu.memory_space<vmem>>, %arg10: memref<512xf32, #tpu.memory_space<vmem>>, %arg11: memref<12x512xf32, #tpu.memory_space<vmem>>, %arg12: memref<12x512xf32, #tpu.memory_space<vmem>>, %arg13: memref<512xi32, #tpu.memory_space<vmem>>, %arg14: memref<512xf32, #tpu.memory_space<vmem>>, %arg15: memref<!tpu.dma_semaphore, #tpu.memory_space<semaphore_mem>>, %arg16: memref<!tpu.dma_semaphore, #tpu.memory_space<semaphore_mem>>, %arg17: memref<!tpu.dma_semaphore, #tpu.memory_space<semaphore_mem>>, %arg18: memref<!tpu.dma_semaphore, #tpu.memory_space<semaphore_mem>>) attributes {dimension_semantics = [#tpu.dimension_semantics<core_parallel>, #tpu.dimension_semantics<subcore_parallel>], iteration_bounds = array<i64: 2, 16>, scalar_prefetch = 0 : i64, scratch_operands = 12 : i64, tpu.core_type = #tpu.core_type<sc_vector_subcore>, window_params = [{transform_indices = #map}, {transform_indices = #map}, {transform_indices = #map1}, {transform_indices = #map1}, {transform_indices = #map}]} {
    %mul3A = arith.constant 2 : i32
    %mul3A_0 = arith.muli %arg1, %mul3A : i32
    %add3A = arith.addi %mul3A_0, %arg0 : i32
    %mul3A_1 = arith.constant 64 : i32
    %mul3A_2 = arith.muli %add3A, %mul3A_1 : i32
    %jit3A = arith.constant 512 : i32
    %div3A = arith.divsi %mul3A_2, %jit3A : i32
    %sign3A = arith.constant 0 : i32
    %sign3A_3 = arith.cmpi sgt, %mul3A_2, %sign3A : i32
    %sign3A_4 = arith.extui %sign3A_3 : i1 to i32
    %sign3A_5 = arith.constant 0 : i32
    %sign3A_6 = arith.cmpi slt, %mul3A_2, %sign3A_5 : i32
    %sign3A_7 = arith.extui %sign3A_6 : i1 to i32
    %sign3A_8 = arith.subi %sign3A_4, %sign3A_7 : i32
    %sign3A_9 = arith.constant 0 : i32
    %sign3A_10 = arith.cmpi sgt, %jit3A, %sign3A_9 : i32
    %sign3A_11 = arith.extui %sign3A_10 : i1 to i32
    %sign3A_12 = arith.constant 0 : i32
    %sign3A_13 = arith.cmpi slt, %jit3A, %sign3A_12 : i32
    %sign3A_14 = arith.extui %sign3A_13 : i1 to i32
    %sign3A_15 = arith.subi %sign3A_11, %sign3A_14 : i32
    %ne3A = arith.cmpi ne, %sign3A_8, %sign3A_15 : i32
    %rem3A = arith.remsi %mul3A_2, %jit3A : i32
    %ne3A_16 = arith.constant 0 : i32
    %ne3A_17 = arith.cmpi ne, %rem3A, %ne3A_16 : i32
    %and3A = arith.andi %ne3A, %ne3A_17 : i1
    %sub3A = arith.constant 1 : i32
    %sub3A_18 = arith.subi %div3A, %sub3A : i32
    %select_n3A = arith.select %and3A, %sub3A_18, %div3A : i32
    %mul3A_19 = arith.constant 512 : i32
    %mul3A_20 = arith.muli %select_n3A, %mul3A_19 : i32
    %sub3A_21 = arith.subi %mul3A_2, %mul3A_20 : i32
    %mul3A_22 = arith.constant 6144 : i32
    %mul3A_23 = arith.muli %select_n3A, %mul3A_22 : i32
    %add3A_24 = arith.addi %mul3A_23, %sub3A_21 : i32
    "tpu.region"() ({
      %run_scoped3A = tpu.sem_alloc : memref<!tpu.dma_semaphore, #tpu.memory_space<semaphore_mem>>
      tpu.enqueue_dma source(%arg4 : memref<512xi32, #tpu.memory_space<hbm>>) target(%arg13 : memref<512xi32, #tpu.memory_space<vmem>>) target_semaphore(%run_scoped3A : memref<!tpu.dma_semaphore, #tpu.memory_space<semaphore_mem>>)
      tpu.wait_dma2 semaphore(%run_scoped3A : memref<!tpu.dma_semaphore, #tpu.memory_space<semaphore_mem>>) src(%arg4 : memref<512xi32, #tpu.memory_space<hbm>>) dst(%arg13 : memref<512xi32, #tpu.memory_space<vmem>>)
      tpu.yield
    }) : () -> ()
    "tpu.region"() ({
      %run_scoped3A = tpu.sem_alloc : memref<!tpu.dma_semaphore, #tpu.memory_space<semaphore_mem>>
      tpu.enqueue_dma source(%arg5 : memref<512xf32, #tpu.memory_space<hbm>>) target(%arg14 : memref<512xf32, #tpu.memory_space<vmem>>) target_semaphore(%run_scoped3A : memref<!tpu.dma_semaphore, #tpu.memory_space<semaphore_mem>>)
      tpu.wait_dma2 semaphore(%run_scoped3A : memref<!tpu.dma_semaphore, #tpu.memory_space<semaphore_mem>>) src(%arg5 : memref<512xf32, #tpu.memory_space<hbm>>) dst(%arg14 : memref<512xf32, #tpu.memory_space<vmem>>)
      tpu.yield
    }) : () -> ()
    %dma_start3A = arith.constant 0 : i32
    %dma_start3A_25 = tpu.memref_slice %arg2[%mul3A_2, %dma_start3A] : memref<2048x768xi32, #tpu.memory_space<hbm>> -> memref<1x768xi32, #tpu.memory_space<hbm>>
    %dma_start3A_26 = tpu.memref_squeeze %dma_start3A_25 : memref<1x768xi32, #tpu.memory_space<hbm>> -> memref<768xi32, #tpu.memory_space<hbm>>
    %dma_start3A_27 = arith.constant 0 : i32
    %dma_start3A_28 = tpu.memref_slice %arg2[%mul3A_2, %dma_start3A_27] : memref<2048x768xi32, #tpu.memory_space<hbm>> -> memref<1x768xi32, #tpu.memory_space<hbm>>
    %dma_start3A_29 = tpu.memref_squeeze %dma_start3A_28 : memref<1x768xi32, #tpu.memory_space<hbm>> -> memref<768xi32, #tpu.memory_space<hbm>>
    tpu.enqueue_dma source(%dma_start3A_29 : memref<768xi32, #tpu.memory_space<hbm>>) target(%arg7 : memref<768xi32, #tpu.memory_space<vmem>>) target_semaphore(%arg15 : memref<!tpu.dma_semaphore, #tpu.memory_space<semaphore_mem>>)
    %dma_start3A_30 = arith.constant 0 : i32
    %dma_start3A_31 = tpu.memref_slice %arg3[%mul3A_2, %dma_start3A_30] : memref<2048x512xf32, #tpu.memory_space<hbm>> -> memref<1x512xf32, #tpu.memory_space<hbm>>
    %dma_start3A_32 = tpu.memref_squeeze %dma_start3A_31 : memref<1x512xf32, #tpu.memory_space<hbm>> -> memref<512xf32, #tpu.memory_space<hbm>>
    %dma_start3A_33 = arith.constant 0 : i32
    %dma_start3A_34 = tpu.memref_slice %arg3[%mul3A_2, %dma_start3A_33] : memref<2048x512xf32, #tpu.memory_space<hbm>> -> memref<1x512xf32, #tpu.memory_space<hbm>>
    %dma_start3A_35 = tpu.memref_squeeze %dma_start3A_34 : memref<1x512xf32, #tpu.memory_space<hbm>> -> memref<512xf32, #tpu.memory_space<hbm>>
    tpu.enqueue_dma source(%dma_start3A_35 : memref<512xf32, #tpu.memory_space<hbm>>) target(%arg9 : memref<512xf32, #tpu.memory_space<vmem>>) target_semaphore(%arg15 : memref<!tpu.dma_semaphore, #tpu.memory_space<semaphore_mem>>)
    %scan3A = arith.constant 0 : i32
    %scan3A_36 = arith.constant 0 : i32
    %scan3A_37 = arith.constant 32 : i32
    %scan3A_38 = arith.addi %scan3A_36, %scan3A_37 : i32
    %scan3A_39 = arith.constant 1 : i32
    scf.for %scan3A_376 = %scan3A_36 to %scan3A_38 step %scan3A_39  : i32 {
      %mul3A_377 = arith.constant 2 : i32
      %mul3A_378 = arith.muli %mul3A_377, %scan3A_376 : i32
      %add3A_379 = arith.constant 0 : i32
      %add3A_380 = arith.addi %mul3A_378, %add3A_379 : i32
      %add3A_381 = arith.addi %mul3A_2, %add3A_380 : i32
      %add3A_382 = arith.constant 1 : i32
      %add3A_383 = arith.addi %add3A_380, %add3A_382 : i32
      %lt3A = arith.constant 64 : i32
      %lt3A_384 = arith.cmpi slt, %add3A_383, %lt3A : i32
      %convert_element_type3A = arith.extui %lt3A_384 : i1 to i32
      %cond3A = arith.constant 0 : i32
      %cond3A_385 = arith.cmpi ne, %convert_element_type3A, %cond3A : i32
      scf.if %cond3A_385 {
        %add3A_820 = arith.constant 1 : i32
        %add3A_821 = arith.addi %add3A_381, %add3A_820 : i32
        %dma_start3A_822 = arith.constant 0 : i32
        %dma_start3A_823 = tpu.memref_slice %arg2[%add3A_821, %dma_start3A_822] : memref<2048x768xi32, #tpu.memory_space<hbm>> -> memref<1x768xi32, #tpu.memory_space<hbm>>
        %dma_start3A_824 = tpu.memref_squeeze %dma_start3A_823 : memref<1x768xi32, #tpu.memory_space<hbm>> -> memref<768xi32, #tpu.memory_space<hbm>>
        %dma_start3A_825 = arith.constant 0 : i32
        %dma_start3A_826 = tpu.memref_slice %arg2[%add3A_821, %dma_start3A_825] : memref<2048x768xi32, #tpu.memory_space<hbm>> -> memref<1x768xi32, #tpu.memory_space<hbm>>
        %dma_start3A_827 = tpu.memref_squeeze %dma_start3A_826 : memref<1x768xi32, #tpu.memory_space<hbm>> -> memref<768xi32, #tpu.memory_space<hbm>>
        tpu.enqueue_dma source(%dma_start3A_827 : memref<768xi32, #tpu.memory_space<hbm>>) target(%arg8 : memref<768xi32, #tpu.memory_space<vmem>>) target_semaphore(%arg16 : memref<!tpu.dma_semaphore, #tpu.memory_space<semaphore_mem>>)
        %dma_start3A_828 = arith.constant 0 : i32
        %dma_start3A_829 = tpu.memref_slice %arg3[%add3A_821, %dma_start3A_828] : memref<2048x512xf32, #tpu.memory_space<hbm>> -> memref<1x512xf32, #tpu.memory_space<hbm>>
        %dma_start3A_830 = tpu.memref_squeeze %dma_start3A_829 : memref<1x512xf32, #tpu.memory_space<hbm>> -> memref<512xf32, #tpu.memory_space<hbm>>
        %dma_start3A_831 = arith.constant 0 : i32
        %dma_start3A_832 = tpu.memref_slice %arg3[%add3A_821, %dma_start3A_831] : memref<2048x512xf32, #tpu.memory_space<hbm>> -> memref<1x512xf32, #tpu.memory_space<hbm>>
        %dma_start3A_833 = tpu.memref_squeeze %dma_start3A_832 : memref<1x512xf32, #tpu.memory_space<hbm>> -> memref<512xf32, #tpu.memory_space<hbm>>
        tpu.enqueue_dma source(%dma_start3A_833 : memref<512xf32, #tpu.memory_space<hbm>>) target(%arg10 : memref<512xf32, #tpu.memory_space<vmem>>) target_semaphore(%arg16 : memref<!tpu.dma_semaphore, #tpu.memory_space<semaphore_mem>>)
      } else {
      }
      %dma_wait3A_386 = arith.constant 0 : i32
      %dma_wait3A_387 = tpu.memref_slice %arg2[%mul3A_2, %dma_wait3A_386] : memref<2048x768xi32, #tpu.memory_space<hbm>> -> memref<1x768xi32, #tpu.memory_space<hbm>>
      %dma_wait3A_388 = tpu.memref_squeeze %dma_wait3A_387 : memref<1x768xi32, #tpu.memory_space<hbm>> -> memref<768xi32, #tpu.memory_space<hbm>>
      %dma_wait3A_389 = arith.constant 0 : i32
      %dma_wait3A_390 = tpu.memref_slice %arg2[%mul3A_2, %dma_wait3A_389] : memref<2048x768xi32, #tpu.memory_space<hbm>> -> memref<1x768xi32, #tpu.memory_space<hbm>>
      %dma_wait3A_391 = tpu.memref_squeeze %dma_wait3A_390 : memref<1x768xi32, #tpu.memory_space<hbm>> -> memref<768xi32, #tpu.memory_space<hbm>>
      tpu.wait_dma2 semaphore(%arg15 : memref<!tpu.dma_semaphore, #tpu.memory_space<semaphore_mem>>) src(%dma_wait3A_391 : memref<768xi32, #tpu.memory_space<hbm>>) dst(%arg7 : memref<768xi32, #tpu.memory_space<vmem>>)
      %dma_wait3A_392 = arith.constant 0 : i32
      %dma_wait3A_393 = tpu.memref_slice %arg3[%mul3A_2, %dma_wait3A_392] : memref<2048x512xf32, #tpu.memory_space<hbm>> -> memref<1x512xf32, #tpu.memory_space<hbm>>
      %dma_wait3A_394 = tpu.memref_squeeze %dma_wait3A_393 : memref<1x512xf32, #tpu.memory_space<hbm>> -> memref<512xf32, #tpu.memory_space<hbm>>
      %dma_wait3A_395 = arith.constant 0 : i32
      %dma_wait3A_396 = tpu.memref_slice %arg3[%mul3A_2, %dma_wait3A_395] : memref<2048x512xf32, #tpu.memory_space<hbm>> -> memref<1x512xf32, #tpu.memory_space<hbm>>
      %dma_wait3A_397 = tpu.memref_squeeze %dma_wait3A_396 : memref<1x512xf32, #tpu.memory_space<hbm>> -> memref<512xf32, #tpu.memory_space<hbm>>
      tpu.wait_dma2 semaphore(%arg15 : memref<!tpu.dma_semaphore, #tpu.memory_space<semaphore_mem>>) src(%dma_wait3A_397 : memref<512xf32, #tpu.memory_space<hbm>>) dst(%arg9 : memref<512xf32, #tpu.memory_space<vmem>>)
      %ge3A = arith.constant 2 : i32
      %ge3A_398 = arith.cmpi sge, %add3A_380, %ge3A : i32
      %convert_element_type3A_399 = arith.extui %ge3A_398 : i1 to i32
      %cond3A_400 = arith.constant 0 : i32
      %cond3A_401 = arith.cmpi ne, %convert_element_type3A_399, %cond3A_400 : i32
      scf.if %cond3A_401 {
        %dma_wait3A_820 = arith.constant 0 : i32
        %dma_wait3A_821 = arith.constant 0 : i32
        %dma_wait3A_822 = arith.constant 0 : i32
        %dma_wait3A_823 = tpu.memref_slice %arg11[%dma_wait3A_821, %dma_wait3A_822] : memref<12x512xf32, #tpu.memory_space<vmem>> -> memref<1x512xf32, #tpu.memory_space<vmem>>
        %dma_wait3A_824 = tpu.memref_squeeze %dma_wait3A_823 : memref<1x512xf32, #tpu.memory_space<vmem>> -> memref<512xf32, #tpu.memory_space<vmem>>
        %dma_wait3A_825 = arith.constant 0 : i32
        %dma_wait3A_826 = tpu.memref_slice %arg6[%dma_wait3A_820, %dma_wait3A_825] : memref<24576x512xf32, #tpu.memory_space<hbm>> -> memref<1x512xf32, #tpu.memory_space<hbm>>
        %dma_wait3A_827 = tpu.memref_squeeze %dma_wait3A_826 : memref<1x512xf32, #tpu.memory_space<hbm>> -> memref<512xf32, #tpu.memory_space<hbm>>
        %dma_wait3A_828 = arith.constant 0 : i32
        %dma_wait3A_829 = tpu.memref_slice %arg11[%dma_wait3A_821, %dma_wait3A_828] : memref<12x512xf32, #tpu.memory_space<vmem>> -> memref<1x512xf32, #tpu.memory_space<vmem>>
        %dma_wait3A_830 = tpu.memref_squeeze %dma_wait3A_829 : memref<1x512xf32, #tpu.memory_space<vmem>> -> memref<512xf32, #tpu.memory_space<vmem>>
        %dma_wait3A_831 = arith.constant 0 : i32
        %dma_wait3A_832 = tpu.memref_slice %arg6[%dma_wait3A_820, %dma_wait3A_831] : memref<24576x512xf32, #tpu.memory_space<hbm>> -> memref<1x512xf32, #tpu.memory_space<hbm>>
        %dma_wait3A_833 = tpu.memref_squeeze %dma_wait3A_832 : memref<1x512xf32, #tpu.memory_space<hbm>> -> memref<512xf32, #tpu.memory_space<hbm>>
        tpu.wait_dma2 semaphore(%arg17 : memref<!tpu.dma_semaphore, #tpu.memory_space<semaphore_mem>>) src(%dma_wait3A_833 : memref<512xf32, #tpu.memory_space<hbm>>) dst(%dma_wait3A_830 : memref<512xf32, #tpu.memory_space<vmem>>)
        %dma_wait3A_834 = arith.constant 0 : i32
        %dma_wait3A_835 = arith.constant 1 : i32
        %dma_wait3A_836 = arith.constant 0 : i32
        %dma_wait3A_837 = tpu.memref_slice %arg11[%dma_wait3A_835, %dma_wait3A_836] : memref<12x512xf32, #tpu.memory_space<vmem>> -> memref<1x512xf32, #tpu.memory_space<vmem>>
        %dma_wait3A_838 = tpu.memref_squeeze %dma_wait3A_837 : memref<1x512xf32, #tpu.memory_space<vmem>> -> memref<512xf32, #tpu.memory_space<vmem>>
        %dma_wait3A_839 = arith.constant 0 : i32
        %dma_wait3A_840 = tpu.memref_slice %arg6[%dma_wait3A_834, %dma_wait3A_839] : memref<24576x512xf32, #tpu.memory_space<hbm>> -> memref<1x512xf32, #tpu.memory_space<hbm>>
        %dma_wait3A_841 = tpu.memref_squeeze %dma_wait3A_840 : memref<1x512xf32, #tpu.memory_space<hbm>> -> memref<512xf32, #tpu.memory_space<hbm>>
        %dma_wait3A_842 = arith.constant 0 : i32
        %dma_wait3A_843 = tpu.memref_slice %arg11[%dma_wait3A_835, %dma_wait3A_842] : memref<12x512xf32, #tpu.memory_space<vmem>> -> memref<1x512xf32, #tpu.memory_space<vmem>>
        %dma_wait3A_844 = tpu.memref_squeeze %dma_wait3A_843 : memref<1x512xf32, #tpu.memory_space<vmem>> -> memref<512xf32, #tpu.memory_space<vmem>>
        %dma_wait3A_845 = arith.constant 0 : i32
        %dma_wait3A_846 = tpu.memref_slice %arg6[%dma_wait3A_834, %dma_wait3A_845] : memref<24576x512xf32, #tpu.memory_space<hbm>> -> memref<1x512xf32, #tpu.memory_space<hbm>>
        %dma_wait3A_847 = tpu.memref_squeeze %dma_wait3A_846 : memref<1x512xf32, #tpu.memory_space<hbm>> -> memref<512xf32, #tpu.memory_space<hbm>>
        tpu.wait_dma2 semaphore(%arg17 : memref<!tpu.dma_semaphore, #tpu.memory_space<semaphore_mem>>) src(%dma_wait3A_847 : memref<512xf32, #tpu.memory_space<hbm>>) dst(%dma_wait3A_844 : memref<512xf32, #tpu.memory_space<vmem>>)
        %dma_wait3A_848 = arith.constant 0 : i32
        %dma_wait3A_849 = arith.constant 2 : i32
        %dma_wait3A_850 = arith.constant 0 : i32
        %dma_wait3A_851 = tpu.memref_slice %arg11[%dma_wait3A_849, %dma_wait3A_850] : memref<12x512xf32, #tpu.memory_space<vmem>> -> memref<1x512xf32, #tpu.memory_space<vmem>>
        %dma_wait3A_852 = tpu.memref_squeeze %dma_wait3A_851 : memref<1x512xf32, #tpu.memory_space<vmem>> -> memref<512xf32, #tpu.memory_space<vmem>>
        %dma_wait3A_853 = arith.constant 0 : i32
        %dma_wait3A_854 = tpu.memref_slice %arg6[%dma_wait3A_848, %dma_wait3A_853] : memref<24576x512xf32, #tpu.memory_space<hbm>> -> memref<1x512xf32, #tpu.memory_space<hbm>>
        %dma_wait3A_855 = tpu.memref_squeeze %dma_wait3A_854 : memref<1x512xf32, #tpu.memory_space<hbm>> -> memref<512xf32, #tpu.memory_space<hbm>>
        %dma_wait3A_856 = arith.constant 0 : i32
        %dma_wait3A_857 = tpu.memref_slice %arg11[%dma_wait3A_849, %dma_wait3A_856] : memref<12x512xf32, #tpu.memory_space<vmem>> -> memref<1x512xf32, #tpu.memory_space<vmem>>
        %dma_wait3A_858 = tpu.memref_squeeze %dma_wait3A_857 : memref<1x512xf32, #tpu.memory_space<vmem>> -> memref<512xf32, #tpu.memory_space<vmem>>
        %dma_wait3A_859 = arith.constant 0 : i32
        %dma_wait3A_860 = tpu.memref_slice %arg6[%dma_wait3A_848, %dma_wait3A_859] : memref<24576x512xf32, #tpu.memory_space<hbm>> -> memref<1x512xf32, #tpu.memory_space<hbm>>
        %dma_wait3A_861 = tpu.memref_squeeze %dma_wait3A_860 : memref<1x512xf32, #tpu.memory_space<hbm>> -> memref<512xf32, #tpu.memory_space<hbm>>
        tpu.wait_dma2 semaphore(%arg17 : memref<!tpu.dma_semaphore, #tpu.memory_space<semaphore_mem>>) src(%dma_wait3A_861 : memref<512xf32, #tpu.memory_space<hbm>>) dst(%dma_wait3A_858 : memref<512xf32, #tpu.memory_space<vmem>>)
        %dma_wait3A_862 = arith.constant 0 : i32
        %dma_wait3A_863 = arith.constant 3 : i32
        %dma_wait3A_864 = arith.constant 0 : i32
        %dma_wait3A_865 = tpu.memref_slice %arg11[%dma_wait3A_863, %dma_wait3A_864] : memref<12x512xf32, #tpu.memory_space<vmem>> -> memref<1x512xf32, #tpu.memory_space<vmem>>
        %dma_wait3A_866 = tpu.memref_squeeze %dma_wait3A_865 : memref<1x512xf32, #tpu.memory_space<vmem>> -> memref<512xf32, #tpu.memory_space<vmem>>
        %dma_wait3A_867 = arith.constant 0 : i32
        %dma_wait3A_868 = tpu.memref_slice %arg6[%dma_wait3A_862, %dma_wait3A_867] : memref<24576x512xf32, #tpu.memory_space<hbm>> -> memref<1x512xf32, #tpu.memory_space<hbm>>
        %dma_wait3A_869 = tpu.memref_squeeze %dma_wait3A_868 : memref<1x512xf32, #tpu.memory_space<hbm>> -> memref<512xf32, #tpu.memory_space<hbm>>
        %dma_wait3A_870 = arith.constant 0 : i32
        %dma_wait3A_871 = tpu.memref_slice %arg11[%dma_wait3A_863, %dma_wait3A_870] : memref<12x512xf32, #tpu.memory_space<vmem>> -> memref<1x512xf32, #tpu.memory_space<vmem>>
        %dma_wait3A_872 = tpu.memref_squeeze %dma_wait3A_871 : memref<1x512xf32, #tpu.memory_space<vmem>> -> memref<512xf32, #tpu.memory_space<vmem>>
        %dma_wait3A_873 = arith.constant 0 : i32
        %dma_wait3A_874 = tpu.memref_slice %arg6[%dma_wait3A_862, %dma_wait3A_873] : memref<24576x512xf32, #tpu.memory_space<hbm>> -> memref<1x512xf32, #tpu.memory_space<hbm>>
        %dma_wait3A_875 = tpu.memref_squeeze %dma_wait3A_874 : memref<1x512xf32, #tpu.memory_space<hbm>> -> memref<512xf32, #tpu.memory_space<hbm>>
        tpu.wait_dma2 semaphore(%arg17 : memref<!tpu.dma_semaphore, #tpu.memory_space<semaphore_mem>>) src(%dma_wait3A_875 : memref<512xf32, #tpu.memory_space<hbm>>) dst(%dma_wait3A_872 : memref<512xf32, #tpu.memory_space<vmem>>)
        %dma_wait3A_876 = arith.constant 0 : i32
        %dma_wait3A_877 = arith.constant 4 : i32
        %dma_wait3A_878 = arith.constant 0 : i32
        %dma_wait3A_879 = tpu.memref_slice %arg11[%dma_wait3A_877, %dma_wait3A_878] : memref<12x512xf32, #tpu.memory_space<vmem>> -> memref<1x512xf32, #tpu.memory_space<vmem>>
        %dma_wait3A_880 = tpu.memref_squeeze %dma_wait3A_879 : memref<1x512xf32, #tpu.memory_space<vmem>> -> memref<512xf32, #tpu.memory_space<vmem>>
        %dma_wait3A_881 = arith.constant 0 : i32
        %dma_wait3A_882 = tpu.memref_slice %arg6[%dma_wait3A_876, %dma_wait3A_881] : memref<24576x512xf32, #tpu.memory_space<hbm>> -> memref<1x512xf32, #tpu.memory_space<hbm>>
        %dma_wait3A_883 = tpu.memref_squeeze %dma_wait3A_882 : memref<1x512xf32, #tpu.memory_space<hbm>> -> memref<512xf32, #tpu.memory_space<hbm>>
        %dma_wait3A_884 = arith.constant 0 : i32
        %dma_wait3A_885 = tpu.memref_slice %arg11[%dma_wait3A_877, %dma_wait3A_884] : memref<12x512xf32, #tpu.memory_space<vmem>> -> memref<1x512xf32, #tpu.memory_space<vmem>>
        %dma_wait3A_886 = tpu.memref_squeeze %dma_wait3A_885 : memref<1x512xf32, #tpu.memory_space<vmem>> -> memref<512xf32, #tpu.memory_space<vmem>>
        %dma_wait3A_887 = arith.constant 0 : i32
        %dma_wait3A_888 = tpu.memref_slice %arg6[%dma_wait3A_876, %dma_wait3A_887] : memref<24576x512xf32, #tpu.memory_space<hbm>> -> memref<1x512xf32, #tpu.memory_space<hbm>>
        %dma_wait3A_889 = tpu.memref_squeeze %dma_wait3A_888 : memref<1x512xf32, #tpu.memory_space<hbm>> -> memref<512xf32, #tpu.memory_space<hbm>>
        tpu.wait_dma2 semaphore(%arg17 : memref<!tpu.dma_semaphore, #tpu.memory_space<semaphore_mem>>) src(%dma_wait3A_889 : memref<512xf32, #tpu.memory_space<hbm>>) dst(%dma_wait3A_886 : memref<512xf32, #tpu.memory_space<vmem>>)
        %dma_wait3A_890 = arith.constant 0 : i32
        %dma_wait3A_891 = arith.constant 5 : i32
        %dma_wait3A_892 = arith.constant 0 : i32
        %dma_wait3A_893 = tpu.memref_slice %arg11[%dma_wait3A_891, %dma_wait3A_892] : memref<12x512xf32, #tpu.memory_space<vmem>> -> memref<1x512xf32, #tpu.memory_space<vmem>>
        %dma_wait3A_894 = tpu.memref_squeeze %dma_wait3A_893 : memref<1x512xf32, #tpu.memory_space<vmem>> -> memref<512xf32, #tpu.memory_space<vmem>>
        %dma_wait3A_895 = arith.constant 0 : i32
        %dma_wait3A_896 = tpu.memref_slice %arg6[%dma_wait3A_890, %dma_wait3A_895] : memref<24576x512xf32, #tpu.memory_space<hbm>> -> memref<1x512xf32, #tpu.memory_space<hbm>>
        %dma_wait3A_897 = tpu.memref_squeeze %dma_wait3A_896 : memref<1x512xf32, #tpu.memory_space<hbm>> -> memref<512xf32, #tpu.memory_space<hbm>>
        %dma_wait3A_898 = arith.constant 0 : i32
        %dma_wait3A_899 = tpu.memref_slice %arg11[%dma_wait3A_891, %dma_wait3A_898] : memref<12x512xf32, #tpu.memory_space<vmem>> -> memref<1x512xf32, #tpu.memory_space<vmem>>
        %dma_wait3A_900 = tpu.memref_squeeze %dma_wait3A_899 : memref<1x512xf32, #tpu.memory_space<vmem>> -> memref<512xf32, #tpu.memory_space<vmem>>
        %dma_wait3A_901 = arith.constant 0 : i32
        %dma_wait3A_902 = tpu.memref_slice %arg6[%dma_wait3A_890, %dma_wait3A_901] : memref<24576x512xf32, #tpu.memory_space<hbm>> -> memref<1x512xf32, #tpu.memory_space<hbm>>
        %dma_wait3A_903 = tpu.memref_squeeze %dma_wait3A_902 : memref<1x512xf32, #tpu.memory_space<hbm>> -> memref<512xf32, #tpu.memory_space<hbm>>
        tpu.wait_dma2 semaphore(%arg17 : memref<!tpu.dma_semaphore, #tpu.memory_space<semaphore_mem>>) src(%dma_wait3A_903 : memref<512xf32, #tpu.memory_space<hbm>>) dst(%dma_wait3A_900 : memref<512xf32, #tpu.memory_space<vmem>>)
        %dma_wait3A_904 = arith.constant 0 : i32
        %dma_wait3A_905 = arith.constant 6 : i32
        %dma_wait3A_906 = arith.constant 0 : i32
        %dma_wait3A_907 = tpu.memref_slice %arg11[%dma_wait3A_905, %dma_wait3A_906] : memref<12x512xf32, #tpu.memory_space<vmem>> -> memref<1x512xf32, #tpu.memory_space<vmem>>
        %dma_wait3A_908 = tpu.memref_squeeze %dma_wait3A_907 : memref<1x512xf32, #tpu.memory_space<vmem>> -> memref<512xf32, #tpu.memory_space<vmem>>
        %dma_wait3A_909 = arith.constant 0 : i32
        %dma_wait3A_910 = tpu.memref_slice %arg6[%dma_wait3A_904, %dma_wait3A_909] : memref<24576x512xf32, #tpu.memory_space<hbm>> -> memref<1x512xf32, #tpu.memory_space<hbm>>
        %dma_wait3A_911 = tpu.memref_squeeze %dma_wait3A_910 : memref<1x512xf32, #tpu.memory_space<hbm>> -> memref<512xf32, #tpu.memory_space<hbm>>
        %dma_wait3A_912 = arith.constant 0 : i32
        %dma_wait3A_913 = tpu.memref_slice %arg11[%dma_wait3A_905, %dma_wait3A_912] : memref<12x512xf32, #tpu.memory_space<vmem>> -> memref<1x512xf32, #tpu.memory_space<vmem>>
        %dma_wait3A_914 = tpu.memref_squeeze %dma_wait3A_913 : memref<1x512xf32, #tpu.memory_space<vmem>> -> memref<512xf32, #tpu.memory_space<vmem>>
        %dma_wait3A_915 = arith.constant 0 : i32
        %dma_wait3A_916 = tpu.memref_slice %arg6[%dma_wait3A_904, %dma_wait3A_915] : memref<24576x512xf32, #tpu.memory_space<hbm>> -> memref<1x512xf32, #tpu.memory_space<hbm>>
        %dma_wait3A_917 = tpu.memref_squeeze %dma_wait3A_916 : memref<1x512xf32, #tpu.memory_space<hbm>> -> memref<512xf32, #tpu.memory_space<hbm>>
        tpu.wait_dma2 semaphore(%arg17 : memref<!tpu.dma_semaphore, #tpu.memory_space<semaphore_mem>>) src(%dma_wait3A_917 : memref<512xf32, #tpu.memory_space<hbm>>) dst(%dma_wait3A_914 : memref<512xf32, #tpu.memory_space<vmem>>)
        %dma_wait3A_918 = arith.constant 0 : i32
        %dma_wait3A_919 = arith.constant 7 : i32
        %dma_wait3A_920 = arith.constant 0 : i32
        %dma_wait3A_921 = tpu.memref_slice %arg11[%dma_wait3A_919, %dma_wait3A_920] : memref<12x512xf32, #tpu.memory_space<vmem>> -> memref<1x512xf32, #tpu.memory_space<vmem>>
        %dma_wait3A_922 = tpu.memref_squeeze %dma_wait3A_921 : memref<1x512xf32, #tpu.memory_space<vmem>> -> memref<512xf32, #tpu.memory_space<vmem>>
        %dma_wait3A_923 = arith.constant 0 : i32
        %dma_wait3A_924 = tpu.memref_slice %arg6[%dma_wait3A_918, %dma_wait3A_923] : memref<24576x512xf32, #tpu.memory_space<hbm>> -> memref<1x512xf32, #tpu.memory_space<hbm>>
        %dma_wait3A_925 = tpu.memref_squeeze %dma_wait3A_924 : memref<1x512xf32, #tpu.memory_space<hbm>> -> memref<512xf32, #tpu.memory_space<hbm>>
        %dma_wait3A_926 = arith.constant 0 : i32
        %dma_wait3A_927 = tpu.memref_slice %arg11[%dma_wait3A_919, %dma_wait3A_926] : memref<12x512xf32, #tpu.memory_space<vmem>> -> memref<1x512xf32, #tpu.memory_space<vmem>>
        %dma_wait3A_928 = tpu.memref_squeeze %dma_wait3A_927 : memref<1x512xf32, #tpu.memory_space<vmem>> -> memref<512xf32, #tpu.memory_space<vmem>>
        %dma_wait3A_929 = arith.constant 0 : i32
        %dma_wait3A_930 = tpu.memref_slice %arg6[%dma_wait3A_918, %dma_wait3A_929] : memref<24576x512xf32, #tpu.memory_space<hbm>> -> memref<1x512xf32, #tpu.memory_space<hbm>>
        %dma_wait3A_931 = tpu.memref_squeeze %dma_wait3A_930 : memref<1x512xf32, #tpu.memory_space<hbm>> -> memref<512xf32, #tpu.memory_space<hbm>>
        tpu.wait_dma2 semaphore(%arg17 : memref<!tpu.dma_semaphore, #tpu.memory_space<semaphore_mem>>) src(%dma_wait3A_931 : memref<512xf32, #tpu.memory_space<hbm>>) dst(%dma_wait3A_928 : memref<512xf32, #tpu.memory_space<vmem>>)
        %dma_wait3A_932 = arith.constant 0 : i32
        %dma_wait3A_933 = arith.constant 8 : i32
        %dma_wait3A_934 = arith.constant 0 : i32
        %dma_wait3A_935 = tpu.memref_slice %arg11[%dma_wait3A_933, %dma_wait3A_934] : memref<12x512xf32, #tpu.memory_space<vmem>> -> memref<1x512xf32, #tpu.memory_space<vmem>>
        %dma_wait3A_936 = tpu.memref_squeeze %dma_wait3A_935 : memref<1x512xf32, #tpu.memory_space<vmem>> -> memref<512xf32, #tpu.memory_space<vmem>>
        %dma_wait3A_937 = arith.constant 0 : i32
        %dma_wait3A_938 = tpu.memref_slice %arg6[%dma_wait3A_932, %dma_wait3A_937] : memref<24576x512xf32, #tpu.memory_space<hbm>> -> memref<1x512xf32, #tpu.memory_space<hbm>>
        %dma_wait3A_939 = tpu.memref_squeeze %dma_wait3A_938 : memref<1x512xf32, #tpu.memory_space<hbm>> -> memref<512xf32, #tpu.memory_space<hbm>>
        %dma_wait3A_940 = arith.constant 0 : i32
        %dma_wait3A_941 = tpu.memref_slice %arg11[%dma_wait3A_933, %dma_wait3A_940] : memref<12x512xf32, #tpu.memory_space<vmem>> -> memref<1x512xf32, #tpu.memory_space<vmem>>
        %dma_wait3A_942 = tpu.memref_squeeze %dma_wait3A_941 : memref<1x512xf32, #tpu.memory_space<vmem>> -> memref<512xf32, #tpu.memory_space<vmem>>
        %dma_wait3A_943 = arith.constant 0 : i32
        %dma_wait3A_944 = tpu.memref_slice %arg6[%dma_wait3A_932, %dma_wait3A_943] : memref<24576x512xf32, #tpu.memory_space<hbm>> -> memref<1x512xf32, #tpu.memory_space<hbm>>
        %dma_wait3A_945 = tpu.memref_squeeze %dma_wait3A_944 : memref<1x512xf32, #tpu.memory_space<hbm>> -> memref<512xf32, #tpu.memory_space<hbm>>
        tpu.wait_dma2 semaphore(%arg17 : memref<!tpu.dma_semaphore, #tpu.memory_space<semaphore_mem>>) src(%dma_wait3A_945 : memref<512xf32, #tpu.memory_space<hbm>>) dst(%dma_wait3A_942 : memref<512xf32, #tpu.memory_space<vmem>>)
        %dma_wait3A_946 = arith.constant 0 : i32
        %dma_wait3A_947 = arith.constant 9 : i32
        %dma_wait3A_948 = arith.constant 0 : i32
        %dma_wait3A_949 = tpu.memref_slice %arg11[%dma_wait3A_947, %dma_wait3A_948] : memref<12x512xf32, #tpu.memory_space<vmem>> -> memref<1x512xf32, #tpu.memory_space<vmem>>
        %dma_wait3A_950 = tpu.memref_squeeze %dma_wait3A_949 : memref<1x512xf32, #tpu.memory_space<vmem>> -> memref<512xf32, #tpu.memory_space<vmem>>
        %dma_wait3A_951 = arith.constant 0 : i32
        %dma_wait3A_952 = tpu.memref_slice %arg6[%dma_wait3A_946, %dma_wait3A_951] : memref<24576x512xf32, #tpu.memory_space<hbm>> -> memref<1x512xf32, #tpu.memory_space<hbm>>
        %dma_wait3A_953 = tpu.memref_squeeze %dma_wait3A_952 : memref<1x512xf32, #tpu.memory_space<hbm>> -> memref<512xf32, #tpu.memory_space<hbm>>
        %dma_wait3A_954 = arith.constant 0 : i32
        %dma_wait3A_955 = tpu.memref_slice %arg11[%dma_wait3A_947, %dma_wait3A_954] : memref<12x512xf32, #tpu.memory_space<vmem>> -> memref<1x512xf32, #tpu.memory_space<vmem>>
        %dma_wait3A_956 = tpu.memref_squeeze %dma_wait3A_955 : memref<1x512xf32, #tpu.memory_space<vmem>> -> memref<512xf32, #tpu.memory_space<vmem>>
        %dma_wait3A_957 = arith.constant 0 : i32
        %dma_wait3A_958 = tpu.memref_slice %arg6[%dma_wait3A_946, %dma_wait3A_957] : memref<24576x512xf32, #tpu.memory_space<hbm>> -> memref<1x512xf32, #tpu.memory_space<hbm>>
        %dma_wait3A_959 = tpu.memref_squeeze %dma_wait3A_958 : memref<1x512xf32, #tpu.memory_space<hbm>> -> memref<512xf32, #tpu.memory_space<hbm>>
        tpu.wait_dma2 semaphore(%arg17 : memref<!tpu.dma_semaphore, #tpu.memory_space<semaphore_mem>>) src(%dma_wait3A_959 : memref<512xf32, #tpu.memory_space<hbm>>) dst(%dma_wait3A_956 : memref<512xf32, #tpu.memory_space<vmem>>)
        %dma_wait3A_960 = arith.constant 0 : i32
        %dma_wait3A_961 = arith.constant 10 : i32
        %dma_wait3A_962 = arith.constant 0 : i32
        %dma_wait3A_963 = tpu.memref_slice %arg11[%dma_wait3A_961, %dma_wait3A_962] : memref<12x512xf32, #tpu.memory_space<vmem>> -> memref<1x512xf32, #tpu.memory_space<vmem>>
        %dma_wait3A_964 = tpu.memref_squeeze %dma_wait3A_963 : memref<1x512xf32, #tpu.memory_space<vmem>> -> memref<512xf32, #tpu.memory_space<vmem>>
        %dma_wait3A_965 = arith.constant 0 : i32
        %dma_wait3A_966 = tpu.memref_slice %arg6[%dma_wait3A_960, %dma_wait3A_965] : memref<24576x512xf32, #tpu.memory_space<hbm>> -> memref<1x512xf32, #tpu.memory_space<hbm>>
        %dma_wait3A_967 = tpu.memref_squeeze %dma_wait3A_966 : memref<1x512xf32, #tpu.memory_space<hbm>> -> memref<512xf32, #tpu.memory_space<hbm>>
        %dma_wait3A_968 = arith.constant 0 : i32
        %dma_wait3A_969 = tpu.memref_slice %arg11[%dma_wait3A_961, %dma_wait3A_968] : memref<12x512xf32, #tpu.memory_space<vmem>> -> memref<1x512xf32, #tpu.memory_space<vmem>>
        %dma_wait3A_970 = tpu.memref_squeeze %dma_wait3A_969 : memref<1x512xf32, #tpu.memory_space<vmem>> -> memref<512xf32, #tpu.memory_space<vmem>>
        %dma_wait3A_971 = arith.constant 0 : i32
        %dma_wait3A_972 = tpu.memref_slice %arg6[%dma_wait3A_960, %dma_wait3A_971] : memref<24576x512xf32, #tpu.memory_space<hbm>> -> memref<1x512xf32, #tpu.memory_space<hbm>>
        %dma_wait3A_973 = tpu.memref_squeeze %dma_wait3A_972 : memref<1x512xf32, #tpu.memory_space<hbm>> -> memref<512xf32, #tpu.memory_space<hbm>>
        tpu.wait_dma2 semaphore(%arg17 : memref<!tpu.dma_semaphore, #tpu.memory_space<semaphore_mem>>) src(%dma_wait3A_973 : memref<512xf32, #tpu.memory_space<hbm>>) dst(%dma_wait3A_970 : memref<512xf32, #tpu.memory_space<vmem>>)
        %dma_wait3A_974 = arith.constant 0 : i32
        %dma_wait3A_975 = arith.constant 11 : i32
        %dma_wait3A_976 = arith.constant 0 : i32
        %dma_wait3A_977 = tpu.memref_slice %arg11[%dma_wait3A_975, %dma_wait3A_976] : memref<12x512xf32, #tpu.memory_space<vmem>> -> memref<1x512xf32, #tpu.memory_space<vmem>>
        %dma_wait3A_978 = tpu.memref_squeeze %dma_wait3A_977 : memref<1x512xf32, #tpu.memory_space<vmem>> -> memref<512xf32, #tpu.memory_space<vmem>>
        %dma_wait3A_979 = arith.constant 0 : i32
        %dma_wait3A_980 = tpu.memref_slice %arg6[%dma_wait3A_974, %dma_wait3A_979] : memref<24576x512xf32, #tpu.memory_space<hbm>> -> memref<1x512xf32, #tpu.memory_space<hbm>>
        %dma_wait3A_981 = tpu.memref_squeeze %dma_wait3A_980 : memref<1x512xf32, #tpu.memory_space<hbm>> -> memref<512xf32, #tpu.memory_space<hbm>>
        %dma_wait3A_982 = arith.constant 0 : i32
        %dma_wait3A_983 = tpu.memref_slice %arg11[%dma_wait3A_975, %dma_wait3A_982] : memref<12x512xf32, #tpu.memory_space<vmem>> -> memref<1x512xf32, #tpu.memory_space<vmem>>
        %dma_wait3A_984 = tpu.memref_squeeze %dma_wait3A_983 : memref<1x512xf32, #tpu.memory_space<vmem>> -> memref<512xf32, #tpu.memory_space<vmem>>
        %dma_wait3A_985 = arith.constant 0 : i32
        %dma_wait3A_986 = tpu.memref_slice %arg6[%dma_wait3A_974, %dma_wait3A_985] : memref<24576x512xf32, #tpu.memory_space<hbm>> -> memref<1x512xf32, #tpu.memory_space<hbm>>
        %dma_wait3A_987 = tpu.memref_squeeze %dma_wait3A_986 : memref<1x512xf32, #tpu.memory_space<hbm>> -> memref<512xf32, #tpu.memory_space<hbm>>
        tpu.wait_dma2 semaphore(%arg17 : memref<!tpu.dma_semaphore, #tpu.memory_space<semaphore_mem>>) src(%dma_wait3A_987 : memref<512xf32, #tpu.memory_space<hbm>>) dst(%dma_wait3A_984 : memref<512xf32, #tpu.memory_space<vmem>>)
      } else {
      }
      %parallel_loop3A = arith.constant 0 : i32
      %parallel_loop3A_402 = arith.constant 512 : i32
      %parallel_loop3A_403 = arith.constant 16 : i32
      scf.for %parallel_loop3A_820 = %parallel_loop3A to %parallel_loop3A_402 step %parallel_loop3A_403  : i32 {
        %parallel_loop3A_821 = arith.index_cast %parallel_loop3A_820 : i32 to index
        %parallel_loop3A_822 = tpu.vector_load %arg9[%parallel_loop3A_821] {strides = array<i32>} : memref<512xf32, #tpu.memory_space<vmem>>, vector<16xf32>,
        %parallel_loop3A_823 = arith.constant 1.000000e+00 : f32
        %parallel_loop3A_824 = vector.broadcast %parallel_loop3A_823 : f32 to vector<16xf32>
        %parallel_loop3A_825 = arith.addf %parallel_loop3A_822, %parallel_loop3A_824 : vector<16xf32>
        %parallel_loop3A_826 = arith.constant 3.500000e+00 : f32
        %parallel_loop3A_827 = vector.broadcast %parallel_loop3A_826 : f32 to vector<16xf32>
        %parallel_loop3A_828 = arith.mulf %parallel_loop3A_825, %parallel_loop3A_827 : vector<16xf32>
        %parallel_loop3A_829 = arith.fptosi %parallel_loop3A_828 : vector<16xf32> to vector<16xi32>
        %parallel_loop3A_830 = arith.constant 6 : i32
        %parallel_loop3A_831 = vector.broadcast %parallel_loop3A_830 : i32 to vector<16xi32>
        %parallel_loop3A_832 = arith.minsi %parallel_loop3A_829, %parallel_loop3A_831 : vector<16xi32>
        %parallel_loop3A_833 = arith.sitofp %parallel_loop3A_832 : vector<16xi32> to vector<16xf32>
        %parallel_loop3A_834 = arith.subf %parallel_loop3A_828, %parallel_loop3A_833 : vector<16xf32>
        %parallel_loop3A_835 = arith.index_cast %parallel_loop3A_820 : i32 to index
        %parallel_loop3A_836 = tpu.vector_load %arg13[%parallel_loop3A_835] {strides = array<i32>} : memref<512xi32, #tpu.memory_space<vmem>>, vector<16xi32>,
        %parallel_loop3A_837 = arith.index_cast %parallel_loop3A_820 : i32 to index
        %parallel_loop3A_838 = tpu.vector_load %arg14[%parallel_loop3A_837] {strides = array<i32>} : memref<512xf32, #tpu.memory_space<vmem>>, vector<16xf32>,
        %parallel_loop3A_839 = arith.addi %parallel_loop3A_836, %parallel_loop3A_832 : vector<16xi32>
        %parallel_loop3A_840 = arith.constant 1 : i32
        %parallel_loop3A_841 = vector.broadcast %parallel_loop3A_840 : i32 to vector<16xi32>
        %parallel_loop3A_842 = arith.addi %parallel_loop3A_839, %parallel_loop3A_841 : vector<16xi32>
        %parallel_loop3A_843 = arith.constant 8 : i32
        %parallel_loop3A_844 = vector.broadcast %parallel_loop3A_843 : i32 to vector<16xi32>
        %parallel_loop3A_845 = arith.addi %parallel_loop3A_839, %parallel_loop3A_844 : vector<16xi32>
        %parallel_loop3A_846 = arith.constant 8 : i32
        %parallel_loop3A_847 = vector.broadcast %parallel_loop3A_846 : i32 to vector<16xi32>
        %parallel_loop3A_848 = arith.addi %parallel_loop3A_839, %parallel_loop3A_847 : vector<16xi32>
        %parallel_loop3A_849 = arith.constant 1 : i32
        %parallel_loop3A_850 = vector.broadcast %parallel_loop3A_849 : i32 to vector<16xi32>
        %parallel_loop3A_851 = arith.addi %parallel_loop3A_848, %parallel_loop3A_850 : vector<16xi32>
        %parallel_loop3A_852 = arith.constant 1.000000e+00 : f32
        %parallel_loop3A_853 = vector.broadcast %parallel_loop3A_852 : f32 to vector<16xf32>
        %parallel_loop3A_854 = arith.subf %parallel_loop3A_853, %parallel_loop3A_834 : vector<16xf32>
        %parallel_loop3A_855 = arith.constant 1.000000e+00 : f32
        %parallel_loop3A_856 = vector.broadcast %parallel_loop3A_855 : f32 to vector<16xf32>
        %parallel_loop3A_857 = arith.subf %parallel_loop3A_856, %parallel_loop3A_838 : vector<16xf32>
        %parallel_loop3A_858 = arith.mulf %parallel_loop3A_857, %parallel_loop3A_854 : vector<16xf32>
        %parallel_loop3A_859 = arith.constant 1.000000e+00 : f32
        %parallel_loop3A_860 = vector.broadcast %parallel_loop3A_859 : f32 to vector<16xf32>
        %parallel_loop3A_861 = arith.subf %parallel_loop3A_860, %parallel_loop3A_838 : vector<16xf32>
        %parallel_loop3A_862 = arith.mulf %parallel_loop3A_861, %parallel_loop3A_834 : vector<16xf32>
        %parallel_loop3A_863 = arith.mulf %parallel_loop3A_838, %parallel_loop3A_854 : vector<16xf32>
        %parallel_loop3A_864 = arith.mulf %parallel_loop3A_838, %parallel_loop3A_834 : vector<16xf32>
        %parallel_loop3A_865 = tpu.pack_subelements %parallel_loop3A_858, %parallel_loop3A_858 {pack_format = #tpu.pack_format<interleaved>, positions = array<i32: 0, 1>} : vector<16xf32>, vector<16xf32> -> vector<32xbf16>
        %parallel_loop3A_866 = tpu.pack_subelements %parallel_loop3A_862, %parallel_loop3A_862 {pack_format = #tpu.pack_format<interleaved>, positions = array<i32: 0, 1>} : vector<16xf32>, vector<16xf32> -> vector<32xbf16>
        %parallel_loop3A_867 = tpu.pack_subelements %parallel_loop3A_863, %parallel_loop3A_863 {pack_format = #tpu.pack_format<interleaved>, positions = array<i32: 0, 1>} : vector<16xf32>, vector<16xf32> -> vector<32xbf16>
        %parallel_loop3A_868 = tpu.pack_subelements %parallel_loop3A_864, %parallel_loop3A_864 {pack_format = #tpu.pack_format<interleaved>, positions = array<i32: 0, 1>} : vector<16xf32>, vector<16xf32> -> vector<32xbf16>
        %parallel_loop3A_869 = arith.constant 0 : i32
        %parallel_loop3A_870 = tpu.memref_slice %arg7[%parallel_loop3A_869] : memref<768xi32, #tpu.memory_space<vmem>> -> memref<128xi32, #tpu.memory_space<vmem>>
        %parallel_loop3A_871 = tpu.vector_load_idx %parallel_loop3A_870[%parallel_loop3A_839] : memref<128xi32, #tpu.memory_space<vmem>>[vector<16xi32>], vector<16xi32>,
        %parallel_loop3A_872 = vector.bitcast %parallel_loop3A_871 : vector<16xi32> to vector<32xbf16>
        %parallel_loop3A_873 = arith.constant 0 : i32
        %parallel_loop3A_874 = tpu.memref_slice %arg7[%parallel_loop3A_873] : memref<768xi32, #tpu.memory_space<vmem>> -> memref<128xi32, #tpu.memory_space<vmem>>
        %parallel_loop3A_875 = tpu.vector_load_idx %parallel_loop3A_874[%parallel_loop3A_842] : memref<128xi32, #tpu.memory_space<vmem>>[vector<16xi32>], vector<16xi32>,
        %parallel_loop3A_876 = vector.bitcast %parallel_loop3A_875 : vector<16xi32> to vector<32xbf16>
        %parallel_loop3A_877 = arith.constant 0 : i32
        %parallel_loop3A_878 = tpu.memref_slice %arg7[%parallel_loop3A_877] : memref<768xi32, #tpu.memory_space<vmem>> -> memref<128xi32, #tpu.memory_space<vmem>>
        %parallel_loop3A_879 = tpu.vector_load_idx %parallel_loop3A_878[%parallel_loop3A_845] : memref<128xi32, #tpu.memory_space<vmem>>[vector<16xi32>], vector<16xi32>,
        %parallel_loop3A_880 = vector.bitcast %parallel_loop3A_879 : vector<16xi32> to vector<32xbf16>
        %parallel_loop3A_881 = arith.constant 0 : i32
        %parallel_loop3A_882 = tpu.memref_slice %arg7[%parallel_loop3A_881] : memref<768xi32, #tpu.memory_space<vmem>> -> memref<128xi32, #tpu.memory_space<vmem>>
        %parallel_loop3A_883 = tpu.vector_load_idx %parallel_loop3A_882[%parallel_loop3A_851] : memref<128xi32, #tpu.memory_space<vmem>>[vector<16xi32>], vector<16xi32>,
        %parallel_loop3A_884 = vector.bitcast %parallel_loop3A_883 : vector<16xi32> to vector<32xbf16>
        %parallel_loop3A_885 = arith.mulf %parallel_loop3A_872, %parallel_loop3A_865 : vector<32xbf16>
        %parallel_loop3A_886 = arith.mulf %parallel_loop3A_876, %parallel_loop3A_866 : vector<32xbf16>
        %parallel_loop3A_887 = arith.addf %parallel_loop3A_885, %parallel_loop3A_886 : vector<32xbf16>
        %parallel_loop3A_888 = arith.mulf %parallel_loop3A_880, %parallel_loop3A_867 : vector<32xbf16>
        %parallel_loop3A_889 = arith.mulf %parallel_loop3A_884, %parallel_loop3A_868 : vector<32xbf16>
        %parallel_loop3A_890 = arith.addf %parallel_loop3A_888, %parallel_loop3A_889 : vector<32xbf16>
        %parallel_loop3A_891 = arith.addf %parallel_loop3A_887, %parallel_loop3A_890 : vector<32xbf16>
        %parallel_loop3A_892 = arith.constant 128 : i32
        %parallel_loop3A_893 = tpu.memref_slice %arg7[%parallel_loop3A_892] : memref<768xi32, #tpu.memory_space<vmem>> -> memref<128xi32, #tpu.memory_space<vmem>>
        %parallel_loop3A_894 = tpu.vector_load_idx %parallel_loop3A_893[%parallel_loop3A_839] : memref<128xi32, #tpu.memory_space<vmem>>[vector<16xi32>], vector<16xi32>,
        %parallel_loop3A_895 = vector.bitcast %parallel_loop3A_894 : vector<16xi32> to vector<32xbf16>
        %parallel_loop3A_896 = arith.constant 128 : i32
        %parallel_loop3A_897 = tpu.memref_slice %arg7[%parallel_loop3A_896] : memref<768xi32, #tpu.memory_space<vmem>> -> memref<128xi32, #tpu.memory_space<vmem>>
        %parallel_loop3A_898 = tpu.vector_load_idx %parallel_loop3A_897[%parallel_loop3A_842] : memref<128xi32, #tpu.memory_space<vmem>>[vector<16xi32>], vector<16xi32>,
        %parallel_loop3A_899 = vector.bitcast %parallel_loop3A_898 : vector<16xi32> to vector<32xbf16>
        %parallel_loop3A_900 = arith.constant 128 : i32
        %parallel_loop3A_901 = tpu.memref_slice %arg7[%parallel_loop3A_900] : memref<768xi32, #tpu.memory_space<vmem>> -> memref<128xi32, #tpu.memory_space<vmem>>
        %parallel_loop3A_902 = tpu.vector_load_idx %parallel_loop3A_901[%parallel_loop3A_845] : memref<128xi32, #tpu.memory_space<vmem>>[vector<16xi32>], vector<16xi32>,
        %parallel_loop3A_903 = vector.bitcast %parallel_loop3A_902 : vector<16xi32> to vector<32xbf16>
        %parallel_loop3A_904 = arith.constant 128 : i32
        %parallel_loop3A_905 = tpu.memref_slice %arg7[%parallel_loop3A_904] : memref<768xi32, #tpu.memory_space<vmem>> -> memref<128xi32, #tpu.memory_space<vmem>>
        %parallel_loop3A_906 = tpu.vector_load_idx %parallel_loop3A_905[%parallel_loop3A_851] : memref<128xi32, #tpu.memory_space<vmem>>[vector<16xi32>], vector<16xi32>,
        %parallel_loop3A_907 = vector.bitcast %parallel_loop3A_906 : vector<16xi32> to vector<32xbf16>
        %parallel_loop3A_908 = arith.mulf %parallel_loop3A_895, %parallel_loop3A_865 : vector<32xbf16>
        %parallel_loop3A_909 = arith.mulf %parallel_loop3A_899, %parallel_loop3A_866 : vector<32xbf16>
        %parallel_loop3A_910 = arith.addf %parallel_loop3A_908, %parallel_loop3A_909 : vector<32xbf16>
        %parallel_loop3A_911 = arith.mulf %parallel_loop3A_903, %parallel_loop3A_867 : vector<32xbf16>
        %parallel_loop3A_912 = arith.mulf %parallel_loop3A_907, %parallel_loop3A_868 : vector<32xbf16>
        %parallel_loop3A_913 = arith.addf %parallel_loop3A_911, %parallel_loop3A_912 : vector<32xbf16>
        %parallel_loop3A_914 = arith.addf %parallel_loop3A_910, %parallel_loop3A_913 : vector<32xbf16>
        %parallel_loop3A_915 = arith.constant 256 : i32
        %parallel_loop3A_916 = tpu.memref_slice %arg7[%parallel_loop3A_915] : memref<768xi32, #tpu.memory_space<vmem>> -> memref<128xi32, #tpu.memory_space<vmem>>
        %parallel_loop3A_917 = tpu.vector_load_idx %parallel_loop3A_916[%parallel_loop3A_839] : memref<128xi32, #tpu.memory_space<vmem>>[vector<16xi32>], vector<16xi32>,
        %parallel_loop3A_918 = vector.bitcast %parallel_loop3A_917 : vector<16xi32> to vector<32xbf16>
        %parallel_loop3A_919 = arith.constant 256 : i32
        %parallel_loop3A_920 = tpu.memref_slice %arg7[%parallel_loop3A_919] : memref<768xi32, #tpu.memory_space<vmem>> -> memref<128xi32, #tpu.memory_space<vmem>>
        %parallel_loop3A_921 = tpu.vector_load_idx %parallel_loop3A_920[%parallel_loop3A_842] : memref<128xi32, #tpu.memory_space<vmem>>[vector<16xi32>], vector<16xi32>,
        %parallel_loop3A_922 = vector.bitcast %parallel_loop3A_921 : vector<16xi32> to vector<32xbf16>
        %parallel_loop3A_923 = arith.constant 256 : i32
        %parallel_loop3A_924 = tpu.memref_slice %arg7[%parallel_loop3A_923] : memref<768xi32, #tpu.memory_space<vmem>> -> memref<128xi32, #tpu.memory_space<vmem>>
        %parallel_loop3A_925 = tpu.vector_load_idx %parallel_loop3A_924[%parallel_loop3A_845] : memref<128xi32, #tpu.memory_space<vmem>>[vector<16xi32>], vector<16xi32>,
        %parallel_loop3A_926 = vector.bitcast %parallel_loop3A_925 : vector<16xi32> to vector<32xbf16>
        %parallel_loop3A_927 = arith.constant 256 : i32
        %parallel_loop3A_928 = tpu.memref_slice %arg7[%parallel_loop3A_927] : memref<768xi32, #tpu.memory_space<vmem>> -> memref<128xi32, #tpu.memory_space<vmem>>
        %parallel_loop3A_929 = tpu.vector_load_idx %parallel_loop3A_928[%parallel_loop3A_851] : memref<128xi32, #tpu.memory_space<vmem>>[vector<16xi32>], vector<16xi32>,
        %parallel_loop3A_930 = vector.bitcast %parallel_loop3A_929 : vector<16xi32> to vector<32xbf16>
        %parallel_loop3A_931 = arith.mulf %parallel_loop3A_918, %parallel_loop3A_865 : vector<32xbf16>
        %parallel_loop3A_932 = arith.mulf %parallel_loop3A_922, %parallel_loop3A_866 : vector<32xbf16>
        %parallel_loop3A_933 = arith.addf %parallel_loop3A_931, %parallel_loop3A_932 : vector<32xbf16>
        %parallel_loop3A_934 = arith.mulf %parallel_loop3A_926, %parallel_loop3A_867 : vector<32xbf16>
        %parallel_loop3A_935 = arith.mulf %parallel_loop3A_930, %parallel_loop3A_868 : vector<32xbf16>
        %parallel_loop3A_936 = arith.addf %parallel_loop3A_934, %parallel_loop3A_935 : vector<32xbf16>
        %parallel_loop3A_937 = arith.addf %parallel_loop3A_933, %parallel_loop3A_936 : vector<32xbf16>
        %parallel_loop3A_938 = arith.constant 384 : i32
        %parallel_loop3A_939 = tpu.memref_slice %arg7[%parallel_loop3A_938] : memref<768xi32, #tpu.memory_space<vmem>> -> memref<128xi32, #tpu.memory_space<vmem>>
        %parallel_loop3A_940 = tpu.vector_load_idx %parallel_loop3A_939[%parallel_loop3A_839] : memref<128xi32, #tpu.memory_space<vmem>>[vector<16xi32>], vector<16xi32>,
        %parallel_loop3A_941 = vector.bitcast %parallel_loop3A_940 : vector<16xi32> to vector<32xbf16>
        %parallel_loop3A_942 = arith.constant 384 : i32
        %parallel_loop3A_943 = tpu.memref_slice %arg7[%parallel_loop3A_942] : memref<768xi32, #tpu.memory_space<vmem>> -> memref<128xi32, #tpu.memory_space<vmem>>
        %parallel_loop3A_944 = tpu.vector_load_idx %parallel_loop3A_943[%parallel_loop3A_842] : memref<128xi32, #tpu.memory_space<vmem>>[vector<16xi32>], vector<16xi32>,
        %parallel_loop3A_945 = vector.bitcast %parallel_loop3A_944 : vector<16xi32> to vector<32xbf16>
        %parallel_loop3A_946 = arith.constant 384 : i32
        %parallel_loop3A_947 = tpu.memref_slice %arg7[%parallel_loop3A_946] : memref<768xi32, #tpu.memory_space<vmem>> -> memref<128xi32, #tpu.memory_space<vmem>>
        %parallel_loop3A_948 = tpu.vector_load_idx %parallel_loop3A_947[%parallel_loop3A_845] : memref<128xi32, #tpu.memory_space<vmem>>[vector<16xi32>], vector<16xi32>,
        %parallel_loop3A_949 = vector.bitcast %parallel_loop3A_948 : vector<16xi32> to vector<32xbf16>
        %parallel_loop3A_950 = arith.constant 384 : i32
        %parallel_loop3A_951 = tpu.memref_slice %arg7[%parallel_loop3A_950] : memref<768xi32, #tpu.memory_space<vmem>> -> memref<128xi32, #tpu.memory_space<vmem>>
        %parallel_loop3A_952 = tpu.vector_load_idx %parallel_loop3A_951[%parallel_loop3A_851] : memref<128xi32, #tpu.memory_space<vmem>>[vector<16xi32>], vector<16xi32>,
        %parallel_loop3A_953 = vector.bitcast %parallel_loop3A_952 : vector<16xi32> to vector<32xbf16>
        %parallel_loop3A_954 = arith.mulf %parallel_loop3A_941, %parallel_loop3A_865 : vector<32xbf16>
        %parallel_loop3A_955 = arith.mulf %parallel_loop3A_945, %parallel_loop3A_866 : vector<32xbf16>
        %parallel_loop3A_956 = arith.addf %parallel_loop3A_954, %parallel_loop3A_955 : vector<32xbf16>
        %parallel_loop3A_957 = arith.mulf %parallel_loop3A_949, %parallel_loop3A_867 : vector<32xbf16>
        %parallel_loop3A_958 = arith.mulf %parallel_loop3A_953, %parallel_loop3A_868 : vector<32xbf16>
        %parallel_loop3A_959 = arith.addf %parallel_loop3A_957, %parallel_loop3A_958 : vector<32xbf16>
        %parallel_loop3A_960 = arith.addf %parallel_loop3A_956, %parallel_loop3A_959 : vector<32xbf16>
        %parallel_loop3A_961 = arith.constant 512 : i32
        %parallel_loop3A_962 = tpu.memref_slice %arg7[%parallel_loop3A_961] : memref<768xi32, #tpu.memory_space<vmem>> -> memref<128xi32, #tpu.memory_space<vmem>>
        %parallel_loop3A_963 = tpu.vector_load_idx %parallel_loop3A_962[%parallel_loop3A_839] : memref<128xi32, #tpu.memory_space<vmem>>[vector<16xi32>], vector<16xi32>,
        %parallel_loop3A_964 = vector.bitcast %parallel_loop3A_963 : vector<16xi32> to vector<32xbf16>
        %parallel_loop3A_965 = arith.constant 512 : i32
        %parallel_loop3A_966 = tpu.memref_slice %arg7[%parallel_loop3A_965] : memref<768xi32, #tpu.memory_space<vmem>> -> memref<128xi32, #tpu.memory_space<vmem>>
        %parallel_loop3A_967 = tpu.vector_load_idx %parallel_loop3A_966[%parallel_loop3A_842] : memref<128xi32, #tpu.memory_space<vmem>>[vector<16xi32>], vector<16xi32>,
        %parallel_loop3A_968 = vector.bitcast %parallel_loop3A_967 : vector<16xi32> to vector<32xbf16>
        %parallel_loop3A_969 = arith.constant 512 : i32
        %parallel_loop3A_970 = tpu.memref_slice %arg7[%parallel_loop3A_969] : memref<768xi32, #tpu.memory_space<vmem>> -> memref<128xi32, #tpu.memory_space<vmem>>
        %parallel_loop3A_971 = tpu.vector_load_idx %parallel_loop3A_970[%parallel_loop3A_845] : memref<128xi32, #tpu.memory_space<vmem>>[vector<16xi32>], vector<16xi32>,
        %parallel_loop3A_972 = vector.bitcast %parallel_loop3A_971 : vector<16xi32> to vector<32xbf16>
        %parallel_loop3A_973 = arith.constant 512 : i32
        %parallel_loop3A_974 = tpu.memref_slice %arg7[%parallel_loop3A_973] : memref<768xi32, #tpu.memory_space<vmem>> -> memref<128xi32, #tpu.memory_space<vmem>>
        %parallel_loop3A_975 = tpu.vector_load_idx %parallel_loop3A_974[%parallel_loop3A_851] : memref<128xi32, #tpu.memory_space<vmem>>[vector<16xi32>], vector<16xi32>,
        %parallel_loop3A_976 = vector.bitcast %parallel_loop3A_975 : vector<16xi32> to vector<32xbf16>
        %parallel_loop3A_977 = arith.mulf %parallel_loop3A_964, %parallel_loop3A_865 : vector<32xbf16>
        %parallel_loop3A_978 = arith.mulf %parallel_loop3A_968, %parallel_loop3A_866 : vector<32xbf16>
        %parallel_loop3A_979 = arith.addf %parallel_loop3A_977, %parallel_loop3A_978 : vector<32xbf16>
        %parallel_loop3A_980 = arith.mulf %parallel_loop3A_972, %parallel_loop3A_867 : vector<32xbf16>
        %parallel_loop3A_981 = arith.mulf %parallel_loop3A_976, %parallel_loop3A_868 : vector<32xbf16>
        %parallel_loop3A_982 = arith.addf %parallel_loop3A_980, %parallel_loop3A_981 : vector<32xbf16>
        %parallel_loop3A_983 = arith.addf %parallel_loop3A_979, %parallel_loop3A_982 : vector<32xbf16>
        %parallel_loop3A_984 = arith.constant 640 : i32
        %parallel_loop3A_985 = tpu.memref_slice %arg7[%parallel_loop3A_984] : memref<768xi32, #tpu.memory_space<vmem>> -> memref<128xi32, #tpu.memory_space<vmem>>
        %parallel_loop3A_986 = tpu.vector_load_idx %parallel_loop3A_985[%parallel_loop3A_839] : memref<128xi32, #tpu.memory_space<vmem>>[vector<16xi32>], vector<16xi32>,
        %parallel_loop3A_987 = vector.bitcast %parallel_loop3A_986 : vector<16xi32> to vector<32xbf16>
        %parallel_loop3A_988 = arith.constant 640 : i32
        %parallel_loop3A_989 = tpu.memref_slice %arg7[%parallel_loop3A_988] : memref<768xi32, #tpu.memory_space<vmem>> -> memref<128xi32, #tpu.memory_space<vmem>>
        %parallel_loop3A_990 = tpu.vector_load_idx %parallel_loop3A_989[%parallel_loop3A_842] : memref<128xi32, #tpu.memory_space<vmem>>[vector<16xi32>], vector<16xi32>,
        %parallel_loop3A_991 = vector.bitcast %parallel_loop3A_990 : vector<16xi32> to vector<32xbf16>
        %parallel_loop3A_992 = arith.constant 640 : i32
        %parallel_loop3A_993 = tpu.memref_slice %arg7[%parallel_loop3A_992] : memref<768xi32, #tpu.memory_space<vmem>> -> memref<128xi32, #tpu.memory_space<vmem>>
        %parallel_loop3A_994 = tpu.vector_load_idx %parallel_loop3A_993[%parallel_loop3A_845] : memref<128xi32, #tpu.memory_space<vmem>>[vector<16xi32>], vector<16xi32>,
        %parallel_loop3A_995 = vector.bitcast %parallel_loop3A_994 : vector<16xi32> to vector<32xbf16>
        %parallel_loop3A_996 = arith.constant 640 : i32
        %parallel_loop3A_997 = tpu.memref_slice %arg7[%parallel_loop3A_996] : memref<768xi32, #tpu.memory_space<vmem>> -> memref<128xi32, #tpu.memory_space<vmem>>
        %parallel_loop3A_998 = tpu.vector_load_idx %parallel_loop3A_997[%parallel_loop3A_851] : memref<128xi32, #tpu.memory_space<vmem>>[vector<16xi32>], vector<16xi32>,
        %parallel_loop3A_999 = vector.bitcast %parallel_loop3A_998 : vector<16xi32> to vector<32xbf16>
        %parallel_loop3A_1000 = arith.mulf %parallel_loop3A_987, %parallel_loop3A_865 : vector<32xbf16>
        %parallel_loop3A_1001 = arith.mulf %parallel_loop3A_991, %parallel_loop3A_866 : vector<32xbf16>
        %parallel_loop3A_1002 = arith.addf %parallel_loop3A_1000, %parallel_loop3A_1001 : vector<32xbf16>
        %parallel_loop3A_1003 = arith.mulf %parallel_loop3A_995, %parallel_loop3A_867 : vector<32xbf16>
        %parallel_loop3A_1004 = arith.mulf %parallel_loop3A_999, %parallel_loop3A_868 : vector<32xbf16>
        %parallel_loop3A_1005 = arith.addf %parallel_loop3A_1003, %parallel_loop3A_1004 : vector<32xbf16>
        %parallel_loop3A_1006 = arith.addf %parallel_loop3A_1002, %parallel_loop3A_1005 : vector<32xbf16>
        %parallel_loop3A_1007 = tpu.unpack_subelements %parallel_loop3A_891, 0 {pack_format = #tpu.pack_format<interleaved>} : vector<32xbf16> -> vector<16xf32>
        %parallel_loop3A_1008 = tpu.unpack_subelements %parallel_loop3A_891, 1 {pack_format = #tpu.pack_format<interleaved>} : vector<32xbf16> -> vector<16xf32>
        %parallel_loop3A_1009 = arith.constant 0 : i32
        %parallel_loop3A_1010 = arith.index_cast %parallel_loop3A_1009 : i32 to index
        %parallel_loop3A_1011 = arith.index_cast %parallel_loop3A_820 : i32 to index
        %parallel_loop3A_1012 = tpu.vector_load %arg11[%parallel_loop3A_1010, %parallel_loop3A_1011] {strides = array<i32>} : memref<12x512xf32, #tpu.memory_space<vmem>>, vector<16xf32>,
        tpu.vector_store %arg11[%parallel_loop3A_1010, %parallel_loop3A_1011], %parallel_loop3A_1007 {strides = array<i32>} : memref<12x512xf32, #tpu.memory_space<vmem>>, vector<16xf32>,
        %parallel_loop3A_1013 = arith.constant 1 : i32
        %parallel_loop3A_1014 = arith.index_cast %parallel_loop3A_1013 : i32 to index
        %parallel_loop3A_1015 = arith.index_cast %parallel_loop3A_820 : i32 to index
        %parallel_loop3A_1016 = tpu.vector_load %arg11[%parallel_loop3A_1014, %parallel_loop3A_1015] {strides = array<i32>} : memref<12x512xf32, #tpu.memory_space<vmem>>, vector<16xf32>,
        tpu.vector_store %arg11[%parallel_loop3A_1014, %parallel_loop3A_1015], %parallel_loop3A_1008 {strides = array<i32>} : memref<12x512xf32, #tpu.memory_space<vmem>>, vector<16xf32>,
        %parallel_loop3A_1017 = tpu.unpack_subelements %parallel_loop3A_914, 0 {pack_format = #tpu.pack_format<interleaved>} : vector<32xbf16> -> vector<16xf32>
        %parallel_loop3A_1018 = tpu.unpack_subelements %parallel_loop3A_914, 1 {pack_format = #tpu.pack_format<interleaved>} : vector<32xbf16> -> vector<16xf32>
        %parallel_loop3A_1019 = arith.constant 2 : i32
        %parallel_loop3A_1020 = arith.index_cast %parallel_loop3A_1019 : i32 to index
        %parallel_loop3A_1021 = arith.index_cast %parallel_loop3A_820 : i32 to index
        %parallel_loop3A_1022 = tpu.vector_load %arg11[%parallel_loop3A_1020, %parallel_loop3A_1021] {strides = array<i32>} : memref<12x512xf32, #tpu.memory_space<vmem>>, vector<16xf32>,
        tpu.vector_store %arg11[%parallel_loop3A_1020, %parallel_loop3A_1021], %parallel_loop3A_1017 {strides = array<i32>} : memref<12x512xf32, #tpu.memory_space<vmem>>, vector<16xf32>,
        %parallel_loop3A_1023 = arith.constant 3 : i32
        %parallel_loop3A_1024 = arith.index_cast %parallel_loop3A_1023 : i32 to index
        %parallel_loop3A_1025 = arith.index_cast %parallel_loop3A_820 : i32 to index
        %parallel_loop3A_1026 = tpu.vector_load %arg11[%parallel_loop3A_1024, %parallel_loop3A_1025] {strides = array<i32>} : memref<12x512xf32, #tpu.memory_space<vmem>>, vector<16xf32>,
        tpu.vector_store %arg11[%parallel_loop3A_1024, %parallel_loop3A_1025], %parallel_loop3A_1018 {strides = array<i32>} : memref<12x512xf32, #tpu.memory_space<vmem>>, vector<16xf32>,
        %parallel_loop3A_1027 = tpu.unpack_subelements %parallel_loop3A_937, 0 {pack_format = #tpu.pack_format<interleaved>} : vector<32xbf16> -> vector<16xf32>
        %parallel_loop3A_1028 = tpu.unpack_subelements %parallel_loop3A_937, 1 {pack_format = #tpu.pack_format<interleaved>} : vector<32xbf16> -> vector<16xf32>
        %parallel_loop3A_1029 = arith.constant 4 : i32
        %parallel_loop3A_1030 = arith.index_cast %parallel_loop3A_1029 : i32 to index
        %parallel_loop3A_1031 = arith.index_cast %parallel_loop3A_820 : i32 to index
        %parallel_loop3A_1032 = tpu.vector_load %arg11[%parallel_loop3A_1030, %parallel_loop3A_1031] {strides = array<i32>} : memref<12x512xf32, #tpu.memory_space<vmem>>, vector<16xf32>,
        tpu.vector_store %arg11[%parallel_loop3A_1030, %parallel_loop3A_1031], %parallel_loop3A_1027 {strides = array<i32>} : memref<12x512xf32, #tpu.memory_space<vmem>>, vector<16xf32>,
        %parallel_loop3A_1033 = arith.constant 5 : i32
        %parallel_loop3A_1034 = arith.index_cast %parallel_loop3A_1033 : i32 to index
        %parallel_loop3A_1035 = arith.index_cast %parallel_loop3A_820 : i32 to index
        %parallel_loop3A_1036 = tpu.vector_load %arg11[%parallel_loop3A_1034, %parallel_loop3A_1035] {strides = array<i32>} : memref<12x512xf32, #tpu.memory_space<vmem>>, vector<16xf32>,
        tpu.vector_store %arg11[%parallel_loop3A_1034, %parallel_loop3A_1035], %parallel_loop3A_1028 {strides = array<i32>} : memref<12x512xf32, #tpu.memory_space<vmem>>, vector<16xf32>,
        %parallel_loop3A_1037 = tpu.unpack_subelements %parallel_loop3A_960, 0 {pack_format = #tpu.pack_format<interleaved>} : vector<32xbf16> -> vector<16xf32>
        %parallel_loop3A_1038 = tpu.unpack_subelements %parallel_loop3A_960, 1 {pack_format = #tpu.pack_format<interleaved>} : vector<32xbf16> -> vector<16xf32>
        %parallel_loop3A_1039 = arith.constant 6 : i32
        %parallel_loop3A_1040 = arith.index_cast %parallel_loop3A_1039 : i32 to index
        %parallel_loop3A_1041 = arith.index_cast %parallel_loop3A_820 : i32 to index
        %parallel_loop3A_1042 = tpu.vector_load %arg11[%parallel_loop3A_1040, %parallel_loop3A_1041] {strides = array<i32>} : memref<12x512xf32, #tpu.memory_space<vmem>>, vector<16xf32>,
        tpu.vector_store %arg11[%parallel_loop3A_1040, %parallel_loop3A_1041], %parallel_loop3A_1037 {strides = array<i32>} : memref<12x512xf32, #tpu.memory_space<vmem>>, vector<16xf32>,
        %parallel_loop3A_1043 = arith.constant 7 : i32
        %parallel_loop3A_1044 = arith.index_cast %parallel_loop3A_1043 : i32 to index
        %parallel_loop3A_1045 = arith.index_cast %parallel_loop3A_820 : i32 to index
        %parallel_loop3A_1046 = tpu.vector_load %arg11[%parallel_loop3A_1044, %parallel_loop3A_1045] {strides = array<i32>} : memref<12x512xf32, #tpu.memory_space<vmem>>, vector<16xf32>,
        tpu.vector_store %arg11[%parallel_loop3A_1044, %parallel_loop3A_1045], %parallel_loop3A_1038 {strides = array<i32>} : memref<12x512xf32, #tpu.memory_space<vmem>>, vector<16xf32>,
        %parallel_loop3A_1047 = tpu.unpack_subelements %parallel_loop3A_983, 0 {pack_format = #tpu.pack_format<interleaved>} : vector<32xbf16> -> vector<16xf32>
        %parallel_loop3A_1048 = tpu.unpack_subelements %parallel_loop3A_983, 1 {pack_format = #tpu.pack_format<interleaved>} : vector<32xbf16> -> vector<16xf32>
        %parallel_loop3A_1049 = arith.constant 8 : i32
        %parallel_loop3A_1050 = arith.index_cast %parallel_loop3A_1049 : i32 to index
        %parallel_loop3A_1051 = arith.index_cast %parallel_loop3A_820 : i32 to index
        %parallel_loop3A_1052 = tpu.vector_load %arg11[%parallel_loop3A_1050, %parallel_loop3A_1051] {strides = array<i32>} : memref<12x512xf32, #tpu.memory_space<vmem>>, vector<16xf32>,
        tpu.vector_store %arg11[%parallel_loop3A_1050, %parallel_loop3A_1051], %parallel_loop3A_1047 {strides = array<i32>} : memref<12x512xf32, #tpu.memory_space<vmem>>, vector<16xf32>,
        %parallel_loop3A_1053 = arith.constant 9 : i32
        %parallel_loop3A_1054 = arith.index_cast %parallel_loop3A_1053 : i32 to index
        %parallel_loop3A_1055 = arith.index_cast %parallel_loop3A_820 : i32 to index
        %parallel_loop3A_1056 = tpu.vector_load %arg11[%parallel_loop3A_1054, %parallel_loop3A_1055] {strides = array<i32>} : memref<12x512xf32, #tpu.memory_space<vmem>>, vector<16xf32>,
        tpu.vector_store %arg11[%parallel_loop3A_1054, %parallel_loop3A_1055], %parallel_loop3A_1048 {strides = array<i32>} : memref<12x512xf32, #tpu.memory_space<vmem>>, vector<16xf32>,
        %parallel_loop3A_1057 = tpu.unpack_subelements %parallel_loop3A_1006, 0 {pack_format = #tpu.pack_format<interleaved>} : vector<32xbf16> -> vector<16xf32>
        %parallel_loop3A_1058 = tpu.unpack_subelements %parallel_loop3A_1006, 1 {pack_format = #tpu.pack_format<interleaved>} : vector<32xbf16> -> vector<16xf32>
        %parallel_loop3A_1059 = arith.constant 10 : i32
        %parallel_loop3A_1060 = arith.index_cast %parallel_loop3A_1059 : i32 to index
        %parallel_loop3A_1061 = arith.index_cast %parallel_loop3A_820 : i32 to index
        %parallel_loop3A_1062 = tpu.vector_load %arg11[%parallel_loop3A_1060, %parallel_loop3A_1061] {strides = array<i32>} : memref<12x512xf32, #tpu.memory_space<vmem>>, vector<16xf32>,
        tpu.vector_store %arg11[%parallel_loop3A_1060, %parallel_loop3A_1061], %parallel_loop3A_1057 {strides = array<i32>} : memref<12x512xf32, #tpu.memory_space<vmem>>, vector<16xf32>,
        %parallel_loop3A_1063 = arith.constant 11 : i32
        %parallel_loop3A_1064 = arith.index_cast %parallel_loop3A_1063 : i32 to index
        %parallel_loop3A_1065 = arith.index_cast %parallel_loop3A_820 : i32 to index
        %parallel_loop3A_1066 = tpu.vector_load %arg11[%parallel_loop3A_1064, %parallel_loop3A_1065] {strides = array<i32>} : memref<12x512xf32, #tpu.memory_space<vmem>>, vector<16xf32>,
        tpu.vector_store %arg11[%parallel_loop3A_1064, %parallel_loop3A_1065], %parallel_loop3A_1058 {strides = array<i32>} : memref<12x512xf32, #tpu.memory_space<vmem>>, vector<16xf32>,
      } {sc.loop_unroll_factor = 4 : i64, sc.parallel_access}
      %add3A_404 = arith.addi %add3A_24, %add3A_380 : i32
      %add3A_405 = arith.constant 0 : i32
      %add3A_406 = arith.addi %add3A_404, %add3A_405 : i32
      %dma_start3A_407 = arith.constant 0 : i32
      %dma_start3A_408 = arith.constant 0 : i32
      %dma_start3A_409 = tpu.memref_slice %arg11[%dma_start3A_407, %dma_start3A_408] : memref<12x512xf32, #tpu.memory_space<vmem>> -> memref<1x512xf32, #tpu.memory_space<vmem>>
      %dma_start3A_410 = tpu.memref_squeeze %dma_start3A_409 : memref<1x512xf32, #tpu.memory_space<vmem>> -> memref<512xf32, #tpu.memory_space<vmem>>
      %dma_start3A_411 = arith.constant 0 : i32
      %dma_start3A_412 = tpu.memref_slice %arg6[%add3A_406, %dma_start3A_411] : memref<24576x512xf32, #tpu.memory_space<hbm>> -> memref<1x512xf32, #tpu.memory_space<hbm>>
      %dma_start3A_413 = tpu.memref_squeeze %dma_start3A_412 : memref<1x512xf32, #tpu.memory_space<hbm>> -> memref<512xf32, #tpu.memory_space<hbm>>
      %dma_start3A_414 = arith.constant 0 : i32
      %dma_start3A_415 = tpu.memref_slice %arg6[%add3A_406, %dma_start3A_414] : memref<24576x512xf32, #tpu.memory_space<hbm>> -> memref<1x512xf32, #tpu.memory_space<hbm>>
      %dma_start3A_416 = tpu.memref_squeeze %dma_start3A_415 : memref<1x512xf32, #tpu.memory_space<hbm>> -> memref<512xf32, #tpu.memory_space<hbm>>
      %dma_start3A_417 = arith.constant 0 : i32
      %dma_start3A_418 = tpu.memref_slice %arg11[%dma_start3A_407, %dma_start3A_417] : memref<12x512xf32, #tpu.memory_space<vmem>> -> memref<1x512xf32, #tpu.memory_space<vmem>>
      %dma_start3A_419 = tpu.memref_squeeze %dma_start3A_418 : memref<1x512xf32, #tpu.memory_space<vmem>> -> memref<512xf32, #tpu.memory_space<vmem>>
      tpu.enqueue_dma source(%dma_start3A_419 : memref<512xf32, #tpu.memory_space<vmem>>) target(%dma_start3A_416 : memref<512xf32, #tpu.memory_space<hbm>>) target_semaphore(%arg17 : memref<!tpu.dma_semaphore, #tpu.memory_space<semaphore_mem>>)
      %add3A_420 = arith.addi %add3A_24, %add3A_380 : i32
      %add3A_421 = arith.constant 512 : i32
      %add3A_422 = arith.addi %add3A_420, %add3A_421 : i32
      %dma_start3A_423 = arith.constant 1 : i32
      %dma_start3A_424 = arith.constant 0 : i32
      %dma_start3A_425 = tpu.memref_slice %arg11[%dma_start3A_423, %dma_start3A_424] : memref<12x512xf32, #tpu.memory_space<vmem>> -> memref<1x512xf32, #tpu.memory_space<vmem>>
      %dma_start3A_426 = tpu.memref_squeeze %dma_start3A_425 : memref<1x512xf32, #tpu.memory_space<vmem>> -> memref<512xf32, #tpu.memory_space<vmem>>
      %dma_start3A_427 = arith.constant 0 : i32
      %dma_start3A_428 = tpu.memref_slice %arg6[%add3A_422, %dma_start3A_427] : memref<24576x512xf32, #tpu.memory_space<hbm>> -> memref<1x512xf32, #tpu.memory_space<hbm>>
      %dma_start3A_429 = tpu.memref_squeeze %dma_start3A_428 : memref<1x512xf32, #tpu.memory_space<hbm>> -> memref<512xf32, #tpu.memory_space<hbm>>
      %dma_start3A_430 = arith.constant 0 : i32
      %dma_start3A_431 = tpu.memref_slice %arg6[%add3A_422, %dma_start3A_430] : memref<24576x512xf32, #tpu.memory_space<hbm>> -> memref<1x512xf32, #tpu.memory_space<hbm>>
      %dma_start3A_432 = tpu.memref_squeeze %dma_start3A_431 : memref<1x512xf32, #tpu.memory_space<hbm>> -> memref<512xf32, #tpu.memory_space<hbm>>
      %dma_start3A_433 = arith.constant 0 : i32
      %dma_start3A_434 = tpu.memref_slice %arg11[%dma_start3A_423, %dma_start3A_433] : memref<12x512xf32, #tpu.memory_space<vmem>> -> memref<1x512xf32, #tpu.memory_space<vmem>>
      %dma_start3A_435 = tpu.memref_squeeze %dma_start3A_434 : memref<1x512xf32, #tpu.memory_space<vmem>> -> memref<512xf32, #tpu.memory_space<vmem>>
      tpu.enqueue_dma source(%dma_start3A_435 : memref<512xf32, #tpu.memory_space<vmem>>) target(%dma_start3A_432 : memref<512xf32, #tpu.memory_space<hbm>>) target_semaphore(%arg17 : memref<!tpu.dma_semaphore, #tpu.memory_space<semaphore_mem>>)
      %add3A_436 = arith.addi %add3A_24, %add3A_380 : i32
      %add3A_437 = arith.constant 1024 : i32
      %add3A_438 = arith.addi %add3A_436, %add3A_437 : i32
      %dma_start3A_439 = arith.constant 2 : i32
      %dma_start3A_440 = arith.constant 0 : i32
      %dma_start3A_441 = tpu.memref_slice %arg11[%dma_start3A_439, %dma_start3A_440] : memref<12x512xf32, #tpu.memory_space<vmem>> -> memref<1x512xf32, #tpu.memory_space<vmem>>
      %dma_start3A_442 = tpu.memref_squeeze %dma_start3A_441 : memref<1x512xf32, #tpu.memory_space<vmem>> -> memref<512xf32, #tpu.memory_space<vmem>>
      %dma_start3A_443 = arith.constant 0 : i32
      %dma_start3A_444 = tpu.memref_slice %arg6[%add3A_438, %dma_start3A_443] : memref<24576x512xf32, #tpu.memory_space<hbm>> -> memref<1x512xf32, #tpu.memory_space<hbm>>
      %dma_start3A_445 = tpu.memref_squeeze %dma_start3A_444 : memref<1x512xf32, #tpu.memory_space<hbm>> -> memref<512xf32, #tpu.memory_space<hbm>>
      %dma_start3A_446 = arith.constant 0 : i32
      %dma_start3A_447 = tpu.memref_slice %arg6[%add3A_438, %dma_start3A_446] : memref<24576x512xf32, #tpu.memory_space<hbm>> -> memref<1x512xf32, #tpu.memory_space<hbm>>
      %dma_start3A_448 = tpu.memref_squeeze %dma_start3A_447 : memref<1x512xf32, #tpu.memory_space<hbm>> -> memref<512xf32, #tpu.memory_space<hbm>>
      %dma_start3A_449 = arith.constant 0 : i32
      %dma_start3A_450 = tpu.memref_slice %arg11[%dma_start3A_439, %dma_start3A_449] : memref<12x512xf32, #tpu.memory_space<vmem>> -> memref<1x512xf32, #tpu.memory_space<vmem>>
      %dma_start3A_451 = tpu.memref_squeeze %dma_start3A_450 : memref<1x512xf32, #tpu.memory_space<vmem>> -> memref<512xf32, #tpu.memory_space<vmem>>
      tpu.enqueue_dma source(%dma_start3A_451 : memref<512xf32, #tpu.memory_space<vmem>>) target(%dma_start3A_448 : memref<512xf32, #tpu.memory_space<hbm>>) target_semaphore(%arg17 : memref<!tpu.dma_semaphore, #tpu.memory_space<semaphore_mem>>)
      %add3A_452 = arith.addi %add3A_24, %add3A_380 : i32
      %add3A_453 = arith.constant 1536 : i32
      %add3A_454 = arith.addi %add3A_452, %add3A_453 : i32
      %dma_start3A_455 = arith.constant 3 : i32
      %dma_start3A_456 = arith.constant 0 : i32
      %dma_start3A_457 = tpu.memref_slice %arg11[%dma_start3A_455, %dma_start3A_456] : memref<12x512xf32, #tpu.memory_space<vmem>> -> memref<1x512xf32, #tpu.memory_space<vmem>>
      %dma_start3A_458 = tpu.memref_squeeze %dma_start3A_457 : memref<1x512xf32, #tpu.memory_space<vmem>> -> memref<512xf32, #tpu.memory_space<vmem>>
      %dma_start3A_459 = arith.constant 0 : i32
      %dma_start3A_460 = tpu.memref_slice %arg6[%add3A_454, %dma_start3A_459] : memref<24576x512xf32, #tpu.memory_space<hbm>> -> memref<1x512xf32, #tpu.memory_space<hbm>>
      %dma_start3A_461 = tpu.memref_squeeze %dma_start3A_460 : memref<1x512xf32, #tpu.memory_space<hbm>> -> memref<512xf32, #tpu.memory_space<hbm>>
      %dma_start3A_462 = arith.constant 0 : i32
      %dma_start3A_463 = tpu.memref_slice %arg6[%add3A_454, %dma_start3A_462] : memref<24576x512xf32, #tpu.memory_space<hbm>> -> memref<1x512xf32, #tpu.memory_space<hbm>>
      %dma_start3A_464 = tpu.memref_squeeze %dma_start3A_463 : memref<1x512xf32, #tpu.memory_space<hbm>> -> memref<512xf32, #tpu.memory_space<hbm>>
      %dma_start3A_465 = arith.constant 0 : i32
      %dma_start3A_466 = tpu.memref_slice %arg11[%dma_start3A_455, %dma_start3A_465] : memref<12x512xf32, #tpu.memory_space<vmem>> -> memref<1x512xf32, #tpu.memory_space<vmem>>
      %dma_start3A_467 = tpu.memref_squeeze %dma_start3A_466 : memref<1x512xf32, #tpu.memory_space<vmem>> -> memref<512xf32, #tpu.memory_space<vmem>>
      tpu.enqueue_dma source(%dma_start3A_467 : memref<512xf32, #tpu.memory_space<vmem>>) target(%dma_start3A_464 : memref<512xf32, #tpu.memory_space<hbm>>) target_semaphore(%arg17 : memref<!tpu.dma_semaphore, #tpu.memory_space<semaphore_mem>>)
      %add3A_468 = arith.addi %add3A_24, %add3A_380 : i32
      %add3A_469 = arith.constant 2048 : i32
      %add3A_470 = arith.addi %add3A_468, %add3A_469 : i32
      %dma_start3A_471 = arith.constant 4 : i32
      %dma_start3A_472 = arith.constant 0 : i32
      %dma_start3A_473 = tpu.memref_slice %arg11[%dma_start3A_471, %dma_start3A_472] : memref<12x512xf32, #tpu.memory_space<vmem>> -> memref<1x512xf32, #tpu.memory_space<vmem>>
      %dma_start3A_474 = tpu.memref_squeeze %dma_start3A_473 : memref<1x512xf32, #tpu.memory_space<vmem>> -> memref<512xf32, #tpu.memory_space<vmem>>
      %dma_start3A_475 = arith.constant 0 : i32
      %dma_start3A_476 = tpu.memref_slice %arg6[%add3A_470, %dma_start3A_475] : memref<24576x512xf32, #tpu.memory_space<hbm>> -> memref<1x512xf32, #tpu.memory_space<hbm>>
      %dma_start3A_477 = tpu.memref_squeeze %dma_start3A_476 : memref<1x512xf32, #tpu.memory_space<hbm>> -> memref<512xf32, #tpu.memory_space<hbm>>
      %dma_start3A_478 = arith.constant 0 : i32
      %dma_start3A_479 = tpu.memref_slice %arg6[%add3A_470, %dma_start3A_478] : memref<24576x512xf32, #tpu.memory_space<hbm>> -> memref<1x512xf32, #tpu.memory_space<hbm>>
      %dma_start3A_480 = tpu.memref_squeeze %dma_start3A_479 : memref<1x512xf32, #tpu.memory_space<hbm>> -> memref<512xf32, #tpu.memory_space<hbm>>
      %dma_start3A_481 = arith.constant 0 : i32
      %dma_start3A_482 = tpu.memref_slice %arg11[%dma_start3A_471, %dma_start3A_481] : memref<12x512xf32, #tpu.memory_space<vmem>> -> memref<1x512xf32, #tpu.memory_space<vmem>>
      %dma_start3A_483 = tpu.memref_squeeze %dma_start3A_482 : memref<1x512xf32, #tpu.memory_space<vmem>> -> memref<512xf32, #tpu.memory_space<vmem>>
      tpu.enqueue_dma source(%dma_start3A_483 : memref<512xf32, #tpu.memory_space<vmem>>) target(%dma_start3A_480 : memref<512xf32, #tpu.memory_space<hbm>>) target_semaphore(%arg17 : memref<!tpu.dma_semaphore, #tpu.memory_space<semaphore_mem>>)
      %add3A_484 = arith.addi %add3A_24, %add3A_380 : i32
      %add3A_485 = arith.constant 2560 : i32
      %add3A_486 = arith.addi %add3A_484, %add3A_485 : i32
      %dma_start3A_487 = arith.constant 5 : i32
      %dma_start3A_488 = arith.constant 0 : i32
      %dma_start3A_489 = tpu.memref_slice %arg11[%dma_start3A_487, %dma_start3A_488] : memref<12x512xf32, #tpu.memory_space<vmem>> -> memref<1x512xf32, #tpu.memory_space<vmem>>
      %dma_start3A_490 = tpu.memref_squeeze %dma_start3A_489 : memref<1x512xf32, #tpu.memory_space<vmem>> -> memref<512xf32, #tpu.memory_space<vmem>>
      %dma_start3A_491 = arith.constant 0 : i32
      %dma_start3A_492 = tpu.memref_slice %arg6[%add3A_486, %dma_start3A_491] : memref<24576x512xf32, #tpu.memory_space<hbm>> -> memref<1x512xf32, #tpu.memory_space<hbm>>
      %dma_start3A_493 = tpu.memref_squeeze %dma_start3A_492 : memref<1x512xf32, #tpu.memory_space<hbm>> -> memref<512xf32, #tpu.memory_space<hbm>>
      %dma_start3A_494 = arith.constant 0 : i32
      %dma_start3A_495 = tpu.memref_slice %arg6[%add3A_486, %dma_start3A_494] : memref<24576x512xf32, #tpu.memory_space<hbm>> -> memref<1x512xf32, #tpu.memory_space<hbm>>
      %dma_start3A_496 = tpu.memref_squeeze %dma_start3A_495 : memref<1x512xf32, #tpu.memory_space<hbm>> -> memref<512xf32, #tpu.memory_space<hbm>>
      %dma_start3A_497 = arith.constant 0 : i32
      %dma_start3A_498 = tpu.memref_slice %arg11[%dma_start3A_487, %dma_start3A_497] : memref<12x512xf32, #tpu.memory_space<vmem>> -> memref<1x512xf32, #tpu.memory_space<vmem>>
      %dma_start3A_499 = tpu.memref_squeeze %dma_start3A_498 : memref<1x512xf32, #tpu.memory_space<vmem>> -> memref<512xf32, #tpu.memory_space<vmem>>
      tpu.enqueue_dma source(%dma_start3A_499 : memref<512xf32, #tpu.memory_space<vmem>>) target(%dma_start3A_496 : memref<512xf32, #tpu.memory_space<hbm>>) target_semaphore(%arg17 : memref<!tpu.dma_semaphore, #tpu.memory_space<semaphore_mem>>)
      %add3A_500 = arith.addi %add3A_24, %add3A_380 : i32
      %add3A_501 = arith.constant 3072 : i32
      %add3A_502 = arith.addi %add3A_500, %add3A_501 : i32
      %dma_start3A_503 = arith.constant 6 : i32
      %dma_start3A_504 = arith.constant 0 : i32
      %dma_start3A_505 = tpu.memref_slice %arg11[%dma_start3A_503, %dma_start3A_504] : memref<12x512xf32, #tpu.memory_space<vmem>> -> memref<1x512xf32, #tpu.memory_space<vmem>>
      %dma_start3A_506 = tpu.memref_squeeze %dma_start3A_505 : memref<1x512xf32, #tpu.memory_space<vmem>> -> memref<512xf32, #tpu.memory_space<vmem>>
      %dma_start3A_507 = arith.constant 0 : i32
      %dma_start3A_508 = tpu.memref_slice %arg6[%add3A_502, %dma_start3A_507] : memref<24576x512xf32, #tpu.memory_space<hbm>> -> memref<1x512xf32, #tpu.memory_space<hbm>>
      %dma_start3A_509 = tpu.memref_squeeze %dma_start3A_508 : memref<1x512xf32, #tpu.memory_space<hbm>> -> memref<512xf32, #tpu.memory_space<hbm>>
      %dma_start3A_510 = arith.constant 0 : i32
      %dma_start3A_511 = tpu.memref_slice %arg6[%add3A_502, %dma_start3A_510] : memref<24576x512xf32, #tpu.memory_space<hbm>> -> memref<1x512xf32, #tpu.memory_space<hbm>>
      %dma_start3A_512 = tpu.memref_squeeze %dma_start3A_511 : memref<1x512xf32, #tpu.memory_space<hbm>> -> memref<512xf32, #tpu.memory_space<hbm>>
      %dma_start3A_513 = arith.constant 0 : i32
      %dma_start3A_514 = tpu.memref_slice %arg11[%dma_start3A_503, %dma_start3A_513] : memref<12x512xf32, #tpu.memory_space<vmem>> -> memref<1x512xf32, #tpu.memory_space<vmem>>
      %dma_start3A_515 = tpu.memref_squeeze %dma_start3A_514 : memref<1x512xf32, #tpu.memory_space<vmem>> -> memref<512xf32, #tpu.memory_space<vmem>>
      tpu.enqueue_dma source(%dma_start3A_515 : memref<512xf32, #tpu.memory_space<vmem>>) target(%dma_start3A_512 : memref<512xf32, #tpu.memory_space<hbm>>) target_semaphore(%arg17 : memref<!tpu.dma_semaphore, #tpu.memory_space<semaphore_mem>>)
      %add3A_516 = arith.addi %add3A_24, %add3A_380 : i32
      %add3A_517 = arith.constant 3584 : i32
      %add3A_518 = arith.addi %add3A_516, %add3A_517 : i32
      %dma_start3A_519 = arith.constant 7 : i32
      %dma_start3A_520 = arith.constant 0 : i32
      %dma_start3A_521 = tpu.memref_slice %arg11[%dma_start3A_519, %dma_start3A_520] : memref<12x512xf32, #tpu.memory_space<vmem>> -> memref<1x512xf32, #tpu.memory_space<vmem>>
      %dma_start3A_522 = tpu.memref_squeeze %dma_start3A_521 : memref<1x512xf32, #tpu.memory_space<vmem>> -> memref<512xf32, #tpu.memory_space<vmem>>
      %dma_start3A_523 = arith.constant 0 : i32
      %dma_start3A_524 = tpu.memref_slice %arg6[%add3A_518, %dma_start3A_523] : memref<24576x512xf32, #tpu.memory_space<hbm>> -> memref<1x512xf32, #tpu.memory_space<hbm>>
      %dma_start3A_525 = tpu.memref_squeeze %dma_start3A_524 : memref<1x512xf32, #tpu.memory_space<hbm>> -> memref<512xf32, #tpu.memory_space<hbm>>
      %dma_start3A_526 = arith.constant 0 : i32
      %dma_start3A_527 = tpu.memref_slice %arg6[%add3A_518, %dma_start3A_526] : memref<24576x512xf32, #tpu.memory_space<hbm>> -> memref<1x512xf32, #tpu.memory_space<hbm>>
      %dma_start3A_528 = tpu.memref_squeeze %dma_start3A_527 : memref<1x512xf32, #tpu.memory_space<hbm>> -> memref<512xf32, #tpu.memory_space<hbm>>
      %dma_start3A_529 = arith.constant 0 : i32
      %dma_start3A_530 = tpu.memref_slice %arg11[%dma_start3A_519, %dma_start3A_529] : memref<12x512xf32, #tpu.memory_space<vmem>> -> memref<1x512xf32, #tpu.memory_space<vmem>>
      %dma_start3A_531 = tpu.memref_squeeze %dma_start3A_530 : memref<1x512xf32, #tpu.memory_space<vmem>> -> memref<512xf32, #tpu.memory_space<vmem>>
      tpu.enqueue_dma source(%dma_start3A_531 : memref<512xf32, #tpu.memory_space<vmem>>) target(%dma_start3A_528 : memref<512xf32, #tpu.memory_space<hbm>>) target_semaphore(%arg17 : memref<!tpu.dma_semaphore, #tpu.memory_space<semaphore_mem>>)
      %add3A_532 = arith.addi %add3A_24, %add3A_380 : i32
      %add3A_533 = arith.constant 4096 : i32
      %add3A_534 = arith.addi %add3A_532, %add3A_533 : i32
      %dma_start3A_535 = arith.constant 8 : i32
      %dma_start3A_536 = arith.constant 0 : i32
      %dma_start3A_537 = tpu.memref_slice %arg11[%dma_start3A_535, %dma_start3A_536] : memref<12x512xf32, #tpu.memory_space<vmem>> -> memref<1x512xf32, #tpu.memory_space<vmem>>
      %dma_start3A_538 = tpu.memref_squeeze %dma_start3A_537 : memref<1x512xf32, #tpu.memory_space<vmem>> -> memref<512xf32, #tpu.memory_space<vmem>>
      %dma_start3A_539 = arith.constant 0 : i32
      %dma_start3A_540 = tpu.memref_slice %arg6[%add3A_534, %dma_start3A_539] : memref<24576x512xf32, #tpu.memory_space<hbm>> -> memref<1x512xf32, #tpu.memory_space<hbm>>
      %dma_start3A_541 = tpu.memref_squeeze %dma_start3A_540 : memref<1x512xf32, #tpu.memory_space<hbm>> -> memref<512xf32, #tpu.memory_space<hbm>>
      %dma_start3A_542 = arith.constant 0 : i32
      %dma_start3A_543 = tpu.memref_slice %arg6[%add3A_534, %dma_start3A_542] : memref<24576x512xf32, #tpu.memory_space<hbm>> -> memref<1x512xf32, #tpu.memory_space<hbm>>
      %dma_start3A_544 = tpu.memref_squeeze %dma_start3A_543 : memref<1x512xf32, #tpu.memory_space<hbm>> -> memref<512xf32, #tpu.memory_space<hbm>>
      %dma_start3A_545 = arith.constant 0 : i32
      %dma_start3A_546 = tpu.memref_slice %arg11[%dma_start3A_535, %dma_start3A_545] : memref<12x512xf32, #tpu.memory_space<vmem>> -> memref<1x512xf32, #tpu.memory_space<vmem>>
      %dma_start3A_547 = tpu.memref_squeeze %dma_start3A_546 : memref<1x512xf32, #tpu.memory_space<vmem>> -> memref<512xf32, #tpu.memory_space<vmem>>
      tpu.enqueue_dma source(%dma_start3A_547 : memref<512xf32, #tpu.memory_space<vmem>>) target(%dma_start3A_544 : memref<512xf32, #tpu.memory_space<hbm>>) target_semaphore(%arg17 : memref<!tpu.dma_semaphore, #tpu.memory_space<semaphore_mem>>)
      %add3A_548 = arith.addi %add3A_24, %add3A_380 : i32
      %add3A_549 = arith.constant 4608 : i32
      %add3A_550 = arith.addi %add3A_548, %add3A_549 : i32
      %dma_start3A_551 = arith.constant 9 : i32
      %dma_start3A_552 = arith.constant 0 : i32
      %dma_start3A_553 = tpu.memref_slice %arg11[%dma_start3A_551, %dma_start3A_552] : memref<12x512xf32, #tpu.memory_space<vmem>> -> memref<1x512xf32, #tpu.memory_space<vmem>>
      %dma_start3A_554 = tpu.memref_squeeze %dma_start3A_553 : memref<1x512xf32, #tpu.memory_space<vmem>> -> memref<512xf32, #tpu.memory_space<vmem>>
      %dma_start3A_555 = arith.constant 0 : i32
      %dma_start3A_556 = tpu.memref_slice %arg6[%add3A_550, %dma_start3A_555] : memref<24576x512xf32, #tpu.memory_space<hbm>> -> memref<1x512xf32, #tpu.memory_space<hbm>>
      %dma_start3A_557 = tpu.memref_squeeze %dma_start3A_556 : memref<1x512xf32, #tpu.memory_space<hbm>> -> memref<512xf32, #tpu.memory_space<hbm>>
      %dma_start3A_558 = arith.constant 0 : i32
      %dma_start3A_559 = tpu.memref_slice %arg6[%add3A_550, %dma_start3A_558] : memref<24576x512xf32, #tpu.memory_space<hbm>> -> memref<1x512xf32, #tpu.memory_space<hbm>>
      %dma_start3A_560 = tpu.memref_squeeze %dma_start3A_559 : memref<1x512xf32, #tpu.memory_space<hbm>> -> memref<512xf32, #tpu.memory_space<hbm>>
      %dma_start3A_561 = arith.constant 0 : i32
      %dma_start3A_562 = tpu.memref_slice %arg11[%dma_start3A_551, %dma_start3A_561] : memref<12x512xf32, #tpu.memory_space<vmem>> -> memref<1x512xf32, #tpu.memory_space<vmem>>
      %dma_start3A_563 = tpu.memref_squeeze %dma_start3A_562 : memref<1x512xf32, #tpu.memory_space<vmem>> -> memref<512xf32, #tpu.memory_space<vmem>>
      tpu.enqueue_dma source(%dma_start3A_563 : memref<512xf32, #tpu.memory_space<vmem>>) target(%dma_start3A_560 : memref<512xf32, #tpu.memory_space<hbm>>) target_semaphore(%arg17 : memref<!tpu.dma_semaphore, #tpu.memory_space<semaphore_mem>>)
      %add3A_564 = arith.addi %add3A_24, %add3A_380 : i32
      %add3A_565 = arith.constant 5120 : i32
      %add3A_566 = arith.addi %add3A_564, %add3A_565 : i32
      %dma_start3A_567 = arith.constant 10 : i32
      %dma_start3A_568 = arith.constant 0 : i32
      %dma_start3A_569 = tpu.memref_slice %arg11[%dma_start3A_567, %dma_start3A_568] : memref<12x512xf32, #tpu.memory_space<vmem>> -> memref<1x512xf32, #tpu.memory_space<vmem>>
      %dma_start3A_570 = tpu.memref_squeeze %dma_start3A_569 : memref<1x512xf32, #tpu.memory_space<vmem>> -> memref<512xf32, #tpu.memory_space<vmem>>
      %dma_start3A_571 = arith.constant 0 : i32
      %dma_start3A_572 = tpu.memref_slice %arg6[%add3A_566, %dma_start3A_571] : memref<24576x512xf32, #tpu.memory_space<hbm>> -> memref<1x512xf32, #tpu.memory_space<hbm>>
      %dma_start3A_573 = tpu.memref_squeeze %dma_start3A_572 : memref<1x512xf32, #tpu.memory_space<hbm>> -> memref<512xf32, #tpu.memory_space<hbm>>
      %dma_start3A_574 = arith.constant 0 : i32
      %dma_start3A_575 = tpu.memref_slice %arg6[%add3A_566, %dma_start3A_574] : memref<24576x512xf32, #tpu.memory_space<hbm>> -> memref<1x512xf32, #tpu.memory_space<hbm>>
      %dma_start3A_576 = tpu.memref_squeeze %dma_start3A_575 : memref<1x512xf32, #tpu.memory_space<hbm>> -> memref<512xf32, #tpu.memory_space<hbm>>
      %dma_start3A_577 = arith.constant 0 : i32
      %dma_start3A_578 = tpu.memref_slice %arg11[%dma_start3A_567, %dma_start3A_577] : memref<12x512xf32, #tpu.memory_space<vmem>> -> memref<1x512xf32, #tpu.memory_space<vmem>>
      %dma_start3A_579 = tpu.memref_squeeze %dma_start3A_578 : memref<1x512xf32, #tpu.memory_space<vmem>> -> memref<512xf32, #tpu.memory_space<vmem>>
      tpu.enqueue_dma source(%dma_start3A_579 : memref<512xf32, #tpu.memory_space<vmem>>) target(%dma_start3A_576 : memref<512xf32, #tpu.memory_space<hbm>>) target_semaphore(%arg17 : memref<!tpu.dma_semaphore, #tpu.memory_space<semaphore_mem>>)
      %add3A_580 = arith.addi %add3A_24, %add3A_380 : i32
      %add3A_581 = arith.constant 5632 : i32
      %add3A_582 = arith.addi %add3A_580, %add3A_581 : i32
      %dma_start3A_583 = arith.constant 11 : i32
      %dma_start3A_584 = arith.constant 0 : i32
      %dma_start3A_585 = tpu.memref_slice %arg11[%dma_start3A_583, %dma_start3A_584] : memref<12x512xf32, #tpu.memory_space<vmem>> -> memref<1x512xf32, #tpu.memory_space<vmem>>
      %dma_start3A_586 = tpu.memref_squeeze %dma_start3A_585 : memref<1x512xf32, #tpu.memory_space<vmem>> -> memref<512xf32, #tpu.memory_space<vmem>>
      %dma_start3A_587 = arith.constant 0 : i32
      %dma_start3A_588 = tpu.memref_slice %arg6[%add3A_582, %dma_start3A_587] : memref<24576x512xf32, #tpu.memory_space<hbm>> -> memref<1x512xf32, #tpu.memory_space<hbm>>
      %dma_start3A_589 = tpu.memref_squeeze %dma_start3A_588 : memref<1x512xf32, #tpu.memory_space<hbm>> -> memref<512xf32, #tpu.memory_space<hbm>>
      %dma_start3A_590 = arith.constant 0 : i32
      %dma_start3A_591 = tpu.memref_slice %arg6[%add3A_582, %dma_start3A_590] : memref<24576x512xf32, #tpu.memory_space<hbm>> -> memref<1x512xf32, #tpu.memory_space<hbm>>
      %dma_start3A_592 = tpu.memref_squeeze %dma_start3A_591 : memref<1x512xf32, #tpu.memory_space<hbm>> -> memref<512xf32, #tpu.memory_space<hbm>>
      %dma_start3A_593 = arith.constant 0 : i32
      %dma_start3A_594 = tpu.memref_slice %arg11[%dma_start3A_583, %dma_start3A_593] : memref<12x512xf32, #tpu.memory_space<vmem>> -> memref<1x512xf32, #tpu.memory_space<vmem>>
      %dma_start3A_595 = tpu.memref_squeeze %dma_start3A_594 : memref<1x512xf32, #tpu.memory_space<vmem>> -> memref<512xf32, #tpu.memory_space<vmem>>
      tpu.enqueue_dma source(%dma_start3A_595 : memref<512xf32, #tpu.memory_space<vmem>>) target(%dma_start3A_592 : memref<512xf32, #tpu.memory_space<hbm>>) target_semaphore(%arg17 : memref<!tpu.dma_semaphore, #tpu.memory_space<semaphore_mem>>)
      %mul3A_596 = arith.constant 2 : i32
      %mul3A_597 = arith.muli %mul3A_596, %scan3A_376 : i32
      %add3A_598 = arith.constant 1 : i32
      %add3A_599 = arith.addi %mul3A_597, %add3A_598 : i32
      %add3A_600 = arith.addi %mul3A_2, %add3A_599 : i32
      %add3A_601 = arith.constant 1 : i32
      %add3A_602 = arith.addi %add3A_599, %add3A_601 : i32
      %lt3A_603 = arith.constant 64 : i32
      %lt3A_604 = arith.cmpi slt, %add3A_602, %lt3A_603 : i32
      %convert_element_type3A_605 = arith.extui %lt3A_604 : i1 to i32
      %cond3A_606 = arith.constant 0 : i32
      %cond3A_607 = arith.cmpi ne, %convert_element_type3A_605, %cond3A_606 : i32
      scf.if %cond3A_607 {
        %add3A_820 = arith.constant 1 : i32
        %add3A_821 = arith.addi %add3A_600, %add3A_820 : i32
        %dma_start3A_822 = arith.constant 0 : i32
        %dma_start3A_823 = tpu.memref_slice %arg2[%add3A_821, %dma_start3A_822] : memref<2048x768xi32, #tpu.memory_space<hbm>> -> memref<1x768xi32, #tpu.memory_space<hbm>>
        %dma_start3A_824 = tpu.memref_squeeze %dma_start3A_823 : memref<1x768xi32, #tpu.memory_space<hbm>> -> memref<768xi32, #tpu.memory_space<hbm>>
        %dma_start3A_825 = arith.constant 0 : i32
        %dma_start3A_826 = tpu.memref_slice %arg2[%add3A_821, %dma_start3A_825] : memref<2048x768xi32, #tpu.memory_space<hbm>> -> memref<1x768xi32, #tpu.memory_space<hbm>>
        %dma_start3A_827 = tpu.memref_squeeze %dma_start3A_826 : memref<1x768xi32, #tpu.memory_space<hbm>> -> memref<768xi32, #tpu.memory_space<hbm>>
        tpu.enqueue_dma source(%dma_start3A_827 : memref<768xi32, #tpu.memory_space<hbm>>) target(%arg7 : memref<768xi32, #tpu.memory_space<vmem>>) target_semaphore(%arg15 : memref<!tpu.dma_semaphore, #tpu.memory_space<semaphore_mem>>)
        %dma_start3A_828 = arith.constant 0 : i32
        %dma_start3A_829 = tpu.memref_slice %arg3[%add3A_821, %dma_start3A_828] : memref<2048x512xf32, #tpu.memory_space<hbm>> -> memref<1x512xf32, #tpu.memory_space<hbm>>
        %dma_start3A_830 = tpu.memref_squeeze %dma_start3A_829 : memref<1x512xf32, #tpu.memory_space<hbm>> -> memref<512xf32, #tpu.memory_space<hbm>>
        %dma_start3A_831 = arith.constant 0 : i32
        %dma_start3A_832 = tpu.memref_slice %arg3[%add3A_821, %dma_start3A_831] : memref<2048x512xf32, #tpu.memory_space<hbm>> -> memref<1x512xf32, #tpu.memory_space<hbm>>
        %dma_start3A_833 = tpu.memref_squeeze %dma_start3A_832 : memref<1x512xf32, #tpu.memory_space<hbm>> -> memref<512xf32, #tpu.memory_space<hbm>>
        tpu.enqueue_dma source(%dma_start3A_833 : memref<512xf32, #tpu.memory_space<hbm>>) target(%arg9 : memref<512xf32, #tpu.memory_space<vmem>>) target_semaphore(%arg15 : memref<!tpu.dma_semaphore, #tpu.memory_space<semaphore_mem>>)
      } else {
      }
      %dma_wait3A_608 = arith.constant 0 : i32
      %dma_wait3A_609 = tpu.memref_slice %arg2[%mul3A_2, %dma_wait3A_608] : memref<2048x768xi32, #tpu.memory_space<hbm>> -> memref<1x768xi32, #tpu.memory_space<hbm>>
      %dma_wait3A_610 = tpu.memref_squeeze %dma_wait3A_609 : memref<1x768xi32, #tpu.memory_space<hbm>> -> memref<768xi32, #tpu.memory_space<hbm>>
      %dma_wait3A_611 = arith.constant 0 : i32
      %dma_wait3A_612 = tpu.memref_slice %arg2[%mul3A_2, %dma_wait3A_611] : memref<2048x768xi32, #tpu.memory_space<hbm>> -> memref<1x768xi32, #tpu.memory_space<hbm>>
      %dma_wait3A_613 = tpu.memref_squeeze %dma_wait3A_612 : memref<1x768xi32, #tpu.memory_space<hbm>> -> memref<768xi32, #tpu.memory_space<hbm>>
      tpu.wait_dma2 semaphore(%arg16 : memref<!tpu.dma_semaphore, #tpu.memory_space<semaphore_mem>>) src(%dma_wait3A_613 : memref<768xi32, #tpu.memory_space<hbm>>) dst(%arg8 : memref<768xi32, #tpu.memory_space<vmem>>)
      %dma_wait3A_614 = arith.constant 0 : i32
      %dma_wait3A_615 = tpu.memref_slice %arg3[%mul3A_2, %dma_wait3A_614] : memref<2048x512xf32, #tpu.memory_space<hbm>> -> memref<1x512xf32, #tpu.memory_space<hbm>>
      %dma_wait3A_616 = tpu.memref_squeeze %dma_wait3A_615 : memref<1x512xf32, #tpu.memory_space<hbm>> -> memref<512xf32, #tpu.memory_space<hbm>>
      %dma_wait3A_617 = arith.constant 0 : i32
      %dma_wait3A_618 = tpu.memref_slice %arg3[%mul3A_2, %dma_wait3A_617] : memref<2048x512xf32, #tpu.memory_space<hbm>> -> memref<1x512xf32, #tpu.memory_space<hbm>>
      %dma_wait3A_619 = tpu.memref_squeeze %dma_wait3A_618 : memref<1x512xf32, #tpu.memory_space<hbm>> -> memref<512xf32, #tpu.memory_space<hbm>>
      tpu.wait_dma2 semaphore(%arg16 : memref<!tpu.dma_semaphore, #tpu.memory_space<semaphore_mem>>) src(%dma_wait3A_619 : memref<512xf32, #tpu.memory_space<hbm>>) dst(%arg10 : memref<512xf32, #tpu.memory_space<vmem>>)
      %ge3A_620 = arith.constant 2 : i32
      %ge3A_621 = arith.cmpi sge, %add3A_599, %ge3A_620 : i32
      %convert_element_type3A_622 = arith.extui %ge3A_621 : i1 to i32
      %cond3A_623 = arith.constant 0 : i32
      %cond3A_624 = arith.cmpi ne, %convert_element_type3A_622, %cond3A_623 : i32
      scf.if %cond3A_624 {
        %dma_wait3A_820 = arith.constant 0 : i32
        %dma_wait3A_821 = arith.constant 0 : i32
        %dma_wait3A_822 = arith.constant 0 : i32
        %dma_wait3A_823 = tpu.memref_slice %arg12[%dma_wait3A_821, %dma_wait3A_822] : memref<12x512xf32, #tpu.memory_space<vmem>> -> memref<1x512xf32, #tpu.memory_space<vmem>>
        %dma_wait3A_824 = tpu.memref_squeeze %dma_wait3A_823 : memref<1x512xf32, #tpu.memory_space<vmem>> -> memref<512xf32, #tpu.memory_space<vmem>>
        %dma_wait3A_825 = arith.constant 0 : i32
        %dma_wait3A_826 = tpu.memref_slice %arg6[%dma_wait3A_820, %dma_wait3A_825] : memref<24576x512xf32, #tpu.memory_space<hbm>> -> memref<1x512xf32, #tpu.memory_space<hbm>>
        %dma_wait3A_827 = tpu.memref_squeeze %dma_wait3A_826 : memref<1x512xf32, #tpu.memory_space<hbm>> -> memref<512xf32, #tpu.memory_space<hbm>>
        %dma_wait3A_828 = arith.constant 0 : i32
        %dma_wait3A_829 = tpu.memref_slice %arg12[%dma_wait3A_821, %dma_wait3A_828] : memref<12x512xf32, #tpu.memory_space<vmem>> -> memref<1x512xf32, #tpu.memory_space<vmem>>
        %dma_wait3A_830 = tpu.memref_squeeze %dma_wait3A_829 : memref<1x512xf32, #tpu.memory_space<vmem>> -> memref<512xf32, #tpu.memory_space<vmem>>
        %dma_wait3A_831 = arith.constant 0 : i32
        %dma_wait3A_832 = tpu.memref_slice %arg6[%dma_wait3A_820, %dma_wait3A_831] : memref<24576x512xf32, #tpu.memory_space<hbm>> -> memref<1x512xf32, #tpu.memory_space<hbm>>
        %dma_wait3A_833 = tpu.memref_squeeze %dma_wait3A_832 : memref<1x512xf32, #tpu.memory_space<hbm>> -> memref<512xf32, #tpu.memory_space<hbm>>
        tpu.wait_dma2 semaphore(%arg18 : memref<!tpu.dma_semaphore, #tpu.memory_space<semaphore_mem>>) src(%dma_wait3A_833 : memref<512xf32, #tpu.memory_space<hbm>>) dst(%dma_wait3A_830 : memref<512xf32, #tpu.memory_space<vmem>>)
        %dma_wait3A_834 = arith.constant 0 : i32
        %dma_wait3A_835 = arith.constant 1 : i32
        %dma_wait3A_836 = arith.constant 0 : i32
        %dma_wait3A_837 = tpu.memref_slice %arg12[%dma_wait3A_835, %dma_wait3A_836] : memref<12x512xf32, #tpu.memory_space<vmem>> -> memref<1x512xf32, #tpu.memory_space<vmem>>
        %dma_wait3A_838 = tpu.memref_squeeze %dma_wait3A_837 : memref<1x512xf32, #tpu.memory_space<vmem>> -> memref<512xf32, #tpu.memory_space<vmem>>
        %dma_wait3A_839 = arith.constant 0 : i32
        %dma_wait3A_840 = tpu.memref_slice %arg6[%dma_wait3A_834, %dma_wait3A_839] : memref<24576x512xf32, #tpu.memory_space<hbm>> -> memref<1x512xf32, #tpu.memory_space<hbm>>
        %dma_wait3A_841 = tpu.memref_squeeze %dma_wait3A_840 : memref<1x512xf32, #tpu.memory_space<hbm>> -> memref<512xf32, #tpu.memory_space<hbm>>
        %dma_wait3A_842 = arith.constant 0 : i32
        %dma_wait3A_843 = tpu.memref_slice %arg12[%dma_wait3A_835, %dma_wait3A_842] : memref<12x512xf32, #tpu.memory_space<vmem>> -> memref<1x512xf32, #tpu.memory_space<vmem>>
        %dma_wait3A_844 = tpu.memref_squeeze %dma_wait3A_843 : memref<1x512xf32, #tpu.memory_space<vmem>> -> memref<512xf32, #tpu.memory_space<vmem>>
        %dma_wait3A_845 = arith.constant 0 : i32
        %dma_wait3A_846 = tpu.memref_slice %arg6[%dma_wait3A_834, %dma_wait3A_845] : memref<24576x512xf32, #tpu.memory_space<hbm>> -> memref<1x512xf32, #tpu.memory_space<hbm>>
        %dma_wait3A_847 = tpu.memref_squeeze %dma_wait3A_846 : memref<1x512xf32, #tpu.memory_space<hbm>> -> memref<512xf32, #tpu.memory_space<hbm>>
        tpu.wait_dma2 semaphore(%arg18 : memref<!tpu.dma_semaphore, #tpu.memory_space<semaphore_mem>>) src(%dma_wait3A_847 : memref<512xf32, #tpu.memory_space<hbm>>) dst(%dma_wait3A_844 : memref<512xf32, #tpu.memory_space<vmem>>)
        %dma_wait3A_848 = arith.constant 0 : i32
        %dma_wait3A_849 = arith.constant 2 : i32
        %dma_wait3A_850 = arith.constant 0 : i32
        %dma_wait3A_851 = tpu.memref_slice %arg12[%dma_wait3A_849, %dma_wait3A_850] : memref<12x512xf32, #tpu.memory_space<vmem>> -> memref<1x512xf32, #tpu.memory_space<vmem>>
        %dma_wait3A_852 = tpu.memref_squeeze %dma_wait3A_851 : memref<1x512xf32, #tpu.memory_space<vmem>> -> memref<512xf32, #tpu.memory_space<vmem>>
        %dma_wait3A_853 = arith.constant 0 : i32
        %dma_wait3A_854 = tpu.memref_slice %arg6[%dma_wait3A_848, %dma_wait3A_853] : memref<24576x512xf32, #tpu.memory_space<hbm>> -> memref<1x512xf32, #tpu.memory_space<hbm>>
        %dma_wait3A_855 = tpu.memref_squeeze %dma_wait3A_854 : memref<1x512xf32, #tpu.memory_space<hbm>> -> memref<512xf32, #tpu.memory_space<hbm>>
        %dma_wait3A_856 = arith.constant 0 : i32
        %dma_wait3A_857 = tpu.memref_slice %arg12[%dma_wait3A_849, %dma_wait3A_856] : memref<12x512xf32, #tpu.memory_space<vmem>> -> memref<1x512xf32, #tpu.memory_space<vmem>>
        %dma_wait3A_858 = tpu.memref_squeeze %dma_wait3A_857 : memref<1x512xf32, #tpu.memory_space<vmem>> -> memref<512xf32, #tpu.memory_space<vmem>>
        %dma_wait3A_859 = arith.constant 0 : i32
        %dma_wait3A_860 = tpu.memref_slice %arg6[%dma_wait3A_848, %dma_wait3A_859] : memref<24576x512xf32, #tpu.memory_space<hbm>> -> memref<1x512xf32, #tpu.memory_space<hbm>>
        %dma_wait3A_861 = tpu.memref_squeeze %dma_wait3A_860 : memref<1x512xf32, #tpu.memory_space<hbm>> -> memref<512xf32, #tpu.memory_space<hbm>>
        tpu.wait_dma2 semaphore(%arg18 : memref<!tpu.dma_semaphore, #tpu.memory_space<semaphore_mem>>) src(%dma_wait3A_861 : memref<512xf32, #tpu.memory_space<hbm>>) dst(%dma_wait3A_858 : memref<512xf32, #tpu.memory_space<vmem>>)
        %dma_wait3A_862 = arith.constant 0 : i32
        %dma_wait3A_863 = arith.constant 3 : i32
        %dma_wait3A_864 = arith.constant 0 : i32
        %dma_wait3A_865 = tpu.memref_slice %arg12[%dma_wait3A_863, %dma_wait3A_864] : memref<12x512xf32, #tpu.memory_space<vmem>> -> memref<1x512xf32, #tpu.memory_space<vmem>>
        %dma_wait3A_866 = tpu.memref_squeeze %dma_wait3A_865 : memref<1x512xf32, #tpu.memory_space<vmem>> -> memref<512xf32, #tpu.memory_space<vmem>>
        %dma_wait3A_867 = arith.constant 0 : i32
        %dma_wait3A_868 = tpu.memref_slice %arg6[%dma_wait3A_862, %dma_wait3A_867] : memref<24576x512xf32, #tpu.memory_space<hbm>> -> memref<1x512xf32, #tpu.memory_space<hbm>>
        %dma_wait3A_869 = tpu.memref_squeeze %dma_wait3A_868 : memref<1x512xf32, #tpu.memory_space<hbm>> -> memref<512xf32, #tpu.memory_space<hbm>>
        %dma_wait3A_870 = arith.constant 0 : i32
        %dma_wait3A_871 = tpu.memref_slice %arg12[%dma_wait3A_863, %dma_wait3A_870] : memref<12x512xf32, #tpu.memory_space<vmem>> -> memref<1x512xf32, #tpu.memory_space<vmem>>
        %dma_wait3A_872 = tpu.memref_squeeze %dma_wait3A_871 : memref<1x512xf32, #tpu.memory_space<vmem>> -> memref<512xf32, #tpu.memory_space<vmem>>
        %dma_wait3A_873 = arith.constant 0 : i32
        %dma_wait3A_874 = tpu.memref_slice %arg6[%dma_wait3A_862, %dma_wait3A_873] : memref<24576x512xf32, #tpu.memory_space<hbm>> -> memref<1x512xf32, #tpu.memory_space<hbm>>
        %dma_wait3A_875 = tpu.memref_squeeze %dma_wait3A_874 : memref<1x512xf32, #tpu.memory_space<hbm>> -> memref<512xf32, #tpu.memory_space<hbm>>
        tpu.wait_dma2 semaphore(%arg18 : memref<!tpu.dma_semaphore, #tpu.memory_space<semaphore_mem>>) src(%dma_wait3A_875 : memref<512xf32, #tpu.memory_space<hbm>>) dst(%dma_wait3A_872 : memref<512xf32, #tpu.memory_space<vmem>>)
        %dma_wait3A_876 = arith.constant 0 : i32
        %dma_wait3A_877 = arith.constant 4 : i32
        %dma_wait3A_878 = arith.constant 0 : i32
        %dma_wait3A_879 = tpu.memref_slice %arg12[%dma_wait3A_877, %dma_wait3A_878] : memref<12x512xf32, #tpu.memory_space<vmem>> -> memref<1x512xf32, #tpu.memory_space<vmem>>
        %dma_wait3A_880 = tpu.memref_squeeze %dma_wait3A_879 : memref<1x512xf32, #tpu.memory_space<vmem>> -> memref<512xf32, #tpu.memory_space<vmem>>
        %dma_wait3A_881 = arith.constant 0 : i32
        %dma_wait3A_882 = tpu.memref_slice %arg6[%dma_wait3A_876, %dma_wait3A_881] : memref<24576x512xf32, #tpu.memory_space<hbm>> -> memref<1x512xf32, #tpu.memory_space<hbm>>
        %dma_wait3A_883 = tpu.memref_squeeze %dma_wait3A_882 : memref<1x512xf32, #tpu.memory_space<hbm>> -> memref<512xf32, #tpu.memory_space<hbm>>
        %dma_wait3A_884 = arith.constant 0 : i32
        %dma_wait3A_885 = tpu.memref_slice %arg12[%dma_wait3A_877, %dma_wait3A_884] : memref<12x512xf32, #tpu.memory_space<vmem>> -> memref<1x512xf32, #tpu.memory_space<vmem>>
        %dma_wait3A_886 = tpu.memref_squeeze %dma_wait3A_885 : memref<1x512xf32, #tpu.memory_space<vmem>> -> memref<512xf32, #tpu.memory_space<vmem>>
        %dma_wait3A_887 = arith.constant 0 : i32
        %dma_wait3A_888 = tpu.memref_slice %arg6[%dma_wait3A_876, %dma_wait3A_887] : memref<24576x512xf32, #tpu.memory_space<hbm>> -> memref<1x512xf32, #tpu.memory_space<hbm>>
        %dma_wait3A_889 = tpu.memref_squeeze %dma_wait3A_888 : memref<1x512xf32, #tpu.memory_space<hbm>> -> memref<512xf32, #tpu.memory_space<hbm>>
        tpu.wait_dma2 semaphore(%arg18 : memref<!tpu.dma_semaphore, #tpu.memory_space<semaphore_mem>>) src(%dma_wait3A_889 : memref<512xf32, #tpu.memory_space<hbm>>) dst(%dma_wait3A_886 : memref<512xf32, #tpu.memory_space<vmem>>)
        %dma_wait3A_890 = arith.constant 0 : i32
        %dma_wait3A_891 = arith.constant 5 : i32
        %dma_wait3A_892 = arith.constant 0 : i32
        %dma_wait3A_893 = tpu.memref_slice %arg12[%dma_wait3A_891, %dma_wait3A_892] : memref<12x512xf32, #tpu.memory_space<vmem>> -> memref<1x512xf32, #tpu.memory_space<vmem>>
        %dma_wait3A_894 = tpu.memref_squeeze %dma_wait3A_893 : memref<1x512xf32, #tpu.memory_space<vmem>> -> memref<512xf32, #tpu.memory_space<vmem>>
        %dma_wait3A_895 = arith.constant 0 : i32
        %dma_wait3A_896 = tpu.memref_slice %arg6[%dma_wait3A_890, %dma_wait3A_895] : memref<24576x512xf32, #tpu.memory_space<hbm>> -> memref<1x512xf32, #tpu.memory_space<hbm>>
        %dma_wait3A_897 = tpu.memref_squeeze %dma_wait3A_896 : memref<1x512xf32, #tpu.memory_space<hbm>> -> memref<512xf32, #tpu.memory_space<hbm>>
        %dma_wait3A_898 = arith.constant 0 : i32
        %dma_wait3A_899 = tpu.memref_slice %arg12[%dma_wait3A_891, %dma_wait3A_898] : memref<12x512xf32, #tpu.memory_space<vmem>> -> memref<1x512xf32, #tpu.memory_space<vmem>>
        %dma_wait3A_900 = tpu.memref_squeeze %dma_wait3A_899 : memref<1x512xf32, #tpu.memory_space<vmem>> -> memref<512xf32, #tpu.memory_space<vmem>>
        %dma_wait3A_901 = arith.constant 0 : i32
        %dma_wait3A_902 = tpu.memref_slice %arg6[%dma_wait3A_890, %dma_wait3A_901] : memref<24576x512xf32, #tpu.memory_space<hbm>> -> memref<1x512xf32, #tpu.memory_space<hbm>>
        %dma_wait3A_903 = tpu.memref_squeeze %dma_wait3A_902 : memref<1x512xf32, #tpu.memory_space<hbm>> -> memref<512xf32, #tpu.memory_space<hbm>>
        tpu.wait_dma2 semaphore(%arg18 : memref<!tpu.dma_semaphore, #tpu.memory_space<semaphore_mem>>) src(%dma_wait3A_903 : memref<512xf32, #tpu.memory_space<hbm>>) dst(%dma_wait3A_900 : memref<512xf32, #tpu.memory_space<vmem>>)
        %dma_wait3A_904 = arith.constant 0 : i32
        %dma_wait3A_905 = arith.constant 6 : i32
        %dma_wait3A_906 = arith.constant 0 : i32
        %dma_wait3A_907 = tpu.memref_slice %arg12[%dma_wait3A_905, %dma_wait3A_906] : memref<12x512xf32, #tpu.memory_space<vmem>> -> memref<1x512xf32, #tpu.memory_space<vmem>>
        %dma_wait3A_908 = tpu.memref_squeeze %dma_wait3A_907 : memref<1x512xf32, #tpu.memory_space<vmem>> -> memref<512xf32, #tpu.memory_space<vmem>>
        %dma_wait3A_909 = arith.constant 0 : i32
        %dma_wait3A_910 = tpu.memref_slice %arg6[%dma_wait3A_904, %dma_wait3A_909] : memref<24576x512xf32, #tpu.memory_space<hbm>> -> memref<1x512xf32, #tpu.memory_space<hbm>>
        %dma_wait3A_911 = tpu.memref_squeeze %dma_wait3A_910 : memref<1x512xf32, #tpu.memory_space<hbm>> -> memref<512xf32, #tpu.memory_space<hbm>>
        %dma_wait3A_912 = arith.constant 0 : i32
        %dma_wait3A_913 = tpu.memref_slice %arg12[%dma_wait3A_905, %dma_wait3A_912] : memref<12x512xf32, #tpu.memory_space<vmem>> -> memref<1x512xf32, #tpu.memory_space<vmem>>
        %dma_wait3A_914 = tpu.memref_squeeze %dma_wait3A_913 : memref<1x512xf32, #tpu.memory_space<vmem>> -> memref<512xf32, #tpu.memory_space<vmem>>
        %dma_wait3A_915 = arith.constant 0 : i32
        %dma_wait3A_916 = tpu.memref_slice %arg6[%dma_wait3A_904, %dma_wait3A_915] : memref<24576x512xf32, #tpu.memory_space<hbm>> -> memref<1x512xf32, #tpu.memory_space<hbm>>
        %dma_wait3A_917 = tpu.memref_squeeze %dma_wait3A_916 : memref<1x512xf32, #tpu.memory_space<hbm>> -> memref<512xf32, #tpu.memory_space<hbm>>
        tpu.wait_dma2 semaphore(%arg18 : memref<!tpu.dma_semaphore, #tpu.memory_space<semaphore_mem>>) src(%dma_wait3A_917 : memref<512xf32, #tpu.memory_space<hbm>>) dst(%dma_wait3A_914 : memref<512xf32, #tpu.memory_space<vmem>>)
        %dma_wait3A_918 = arith.constant 0 : i32
        %dma_wait3A_919 = arith.constant 7 : i32
        %dma_wait3A_920 = arith.constant 0 : i32
        %dma_wait3A_921 = tpu.memref_slice %arg12[%dma_wait3A_919, %dma_wait3A_920] : memref<12x512xf32, #tpu.memory_space<vmem>> -> memref<1x512xf32, #tpu.memory_space<vmem>>
        %dma_wait3A_922 = tpu.memref_squeeze %dma_wait3A_921 : memref<1x512xf32, #tpu.memory_space<vmem>> -> memref<512xf32, #tpu.memory_space<vmem>>
        %dma_wait3A_923 = arith.constant 0 : i32
        %dma_wait3A_924 = tpu.memref_slice %arg6[%dma_wait3A_918, %dma_wait3A_923] : memref<24576x512xf32, #tpu.memory_space<hbm>> -> memref<1x512xf32, #tpu.memory_space<hbm>>
        %dma_wait3A_925 = tpu.memref_squeeze %dma_wait3A_924 : memref<1x512xf32, #tpu.memory_space<hbm>> -> memref<512xf32, #tpu.memory_space<hbm>>
        %dma_wait3A_926 = arith.constant 0 : i32
        %dma_wait3A_927 = tpu.memref_slice %arg12[%dma_wait3A_919, %dma_wait3A_926] : memref<12x512xf32, #tpu.memory_space<vmem>> -> memref<1x512xf32, #tpu.memory_space<vmem>>
        %dma_wait3A_928 = tpu.memref_squeeze %dma_wait3A_927 : memref<1x512xf32, #tpu.memory_space<vmem>> -> memref<512xf32, #tpu.memory_space<vmem>>
        %dma_wait3A_929 = arith.constant 0 : i32
        %dma_wait3A_930 = tpu.memref_slice %arg6[%dma_wait3A_918, %dma_wait3A_929] : memref<24576x512xf32, #tpu.memory_space<hbm>> -> memref<1x512xf32, #tpu.memory_space<hbm>>
        %dma_wait3A_931 = tpu.memref_squeeze %dma_wait3A_930 : memref<1x512xf32, #tpu.memory_space<hbm>> -> memref<512xf32, #tpu.memory_space<hbm>>
        tpu.wait_dma2 semaphore(%arg18 : memref<!tpu.dma_semaphore, #tpu.memory_space<semaphore_mem>>) src(%dma_wait3A_931 : memref<512xf32, #tpu.memory_space<hbm>>) dst(%dma_wait3A_928 : memref<512xf32, #tpu.memory_space<vmem>>)
        %dma_wait3A_932 = arith.constant 0 : i32
        %dma_wait3A_933 = arith.constant 8 : i32
        %dma_wait3A_934 = arith.constant 0 : i32
        %dma_wait3A_935 = tpu.memref_slice %arg12[%dma_wait3A_933, %dma_wait3A_934] : memref<12x512xf32, #tpu.memory_space<vmem>> -> memref<1x512xf32, #tpu.memory_space<vmem>>
        %dma_wait3A_936 = tpu.memref_squeeze %dma_wait3A_935 : memref<1x512xf32, #tpu.memory_space<vmem>> -> memref<512xf32, #tpu.memory_space<vmem>>
        %dma_wait3A_937 = arith.constant 0 : i32
        %dma_wait3A_938 = tpu.memref_slice %arg6[%dma_wait3A_932, %dma_wait3A_937] : memref<24576x512xf32, #tpu.memory_space<hbm>> -> memref<1x512xf32, #tpu.memory_space<hbm>>
        %dma_wait3A_939 = tpu.memref_squeeze %dma_wait3A_938 : memref<1x512xf32, #tpu.memory_space<hbm>> -> memref<512xf32, #tpu.memory_space<hbm>>
        %dma_wait3A_940 = arith.constant 0 : i32
        %dma_wait3A_941 = tpu.memref_slice %arg12[%dma_wait3A_933, %dma_wait3A_940] : memref<12x512xf32, #tpu.memory_space<vmem>> -> memref<1x512xf32, #tpu.memory_space<vmem>>
        %dma_wait3A_942 = tpu.memref_squeeze %dma_wait3A_941 : memref<1x512xf32, #tpu.memory_space<vmem>> -> memref<512xf32, #tpu.memory_space<vmem>>
        %dma_wait3A_943 = arith.constant 0 : i32
        %dma_wait3A_944 = tpu.memref_slice %arg6[%dma_wait3A_932, %dma_wait3A_943] : memref<24576x512xf32, #tpu.memory_space<hbm>> -> memref<1x512xf32, #tpu.memory_space<hbm>>
        %dma_wait3A_945 = tpu.memref_squeeze %dma_wait3A_944 : memref<1x512xf32, #tpu.memory_space<hbm>> -> memref<512xf32, #tpu.memory_space<hbm>>
        tpu.wait_dma2 semaphore(%arg18 : memref<!tpu.dma_semaphore, #tpu.memory_space<semaphore_mem>>) src(%dma_wait3A_945 : memref<512xf32, #tpu.memory_space<hbm>>) dst(%dma_wait3A_942 : memref<512xf32, #tpu.memory_space<vmem>>)
        %dma_wait3A_946 = arith.constant 0 : i32
        %dma_wait3A_947 = arith.constant 9 : i32
        %dma_wait3A_948 = arith.constant 0 : i32
        %dma_wait3A_949 = tpu.memref_slice %arg12[%dma_wait3A_947, %dma_wait3A_948] : memref<12x512xf32, #tpu.memory_space<vmem>> -> memref<1x512xf32, #tpu.memory_space<vmem>>
        %dma_wait3A_950 = tpu.memref_squeeze %dma_wait3A_949 : memref<1x512xf32, #tpu.memory_space<vmem>> -> memref<512xf32, #tpu.memory_space<vmem>>
        %dma_wait3A_951 = arith.constant 0 : i32
        %dma_wait3A_952 = tpu.memref_slice %arg6[%dma_wait3A_946, %dma_wait3A_951] : memref<24576x512xf32, #tpu.memory_space<hbm>> -> memref<1x512xf32, #tpu.memory_space<hbm>>
        %dma_wait3A_953 = tpu.memref_squeeze %dma_wait3A_952 : memref<1x512xf32, #tpu.memory_space<hbm>> -> memref<512xf32, #tpu.memory_space<hbm>>
        %dma_wait3A_954 = arith.constant 0 : i32
        %dma_wait3A_955 = tpu.memref_slice %arg12[%dma_wait3A_947, %dma_wait3A_954] : memref<12x512xf32, #tpu.memory_space<vmem>> -> memref<1x512xf32, #tpu.memory_space<vmem>>
        %dma_wait3A_956 = tpu.memref_squeeze %dma_wait3A_955 : memref<1x512xf32, #tpu.memory_space<vmem>> -> memref<512xf32, #tpu.memory_space<vmem>>
        %dma_wait3A_957 = arith.constant 0 : i32
        %dma_wait3A_958 = tpu.memref_slice %arg6[%dma_wait3A_946, %dma_wait3A_957] : memref<24576x512xf32, #tpu.memory_space<hbm>> -> memref<1x512xf32, #tpu.memory_space<hbm>>
        %dma_wait3A_959 = tpu.memref_squeeze %dma_wait3A_958 : memref<1x512xf32, #tpu.memory_space<hbm>> -> memref<512xf32, #tpu.memory_space<hbm>>
        tpu.wait_dma2 semaphore(%arg18 : memref<!tpu.dma_semaphore, #tpu.memory_space<semaphore_mem>>) src(%dma_wait3A_959 : memref<512xf32, #tpu.memory_space<hbm>>) dst(%dma_wait3A_956 : memref<512xf32, #tpu.memory_space<vmem>>)
        %dma_wait3A_960 = arith.constant 0 : i32
        %dma_wait3A_961 = arith.constant 10 : i32
        %dma_wait3A_962 = arith.constant 0 : i32
        %dma_wait3A_963 = tpu.memref_slice %arg12[%dma_wait3A_961, %dma_wait3A_962] : memref<12x512xf32, #tpu.memory_space<vmem>> -> memref<1x512xf32, #tpu.memory_space<vmem>>
        %dma_wait3A_964 = tpu.memref_squeeze %dma_wait3A_963 : memref<1x512xf32, #tpu.memory_space<vmem>> -> memref<512xf32, #tpu.memory_space<vmem>>
        %dma_wait3A_965 = arith.constant 0 : i32
        %dma_wait3A_966 = tpu.memref_slice %arg6[%dma_wait3A_960, %dma_wait3A_965] : memref<24576x512xf32, #tpu.memory_space<hbm>> -> memref<1x512xf32, #tpu.memory_space<hbm>>
        %dma_wait3A_967 = tpu.memref_squeeze %dma_wait3A_966 : memref<1x512xf32, #tpu.memory_space<hbm>> -> memref<512xf32, #tpu.memory_space<hbm>>
        %dma_wait3A_968 = arith.constant 0 : i32
        %dma_wait3A_969 = tpu.memref_slice %arg12[%dma_wait3A_961, %dma_wait3A_968] : memref<12x512xf32, #tpu.memory_space<vmem>> -> memref<1x512xf32, #tpu.memory_space<vmem>>
        %dma_wait3A_970 = tpu.memref_squeeze %dma_wait3A_969 : memref<1x512xf32, #tpu.memory_space<vmem>> -> memref<512xf32, #tpu.memory_space<vmem>>
        %dma_wait3A_971 = arith.constant 0 : i32
        %dma_wait3A_972 = tpu.memref_slice %arg6[%dma_wait3A_960, %dma_wait3A_971] : memref<24576x512xf32, #tpu.memory_space<hbm>> -> memref<1x512xf32, #tpu.memory_space<hbm>>
        %dma_wait3A_973 = tpu.memref_squeeze %dma_wait3A_972 : memref<1x512xf32, #tpu.memory_space<hbm>> -> memref<512xf32, #tpu.memory_space<hbm>>
        tpu.wait_dma2 semaphore(%arg18 : memref<!tpu.dma_semaphore, #tpu.memory_space<semaphore_mem>>) src(%dma_wait3A_973 : memref<512xf32, #tpu.memory_space<hbm>>) dst(%dma_wait3A_970 : memref<512xf32, #tpu.memory_space<vmem>>)
        %dma_wait3A_974 = arith.constant 0 : i32
        %dma_wait3A_975 = arith.constant 11 : i32
        %dma_wait3A_976 = arith.constant 0 : i32
        %dma_wait3A_977 = tpu.memref_slice %arg12[%dma_wait3A_975, %dma_wait3A_976] : memref<12x512xf32, #tpu.memory_space<vmem>> -> memref<1x512xf32, #tpu.memory_space<vmem>>
        %dma_wait3A_978 = tpu.memref_squeeze %dma_wait3A_977 : memref<1x512xf32, #tpu.memory_space<vmem>> -> memref<512xf32, #tpu.memory_space<vmem>>
        %dma_wait3A_979 = arith.constant 0 : i32
        %dma_wait3A_980 = tpu.memref_slice %arg6[%dma_wait3A_974, %dma_wait3A_979] : memref<24576x512xf32, #tpu.memory_space<hbm>> -> memref<1x512xf32, #tpu.memory_space<hbm>>
        %dma_wait3A_981 = tpu.memref_squeeze %dma_wait3A_980 : memref<1x512xf32, #tpu.memory_space<hbm>> -> memref<512xf32, #tpu.memory_space<hbm>>
        %dma_wait3A_982 = arith.constant 0 : i32
        %dma_wait3A_983 = tpu.memref_slice %arg12[%dma_wait3A_975, %dma_wait3A_982] : memref<12x512xf32, #tpu.memory_space<vmem>> -> memref<1x512xf32, #tpu.memory_space<vmem>>
        %dma_wait3A_984 = tpu.memref_squeeze %dma_wait3A_983 : memref<1x512xf32, #tpu.memory_space<vmem>> -> memref<512xf32, #tpu.memory_space<vmem>>
        %dma_wait3A_985 = arith.constant 0 : i32
        %dma_wait3A_986 = tpu.memref_slice %arg6[%dma_wait3A_974, %dma_wait3A_985] : memref<24576x512xf32, #tpu.memory_space<hbm>> -> memref<1x512xf32, #tpu.memory_space<hbm>>
        %dma_wait3A_987 = tpu.memref_squeeze %dma_wait3A_986 : memref<1x512xf32, #tpu.memory_space<hbm>> -> memref<512xf32, #tpu.memory_space<hbm>>
        tpu.wait_dma2 semaphore(%arg18 : memref<!tpu.dma_semaphore, #tpu.memory_space<semaphore_mem>>) src(%dma_wait3A_987 : memref<512xf32, #tpu.memory_space<hbm>>) dst(%dma_wait3A_984 : memref<512xf32, #tpu.memory_space<vmem>>)
      } else {
      }
      %parallel_loop3A_625 = arith.constant 0 : i32
      %parallel_loop3A_626 = arith.constant 512 : i32
      %parallel_loop3A_627 = arith.constant 16 : i32
      scf.for %parallel_loop3A_820 = %parallel_loop3A_625 to %parallel_loop3A_626 step %parallel_loop3A_627  : i32 {
        %parallel_loop3A_821 = arith.index_cast %parallel_loop3A_820 : i32 to index
        %parallel_loop3A_822 = tpu.vector_load %arg10[%parallel_loop3A_821] {strides = array<i32>} : memref<512xf32, #tpu.memory_space<vmem>>, vector<16xf32>,
        %parallel_loop3A_823 = arith.constant 1.000000e+00 : f32
        %parallel_loop3A_824 = vector.broadcast %parallel_loop3A_823 : f32 to vector<16xf32>
        %parallel_loop3A_825 = arith.addf %parallel_loop3A_822, %parallel_loop3A_824 : vector<16xf32>
        %parallel_loop3A_826 = arith.constant 3.500000e+00 : f32
        %parallel_loop3A_827 = vector.broadcast %parallel_loop3A_826 : f32 to vector<16xf32>
        %parallel_loop3A_828 = arith.mulf %parallel_loop3A_825, %parallel_loop3A_827 : vector<16xf32>
        %parallel_loop3A_829 = arith.fptosi %parallel_loop3A_828 : vector<16xf32> to vector<16xi32>
        %parallel_loop3A_830 = arith.constant 6 : i32
        %parallel_loop3A_831 = vector.broadcast %parallel_loop3A_830 : i32 to vector<16xi32>
        %parallel_loop3A_832 = arith.minsi %parallel_loop3A_829, %parallel_loop3A_831 : vector<16xi32>
        %parallel_loop3A_833 = arith.sitofp %parallel_loop3A_832 : vector<16xi32> to vector<16xf32>
        %parallel_loop3A_834 = arith.subf %parallel_loop3A_828, %parallel_loop3A_833 : vector<16xf32>
        %parallel_loop3A_835 = arith.index_cast %parallel_loop3A_820 : i32 to index
        %parallel_loop3A_836 = tpu.vector_load %arg13[%parallel_loop3A_835] {strides = array<i32>} : memref<512xi32, #tpu.memory_space<vmem>>, vector<16xi32>,
        %parallel_loop3A_837 = arith.index_cast %parallel_loop3A_820 : i32 to index
        %parallel_loop3A_838 = tpu.vector_load %arg14[%parallel_loop3A_837] {strides = array<i32>} : memref<512xf32, #tpu.memory_space<vmem>>, vector<16xf32>,
        %parallel_loop3A_839 = arith.addi %parallel_loop3A_836, %parallel_loop3A_832 : vector<16xi32>
        %parallel_loop3A_840 = arith.constant 1 : i32
        %parallel_loop3A_841 = vector.broadcast %parallel_loop3A_840 : i32 to vector<16xi32>
        %parallel_loop3A_842 = arith.addi %parallel_loop3A_839, %parallel_loop3A_841 : vector<16xi32>
        %parallel_loop3A_843 = arith.constant 8 : i32
        %parallel_loop3A_844 = vector.broadcast %parallel_loop3A_843 : i32 to vector<16xi32>
        %parallel_loop3A_845 = arith.addi %parallel_loop3A_839, %parallel_loop3A_844 : vector<16xi32>
        %parallel_loop3A_846 = arith.constant 8 : i32
        %parallel_loop3A_847 = vector.broadcast %parallel_loop3A_846 : i32 to vector<16xi32>
        %parallel_loop3A_848 = arith.addi %parallel_loop3A_839, %parallel_loop3A_847 : vector<16xi32>
        %parallel_loop3A_849 = arith.constant 1 : i32
        %parallel_loop3A_850 = vector.broadcast %parallel_loop3A_849 : i32 to vector<16xi32>
        %parallel_loop3A_851 = arith.addi %parallel_loop3A_848, %parallel_loop3A_850 : vector<16xi32>
        %parallel_loop3A_852 = arith.constant 1.000000e+00 : f32
        %parallel_loop3A_853 = vector.broadcast %parallel_loop3A_852 : f32 to vector<16xf32>
        %parallel_loop3A_854 = arith.subf %parallel_loop3A_853, %parallel_loop3A_834 : vector<16xf32>
        %parallel_loop3A_855 = arith.constant 1.000000e+00 : f32
        %parallel_loop3A_856 = vector.broadcast %parallel_loop3A_855 : f32 to vector<16xf32>
        %parallel_loop3A_857 = arith.subf %parallel_loop3A_856, %parallel_loop3A_838 : vector<16xf32>
        %parallel_loop3A_858 = arith.mulf %parallel_loop3A_857, %parallel_loop3A_854 : vector<16xf32>
        %parallel_loop3A_859 = arith.constant 1.000000e+00 : f32
        %parallel_loop3A_860 = vector.broadcast %parallel_loop3A_859 : f32 to vector<16xf32>
        %parallel_loop3A_861 = arith.subf %parallel_loop3A_860, %parallel_loop3A_838 : vector<16xf32>
        %parallel_loop3A_862 = arith.mulf %parallel_loop3A_861, %parallel_loop3A_834 : vector<16xf32>
        %parallel_loop3A_863 = arith.mulf %parallel_loop3A_838, %parallel_loop3A_854 : vector<16xf32>
        %parallel_loop3A_864 = arith.mulf %parallel_loop3A_838, %parallel_loop3A_834 : vector<16xf32>
        %parallel_loop3A_865 = tpu.pack_subelements %parallel_loop3A_858, %parallel_loop3A_858 {pack_format = #tpu.pack_format<interleaved>, positions = array<i32: 0, 1>} : vector<16xf32>, vector<16xf32> -> vector<32xbf16>
        %parallel_loop3A_866 = tpu.pack_subelements %parallel_loop3A_862, %parallel_loop3A_862 {pack_format = #tpu.pack_format<interleaved>, positions = array<i32: 0, 1>} : vector<16xf32>, vector<16xf32> -> vector<32xbf16>
        %parallel_loop3A_867 = tpu.pack_subelements %parallel_loop3A_863, %parallel_loop3A_863 {pack_format = #tpu.pack_format<interleaved>, positions = array<i32: 0, 1>} : vector<16xf32>, vector<16xf32> -> vector<32xbf16>
        %parallel_loop3A_868 = tpu.pack_subelements %parallel_loop3A_864, %parallel_loop3A_864 {pack_format = #tpu.pack_format<interleaved>, positions = array<i32: 0, 1>} : vector<16xf32>, vector<16xf32> -> vector<32xbf16>
        %parallel_loop3A_869 = arith.constant 0 : i32
        %parallel_loop3A_870 = tpu.memref_slice %arg8[%parallel_loop3A_869] : memref<768xi32, #tpu.memory_space<vmem>> -> memref<128xi32, #tpu.memory_space<vmem>>
        %parallel_loop3A_871 = tpu.vector_load_idx %parallel_loop3A_870[%parallel_loop3A_839] : memref<128xi32, #tpu.memory_space<vmem>>[vector<16xi32>], vector<16xi32>,
        %parallel_loop3A_872 = vector.bitcast %parallel_loop3A_871 : vector<16xi32> to vector<32xbf16>
        %parallel_loop3A_873 = arith.constant 0 : i32
        %parallel_loop3A_874 = tpu.memref_slice %arg8[%parallel_loop3A_873] : memref<768xi32, #tpu.memory_space<vmem>> -> memref<128xi32, #tpu.memory_space<vmem>>
        %parallel_loop3A_875 = tpu.vector_load_idx %parallel_loop3A_874[%parallel_loop3A_842] : memref<128xi32, #tpu.memory_space<vmem>>[vector<16xi32>], vector<16xi32>,
        %parallel_loop3A_876 = vector.bitcast %parallel_loop3A_875 : vector<16xi32> to vector<32xbf16>
        %parallel_loop3A_877 = arith.constant 0 : i32
        %parallel_loop3A_878 = tpu.memref_slice %arg8[%parallel_loop3A_877] : memref<768xi32, #tpu.memory_space<vmem>> -> memref<128xi32, #tpu.memory_space<vmem>>
        %parallel_loop3A_879 = tpu.vector_load_idx %parallel_loop3A_878[%parallel_loop3A_845] : memref<128xi32, #tpu.memory_space<vmem>>[vector<16xi32>], vector<16xi32>,
        %parallel_loop3A_880 = vector.bitcast %parallel_loop3A_879 : vector<16xi32> to vector<32xbf16>
        %parallel_loop3A_881 = arith.constant 0 : i32
        %parallel_loop3A_882 = tpu.memref_slice %arg8[%parallel_loop3A_881] : memref<768xi32, #tpu.memory_space<vmem>> -> memref<128xi32, #tpu.memory_space<vmem>>
        %parallel_loop3A_883 = tpu.vector_load_idx %parallel_loop3A_882[%parallel_loop3A_851] : memref<128xi32, #tpu.memory_space<vmem>>[vector<16xi32>], vector<16xi32>,
        %parallel_loop3A_884 = vector.bitcast %parallel_loop3A_883 : vector<16xi32> to vector<32xbf16>
        %parallel_loop3A_885 = arith.mulf %parallel_loop3A_872, %parallel_loop3A_865 : vector<32xbf16>
        %parallel_loop3A_886 = arith.mulf %parallel_loop3A_876, %parallel_loop3A_866 : vector<32xbf16>
        %parallel_loop3A_887 = arith.addf %parallel_loop3A_885, %parallel_loop3A_886 : vector<32xbf16>
        %parallel_loop3A_888 = arith.mulf %parallel_loop3A_880, %parallel_loop3A_867 : vector<32xbf16>
        %parallel_loop3A_889 = arith.mulf %parallel_loop3A_884, %parallel_loop3A_868 : vector<32xbf16>
        %parallel_loop3A_890 = arith.addf %parallel_loop3A_888, %parallel_loop3A_889 : vector<32xbf16>
        %parallel_loop3A_891 = arith.addf %parallel_loop3A_887, %parallel_loop3A_890 : vector<32xbf16>
        %parallel_loop3A_892 = arith.constant 128 : i32
        %parallel_loop3A_893 = tpu.memref_slice %arg8[%parallel_loop3A_892] : memref<768xi32, #tpu.memory_space<vmem>> -> memref<128xi32, #tpu.memory_space<vmem>>
        %parallel_loop3A_894 = tpu.vector_load_idx %parallel_loop3A_893[%parallel_loop3A_839] : memref<128xi32, #tpu.memory_space<vmem>>[vector<16xi32>], vector<16xi32>,
        %parallel_loop3A_895 = vector.bitcast %parallel_loop3A_894 : vector<16xi32> to vector<32xbf16>
        %parallel_loop3A_896 = arith.constant 128 : i32
        %parallel_loop3A_897 = tpu.memref_slice %arg8[%parallel_loop3A_896] : memref<768xi32, #tpu.memory_space<vmem>> -> memref<128xi32, #tpu.memory_space<vmem>>
        %parallel_loop3A_898 = tpu.vector_load_idx %parallel_loop3A_897[%parallel_loop3A_842] : memref<128xi32, #tpu.memory_space<vmem>>[vector<16xi32>], vector<16xi32>,
        %parallel_loop3A_899 = vector.bitcast %parallel_loop3A_898 : vector<16xi32> to vector<32xbf16>
        %parallel_loop3A_900 = arith.constant 128 : i32
        %parallel_loop3A_901 = tpu.memref_slice %arg8[%parallel_loop3A_900] : memref<768xi32, #tpu.memory_space<vmem>> -> memref<128xi32, #tpu.memory_space<vmem>>
        %parallel_loop3A_902 = tpu.vector_load_idx %parallel_loop3A_901[%parallel_loop3A_845] : memref<128xi32, #tpu.memory_space<vmem>>[vector<16xi32>], vector<16xi32>,
        %parallel_loop3A_903 = vector.bitcast %parallel_loop3A_902 : vector<16xi32> to vector<32xbf16>
        %parallel_loop3A_904 = arith.constant 128 : i32
        %parallel_loop3A_905 = tpu.memref_slice %arg8[%parallel_loop3A_904] : memref<768xi32, #tpu.memory_space<vmem>> -> memref<128xi32, #tpu.memory_space<vmem>>
        %parallel_loop3A_906 = tpu.vector_load_idx %parallel_loop3A_905[%parallel_loop3A_851] : memref<128xi32, #tpu.memory_space<vmem>>[vector<16xi32>], vector<16xi32>,
        %parallel_loop3A_907 = vector.bitcast %parallel_loop3A_906 : vector<16xi32> to vector<32xbf16>
        %parallel_loop3A_908 = arith.mulf %parallel_loop3A_895, %parallel_loop3A_865 : vector<32xbf16>
        %parallel_loop3A_909 = arith.mulf %parallel_loop3A_899, %parallel_loop3A_866 : vector<32xbf16>
        %parallel_loop3A_910 = arith.addf %parallel_loop3A_908, %parallel_loop3A_909 : vector<32xbf16>
        %parallel_loop3A_911 = arith.mulf %parallel_loop3A_903, %parallel_loop3A_867 : vector<32xbf16>
        %parallel_loop3A_912 = arith.mulf %parallel_loop3A_907, %parallel_loop3A_868 : vector<32xbf16>
        %parallel_loop3A_913 = arith.addf %parallel_loop3A_911, %parallel_loop3A_912 : vector<32xbf16>
        %parallel_loop3A_914 = arith.addf %parallel_loop3A_910, %parallel_loop3A_913 : vector<32xbf16>
        %parallel_loop3A_915 = arith.constant 256 : i32
        %parallel_loop3A_916 = tpu.memref_slice %arg8[%parallel_loop3A_915] : memref<768xi32, #tpu.memory_space<vmem>> -> memref<128xi32, #tpu.memory_space<vmem>>
        %parallel_loop3A_917 = tpu.vector_load_idx %parallel_loop3A_916[%parallel_loop3A_839] : memref<128xi32, #tpu.memory_space<vmem>>[vector<16xi32>], vector<16xi32>,
        %parallel_loop3A_918 = vector.bitcast %parallel_loop3A_917 : vector<16xi32> to vector<32xbf16>
        %parallel_loop3A_919 = arith.constant 256 : i32
        %parallel_loop3A_920 = tpu.memref_slice %arg8[%parallel_loop3A_919] : memref<768xi32, #tpu.memory_space<vmem>> -> memref<128xi32, #tpu.memory_space<vmem>>
        %parallel_loop3A_921 = tpu.vector_load_idx %parallel_loop3A_920[%parallel_loop3A_842] : memref<128xi32, #tpu.memory_space<vmem>>[vector<16xi32>], vector<16xi32>,
        %parallel_loop3A_922 = vector.bitcast %parallel_loop3A_921 : vector<16xi32> to vector<32xbf16>
        %parallel_loop3A_923 = arith.constant 256 : i32
        %parallel_loop3A_924 = tpu.memref_slice %arg8[%parallel_loop3A_923] : memref<768xi32, #tpu.memory_space<vmem>> -> memref<128xi32, #tpu.memory_space<vmem>>
        %parallel_loop3A_925 = tpu.vector_load_idx %parallel_loop3A_924[%parallel_loop3A_845] : memref<128xi32, #tpu.memory_space<vmem>>[vector<16xi32>], vector<16xi32>,
        %parallel_loop3A_926 = vector.bitcast %parallel_loop3A_925 : vector<16xi32> to vector<32xbf16>
        %parallel_loop3A_927 = arith.constant 256 : i32
        %parallel_loop3A_928 = tpu.memref_slice %arg8[%parallel_loop3A_927] : memref<768xi32, #tpu.memory_space<vmem>> -> memref<128xi32, #tpu.memory_space<vmem>>
        %parallel_loop3A_929 = tpu.vector_load_idx %parallel_loop3A_928[%parallel_loop3A_851] : memref<128xi32, #tpu.memory_space<vmem>>[vector<16xi32>], vector<16xi32>,
        %parallel_loop3A_930 = vector.bitcast %parallel_loop3A_929 : vector<16xi32> to vector<32xbf16>
        %parallel_loop3A_931 = arith.mulf %parallel_loop3A_918, %parallel_loop3A_865 : vector<32xbf16>
        %parallel_loop3A_932 = arith.mulf %parallel_loop3A_922, %parallel_loop3A_866 : vector<32xbf16>
        %parallel_loop3A_933 = arith.addf %parallel_loop3A_931, %parallel_loop3A_932 : vector<32xbf16>
        %parallel_loop3A_934 = arith.mulf %parallel_loop3A_926, %parallel_loop3A_867 : vector<32xbf16>
        %parallel_loop3A_935 = arith.mulf %parallel_loop3A_930, %parallel_loop3A_868 : vector<32xbf16>
        %parallel_loop3A_936 = arith.addf %parallel_loop3A_934, %parallel_loop3A_935 : vector<32xbf16>
        %parallel_loop3A_937 = arith.addf %parallel_loop3A_933, %parallel_loop3A_936 : vector<32xbf16>
        %parallel_loop3A_938 = arith.constant 384 : i32
        %parallel_loop3A_939 = tpu.memref_slice %arg8[%parallel_loop3A_938] : memref<768xi32, #tpu.memory_space<vmem>> -> memref<128xi32, #tpu.memory_space<vmem>>
        %parallel_loop3A_940 = tpu.vector_load_idx %parallel_loop3A_939[%parallel_loop3A_839] : memref<128xi32, #tpu.memory_space<vmem>>[vector<16xi32>], vector<16xi32>,
        %parallel_loop3A_941 = vector.bitcast %parallel_loop3A_940 : vector<16xi32> to vector<32xbf16>
        %parallel_loop3A_942 = arith.constant 384 : i32
        %parallel_loop3A_943 = tpu.memref_slice %arg8[%parallel_loop3A_942] : memref<768xi32, #tpu.memory_space<vmem>> -> memref<128xi32, #tpu.memory_space<vmem>>
        %parallel_loop3A_944 = tpu.vector_load_idx %parallel_loop3A_943[%parallel_loop3A_842] : memref<128xi32, #tpu.memory_space<vmem>>[vector<16xi32>], vector<16xi32>,
        %parallel_loop3A_945 = vector.bitcast %parallel_loop3A_944 : vector<16xi32> to vector<32xbf16>
        %parallel_loop3A_946 = arith.constant 384 : i32
        %parallel_loop3A_947 = tpu.memref_slice %arg8[%parallel_loop3A_946] : memref<768xi32, #tpu.memory_space<vmem>> -> memref<128xi32, #tpu.memory_space<vmem>>
        %parallel_loop3A_948 = tpu.vector_load_idx %parallel_loop3A_947[%parallel_loop3A_845] : memref<128xi32, #tpu.memory_space<vmem>>[vector<16xi32>], vector<16xi32>,
        %parallel_loop3A_949 = vector.bitcast %parallel_loop3A_948 : vector<16xi32> to vector<32xbf16>
        %parallel_loop3A_950 = arith.constant 384 : i32
        %parallel_loop3A_951 = tpu.memref_slice %arg8[%parallel_loop3A_950] : memref<768xi32, #tpu.memory_space<vmem>> -> memref<128xi32, #tpu.memory_space<vmem>>
        %parallel_loop3A_952 = tpu.vector_load_idx %parallel_loop3A_951[%parallel_loop3A_851] : memref<128xi32, #tpu.memory_space<vmem>>[vector<16xi32>], vector<16xi32>,
        %parallel_loop3A_953 = vector.bitcast %parallel_loop3A_952 : vector<16xi32> to vector<32xbf16>
        %parallel_loop3A_954 = arith.mulf %parallel_loop3A_941, %parallel_loop3A_865 : vector<32xbf16>
        %parallel_loop3A_955 = arith.mulf %parallel_loop3A_945, %parallel_loop3A_866 : vector<32xbf16>
        %parallel_loop3A_956 = arith.addf %parallel_loop3A_954, %parallel_loop3A_955 : vector<32xbf16>
        %parallel_loop3A_957 = arith.mulf %parallel_loop3A_949, %parallel_loop3A_867 : vector<32xbf16>
        %parallel_loop3A_958 = arith.mulf %parallel_loop3A_953, %parallel_loop3A_868 : vector<32xbf16>
        %parallel_loop3A_959 = arith.addf %parallel_loop3A_957, %parallel_loop3A_958 : vector<32xbf16>
        %parallel_loop3A_960 = arith.addf %parallel_loop3A_956, %parallel_loop3A_959 : vector<32xbf16>
        %parallel_loop3A_961 = arith.constant 512 : i32
        %parallel_loop3A_962 = tpu.memref_slice %arg8[%parallel_loop3A_961] : memref<768xi32, #tpu.memory_space<vmem>> -> memref<128xi32, #tpu.memory_space<vmem>>
        %parallel_loop3A_963 = tpu.vector_load_idx %parallel_loop3A_962[%parallel_loop3A_839] : memref<128xi32, #tpu.memory_space<vmem>>[vector<16xi32>], vector<16xi32>,
        %parallel_loop3A_964 = vector.bitcast %parallel_loop3A_963 : vector<16xi32> to vector<32xbf16>
        %parallel_loop3A_965 = arith.constant 512 : i32
        %parallel_loop3A_966 = tpu.memref_slice %arg8[%parallel_loop3A_965] : memref<768xi32, #tpu.memory_space<vmem>> -> memref<128xi32, #tpu.memory_space<vmem>>
        %parallel_loop3A_967 = tpu.vector_load_idx %parallel_loop3A_966[%parallel_loop3A_842] : memref<128xi32, #tpu.memory_space<vmem>>[vector<16xi32>], vector<16xi32>,
        %parallel_loop3A_968 = vector.bitcast %parallel_loop3A_967 : vector<16xi32> to vector<32xbf16>
        %parallel_loop3A_969 = arith.constant 512 : i32
        %parallel_loop3A_970 = tpu.memref_slice %arg8[%parallel_loop3A_969] : memref<768xi32, #tpu.memory_space<vmem>> -> memref<128xi32, #tpu.memory_space<vmem>>
        %parallel_loop3A_971 = tpu.vector_load_idx %parallel_loop3A_970[%parallel_loop3A_845] : memref<128xi32, #tpu.memory_space<vmem>>[vector<16xi32>], vector<16xi32>,
        %parallel_loop3A_972 = vector.bitcast %parallel_loop3A_971 : vector<16xi32> to vector<32xbf16>
        %parallel_loop3A_973 = arith.constant 512 : i32
        %parallel_loop3A_974 = tpu.memref_slice %arg8[%parallel_loop3A_973] : memref<768xi32, #tpu.memory_space<vmem>> -> memref<128xi32, #tpu.memory_space<vmem>>
        %parallel_loop3A_975 = tpu.vector_load_idx %parallel_loop3A_974[%parallel_loop3A_851] : memref<128xi32, #tpu.memory_space<vmem>>[vector<16xi32>], vector<16xi32>,
        %parallel_loop3A_976 = vector.bitcast %parallel_loop3A_975 : vector<16xi32> to vector<32xbf16>
        %parallel_loop3A_977 = arith.mulf %parallel_loop3A_964, %parallel_loop3A_865 : vector<32xbf16>
        %parallel_loop3A_978 = arith.mulf %parallel_loop3A_968, %parallel_loop3A_866 : vector<32xbf16>
        %parallel_loop3A_979 = arith.addf %parallel_loop3A_977, %parallel_loop3A_978 : vector<32xbf16>
        %parallel_loop3A_980 = arith.mulf %parallel_loop3A_972, %parallel_loop3A_867 : vector<32xbf16>
        %parallel_loop3A_981 = arith.mulf %parallel_loop3A_976, %parallel_loop3A_868 : vector<32xbf16>
        %parallel_loop3A_982 = arith.addf %parallel_loop3A_980, %parallel_loop3A_981 : vector<32xbf16>
        %parallel_loop3A_983 = arith.addf %parallel_loop3A_979, %parallel_loop3A_982 : vector<32xbf16>
        %parallel_loop3A_984 = arith.constant 640 : i32
        %parallel_loop3A_985 = tpu.memref_slice %arg8[%parallel_loop3A_984] : memref<768xi32, #tpu.memory_space<vmem>> -> memref<128xi32, #tpu.memory_space<vmem>>
        %parallel_loop3A_986 = tpu.vector_load_idx %parallel_loop3A_985[%parallel_loop3A_839] : memref<128xi32, #tpu.memory_space<vmem>>[vector<16xi32>], vector<16xi32>,
        %parallel_loop3A_987 = vector.bitcast %parallel_loop3A_986 : vector<16xi32> to vector<32xbf16>
        %parallel_loop3A_988 = arith.constant 640 : i32
        %parallel_loop3A_989 = tpu.memref_slice %arg8[%parallel_loop3A_988] : memref<768xi32, #tpu.memory_space<vmem>> -> memref<128xi32, #tpu.memory_space<vmem>>
        %parallel_loop3A_990 = tpu.vector_load_idx %parallel_loop3A_989[%parallel_loop3A_842] : memref<128xi32, #tpu.memory_space<vmem>>[vector<16xi32>], vector<16xi32>,
        %parallel_loop3A_991 = vector.bitcast %parallel_loop3A_990 : vector<16xi32> to vector<32xbf16>
        %parallel_loop3A_992 = arith.constant 640 : i32
        %parallel_loop3A_993 = tpu.memref_slice %arg8[%parallel_loop3A_992] : memref<768xi32, #tpu.memory_space<vmem>> -> memref<128xi32, #tpu.memory_space<vmem>>
        %parallel_loop3A_994 = tpu.vector_load_idx %parallel_loop3A_993[%parallel_loop3A_845] : memref<128xi32, #tpu.memory_space<vmem>>[vector<16xi32>], vector<16xi32>,
        %parallel_loop3A_995 = vector.bitcast %parallel_loop3A_994 : vector<16xi32> to vector<32xbf16>
        %parallel_loop3A_996 = arith.constant 640 : i32
        %parallel_loop3A_997 = tpu.memref_slice %arg8[%parallel_loop3A_996] : memref<768xi32, #tpu.memory_space<vmem>> -> memref<128xi32, #tpu.memory_space<vmem>>
        %parallel_loop3A_998 = tpu.vector_load_idx %parallel_loop3A_997[%parallel_loop3A_851] : memref<128xi32, #tpu.memory_space<vmem>>[vector<16xi32>], vector<16xi32>,
        %parallel_loop3A_999 = vector.bitcast %parallel_loop3A_998 : vector<16xi32> to vector<32xbf16>
        %parallel_loop3A_1000 = arith.mulf %parallel_loop3A_987, %parallel_loop3A_865 : vector<32xbf16>
        %parallel_loop3A_1001 = arith.mulf %parallel_loop3A_991, %parallel_loop3A_866 : vector<32xbf16>
        %parallel_loop3A_1002 = arith.addf %parallel_loop3A_1000, %parallel_loop3A_1001 : vector<32xbf16>
        %parallel_loop3A_1003 = arith.mulf %parallel_loop3A_995, %parallel_loop3A_867 : vector<32xbf16>
        %parallel_loop3A_1004 = arith.mulf %parallel_loop3A_999, %parallel_loop3A_868 : vector<32xbf16>
        %parallel_loop3A_1005 = arith.addf %parallel_loop3A_1003, %parallel_loop3A_1004 : vector<32xbf16>
        %parallel_loop3A_1006 = arith.addf %parallel_loop3A_1002, %parallel_loop3A_1005 : vector<32xbf16>
        %parallel_loop3A_1007 = tpu.unpack_subelements %parallel_loop3A_891, 0 {pack_format = #tpu.pack_format<interleaved>} : vector<32xbf16> -> vector<16xf32>
        %parallel_loop3A_1008 = tpu.unpack_subelements %parallel_loop3A_891, 1 {pack_format = #tpu.pack_format<interleaved>} : vector<32xbf16> -> vector<16xf32>
        %parallel_loop3A_1009 = arith.constant 0 : i32
        %parallel_loop3A_1010 = arith.index_cast %parallel_loop3A_1009 : i32 to index
        %parallel_loop3A_1011 = arith.index_cast %parallel_loop3A_820 : i32 to index
        %parallel_loop3A_1012 = tpu.vector_load %arg12[%parallel_loop3A_1010, %parallel_loop3A_1011] {strides = array<i32>} : memref<12x512xf32, #tpu.memory_space<vmem>>, vector<16xf32>,
        tpu.vector_store %arg12[%parallel_loop3A_1010, %parallel_loop3A_1011], %parallel_loop3A_1007 {strides = array<i32>} : memref<12x512xf32, #tpu.memory_space<vmem>>, vector<16xf32>,
        %parallel_loop3A_1013 = arith.constant 1 : i32
        %parallel_loop3A_1014 = arith.index_cast %parallel_loop3A_1013 : i32 to index
        %parallel_loop3A_1015 = arith.index_cast %parallel_loop3A_820 : i32 to index
        %parallel_loop3A_1016 = tpu.vector_load %arg12[%parallel_loop3A_1014, %parallel_loop3A_1015] {strides = array<i32>} : memref<12x512xf32, #tpu.memory_space<vmem>>, vector<16xf32>,
        tpu.vector_store %arg12[%parallel_loop3A_1014, %parallel_loop3A_1015], %parallel_loop3A_1008 {strides = array<i32>} : memref<12x512xf32, #tpu.memory_space<vmem>>, vector<16xf32>,
        %parallel_loop3A_1017 = tpu.unpack_subelements %parallel_loop3A_914, 0 {pack_format = #tpu.pack_format<interleaved>} : vector<32xbf16> -> vector<16xf32>
        %parallel_loop3A_1018 = tpu.unpack_subelements %parallel_loop3A_914, 1 {pack_format = #tpu.pack_format<interleaved>} : vector<32xbf16> -> vector<16xf32>
        %parallel_loop3A_1019 = arith.constant 2 : i32
        %parallel_loop3A_1020 = arith.index_cast %parallel_loop3A_1019 : i32 to index
        %parallel_loop3A_1021 = arith.index_cast %parallel_loop3A_820 : i32 to index
        %parallel_loop3A_1022 = tpu.vector_load %arg12[%parallel_loop3A_1020, %parallel_loop3A_1021] {strides = array<i32>} : memref<12x512xf32, #tpu.memory_space<vmem>>, vector<16xf32>,
        tpu.vector_store %arg12[%parallel_loop3A_1020, %parallel_loop3A_1021], %parallel_loop3A_1017 {strides = array<i32>} : memref<12x512xf32, #tpu.memory_space<vmem>>, vector<16xf32>,
        %parallel_loop3A_1023 = arith.constant 3 : i32
        %parallel_loop3A_1024 = arith.index_cast %parallel_loop3A_1023 : i32 to index
        %parallel_loop3A_1025 = arith.index_cast %parallel_loop3A_820 : i32 to index
        %parallel_loop3A_1026 = tpu.vector_load %arg12[%parallel_loop3A_1024, %parallel_loop3A_1025] {strides = array<i32>} : memref<12x512xf32, #tpu.memory_space<vmem>>, vector<16xf32>,
        tpu.vector_store %arg12[%parallel_loop3A_1024, %parallel_loop3A_1025], %parallel_loop3A_1018 {strides = array<i32>} : memref<12x512xf32, #tpu.memory_space<vmem>>, vector<16xf32>,
        %parallel_loop3A_1027 = tpu.unpack_subelements %parallel_loop3A_937, 0 {pack_format = #tpu.pack_format<interleaved>} : vector<32xbf16> -> vector<16xf32>
        %parallel_loop3A_1028 = tpu.unpack_subelements %parallel_loop3A_937, 1 {pack_format = #tpu.pack_format<interleaved>} : vector<32xbf16> -> vector<16xf32>
        %parallel_loop3A_1029 = arith.constant 4 : i32
        %parallel_loop3A_1030 = arith.index_cast %parallel_loop3A_1029 : i32 to index
        %parallel_loop3A_1031 = arith.index_cast %parallel_loop3A_820 : i32 to index
        %parallel_loop3A_1032 = tpu.vector_load %arg12[%parallel_loop3A_1030, %parallel_loop3A_1031] {strides = array<i32>} : memref<12x512xf32, #tpu.memory_space<vmem>>, vector<16xf32>,
        tpu.vector_store %arg12[%parallel_loop3A_1030, %parallel_loop3A_1031], %parallel_loop3A_1027 {strides = array<i32>} : memref<12x512xf32, #tpu.memory_space<vmem>>, vector<16xf32>,
        %parallel_loop3A_1033 = arith.constant 5 : i32
        %parallel_loop3A_1034 = arith.index_cast %parallel_loop3A_1033 : i32 to index
        %parallel_loop3A_1035 = arith.index_cast %parallel_loop3A_820 : i32 to index
        %parallel_loop3A_1036 = tpu.vector_load %arg12[%parallel_loop3A_1034, %parallel_loop3A_1035] {strides = array<i32>} : memref<12x512xf32, #tpu.memory_space<vmem>>, vector<16xf32>,
        tpu.vector_store %arg12[%parallel_loop3A_1034, %parallel_loop3A_1035], %parallel_loop3A_1028 {strides = array<i32>} : memref<12x512xf32, #tpu.memory_space<vmem>>, vector<16xf32>,
        %parallel_loop3A_1037 = tpu.unpack_subelements %parallel_loop3A_960, 0 {pack_format = #tpu.pack_format<interleaved>} : vector<32xbf16> -> vector<16xf32>
        %parallel_loop3A_1038 = tpu.unpack_subelements %parallel_loop3A_960, 1 {pack_format = #tpu.pack_format<interleaved>} : vector<32xbf16> -> vector<16xf32>
        %parallel_loop3A_1039 = arith.constant 6 : i32
        %parallel_loop3A_1040 = arith.index_cast %parallel_loop3A_1039 : i32 to index
        %parallel_loop3A_1041 = arith.index_cast %parallel_loop3A_820 : i32 to index
        %parallel_loop3A_1042 = tpu.vector_load %arg12[%parallel_loop3A_1040, %parallel_loop3A_1041] {strides = array<i32>} : memref<12x512xf32, #tpu.memory_space<vmem>>, vector<16xf32>,
        tpu.vector_store %arg12[%parallel_loop3A_1040, %parallel_loop3A_1041], %parallel_loop3A_1037 {strides = array<i32>} : memref<12x512xf32, #tpu.memory_space<vmem>>, vector<16xf32>,
        %parallel_loop3A_1043 = arith.constant 7 : i32
        %parallel_loop3A_1044 = arith.index_cast %parallel_loop3A_1043 : i32 to index
        %parallel_loop3A_1045 = arith.index_cast %parallel_loop3A_820 : i32 to index
        %parallel_loop3A_1046 = tpu.vector_load %arg12[%parallel_loop3A_1044, %parallel_loop3A_1045] {strides = array<i32>} : memref<12x512xf32, #tpu.memory_space<vmem>>, vector<16xf32>,
        tpu.vector_store %arg12[%parallel_loop3A_1044, %parallel_loop3A_1045], %parallel_loop3A_1038 {strides = array<i32>} : memref<12x512xf32, #tpu.memory_space<vmem>>, vector<16xf32>,
        %parallel_loop3A_1047 = tpu.unpack_subelements %parallel_loop3A_983, 0 {pack_format = #tpu.pack_format<interleaved>} : vector<32xbf16> -> vector<16xf32>
        %parallel_loop3A_1048 = tpu.unpack_subelements %parallel_loop3A_983, 1 {pack_format = #tpu.pack_format<interleaved>} : vector<32xbf16> -> vector<16xf32>
        %parallel_loop3A_1049 = arith.constant 8 : i32
        %parallel_loop3A_1050 = arith.index_cast %parallel_loop3A_1049 : i32 to index
        %parallel_loop3A_1051 = arith.index_cast %parallel_loop3A_820 : i32 to index
        %parallel_loop3A_1052 = tpu.vector_load %arg12[%parallel_loop3A_1050, %parallel_loop3A_1051] {strides = array<i32>} : memref<12x512xf32, #tpu.memory_space<vmem>>, vector<16xf32>,
        tpu.vector_store %arg12[%parallel_loop3A_1050, %parallel_loop3A_1051], %parallel_loop3A_1047 {strides = array<i32>} : memref<12x512xf32, #tpu.memory_space<vmem>>, vector<16xf32>,
        %parallel_loop3A_1053 = arith.constant 9 : i32
        %parallel_loop3A_1054 = arith.index_cast %parallel_loop3A_1053 : i32 to index
        %parallel_loop3A_1055 = arith.index_cast %parallel_loop3A_820 : i32 to index
        %parallel_loop3A_1056 = tpu.vector_load %arg12[%parallel_loop3A_1054, %parallel_loop3A_1055] {strides = array<i32>} : memref<12x512xf32, #tpu.memory_space<vmem>>, vector<16xf32>,
        tpu.vector_store %arg12[%parallel_loop3A_1054, %parallel_loop3A_1055], %parallel_loop3A_1048 {strides = array<i32>} : memref<12x512xf32, #tpu.memory_space<vmem>>, vector<16xf32>,
        %parallel_loop3A_1057 = tpu.unpack_subelements %parallel_loop3A_1006, 0 {pack_format = #tpu.pack_format<interleaved>} : vector<32xbf16> -> vector<16xf32>
        %parallel_loop3A_1058 = tpu.unpack_subelements %parallel_loop3A_1006, 1 {pack_format = #tpu.pack_format<interleaved>} : vector<32xbf16> -> vector<16xf32>
        %parallel_loop3A_1059 = arith.constant 10 : i32
        %parallel_loop3A_1060 = arith.index_cast %parallel_loop3A_1059 : i32 to index
        %parallel_loop3A_1061 = arith.index_cast %parallel_loop3A_820 : i32 to index
        %parallel_loop3A_1062 = tpu.vector_load %arg12[%parallel_loop3A_1060, %parallel_loop3A_1061] {strides = array<i32>} : memref<12x512xf32, #tpu.memory_space<vmem>>, vector<16xf32>,
        tpu.vector_store %arg12[%parallel_loop3A_1060, %parallel_loop3A_1061], %parallel_loop3A_1057 {strides = array<i32>} : memref<12x512xf32, #tpu.memory_space<vmem>>, vector<16xf32>,
        %parallel_loop3A_1063 = arith.constant 11 : i32
        %parallel_loop3A_1064 = arith.index_cast %parallel_loop3A_1063 : i32 to index
        %parallel_loop3A_1065 = arith.index_cast %parallel_loop3A_820 : i32 to index
        %parallel_loop3A_1066 = tpu.vector_load %arg12[%parallel_loop3A_1064, %parallel_loop3A_1065] {strides = array<i32>} : memref<12x512xf32, #tpu.memory_space<vmem>>, vector<16xf32>,
        tpu.vector_store %arg12[%parallel_loop3A_1064, %parallel_loop3A_1065], %parallel_loop3A_1058 {strides = array<i32>} : memref<12x512xf32, #tpu.memory_space<vmem>>, vector<16xf32>,
      } {sc.loop_unroll_factor = 4 : i64, sc.parallel_access}
      %add3A_628 = arith.addi %add3A_24, %add3A_599 : i32
      %add3A_629 = arith.constant 0 : i32
      %add3A_630 = arith.addi %add3A_628, %add3A_629 : i32
      %dma_start3A_631 = arith.constant 0 : i32
      %dma_start3A_632 = arith.constant 0 : i32
      %dma_start3A_633 = tpu.memref_slice %arg12[%dma_start3A_631, %dma_start3A_632] : memref<12x512xf32, #tpu.memory_space<vmem>> -> memref<1x512xf32, #tpu.memory_space<vmem>>
      %dma_start3A_634 = tpu.memref_squeeze %dma_start3A_633 : memref<1x512xf32, #tpu.memory_space<vmem>> -> memref<512xf32, #tpu.memory_space<vmem>>
      %dma_start3A_635 = arith.constant 0 : i32
      %dma_start3A_636 = tpu.memref_slice %arg6[%add3A_630, %dma_start3A_635] : memref<24576x512xf32, #tpu.memory_space<hbm>> -> memref<1x512xf32, #tpu.memory_space<hbm>>
      %dma_start3A_637 = tpu.memref_squeeze %dma_start3A_636 : memref<1x512xf32, #tpu.memory_space<hbm>> -> memref<512xf32, #tpu.memory_space<hbm>>
      %dma_start3A_638 = arith.constant 0 : i32
      %dma_start3A_639 = tpu.memref_slice %arg6[%add3A_630, %dma_start3A_638] : memref<24576x512xf32, #tpu.memory_space<hbm>> -> memref<1x512xf32, #tpu.memory_space<hbm>>
      %dma_start3A_640 = tpu.memref_squeeze %dma_start3A_639 : memref<1x512xf32, #tpu.memory_space<hbm>> -> memref<512xf32, #tpu.memory_space<hbm>>
      %dma_start3A_641 = arith.constant 0 : i32
      %dma_start3A_642 = tpu.memref_slice %arg12[%dma_start3A_631, %dma_start3A_641] : memref<12x512xf32, #tpu.memory_space<vmem>> -> memref<1x512xf32, #tpu.memory_space<vmem>>
      %dma_start3A_643 = tpu.memref_squeeze %dma_start3A_642 : memref<1x512xf32, #tpu.memory_space<vmem>> -> memref<512xf32, #tpu.memory_space<vmem>>
      tpu.enqueue_dma source(%dma_start3A_643 : memref<512xf32, #tpu.memory_space<vmem>>) target(%dma_start3A_640 : memref<512xf32, #tpu.memory_space<hbm>>) target_semaphore(%arg18 : memref<!tpu.dma_semaphore, #tpu.memory_space<semaphore_mem>>)
      %add3A_644 = arith.addi %add3A_24, %add3A_599 : i32
      %add3A_645 = arith.constant 512 : i32
      %add3A_646 = arith.addi %add3A_644, %add3A_645 : i32
      %dma_start3A_647 = arith.constant 1 : i32
      %dma_start3A_648 = arith.constant 0 : i32
      %dma_start3A_649 = tpu.memref_slice %arg12[%dma_start3A_647, %dma_start3A_648] : memref<12x512xf32, #tpu.memory_space<vmem>> -> memref<1x512xf32, #tpu.memory_space<vmem>>
      %dma_start3A_650 = tpu.memref_squeeze %dma_start3A_649 : memref<1x512xf32, #tpu.memory_space<vmem>> -> memref<512xf32, #tpu.memory_space<vmem>>
      %dma_start3A_651 = arith.constant 0 : i32
      %dma_start3A_652 = tpu.memref_slice %arg6[%add3A_646, %dma_start3A_651] : memref<24576x512xf32, #tpu.memory_space<hbm>> -> memref<1x512xf32, #tpu.memory_space<hbm>>
      %dma_start3A_653 = tpu.memref_squeeze %dma_start3A_652 : memref<1x512xf32, #tpu.memory_space<hbm>> -> memref<512xf32, #tpu.memory_space<hbm>>
      %dma_start3A_654 = arith.constant 0 : i32
      %dma_start3A_655 = tpu.memref_slice %arg6[%add3A_646, %dma_start3A_654] : memref<24576x512xf32, #tpu.memory_space<hbm>> -> memref<1x512xf32, #tpu.memory_space<hbm>>
      %dma_start3A_656 = tpu.memref_squeeze %dma_start3A_655 : memref<1x512xf32, #tpu.memory_space<hbm>> -> memref<512xf32, #tpu.memory_space<hbm>>
      %dma_start3A_657 = arith.constant 0 : i32
      %dma_start3A_658 = tpu.memref_slice %arg12[%dma_start3A_647, %dma_start3A_657] : memref<12x512xf32, #tpu.memory_space<vmem>> -> memref<1x512xf32, #tpu.memory_space<vmem>>
      %dma_start3A_659 = tpu.memref_squeeze %dma_start3A_658 : memref<1x512xf32, #tpu.memory_space<vmem>> -> memref<512xf32, #tpu.memory_space<vmem>>
      tpu.enqueue_dma source(%dma_start3A_659 : memref<512xf32, #tpu.memory_space<vmem>>) target(%dma_start3A_656 : memref<512xf32, #tpu.memory_space<hbm>>) target_semaphore(%arg18 : memref<!tpu.dma_semaphore, #tpu.memory_space<semaphore_mem>>)
      %add3A_660 = arith.addi %add3A_24, %add3A_599 : i32
      %add3A_661 = arith.constant 1024 : i32
      %add3A_662 = arith.addi %add3A_660, %add3A_661 : i32
      %dma_start3A_663 = arith.constant 2 : i32
      %dma_start3A_664 = arith.constant 0 : i32
      %dma_start3A_665 = tpu.memref_slice %arg12[%dma_start3A_663, %dma_start3A_664] : memref<12x512xf32, #tpu.memory_space<vmem>> -> memref<1x512xf32, #tpu.memory_space<vmem>>
      %dma_start3A_666 = tpu.memref_squeeze %dma_start3A_665 : memref<1x512xf32, #tpu.memory_space<vmem>> -> memref<512xf32, #tpu.memory_space<vmem>>
      %dma_start3A_667 = arith.constant 0 : i32
      %dma_start3A_668 = tpu.memref_slice %arg6[%add3A_662, %dma_start3A_667] : memref<24576x512xf32, #tpu.memory_space<hbm>> -> memref<1x512xf32, #tpu.memory_space<hbm>>
      %dma_start3A_669 = tpu.memref_squeeze %dma_start3A_668 : memref<1x512xf32, #tpu.memory_space<hbm>> -> memref<512xf32, #tpu.memory_space<hbm>>
      %dma_start3A_670 = arith.constant 0 : i32
      %dma_start3A_671 = tpu.memref_slice %arg6[%add3A_662, %dma_start3A_670] : memref<24576x512xf32, #tpu.memory_space<hbm>> -> memref<1x512xf32, #tpu.memory_space<hbm>>
      %dma_start3A_672 = tpu.memref_squeeze %dma_start3A_671 : memref<1x512xf32, #tpu.memory_space<hbm>> -> memref<512xf32, #tpu.memory_space<hbm>>
      %dma_start3A_673 = arith.constant 0 : i32
      %dma_start3A_674 = tpu.memref_slice %arg12[%dma_start3A_663, %dma_start3A_673] : memref<12x512xf32, #tpu.memory_space<vmem>> -> memref<1x512xf32, #tpu.memory_space<vmem>>
      %dma_start3A_675 = tpu.memref_squeeze %dma_start3A_674 : memref<1x512xf32, #tpu.memory_space<vmem>> -> memref<512xf32, #tpu.memory_space<vmem>>
      tpu.enqueue_dma source(%dma_start3A_675 : memref<512xf32, #tpu.memory_space<vmem>>) target(%dma_start3A_672 : memref<512xf32, #tpu.memory_space<hbm>>) target_semaphore(%arg18 : memref<!tpu.dma_semaphore, #tpu.memory_space<semaphore_mem>>)
      %add3A_676 = arith.addi %add3A_24, %add3A_599 : i32
      %add3A_677 = arith.constant 1536 : i32
      %add3A_678 = arith.addi %add3A_676, %add3A_677 : i32
      %dma_start3A_679 = arith.constant 3 : i32
      %dma_start3A_680 = arith.constant 0 : i32
      %dma_start3A_681 = tpu.memref_slice %arg12[%dma_start3A_679, %dma_start3A_680] : memref<12x512xf32, #tpu.memory_space<vmem>> -> memref<1x512xf32, #tpu.memory_space<vmem>>
      %dma_start3A_682 = tpu.memref_squeeze %dma_start3A_681 : memref<1x512xf32, #tpu.memory_space<vmem>> -> memref<512xf32, #tpu.memory_space<vmem>>
      %dma_start3A_683 = arith.constant 0 : i32
      %dma_start3A_684 = tpu.memref_slice %arg6[%add3A_678, %dma_start3A_683] : memref<24576x512xf32, #tpu.memory_space<hbm>> -> memref<1x512xf32, #tpu.memory_space<hbm>>
      %dma_start3A_685 = tpu.memref_squeeze %dma_start3A_684 : memref<1x512xf32, #tpu.memory_space<hbm>> -> memref<512xf32, #tpu.memory_space<hbm>>
      %dma_start3A_686 = arith.constant 0 : i32
      %dma_start3A_687 = tpu.memref_slice %arg6[%add3A_678, %dma_start3A_686] : memref<24576x512xf32, #tpu.memory_space<hbm>> -> memref<1x512xf32, #tpu.memory_space<hbm>>
      %dma_start3A_688 = tpu.memref_squeeze %dma_start3A_687 : memref<1x512xf32, #tpu.memory_space<hbm>> -> memref<512xf32, #tpu.memory_space<hbm>>
      %dma_start3A_689 = arith.constant 0 : i32
      %dma_start3A_690 = tpu.memref_slice %arg12[%dma_start3A_679, %dma_start3A_689] : memref<12x512xf32, #tpu.memory_space<vmem>> -> memref<1x512xf32, #tpu.memory_space<vmem>>
      %dma_start3A_691 = tpu.memref_squeeze %dma_start3A_690 : memref<1x512xf32, #tpu.memory_space<vmem>> -> memref<512xf32, #tpu.memory_space<vmem>>
      tpu.enqueue_dma source(%dma_start3A_691 : memref<512xf32, #tpu.memory_space<vmem>>) target(%dma_start3A_688 : memref<512xf32, #tpu.memory_space<hbm>>) target_semaphore(%arg18 : memref<!tpu.dma_semaphore, #tpu.memory_space<semaphore_mem>>)
      %add3A_692 = arith.addi %add3A_24, %add3A_599 : i32
      %add3A_693 = arith.constant 2048 : i32
      %add3A_694 = arith.addi %add3A_692, %add3A_693 : i32
      %dma_start3A_695 = arith.constant 4 : i32
      %dma_start3A_696 = arith.constant 0 : i32
      %dma_start3A_697 = tpu.memref_slice %arg12[%dma_start3A_695, %dma_start3A_696] : memref<12x512xf32, #tpu.memory_space<vmem>> -> memref<1x512xf32, #tpu.memory_space<vmem>>
      %dma_start3A_698 = tpu.memref_squeeze %dma_start3A_697 : memref<1x512xf32, #tpu.memory_space<vmem>> -> memref<512xf32, #tpu.memory_space<vmem>>
      %dma_start3A_699 = arith.constant 0 : i32
      %dma_start3A_700 = tpu.memref_slice %arg6[%add3A_694, %dma_start3A_699] : memref<24576x512xf32, #tpu.memory_space<hbm>> -> memref<1x512xf32, #tpu.memory_space<hbm>>
      %dma_start3A_701 = tpu.memref_squeeze %dma_start3A_700 : memref<1x512xf32, #tpu.memory_space<hbm>> -> memref<512xf32, #tpu.memory_space<hbm>>
      %dma_start3A_702 = arith.constant 0 : i32
      %dma_start3A_703 = tpu.memref_slice %arg6[%add3A_694, %dma_start3A_702] : memref<24576x512xf32, #tpu.memory_space<hbm>> -> memref<1x512xf32, #tpu.memory_space<hbm>>
      %dma_start3A_704 = tpu.memref_squeeze %dma_start3A_703 : memref<1x512xf32, #tpu.memory_space<hbm>> -> memref<512xf32, #tpu.memory_space<hbm>>
      %dma_start3A_705 = arith.constant 0 : i32
      %dma_start3A_706 = tpu.memref_slice %arg12[%dma_start3A_695, %dma_start3A_705] : memref<12x512xf32, #tpu.memory_space<vmem>> -> memref<1x512xf32, #tpu.memory_space<vmem>>
      %dma_start3A_707 = tpu.memref_squeeze %dma_start3A_706 : memref<1x512xf32, #tpu.memory_space<vmem>> -> memref<512xf32, #tpu.memory_space<vmem>>
      tpu.enqueue_dma source(%dma_start3A_707 : memref<512xf32, #tpu.memory_space<vmem>>) target(%dma_start3A_704 : memref<512xf32, #tpu.memory_space<hbm>>) target_semaphore(%arg18 : memref<!tpu.dma_semaphore, #tpu.memory_space<semaphore_mem>>)
      %add3A_708 = arith.addi %add3A_24, %add3A_599 : i32
      %add3A_709 = arith.constant 2560 : i32
      %add3A_710 = arith.addi %add3A_708, %add3A_709 : i32
      %dma_start3A_711 = arith.constant 5 : i32
      %dma_start3A_712 = arith.constant 0 : i32
      %dma_start3A_713 = tpu.memref_slice %arg12[%dma_start3A_711, %dma_start3A_712] : memref<12x512xf32, #tpu.memory_space<vmem>> -> memref<1x512xf32, #tpu.memory_space<vmem>>
      %dma_start3A_714 = tpu.memref_squeeze %dma_start3A_713 : memref<1x512xf32, #tpu.memory_space<vmem>> -> memref<512xf32, #tpu.memory_space<vmem>>
      %dma_start3A_715 = arith.constant 0 : i32
      %dma_start3A_716 = tpu.memref_slice %arg6[%add3A_710, %dma_start3A_715] : memref<24576x512xf32, #tpu.memory_space<hbm>> -> memref<1x512xf32, #tpu.memory_space<hbm>>
      %dma_start3A_717 = tpu.memref_squeeze %dma_start3A_716 : memref<1x512xf32, #tpu.memory_space<hbm>> -> memref<512xf32, #tpu.memory_space<hbm>>
      %dma_start3A_718 = arith.constant 0 : i32
      %dma_start3A_719 = tpu.memref_slice %arg6[%add3A_710, %dma_start3A_718] : memref<24576x512xf32, #tpu.memory_space<hbm>> -> memref<1x512xf32, #tpu.memory_space<hbm>>
      %dma_start3A_720 = tpu.memref_squeeze %dma_start3A_719 : memref<1x512xf32, #tpu.memory_space<hbm>> -> memref<512xf32, #tpu.memory_space<hbm>>
      %dma_start3A_721 = arith.constant 0 : i32
      %dma_start3A_722 = tpu.memref_slice %arg12[%dma_start3A_711, %dma_start3A_721] : memref<12x512xf32, #tpu.memory_space<vmem>> -> memref<1x512xf32, #tpu.memory_space<vmem>>
      %dma_start3A_723 = tpu.memref_squeeze %dma_start3A_722 : memref<1x512xf32, #tpu.memory_space<vmem>> -> memref<512xf32, #tpu.memory_space<vmem>>
      tpu.enqueue_dma source(%dma_start3A_723 : memref<512xf32, #tpu.memory_space<vmem>>) target(%dma_start3A_720 : memref<512xf32, #tpu.memory_space<hbm>>) target_semaphore(%arg18 : memref<!tpu.dma_semaphore, #tpu.memory_space<semaphore_mem>>)
      %add3A_724 = arith.addi %add3A_24, %add3A_599 : i32
      %add3A_725 = arith.constant 3072 : i32
      %add3A_726 = arith.addi %add3A_724, %add3A_725 : i32
      %dma_start3A_727 = arith.constant 6 : i32
      %dma_start3A_728 = arith.constant 0 : i32
      %dma_start3A_729 = tpu.memref_slice %arg12[%dma_start3A_727, %dma_start3A_728] : memref<12x512xf32, #tpu.memory_space<vmem>> -> memref<1x512xf32, #tpu.memory_space<vmem>>
      %dma_start3A_730 = tpu.memref_squeeze %dma_start3A_729 : memref<1x512xf32, #tpu.memory_space<vmem>> -> memref<512xf32, #tpu.memory_space<vmem>>
      %dma_start3A_731 = arith.constant 0 : i32
      %dma_start3A_732 = tpu.memref_slice %arg6[%add3A_726, %dma_start3A_731] : memref<24576x512xf32, #tpu.memory_space<hbm>> -> memref<1x512xf32, #tpu.memory_space<hbm>>
      %dma_start3A_733 = tpu.memref_squeeze %dma_start3A_732 : memref<1x512xf32, #tpu.memory_space<hbm>> -> memref<512xf32, #tpu.memory_space<hbm>>
      %dma_start3A_734 = arith.constant 0 : i32
      %dma_start3A_735 = tpu.memref_slice %arg6[%add3A_726, %dma_start3A_734] : memref<24576x512xf32, #tpu.memory_space<hbm>> -> memref<1x512xf32, #tpu.memory_space<hbm>>
      %dma_start3A_736 = tpu.memref_squeeze %dma_start3A_735 : memref<1x512xf32, #tpu.memory_space<hbm>> -> memref<512xf32, #tpu.memory_space<hbm>>
      %dma_start3A_737 = arith.constant 0 : i32
      %dma_start3A_738 = tpu.memref_slice %arg12[%dma_start3A_727, %dma_start3A_737] : memref<12x512xf32, #tpu.memory_space<vmem>> -> memref<1x512xf32, #tpu.memory_space<vmem>>
      %dma_start3A_739 = tpu.memref_squeeze %dma_start3A_738 : memref<1x512xf32, #tpu.memory_space<vmem>> -> memref<512xf32, #tpu.memory_space<vmem>>
      tpu.enqueue_dma source(%dma_start3A_739 : memref<512xf32, #tpu.memory_space<vmem>>) target(%dma_start3A_736 : memref<512xf32, #tpu.memory_space<hbm>>) target_semaphore(%arg18 : memref<!tpu.dma_semaphore, #tpu.memory_space<semaphore_mem>>)
      %add3A_740 = arith.addi %add3A_24, %add3A_599 : i32
      %add3A_741 = arith.constant 3584 : i32
      %add3A_742 = arith.addi %add3A_740, %add3A_741 : i32
      %dma_start3A_743 = arith.constant 7 : i32
      %dma_start3A_744 = arith.constant 0 : i32
      %dma_start3A_745 = tpu.memref_slice %arg12[%dma_start3A_743, %dma_start3A_744] : memref<12x512xf32, #tpu.memory_space<vmem>> -> memref<1x512xf32, #tpu.memory_space<vmem>>
      %dma_start3A_746 = tpu.memref_squeeze %dma_start3A_745 : memref<1x512xf32, #tpu.memory_space<vmem>> -> memref<512xf32, #tpu.memory_space<vmem>>
      %dma_start3A_747 = arith.constant 0 : i32
      %dma_start3A_748 = tpu.memref_slice %arg6[%add3A_742, %dma_start3A_747] : memref<24576x512xf32, #tpu.memory_space<hbm>> -> memref<1x512xf32, #tpu.memory_space<hbm>>
      %dma_start3A_749 = tpu.memref_squeeze %dma_start3A_748 : memref<1x512xf32, #tpu.memory_space<hbm>> -> memref<512xf32, #tpu.memory_space<hbm>>
      %dma_start3A_750 = arith.constant 0 : i32
      %dma_start3A_751 = tpu.memref_slice %arg6[%add3A_742, %dma_start3A_750] : memref<24576x512xf32, #tpu.memory_space<hbm>> -> memref<1x512xf32, #tpu.memory_space<hbm>>
      %dma_start3A_752 = tpu.memref_squeeze %dma_start3A_751 : memref<1x512xf32, #tpu.memory_space<hbm>> -> memref<512xf32, #tpu.memory_space<hbm>>
      %dma_start3A_753 = arith.constant 0 : i32
      %dma_start3A_754 = tpu.memref_slice %arg12[%dma_start3A_743, %dma_start3A_753] : memref<12x512xf32, #tpu.memory_space<vmem>> -> memref<1x512xf32, #tpu.memory_space<vmem>>
      %dma_start3A_755 = tpu.memref_squeeze %dma_start3A_754 : memref<1x512xf32, #tpu.memory_space<vmem>> -> memref<512xf32, #tpu.memory_space<vmem>>
      tpu.enqueue_dma source(%dma_start3A_755 : memref<512xf32, #tpu.memory_space<vmem>>) target(%dma_start3A_752 : memref<512xf32, #tpu.memory_space<hbm>>) target_semaphore(%arg18 : memref<!tpu.dma_semaphore, #tpu.memory_space<semaphore_mem>>)
      %add3A_756 = arith.addi %add3A_24, %add3A_599 : i32
      %add3A_757 = arith.constant 4096 : i32
      %add3A_758 = arith.addi %add3A_756, %add3A_757 : i32
      %dma_start3A_759 = arith.constant 8 : i32
      %dma_start3A_760 = arith.constant 0 : i32
      %dma_start3A_761 = tpu.memref_slice %arg12[%dma_start3A_759, %dma_start3A_760] : memref<12x512xf32, #tpu.memory_space<vmem>> -> memref<1x512xf32, #tpu.memory_space<vmem>>
      %dma_start3A_762 = tpu.memref_squeeze %dma_start3A_761 : memref<1x512xf32, #tpu.memory_space<vmem>> -> memref<512xf32, #tpu.memory_space<vmem>>
      %dma_start3A_763 = arith.constant 0 : i32
      %dma_start3A_764 = tpu.memref_slice %arg6[%add3A_758, %dma_start3A_763] : memref<24576x512xf32, #tpu.memory_space<hbm>> -> memref<1x512xf32, #tpu.memory_space<hbm>>
      %dma_start3A_765 = tpu.memref_squeeze %dma_start3A_764 : memref<1x512xf32, #tpu.memory_space<hbm>> -> memref<512xf32, #tpu.memory_space<hbm>>
      %dma_start3A_766 = arith.constant 0 : i32
      %dma_start3A_767 = tpu.memref_slice %arg6[%add3A_758, %dma_start3A_766] : memref<24576x512xf32, #tpu.memory_space<hbm>> -> memref<1x512xf32, #tpu.memory_space<hbm>>
      %dma_start3A_768 = tpu.memref_squeeze %dma_start3A_767 : memref<1x512xf32, #tpu.memory_space<hbm>> -> memref<512xf32, #tpu.memory_space<hbm>>
      %dma_start3A_769 = arith.constant 0 : i32
      %dma_start3A_770 = tpu.memref_slice %arg12[%dma_start3A_759, %dma_start3A_769] : memref<12x512xf32, #tpu.memory_space<vmem>> -> memref<1x512xf32, #tpu.memory_space<vmem>>
      %dma_start3A_771 = tpu.memref_squeeze %dma_start3A_770 : memref<1x512xf32, #tpu.memory_space<vmem>> -> memref<512xf32, #tpu.memory_space<vmem>>
      tpu.enqueue_dma source(%dma_start3A_771 : memref<512xf32, #tpu.memory_space<vmem>>) target(%dma_start3A_768 : memref<512xf32, #tpu.memory_space<hbm>>) target_semaphore(%arg18 : memref<!tpu.dma_semaphore, #tpu.memory_space<semaphore_mem>>)
      %add3A_772 = arith.addi %add3A_24, %add3A_599 : i32
      %add3A_773 = arith.constant 4608 : i32
      %add3A_774 = arith.addi %add3A_772, %add3A_773 : i32
      %dma_start3A_775 = arith.constant 9 : i32
      %dma_start3A_776 = arith.constant 0 : i32
      %dma_start3A_777 = tpu.memref_slice %arg12[%dma_start3A_775, %dma_start3A_776] : memref<12x512xf32, #tpu.memory_space<vmem>> -> memref<1x512xf32, #tpu.memory_space<vmem>>
      %dma_start3A_778 = tpu.memref_squeeze %dma_start3A_777 : memref<1x512xf32, #tpu.memory_space<vmem>> -> memref<512xf32, #tpu.memory_space<vmem>>
      %dma_start3A_779 = arith.constant 0 : i32
      %dma_start3A_780 = tpu.memref_slice %arg6[%add3A_774, %dma_start3A_779] : memref<24576x512xf32, #tpu.memory_space<hbm>> -> memref<1x512xf32, #tpu.memory_space<hbm>>
      %dma_start3A_781 = tpu.memref_squeeze %dma_start3A_780 : memref<1x512xf32, #tpu.memory_space<hbm>> -> memref<512xf32, #tpu.memory_space<hbm>>
      %dma_start3A_782 = arith.constant 0 : i32
      %dma_start3A_783 = tpu.memref_slice %arg6[%add3A_774, %dma_start3A_782] : memref<24576x512xf32, #tpu.memory_space<hbm>> -> memref<1x512xf32, #tpu.memory_space<hbm>>
      %dma_start3A_784 = tpu.memref_squeeze %dma_start3A_783 : memref<1x512xf32, #tpu.memory_space<hbm>> -> memref<512xf32, #tpu.memory_space<hbm>>
      %dma_start3A_785 = arith.constant 0 : i32
      %dma_start3A_786 = tpu.memref_slice %arg12[%dma_start3A_775, %dma_start3A_785] : memref<12x512xf32, #tpu.memory_space<vmem>> -> memref<1x512xf32, #tpu.memory_space<vmem>>
      %dma_start3A_787 = tpu.memref_squeeze %dma_start3A_786 : memref<1x512xf32, #tpu.memory_space<vmem>> -> memref<512xf32, #tpu.memory_space<vmem>>
      tpu.enqueue_dma source(%dma_start3A_787 : memref<512xf32, #tpu.memory_space<vmem>>) target(%dma_start3A_784 : memref<512xf32, #tpu.memory_space<hbm>>) target_semaphore(%arg18 : memref<!tpu.dma_semaphore, #tpu.memory_space<semaphore_mem>>)
      %add3A_788 = arith.addi %add3A_24, %add3A_599 : i32
      %add3A_789 = arith.constant 5120 : i32
      %add3A_790 = arith.addi %add3A_788, %add3A_789 : i32
      %dma_start3A_791 = arith.constant 10 : i32
      %dma_start3A_792 = arith.constant 0 : i32
      %dma_start3A_793 = tpu.memref_slice %arg12[%dma_start3A_791, %dma_start3A_792] : memref<12x512xf32, #tpu.memory_space<vmem>> -> memref<1x512xf32, #tpu.memory_space<vmem>>
      %dma_start3A_794 = tpu.memref_squeeze %dma_start3A_793 : memref<1x512xf32, #tpu.memory_space<vmem>> -> memref<512xf32, #tpu.memory_space<vmem>>
      %dma_start3A_795 = arith.constant 0 : i32
      %dma_start3A_796 = tpu.memref_slice %arg6[%add3A_790, %dma_start3A_795] : memref<24576x512xf32, #tpu.memory_space<hbm>> -> memref<1x512xf32, #tpu.memory_space<hbm>>
      %dma_start3A_797 = tpu.memref_squeeze %dma_start3A_796 : memref<1x512xf32, #tpu.memory_space<hbm>> -> memref<512xf32, #tpu.memory_space<hbm>>
      %dma_start3A_798 = arith.constant 0 : i32
      %dma_start3A_799 = tpu.memref_slice %arg6[%add3A_790, %dma_start3A_798] : memref<24576x512xf32, #tpu.memory_space<hbm>> -> memref<1x512xf32, #tpu.memory_space<hbm>>
      %dma_start3A_800 = tpu.memref_squeeze %dma_start3A_799 : memref<1x512xf32, #tpu.memory_space<hbm>> -> memref<512xf32, #tpu.memory_space<hbm>>
      %dma_start3A_801 = arith.constant 0 : i32
      %dma_start3A_802 = tpu.memref_slice %arg12[%dma_start3A_791, %dma_start3A_801] : memref<12x512xf32, #tpu.memory_space<vmem>> -> memref<1x512xf32, #tpu.memory_space<vmem>>
      %dma_start3A_803 = tpu.memref_squeeze %dma_start3A_802 : memref<1x512xf32, #tpu.memory_space<vmem>> -> memref<512xf32, #tpu.memory_space<vmem>>
      tpu.enqueue_dma source(%dma_start3A_803 : memref<512xf32, #tpu.memory_space<vmem>>) target(%dma_start3A_800 : memref<512xf32, #tpu.memory_space<hbm>>) target_semaphore(%arg18 : memref<!tpu.dma_semaphore, #tpu.memory_space<semaphore_mem>>)
      %add3A_804 = arith.addi %add3A_24, %add3A_599 : i32
      %add3A_805 = arith.constant 5632 : i32
      %add3A_806 = arith.addi %add3A_804, %add3A_805 : i32
      %dma_start3A_807 = arith.constant 11 : i32
      %dma_start3A_808 = arith.constant 0 : i32
      %dma_start3A_809 = tpu.memref_slice %arg12[%dma_start3A_807, %dma_start3A_808] : memref<12x512xf32, #tpu.memory_space<vmem>> -> memref<1x512xf32, #tpu.memory_space<vmem>>
      %dma_start3A_810 = tpu.memref_squeeze %dma_start3A_809 : memref<1x512xf32, #tpu.memory_space<vmem>> -> memref<512xf32, #tpu.memory_space<vmem>>
      %dma_start3A_811 = arith.constant 0 : i32
      %dma_start3A_812 = tpu.memref_slice %arg6[%add3A_806, %dma_start3A_811] : memref<24576x512xf32, #tpu.memory_space<hbm>> -> memref<1x512xf32, #tpu.memory_space<hbm>>
      %dma_start3A_813 = tpu.memref_squeeze %dma_start3A_812 : memref<1x512xf32, #tpu.memory_space<hbm>> -> memref<512xf32, #tpu.memory_space<hbm>>
      %dma_start3A_814 = arith.constant 0 : i32
      %dma_start3A_815 = tpu.memref_slice %arg6[%add3A_806, %dma_start3A_814] : memref<24576x512xf32, #tpu.memory_space<hbm>> -> memref<1x512xf32, #tpu.memory_space<hbm>>
      %dma_start3A_816 = tpu.memref_squeeze %dma_start3A_815 : memref<1x512xf32, #tpu.memory_space<hbm>> -> memref<512xf32, #tpu.memory_space<hbm>>
      %dma_start3A_817 = arith.constant 0 : i32
      %dma_start3A_818 = tpu.memref_slice %arg12[%dma_start3A_807, %dma_start3A_817] : memref<12x512xf32, #tpu.memory_space<vmem>> -> memref<1x512xf32, #tpu.memory_space<vmem>>
      %dma_start3A_819 = tpu.memref_squeeze %dma_start3A_818 : memref<1x512xf32, #tpu.memory_space<vmem>> -> memref<512xf32, #tpu.memory_space<vmem>>
      tpu.enqueue_dma source(%dma_start3A_819 : memref<512xf32, #tpu.memory_space<vmem>>) target(%dma_start3A_816 : memref<512xf32, #tpu.memory_space<hbm>>) target_semaphore(%arg18 : memref<!tpu.dma_semaphore, #tpu.memory_space<semaphore_mem>>)
    }
    %scan3A_40 = arith.constant 32 : i32
    %dma_wait3A = arith.constant 0 : i32
    %dma_wait3A_41 = arith.constant 0 : i32
    %dma_wait3A_42 = arith.constant 0 : i32
    %dma_wait3A_43 = tpu.memref_slice %arg11[%dma_wait3A_41, %dma_wait3A_42] : memref<12x512xf32, #tpu.memory_space<vmem>> -> memref<1x512xf32, #tpu.memory_space<vmem>>
    %dma_wait3A_44 = tpu.memref_squeeze %dma_wait3A_43 : memref<1x512xf32, #tpu.memory_space<vmem>> -> memref<512xf32, #tpu.memory_space<vmem>>
    %dma_wait3A_45 = arith.constant 0 : i32
    %dma_wait3A_46 = tpu.memref_slice %arg6[%dma_wait3A, %dma_wait3A_45] : memref<24576x512xf32, #tpu.memory_space<hbm>> -> memref<1x512xf32, #tpu.memory_space<hbm>>
    %dma_wait3A_47 = tpu.memref_squeeze %dma_wait3A_46 : memref<1x512xf32, #tpu.memory_space<hbm>> -> memref<512xf32, #tpu.memory_space<hbm>>
    %dma_wait3A_48 = arith.constant 0 : i32
    %dma_wait3A_49 = tpu.memref_slice %arg11[%dma_wait3A_41, %dma_wait3A_48] : memref<12x512xf32, #tpu.memory_space<vmem>> -> memref<1x512xf32, #tpu.memory_space<vmem>>
    %dma_wait3A_50 = tpu.memref_squeeze %dma_wait3A_49 : memref<1x512xf32, #tpu.memory_space<vmem>> -> memref<512xf32, #tpu.memory_space<vmem>>
    %dma_wait3A_51 = arith.constant 0 : i32
    %dma_wait3A_52 = tpu.memref_slice %arg6[%dma_wait3A, %dma_wait3A_51] : memref<24576x512xf32, #tpu.memory_space<hbm>> -> memref<1x512xf32, #tpu.memory_space<hbm>>
    %dma_wait3A_53 = tpu.memref_squeeze %dma_wait3A_52 : memref<1x512xf32, #tpu.memory_space<hbm>> -> memref<512xf32, #tpu.memory_space<hbm>>
    tpu.wait_dma2 semaphore(%arg17 : memref<!tpu.dma_semaphore, #tpu.memory_space<semaphore_mem>>) src(%dma_wait3A_53 : memref<512xf32, #tpu.memory_space<hbm>>) dst(%dma_wait3A_50 : memref<512xf32, #tpu.memory_space<vmem>>)
    %dma_wait3A_54 = arith.constant 0 : i32
    %dma_wait3A_55 = arith.constant 1 : i32
    %dma_wait3A_56 = arith.constant 0 : i32
    %dma_wait3A_57 = tpu.memref_slice %arg11[%dma_wait3A_55, %dma_wait3A_56] : memref<12x512xf32, #tpu.memory_space<vmem>> -> memref<1x512xf32, #tpu.memory_space<vmem>>
    %dma_wait3A_58 = tpu.memref_squeeze %dma_wait3A_57 : memref<1x512xf32, #tpu.memory_space<vmem>> -> memref<512xf32, #tpu.memory_space<vmem>>
    %dma_wait3A_59 = arith.constant 0 : i32
    %dma_wait3A_60 = tpu.memref_slice %arg6[%dma_wait3A_54, %dma_wait3A_59] : memref<24576x512xf32, #tpu.memory_space<hbm>> -> memref<1x512xf32, #tpu.memory_space<hbm>>
    %dma_wait3A_61 = tpu.memref_squeeze %dma_wait3A_60 : memref<1x512xf32, #tpu.memory_space<hbm>> -> memref<512xf32, #tpu.memory_space<hbm>>
    %dma_wait3A_62 = arith.constant 0 : i32
    %dma_wait3A_63 = tpu.memref_slice %arg11[%dma_wait3A_55, %dma_wait3A_62] : memref<12x512xf32, #tpu.memory_space<vmem>> -> memref<1x512xf32, #tpu.memory_space<vmem>>
    %dma_wait3A_64 = tpu.memref_squeeze %dma_wait3A_63 : memref<1x512xf32, #tpu.memory_space<vmem>> -> memref<512xf32, #tpu.memory_space<vmem>>
    %dma_wait3A_65 = arith.constant 0 : i32
    %dma_wait3A_66 = tpu.memref_slice %arg6[%dma_wait3A_54, %dma_wait3A_65] : memref<24576x512xf32, #tpu.memory_space<hbm>> -> memref<1x512xf32, #tpu.memory_space<hbm>>
    %dma_wait3A_67 = tpu.memref_squeeze %dma_wait3A_66 : memref<1x512xf32, #tpu.memory_space<hbm>> -> memref<512xf32, #tpu.memory_space<hbm>>
    tpu.wait_dma2 semaphore(%arg17 : memref<!tpu.dma_semaphore, #tpu.memory_space<semaphore_mem>>) src(%dma_wait3A_67 : memref<512xf32, #tpu.memory_space<hbm>>) dst(%dma_wait3A_64 : memref<512xf32, #tpu.memory_space<vmem>>)
    %dma_wait3A_68 = arith.constant 0 : i32
    %dma_wait3A_69 = arith.constant 2 : i32
    %dma_wait3A_70 = arith.constant 0 : i32
    %dma_wait3A_71 = tpu.memref_slice %arg11[%dma_wait3A_69, %dma_wait3A_70] : memref<12x512xf32, #tpu.memory_space<vmem>> -> memref<1x512xf32, #tpu.memory_space<vmem>>
    %dma_wait3A_72 = tpu.memref_squeeze %dma_wait3A_71 : memref<1x512xf32, #tpu.memory_space<vmem>> -> memref<512xf32, #tpu.memory_space<vmem>>
    %dma_wait3A_73 = arith.constant 0 : i32
    %dma_wait3A_74 = tpu.memref_slice %arg6[%dma_wait3A_68, %dma_wait3A_73] : memref<24576x512xf32, #tpu.memory_space<hbm>> -> memref<1x512xf32, #tpu.memory_space<hbm>>
    %dma_wait3A_75 = tpu.memref_squeeze %dma_wait3A_74 : memref<1x512xf32, #tpu.memory_space<hbm>> -> memref<512xf32, #tpu.memory_space<hbm>>
    %dma_wait3A_76 = arith.constant 0 : i32
    %dma_wait3A_77 = tpu.memref_slice %arg11[%dma_wait3A_69, %dma_wait3A_76] : memref<12x512xf32, #tpu.memory_space<vmem>> -> memref<1x512xf32, #tpu.memory_space<vmem>>
    %dma_wait3A_78 = tpu.memref_squeeze %dma_wait3A_77 : memref<1x512xf32, #tpu.memory_space<vmem>> -> memref<512xf32, #tpu.memory_space<vmem>>
    %dma_wait3A_79 = arith.constant 0 : i32
    %dma_wait3A_80 = tpu.memref_slice %arg6[%dma_wait3A_68, %dma_wait3A_79] : memref<24576x512xf32, #tpu.memory_space<hbm>> -> memref<1x512xf32, #tpu.memory_space<hbm>>
    %dma_wait3A_81 = tpu.memref_squeeze %dma_wait3A_80 : memref<1x512xf32, #tpu.memory_space<hbm>> -> memref<512xf32, #tpu.memory_space<hbm>>
    tpu.wait_dma2 semaphore(%arg17 : memref<!tpu.dma_semaphore, #tpu.memory_space<semaphore_mem>>) src(%dma_wait3A_81 : memref<512xf32, #tpu.memory_space<hbm>>) dst(%dma_wait3A_78 : memref<512xf32, #tpu.memory_space<vmem>>)
    %dma_wait3A_82 = arith.constant 0 : i32
    %dma_wait3A_83 = arith.constant 3 : i32
    %dma_wait3A_84 = arith.constant 0 : i32
    %dma_wait3A_85 = tpu.memref_slice %arg11[%dma_wait3A_83, %dma_wait3A_84] : memref<12x512xf32, #tpu.memory_space<vmem>> -> memref<1x512xf32, #tpu.memory_space<vmem>>
    %dma_wait3A_86 = tpu.memref_squeeze %dma_wait3A_85 : memref<1x512xf32, #tpu.memory_space<vmem>> -> memref<512xf32, #tpu.memory_space<vmem>>
    %dma_wait3A_87 = arith.constant 0 : i32
    %dma_wait3A_88 = tpu.memref_slice %arg6[%dma_wait3A_82, %dma_wait3A_87] : memref<24576x512xf32, #tpu.memory_space<hbm>> -> memref<1x512xf32, #tpu.memory_space<hbm>>
    %dma_wait3A_89 = tpu.memref_squeeze %dma_wait3A_88 : memref<1x512xf32, #tpu.memory_space<hbm>> -> memref<512xf32, #tpu.memory_space<hbm>>
    %dma_wait3A_90 = arith.constant 0 : i32
    %dma_wait3A_91 = tpu.memref_slice %arg11[%dma_wait3A_83, %dma_wait3A_90] : memref<12x512xf32, #tpu.memory_space<vmem>> -> memref<1x512xf32, #tpu.memory_space<vmem>>
    %dma_wait3A_92 = tpu.memref_squeeze %dma_wait3A_91 : memref<1x512xf32, #tpu.memory_space<vmem>> -> memref<512xf32, #tpu.memory_space<vmem>>
    %dma_wait3A_93 = arith.constant 0 : i32
    %dma_wait3A_94 = tpu.memref_slice %arg6[%dma_wait3A_82, %dma_wait3A_93] : memref<24576x512xf32, #tpu.memory_space<hbm>> -> memref<1x512xf32, #tpu.memory_space<hbm>>
    %dma_wait3A_95 = tpu.memref_squeeze %dma_wait3A_94 : memref<1x512xf32, #tpu.memory_space<hbm>> -> memref<512xf32, #tpu.memory_space<hbm>>
    tpu.wait_dma2 semaphore(%arg17 : memref<!tpu.dma_semaphore, #tpu.memory_space<semaphore_mem>>) src(%dma_wait3A_95 : memref<512xf32, #tpu.memory_space<hbm>>) dst(%dma_wait3A_92 : memref<512xf32, #tpu.memory_space<vmem>>)
    %dma_wait3A_96 = arith.constant 0 : i32
    %dma_wait3A_97 = arith.constant 4 : i32
    %dma_wait3A_98 = arith.constant 0 : i32
    %dma_wait3A_99 = tpu.memref_slice %arg11[%dma_wait3A_97, %dma_wait3A_98] : memref<12x512xf32, #tpu.memory_space<vmem>> -> memref<1x512xf32, #tpu.memory_space<vmem>>
    %dma_wait3A_100 = tpu.memref_squeeze %dma_wait3A_99 : memref<1x512xf32, #tpu.memory_space<vmem>> -> memref<512xf32, #tpu.memory_space<vmem>>
    %dma_wait3A_101 = arith.constant 0 : i32
    %dma_wait3A_102 = tpu.memref_slice %arg6[%dma_wait3A_96, %dma_wait3A_101] : memref<24576x512xf32, #tpu.memory_space<hbm>> -> memref<1x512xf32, #tpu.memory_space<hbm>>
    %dma_wait3A_103 = tpu.memref_squeeze %dma_wait3A_102 : memref<1x512xf32, #tpu.memory_space<hbm>> -> memref<512xf32, #tpu.memory_space<hbm>>
    %dma_wait3A_104 = arith.constant 0 : i32
    %dma_wait3A_105 = tpu.memref_slice %arg11[%dma_wait3A_97, %dma_wait3A_104] : memref<12x512xf32, #tpu.memory_space<vmem>> -> memref<1x512xf32, #tpu.memory_space<vmem>>
    %dma_wait3A_106 = tpu.memref_squeeze %dma_wait3A_105 : memref<1x512xf32, #tpu.memory_space<vmem>> -> memref<512xf32, #tpu.memory_space<vmem>>
    %dma_wait3A_107 = arith.constant 0 : i32
    %dma_wait3A_108 = tpu.memref_slice %arg6[%dma_wait3A_96, %dma_wait3A_107] : memref<24576x512xf32, #tpu.memory_space<hbm>> -> memref<1x512xf32, #tpu.memory_space<hbm>>
    %dma_wait3A_109 = tpu.memref_squeeze %dma_wait3A_108 : memref<1x512xf32, #tpu.memory_space<hbm>> -> memref<512xf32, #tpu.memory_space<hbm>>
    tpu.wait_dma2 semaphore(%arg17 : memref<!tpu.dma_semaphore, #tpu.memory_space<semaphore_mem>>) src(%dma_wait3A_109 : memref<512xf32, #tpu.memory_space<hbm>>) dst(%dma_wait3A_106 : memref<512xf32, #tpu.memory_space<vmem>>)
    %dma_wait3A_110 = arith.constant 0 : i32
    %dma_wait3A_111 = arith.constant 5 : i32
    %dma_wait3A_112 = arith.constant 0 : i32
    %dma_wait3A_113 = tpu.memref_slice %arg11[%dma_wait3A_111, %dma_wait3A_112] : memref<12x512xf32, #tpu.memory_space<vmem>> -> memref<1x512xf32, #tpu.memory_space<vmem>>
    %dma_wait3A_114 = tpu.memref_squeeze %dma_wait3A_113 : memref<1x512xf32, #tpu.memory_space<vmem>> -> memref<512xf32, #tpu.memory_space<vmem>>
    %dma_wait3A_115 = arith.constant 0 : i32
    %dma_wait3A_116 = tpu.memref_slice %arg6[%dma_wait3A_110, %dma_wait3A_115] : memref<24576x512xf32, #tpu.memory_space<hbm>> -> memref<1x512xf32, #tpu.memory_space<hbm>>
    %dma_wait3A_117 = tpu.memref_squeeze %dma_wait3A_116 : memref<1x512xf32, #tpu.memory_space<hbm>> -> memref<512xf32, #tpu.memory_space<hbm>>
    %dma_wait3A_118 = arith.constant 0 : i32
    %dma_wait3A_119 = tpu.memref_slice %arg11[%dma_wait3A_111, %dma_wait3A_118] : memref<12x512xf32, #tpu.memory_space<vmem>> -> memref<1x512xf32, #tpu.memory_space<vmem>>
    %dma_wait3A_120 = tpu.memref_squeeze %dma_wait3A_119 : memref<1x512xf32, #tpu.memory_space<vmem>> -> memref<512xf32, #tpu.memory_space<vmem>>
    %dma_wait3A_121 = arith.constant 0 : i32
    %dma_wait3A_122 = tpu.memref_slice %arg6[%dma_wait3A_110, %dma_wait3A_121] : memref<24576x512xf32, #tpu.memory_space<hbm>> -> memref<1x512xf32, #tpu.memory_space<hbm>>
    %dma_wait3A_123 = tpu.memref_squeeze %dma_wait3A_122 : memref<1x512xf32, #tpu.memory_space<hbm>> -> memref<512xf32, #tpu.memory_space<hbm>>
    tpu.wait_dma2 semaphore(%arg17 : memref<!tpu.dma_semaphore, #tpu.memory_space<semaphore_mem>>) src(%dma_wait3A_123 : memref<512xf32, #tpu.memory_space<hbm>>) dst(%dma_wait3A_120 : memref<512xf32, #tpu.memory_space<vmem>>)
    %dma_wait3A_124 = arith.constant 0 : i32
    %dma_wait3A_125 = arith.constant 6 : i32
    %dma_wait3A_126 = arith.constant 0 : i32
    %dma_wait3A_127 = tpu.memref_slice %arg11[%dma_wait3A_125, %dma_wait3A_126] : memref<12x512xf32, #tpu.memory_space<vmem>> -> memref<1x512xf32, #tpu.memory_space<vmem>>
    %dma_wait3A_128 = tpu.memref_squeeze %dma_wait3A_127 : memref<1x512xf32, #tpu.memory_space<vmem>> -> memref<512xf32, #tpu.memory_space<vmem>>
    %dma_wait3A_129 = arith.constant 0 : i32
    %dma_wait3A_130 = tpu.memref_slice %arg6[%dma_wait3A_124, %dma_wait3A_129] : memref<24576x512xf32, #tpu.memory_space<hbm>> -> memref<1x512xf32, #tpu.memory_space<hbm>>
    %dma_wait3A_131 = tpu.memref_squeeze %dma_wait3A_130 : memref<1x512xf32, #tpu.memory_space<hbm>> -> memref<512xf32, #tpu.memory_space<hbm>>
    %dma_wait3A_132 = arith.constant 0 : i32
    %dma_wait3A_133 = tpu.memref_slice %arg11[%dma_wait3A_125, %dma_wait3A_132] : memref<12x512xf32, #tpu.memory_space<vmem>> -> memref<1x512xf32, #tpu.memory_space<vmem>>
    %dma_wait3A_134 = tpu.memref_squeeze %dma_wait3A_133 : memref<1x512xf32, #tpu.memory_space<vmem>> -> memref<512xf32, #tpu.memory_space<vmem>>
    %dma_wait3A_135 = arith.constant 0 : i32
    %dma_wait3A_136 = tpu.memref_slice %arg6[%dma_wait3A_124, %dma_wait3A_135] : memref<24576x512xf32, #tpu.memory_space<hbm>> -> memref<1x512xf32, #tpu.memory_space<hbm>>
    %dma_wait3A_137 = tpu.memref_squeeze %dma_wait3A_136 : memref<1x512xf32, #tpu.memory_space<hbm>> -> memref<512xf32, #tpu.memory_space<hbm>>
    tpu.wait_dma2 semaphore(%arg17 : memref<!tpu.dma_semaphore, #tpu.memory_space<semaphore_mem>>) src(%dma_wait3A_137 : memref<512xf32, #tpu.memory_space<hbm>>) dst(%dma_wait3A_134 : memref<512xf32, #tpu.memory_space<vmem>>)
    %dma_wait3A_138 = arith.constant 0 : i32
    %dma_wait3A_139 = arith.constant 7 : i32
    %dma_wait3A_140 = arith.constant 0 : i32
    %dma_wait3A_141 = tpu.memref_slice %arg11[%dma_wait3A_139, %dma_wait3A_140] : memref<12x512xf32, #tpu.memory_space<vmem>> -> memref<1x512xf32, #tpu.memory_space<vmem>>
    %dma_wait3A_142 = tpu.memref_squeeze %dma_wait3A_141 : memref<1x512xf32, #tpu.memory_space<vmem>> -> memref<512xf32, #tpu.memory_space<vmem>>
    %dma_wait3A_143 = arith.constant 0 : i32
    %dma_wait3A_144 = tpu.memref_slice %arg6[%dma_wait3A_138, %dma_wait3A_143] : memref<24576x512xf32, #tpu.memory_space<hbm>> -> memref<1x512xf32, #tpu.memory_space<hbm>>
    %dma_wait3A_145 = tpu.memref_squeeze %dma_wait3A_144 : memref<1x512xf32, #tpu.memory_space<hbm>> -> memref<512xf32, #tpu.memory_space<hbm>>
    %dma_wait3A_146 = arith.constant 0 : i32
    %dma_wait3A_147 = tpu.memref_slice %arg11[%dma_wait3A_139, %dma_wait3A_146] : memref<12x512xf32, #tpu.memory_space<vmem>> -> memref<1x512xf32, #tpu.memory_space<vmem>>
    %dma_wait3A_148 = tpu.memref_squeeze %dma_wait3A_147 : memref<1x512xf32, #tpu.memory_space<vmem>> -> memref<512xf32, #tpu.memory_space<vmem>>
    %dma_wait3A_149 = arith.constant 0 : i32
    %dma_wait3A_150 = tpu.memref_slice %arg6[%dma_wait3A_138, %dma_wait3A_149] : memref<24576x512xf32, #tpu.memory_space<hbm>> -> memref<1x512xf32, #tpu.memory_space<hbm>>
    %dma_wait3A_151 = tpu.memref_squeeze %dma_wait3A_150 : memref<1x512xf32, #tpu.memory_space<hbm>> -> memref<512xf32, #tpu.memory_space<hbm>>
    tpu.wait_dma2 semaphore(%arg17 : memref<!tpu.dma_semaphore, #tpu.memory_space<semaphore_mem>>) src(%dma_wait3A_151 : memref<512xf32, #tpu.memory_space<hbm>>) dst(%dma_wait3A_148 : memref<512xf32, #tpu.memory_space<vmem>>)
    %dma_wait3A_152 = arith.constant 0 : i32
    %dma_wait3A_153 = arith.constant 8 : i32
    %dma_wait3A_154 = arith.constant 0 : i32
    %dma_wait3A_155 = tpu.memref_slice %arg11[%dma_wait3A_153, %dma_wait3A_154] : memref<12x512xf32, #tpu.memory_space<vmem>> -> memref<1x512xf32, #tpu.memory_space<vmem>>
    %dma_wait3A_156 = tpu.memref_squeeze %dma_wait3A_155 : memref<1x512xf32, #tpu.memory_space<vmem>> -> memref<512xf32, #tpu.memory_space<vmem>>
    %dma_wait3A_157 = arith.constant 0 : i32
    %dma_wait3A_158 = tpu.memref_slice %arg6[%dma_wait3A_152, %dma_wait3A_157] : memref<24576x512xf32, #tpu.memory_space<hbm>> -> memref<1x512xf32, #tpu.memory_space<hbm>>
    %dma_wait3A_159 = tpu.memref_squeeze %dma_wait3A_158 : memref<1x512xf32, #tpu.memory_space<hbm>> -> memref<512xf32, #tpu.memory_space<hbm>>
    %dma_wait3A_160 = arith.constant 0 : i32
    %dma_wait3A_161 = tpu.memref_slice %arg11[%dma_wait3A_153, %dma_wait3A_160] : memref<12x512xf32, #tpu.memory_space<vmem>> -> memref<1x512xf32, #tpu.memory_space<vmem>>
    %dma_wait3A_162 = tpu.memref_squeeze %dma_wait3A_161 : memref<1x512xf32, #tpu.memory_space<vmem>> -> memref<512xf32, #tpu.memory_space<vmem>>
    %dma_wait3A_163 = arith.constant 0 : i32
    %dma_wait3A_164 = tpu.memref_slice %arg6[%dma_wait3A_152, %dma_wait3A_163] : memref<24576x512xf32, #tpu.memory_space<hbm>> -> memref<1x512xf32, #tpu.memory_space<hbm>>
    %dma_wait3A_165 = tpu.memref_squeeze %dma_wait3A_164 : memref<1x512xf32, #tpu.memory_space<hbm>> -> memref<512xf32, #tpu.memory_space<hbm>>
    tpu.wait_dma2 semaphore(%arg17 : memref<!tpu.dma_semaphore, #tpu.memory_space<semaphore_mem>>) src(%dma_wait3A_165 : memref<512xf32, #tpu.memory_space<hbm>>) dst(%dma_wait3A_162 : memref<512xf32, #tpu.memory_space<vmem>>)
    %dma_wait3A_166 = arith.constant 0 : i32
    %dma_wait3A_167 = arith.constant 9 : i32
    %dma_wait3A_168 = arith.constant 0 : i32
    %dma_wait3A_169 = tpu.memref_slice %arg11[%dma_wait3A_167, %dma_wait3A_168] : memref<12x512xf32, #tpu.memory_space<vmem>> -> memref<1x512xf32, #tpu.memory_space<vmem>>
    %dma_wait3A_170 = tpu.memref_squeeze %dma_wait3A_169 : memref<1x512xf32, #tpu.memory_space<vmem>> -> memref<512xf32, #tpu.memory_space<vmem>>
    %dma_wait3A_171 = arith.constant 0 : i32
    %dma_wait3A_172 = tpu.memref_slice %arg6[%dma_wait3A_166, %dma_wait3A_171] : memref<24576x512xf32, #tpu.memory_space<hbm>> -> memref<1x512xf32, #tpu.memory_space<hbm>>
    %dma_wait3A_173 = tpu.memref_squeeze %dma_wait3A_172 : memref<1x512xf32, #tpu.memory_space<hbm>> -> memref<512xf32, #tpu.memory_space<hbm>>
    %dma_wait3A_174 = arith.constant 0 : i32
    %dma_wait3A_175 = tpu.memref_slice %arg11[%dma_wait3A_167, %dma_wait3A_174] : memref<12x512xf32, #tpu.memory_space<vmem>> -> memref<1x512xf32, #tpu.memory_space<vmem>>
    %dma_wait3A_176 = tpu.memref_squeeze %dma_wait3A_175 : memref<1x512xf32, #tpu.memory_space<vmem>> -> memref<512xf32, #tpu.memory_space<vmem>>
    %dma_wait3A_177 = arith.constant 0 : i32
    %dma_wait3A_178 = tpu.memref_slice %arg6[%dma_wait3A_166, %dma_wait3A_177] : memref<24576x512xf32, #tpu.memory_space<hbm>> -> memref<1x512xf32, #tpu.memory_space<hbm>>
    %dma_wait3A_179 = tpu.memref_squeeze %dma_wait3A_178 : memref<1x512xf32, #tpu.memory_space<hbm>> -> memref<512xf32, #tpu.memory_space<hbm>>
    tpu.wait_dma2 semaphore(%arg17 : memref<!tpu.dma_semaphore, #tpu.memory_space<semaphore_mem>>) src(%dma_wait3A_179 : memref<512xf32, #tpu.memory_space<hbm>>) dst(%dma_wait3A_176 : memref<512xf32, #tpu.memory_space<vmem>>)
    %dma_wait3A_180 = arith.constant 0 : i32
    %dma_wait3A_181 = arith.constant 10 : i32
    %dma_wait3A_182 = arith.constant 0 : i32
    %dma_wait3A_183 = tpu.memref_slice %arg11[%dma_wait3A_181, %dma_wait3A_182] : memref<12x512xf32, #tpu.memory_space<vmem>> -> memref<1x512xf32, #tpu.memory_space<vmem>>
    %dma_wait3A_184 = tpu.memref_squeeze %dma_wait3A_183 : memref<1x512xf32, #tpu.memory_space<vmem>> -> memref<512xf32, #tpu.memory_space<vmem>>
    %dma_wait3A_185 = arith.constant 0 : i32
    %dma_wait3A_186 = tpu.memref_slice %arg6[%dma_wait3A_180, %dma_wait3A_185] : memref<24576x512xf32, #tpu.memory_space<hbm>> -> memref<1x512xf32, #tpu.memory_space<hbm>>
    %dma_wait3A_187 = tpu.memref_squeeze %dma_wait3A_186 : memref<1x512xf32, #tpu.memory_space<hbm>> -> memref<512xf32, #tpu.memory_space<hbm>>
    %dma_wait3A_188 = arith.constant 0 : i32
    %dma_wait3A_189 = tpu.memref_slice %arg11[%dma_wait3A_181, %dma_wait3A_188] : memref<12x512xf32, #tpu.memory_space<vmem>> -> memref<1x512xf32, #tpu.memory_space<vmem>>
    %dma_wait3A_190 = tpu.memref_squeeze %dma_wait3A_189 : memref<1x512xf32, #tpu.memory_space<vmem>> -> memref<512xf32, #tpu.memory_space<vmem>>
    %dma_wait3A_191 = arith.constant 0 : i32
    %dma_wait3A_192 = tpu.memref_slice %arg6[%dma_wait3A_180, %dma_wait3A_191] : memref<24576x512xf32, #tpu.memory_space<hbm>> -> memref<1x512xf32, #tpu.memory_space<hbm>>
    %dma_wait3A_193 = tpu.memref_squeeze %dma_wait3A_192 : memref<1x512xf32, #tpu.memory_space<hbm>> -> memref<512xf32, #tpu.memory_space<hbm>>
    tpu.wait_dma2 semaphore(%arg17 : memref<!tpu.dma_semaphore, #tpu.memory_space<semaphore_mem>>) src(%dma_wait3A_193 : memref<512xf32, #tpu.memory_space<hbm>>) dst(%dma_wait3A_190 : memref<512xf32, #tpu.memory_space<vmem>>)
    %dma_wait3A_194 = arith.constant 0 : i32
    %dma_wait3A_195 = arith.constant 11 : i32
    %dma_wait3A_196 = arith.constant 0 : i32
    %dma_wait3A_197 = tpu.memref_slice %arg11[%dma_wait3A_195, %dma_wait3A_196] : memref<12x512xf32, #tpu.memory_space<vmem>> -> memref<1x512xf32, #tpu.memory_space<vmem>>
    %dma_wait3A_198 = tpu.memref_squeeze %dma_wait3A_197 : memref<1x512xf32, #tpu.memory_space<vmem>> -> memref<512xf32, #tpu.memory_space<vmem>>
    %dma_wait3A_199 = arith.constant 0 : i32
    %dma_wait3A_200 = tpu.memref_slice %arg6[%dma_wait3A_194, %dma_wait3A_199] : memref<24576x512xf32, #tpu.memory_space<hbm>> -> memref<1x512xf32, #tpu.memory_space<hbm>>
    %dma_wait3A_201 = tpu.memref_squeeze %dma_wait3A_200 : memref<1x512xf32, #tpu.memory_space<hbm>> -> memref<512xf32, #tpu.memory_space<hbm>>
    %dma_wait3A_202 = arith.constant 0 : i32
    %dma_wait3A_203 = tpu.memref_slice %arg11[%dma_wait3A_195, %dma_wait3A_202] : memref<12x512xf32, #tpu.memory_space<vmem>> -> memref<1x512xf32, #tpu.memory_space<vmem>>
    %dma_wait3A_204 = tpu.memref_squeeze %dma_wait3A_203 : memref<1x512xf32, #tpu.memory_space<vmem>> -> memref<512xf32, #tpu.memory_space<vmem>>
    %dma_wait3A_205 = arith.constant 0 : i32
    %dma_wait3A_206 = tpu.memref_slice %arg6[%dma_wait3A_194, %dma_wait3A_205] : memref<24576x512xf32, #tpu.memory_space<hbm>> -> memref<1x512xf32, #tpu.memory_space<hbm>>
    %dma_wait3A_207 = tpu.memref_squeeze %dma_wait3A_206 : memref<1x512xf32, #tpu.memory_space<hbm>> -> memref<512xf32, #tpu.memory_space<hbm>>
    tpu.wait_dma2 semaphore(%arg17 : memref<!tpu.dma_semaphore, #tpu.memory_space<semaphore_mem>>) src(%dma_wait3A_207 : memref<512xf32, #tpu.memory_space<hbm>>) dst(%dma_wait3A_204 : memref<512xf32, #tpu.memory_space<vmem>>)
    %dma_wait3A_208 = arith.constant 0 : i32
    %dma_wait3A_209 = arith.constant 0 : i32
    %dma_wait3A_210 = arith.constant 0 : i32
    %dma_wait3A_211 = tpu.memref_slice %arg12[%dma_wait3A_209, %dma_wait3A_210] : memref<12x512xf32, #tpu.memory_space<vmem>> -> memref<1x512xf32, #tpu.memory_space<vmem>>
    %dma_wait3A_212 = tpu.memref_squeeze %dma_wait3A_211 : memref<1x512xf32, #tpu.memory_space<vmem>> -> memref<512xf32, #tpu.memory_space<vmem>>
    %dma_wait3A_213 = arith.constant 0 : i32
    %dma_wait3A_214 = tpu.memref_slice %arg6[%dma_wait3A_208, %dma_wait3A_213] : memref<24576x512xf32, #tpu.memory_space<hbm>> -> memref<1x512xf32, #tpu.memory_space<hbm>>
    %dma_wait3A_215 = tpu.memref_squeeze %dma_wait3A_214 : memref<1x512xf32, #tpu.memory_space<hbm>> -> memref<512xf32, #tpu.memory_space<hbm>>
    %dma_wait3A_216 = arith.constant 0 : i32
    %dma_wait3A_217 = tpu.memref_slice %arg12[%dma_wait3A_209, %dma_wait3A_216] : memref<12x512xf32, #tpu.memory_space<vmem>> -> memref<1x512xf32, #tpu.memory_space<vmem>>
    %dma_wait3A_218 = tpu.memref_squeeze %dma_wait3A_217 : memref<1x512xf32, #tpu.memory_space<vmem>> -> memref<512xf32, #tpu.memory_space<vmem>>
    %dma_wait3A_219 = arith.constant 0 : i32
    %dma_wait3A_220 = tpu.memref_slice %arg6[%dma_wait3A_208, %dma_wait3A_219] : memref<24576x512xf32, #tpu.memory_space<hbm>> -> memref<1x512xf32, #tpu.memory_space<hbm>>
    %dma_wait3A_221 = tpu.memref_squeeze %dma_wait3A_220 : memref<1x512xf32, #tpu.memory_space<hbm>> -> memref<512xf32, #tpu.memory_space<hbm>>
    tpu.wait_dma2 semaphore(%arg18 : memref<!tpu.dma_semaphore, #tpu.memory_space<semaphore_mem>>) src(%dma_wait3A_221 : memref<512xf32, #tpu.memory_space<hbm>>) dst(%dma_wait3A_218 : memref<512xf32, #tpu.memory_space<vmem>>)
    %dma_wait3A_222 = arith.constant 0 : i32
    %dma_wait3A_223 = arith.constant 1 : i32
    %dma_wait3A_224 = arith.constant 0 : i32
    %dma_wait3A_225 = tpu.memref_slice %arg12[%dma_wait3A_223, %dma_wait3A_224] : memref<12x512xf32, #tpu.memory_space<vmem>> -> memref<1x512xf32, #tpu.memory_space<vmem>>
    %dma_wait3A_226 = tpu.memref_squeeze %dma_wait3A_225 : memref<1x512xf32, #tpu.memory_space<vmem>> -> memref<512xf32, #tpu.memory_space<vmem>>
    %dma_wait3A_227 = arith.constant 0 : i32
    %dma_wait3A_228 = tpu.memref_slice %arg6[%dma_wait3A_222, %dma_wait3A_227] : memref<24576x512xf32, #tpu.memory_space<hbm>> -> memref<1x512xf32, #tpu.memory_space<hbm>>
    %dma_wait3A_229 = tpu.memref_squeeze %dma_wait3A_228 : memref<1x512xf32, #tpu.memory_space<hbm>> -> memref<512xf32, #tpu.memory_space<hbm>>
    %dma_wait3A_230 = arith.constant 0 : i32
    %dma_wait3A_231 = tpu.memref_slice %arg12[%dma_wait3A_223, %dma_wait3A_230] : memref<12x512xf32, #tpu.memory_space<vmem>> -> memref<1x512xf32, #tpu.memory_space<vmem>>
    %dma_wait3A_232 = tpu.memref_squeeze %dma_wait3A_231 : memref<1x512xf32, #tpu.memory_space<vmem>> -> memref<512xf32, #tpu.memory_space<vmem>>
    %dma_wait3A_233 = arith.constant 0 : i32
    %dma_wait3A_234 = tpu.memref_slice %arg6[%dma_wait3A_222, %dma_wait3A_233] : memref<24576x512xf32, #tpu.memory_space<hbm>> -> memref<1x512xf32, #tpu.memory_space<hbm>>
    %dma_wait3A_235 = tpu.memref_squeeze %dma_wait3A_234 : memref<1x512xf32, #tpu.memory_space<hbm>> -> memref<512xf32, #tpu.memory_space<hbm>>
    tpu.wait_dma2 semaphore(%arg18 : memref<!tpu.dma_semaphore, #tpu.memory_space<semaphore_mem>>) src(%dma_wait3A_235 : memref<512xf32, #tpu.memory_space<hbm>>) dst(%dma_wait3A_232 : memref<512xf32, #tpu.memory_space<vmem>>)
    %dma_wait3A_236 = arith.constant 0 : i32
    %dma_wait3A_237 = arith.constant 2 : i32
    %dma_wait3A_238 = arith.constant 0 : i32
    %dma_wait3A_239 = tpu.memref_slice %arg12[%dma_wait3A_237, %dma_wait3A_238] : memref<12x512xf32, #tpu.memory_space<vmem>> -> memref<1x512xf32, #tpu.memory_space<vmem>>
    %dma_wait3A_240 = tpu.memref_squeeze %dma_wait3A_239 : memref<1x512xf32, #tpu.memory_space<vmem>> -> memref<512xf32, #tpu.memory_space<vmem>>
    %dma_wait3A_241 = arith.constant 0 : i32
    %dma_wait3A_242 = tpu.memref_slice %arg6[%dma_wait3A_236, %dma_wait3A_241] : memref<24576x512xf32, #tpu.memory_space<hbm>> -> memref<1x512xf32, #tpu.memory_space<hbm>>
    %dma_wait3A_243 = tpu.memref_squeeze %dma_wait3A_242 : memref<1x512xf32, #tpu.memory_space<hbm>> -> memref<512xf32, #tpu.memory_space<hbm>>
    %dma_wait3A_244 = arith.constant 0 : i32
    %dma_wait3A_245 = tpu.memref_slice %arg12[%dma_wait3A_237, %dma_wait3A_244] : memref<12x512xf32, #tpu.memory_space<vmem>> -> memref<1x512xf32, #tpu.memory_space<vmem>>
    %dma_wait3A_246 = tpu.memref_squeeze %dma_wait3A_245 : memref<1x512xf32, #tpu.memory_space<vmem>> -> memref<512xf32, #tpu.memory_space<vmem>>
    %dma_wait3A_247 = arith.constant 0 : i32
    %dma_wait3A_248 = tpu.memref_slice %arg6[%dma_wait3A_236, %dma_wait3A_247] : memref<24576x512xf32, #tpu.memory_space<hbm>> -> memref<1x512xf32, #tpu.memory_space<hbm>>
    %dma_wait3A_249 = tpu.memref_squeeze %dma_wait3A_248 : memref<1x512xf32, #tpu.memory_space<hbm>> -> memref<512xf32, #tpu.memory_space<hbm>>
    tpu.wait_dma2 semaphore(%arg18 : memref<!tpu.dma_semaphore, #tpu.memory_space<semaphore_mem>>) src(%dma_wait3A_249 : memref<512xf32, #tpu.memory_space<hbm>>) dst(%dma_wait3A_246 : memref<512xf32, #tpu.memory_space<vmem>>)
    %dma_wait3A_250 = arith.constant 0 : i32
    %dma_wait3A_251 = arith.constant 3 : i32
    %dma_wait3A_252 = arith.constant 0 : i32
    %dma_wait3A_253 = tpu.memref_slice %arg12[%dma_wait3A_251, %dma_wait3A_252] : memref<12x512xf32, #tpu.memory_space<vmem>> -> memref<1x512xf32, #tpu.memory_space<vmem>>
    %dma_wait3A_254 = tpu.memref_squeeze %dma_wait3A_253 : memref<1x512xf32, #tpu.memory_space<vmem>> -> memref<512xf32, #tpu.memory_space<vmem>>
    %dma_wait3A_255 = arith.constant 0 : i32
    %dma_wait3A_256 = tpu.memref_slice %arg6[%dma_wait3A_250, %dma_wait3A_255] : memref<24576x512xf32, #tpu.memory_space<hbm>> -> memref<1x512xf32, #tpu.memory_space<hbm>>
    %dma_wait3A_257 = tpu.memref_squeeze %dma_wait3A_256 : memref<1x512xf32, #tpu.memory_space<hbm>> -> memref<512xf32, #tpu.memory_space<hbm>>
    %dma_wait3A_258 = arith.constant 0 : i32
    %dma_wait3A_259 = tpu.memref_slice %arg12[%dma_wait3A_251, %dma_wait3A_258] : memref<12x512xf32, #tpu.memory_space<vmem>> -> memref<1x512xf32, #tpu.memory_space<vmem>>
    %dma_wait3A_260 = tpu.memref_squeeze %dma_wait3A_259 : memref<1x512xf32, #tpu.memory_space<vmem>> -> memref<512xf32, #tpu.memory_space<vmem>>
    %dma_wait3A_261 = arith.constant 0 : i32
    %dma_wait3A_262 = tpu.memref_slice %arg6[%dma_wait3A_250, %dma_wait3A_261] : memref<24576x512xf32, #tpu.memory_space<hbm>> -> memref<1x512xf32, #tpu.memory_space<hbm>>
    %dma_wait3A_263 = tpu.memref_squeeze %dma_wait3A_262 : memref<1x512xf32, #tpu.memory_space<hbm>> -> memref<512xf32, #tpu.memory_space<hbm>>
    tpu.wait_dma2 semaphore(%arg18 : memref<!tpu.dma_semaphore, #tpu.memory_space<semaphore_mem>>) src(%dma_wait3A_263 : memref<512xf32, #tpu.memory_space<hbm>>) dst(%dma_wait3A_260 : memref<512xf32, #tpu.memory_space<vmem>>)
    %dma_wait3A_264 = arith.constant 0 : i32
    %dma_wait3A_265 = arith.constant 4 : i32
    %dma_wait3A_266 = arith.constant 0 : i32
    %dma_wait3A_267 = tpu.memref_slice %arg12[%dma_wait3A_265, %dma_wait3A_266] : memref<12x512xf32, #tpu.memory_space<vmem>> -> memref<1x512xf32, #tpu.memory_space<vmem>>
    %dma_wait3A_268 = tpu.memref_squeeze %dma_wait3A_267 : memref<1x512xf32, #tpu.memory_space<vmem>> -> memref<512xf32, #tpu.memory_space<vmem>>
    %dma_wait3A_269 = arith.constant 0 : i32
    %dma_wait3A_270 = tpu.memref_slice %arg6[%dma_wait3A_264, %dma_wait3A_269] : memref<24576x512xf32, #tpu.memory_space<hbm>> -> memref<1x512xf32, #tpu.memory_space<hbm>>
    %dma_wait3A_271 = tpu.memref_squeeze %dma_wait3A_270 : memref<1x512xf32, #tpu.memory_space<hbm>> -> memref<512xf32, #tpu.memory_space<hbm>>
    %dma_wait3A_272 = arith.constant 0 : i32
    %dma_wait3A_273 = tpu.memref_slice %arg12[%dma_wait3A_265, %dma_wait3A_272] : memref<12x512xf32, #tpu.memory_space<vmem>> -> memref<1x512xf32, #tpu.memory_space<vmem>>
    %dma_wait3A_274 = tpu.memref_squeeze %dma_wait3A_273 : memref<1x512xf32, #tpu.memory_space<vmem>> -> memref<512xf32, #tpu.memory_space<vmem>>
    %dma_wait3A_275 = arith.constant 0 : i32
    %dma_wait3A_276 = tpu.memref_slice %arg6[%dma_wait3A_264, %dma_wait3A_275] : memref<24576x512xf32, #tpu.memory_space<hbm>> -> memref<1x512xf32, #tpu.memory_space<hbm>>
    %dma_wait3A_277 = tpu.memref_squeeze %dma_wait3A_276 : memref<1x512xf32, #tpu.memory_space<hbm>> -> memref<512xf32, #tpu.memory_space<hbm>>
    tpu.wait_dma2 semaphore(%arg18 : memref<!tpu.dma_semaphore, #tpu.memory_space<semaphore_mem>>) src(%dma_wait3A_277 : memref<512xf32, #tpu.memory_space<hbm>>) dst(%dma_wait3A_274 : memref<512xf32, #tpu.memory_space<vmem>>)
    %dma_wait3A_278 = arith.constant 0 : i32
    %dma_wait3A_279 = arith.constant 5 : i32
    %dma_wait3A_280 = arith.constant 0 : i32
    %dma_wait3A_281 = tpu.memref_slice %arg12[%dma_wait3A_279, %dma_wait3A_280] : memref<12x512xf32, #tpu.memory_space<vmem>> -> memref<1x512xf32, #tpu.memory_space<vmem>>
    %dma_wait3A_282 = tpu.memref_squeeze %dma_wait3A_281 : memref<1x512xf32, #tpu.memory_space<vmem>> -> memref<512xf32, #tpu.memory_space<vmem>>
    %dma_wait3A_283 = arith.constant 0 : i32
    %dma_wait3A_284 = tpu.memref_slice %arg6[%dma_wait3A_278, %dma_wait3A_283] : memref<24576x512xf32, #tpu.memory_space<hbm>> -> memref<1x512xf32, #tpu.memory_space<hbm>>
    %dma_wait3A_285 = tpu.memref_squeeze %dma_wait3A_284 : memref<1x512xf32, #tpu.memory_space<hbm>> -> memref<512xf32, #tpu.memory_space<hbm>>
    %dma_wait3A_286 = arith.constant 0 : i32
    %dma_wait3A_287 = tpu.memref_slice %arg12[%dma_wait3A_279, %dma_wait3A_286] : memref<12x512xf32, #tpu.memory_space<vmem>> -> memref<1x512xf32, #tpu.memory_space<vmem>>
    %dma_wait3A_288 = tpu.memref_squeeze %dma_wait3A_287 : memref<1x512xf32, #tpu.memory_space<vmem>> -> memref<512xf32, #tpu.memory_space<vmem>>
    %dma_wait3A_289 = arith.constant 0 : i32
    %dma_wait3A_290 = tpu.memref_slice %arg6[%dma_wait3A_278, %dma_wait3A_289] : memref<24576x512xf32, #tpu.memory_space<hbm>> -> memref<1x512xf32, #tpu.memory_space<hbm>>
    %dma_wait3A_291 = tpu.memref_squeeze %dma_wait3A_290 : memref<1x512xf32, #tpu.memory_space<hbm>> -> memref<512xf32, #tpu.memory_space<hbm>>
    tpu.wait_dma2 semaphore(%arg18 : memref<!tpu.dma_semaphore, #tpu.memory_space<semaphore_mem>>) src(%dma_wait3A_291 : memref<512xf32, #tpu.memory_space<hbm>>) dst(%dma_wait3A_288 : memref<512xf32, #tpu.memory_space<vmem>>)
    %dma_wait3A_292 = arith.constant 0 : i32
    %dma_wait3A_293 = arith.constant 6 : i32
    %dma_wait3A_294 = arith.constant 0 : i32
    %dma_wait3A_295 = tpu.memref_slice %arg12[%dma_wait3A_293, %dma_wait3A_294] : memref<12x512xf32, #tpu.memory_space<vmem>> -> memref<1x512xf32, #tpu.memory_space<vmem>>
    %dma_wait3A_296 = tpu.memref_squeeze %dma_wait3A_295 : memref<1x512xf32, #tpu.memory_space<vmem>> -> memref<512xf32, #tpu.memory_space<vmem>>
    %dma_wait3A_297 = arith.constant 0 : i32
    %dma_wait3A_298 = tpu.memref_slice %arg6[%dma_wait3A_292, %dma_wait3A_297] : memref<24576x512xf32, #tpu.memory_space<hbm>> -> memref<1x512xf32, #tpu.memory_space<hbm>>
    %dma_wait3A_299 = tpu.memref_squeeze %dma_wait3A_298 : memref<1x512xf32, #tpu.memory_space<hbm>> -> memref<512xf32, #tpu.memory_space<hbm>>
    %dma_wait3A_300 = arith.constant 0 : i32
    %dma_wait3A_301 = tpu.memref_slice %arg12[%dma_wait3A_293, %dma_wait3A_300] : memref<12x512xf32, #tpu.memory_space<vmem>> -> memref<1x512xf32, #tpu.memory_space<vmem>>
    %dma_wait3A_302 = tpu.memref_squeeze %dma_wait3A_301 : memref<1x512xf32, #tpu.memory_space<vmem>> -> memref<512xf32, #tpu.memory_space<vmem>>
    %dma_wait3A_303 = arith.constant 0 : i32
    %dma_wait3A_304 = tpu.memref_slice %arg6[%dma_wait3A_292, %dma_wait3A_303] : memref<24576x512xf32, #tpu.memory_space<hbm>> -> memref<1x512xf32, #tpu.memory_space<hbm>>
    %dma_wait3A_305 = tpu.memref_squeeze %dma_wait3A_304 : memref<1x512xf32, #tpu.memory_space<hbm>> -> memref<512xf32, #tpu.memory_space<hbm>>
    tpu.wait_dma2 semaphore(%arg18 : memref<!tpu.dma_semaphore, #tpu.memory_space<semaphore_mem>>) src(%dma_wait3A_305 : memref<512xf32, #tpu.memory_space<hbm>>) dst(%dma_wait3A_302 : memref<512xf32, #tpu.memory_space<vmem>>)
    %dma_wait3A_306 = arith.constant 0 : i32
    %dma_wait3A_307 = arith.constant 7 : i32
    %dma_wait3A_308 = arith.constant 0 : i32
    %dma_wait3A_309 = tpu.memref_slice %arg12[%dma_wait3A_307, %dma_wait3A_308] : memref<12x512xf32, #tpu.memory_space<vmem>> -> memref<1x512xf32, #tpu.memory_space<vmem>>
    %dma_wait3A_310 = tpu.memref_squeeze %dma_wait3A_309 : memref<1x512xf32, #tpu.memory_space<vmem>> -> memref<512xf32, #tpu.memory_space<vmem>>
    %dma_wait3A_311 = arith.constant 0 : i32
    %dma_wait3A_312 = tpu.memref_slice %arg6[%dma_wait3A_306, %dma_wait3A_311] : memref<24576x512xf32, #tpu.memory_space<hbm>> -> memref<1x512xf32, #tpu.memory_space<hbm>>
    %dma_wait3A_313 = tpu.memref_squeeze %dma_wait3A_312 : memref<1x512xf32, #tpu.memory_space<hbm>> -> memref<512xf32, #tpu.memory_space<hbm>>
    %dma_wait3A_314 = arith.constant 0 : i32
    %dma_wait3A_315 = tpu.memref_slice %arg12[%dma_wait3A_307, %dma_wait3A_314] : memref<12x512xf32, #tpu.memory_space<vmem>> -> memref<1x512xf32, #tpu.memory_space<vmem>>
    %dma_wait3A_316 = tpu.memref_squeeze %dma_wait3A_315 : memref<1x512xf32, #tpu.memory_space<vmem>> -> memref<512xf32, #tpu.memory_space<vmem>>
    %dma_wait3A_317 = arith.constant 0 : i32
    %dma_wait3A_318 = tpu.memref_slice %arg6[%dma_wait3A_306, %dma_wait3A_317] : memref<24576x512xf32, #tpu.memory_space<hbm>> -> memref<1x512xf32, #tpu.memory_space<hbm>>
    %dma_wait3A_319 = tpu.memref_squeeze %dma_wait3A_318 : memref<1x512xf32, #tpu.memory_space<hbm>> -> memref<512xf32, #tpu.memory_space<hbm>>
    tpu.wait_dma2 semaphore(%arg18 : memref<!tpu.dma_semaphore, #tpu.memory_space<semaphore_mem>>) src(%dma_wait3A_319 : memref<512xf32, #tpu.memory_space<hbm>>) dst(%dma_wait3A_316 : memref<512xf32, #tpu.memory_space<vmem>>)
    %dma_wait3A_320 = arith.constant 0 : i32
    %dma_wait3A_321 = arith.constant 8 : i32
    %dma_wait3A_322 = arith.constant 0 : i32
    %dma_wait3A_323 = tpu.memref_slice %arg12[%dma_wait3A_321, %dma_wait3A_322] : memref<12x512xf32, #tpu.memory_space<vmem>> -> memref<1x512xf32, #tpu.memory_space<vmem>>
    %dma_wait3A_324 = tpu.memref_squeeze %dma_wait3A_323 : memref<1x512xf32, #tpu.memory_space<vmem>> -> memref<512xf32, #tpu.memory_space<vmem>>
    %dma_wait3A_325 = arith.constant 0 : i32
    %dma_wait3A_326 = tpu.memref_slice %arg6[%dma_wait3A_320, %dma_wait3A_325] : memref<24576x512xf32, #tpu.memory_space<hbm>> -> memref<1x512xf32, #tpu.memory_space<hbm>>
    %dma_wait3A_327 = tpu.memref_squeeze %dma_wait3A_326 : memref<1x512xf32, #tpu.memory_space<hbm>> -> memref<512xf32, #tpu.memory_space<hbm>>
    %dma_wait3A_328 = arith.constant 0 : i32
    %dma_wait3A_329 = tpu.memref_slice %arg12[%dma_wait3A_321, %dma_wait3A_328] : memref<12x512xf32, #tpu.memory_space<vmem>> -> memref<1x512xf32, #tpu.memory_space<vmem>>
    %dma_wait3A_330 = tpu.memref_squeeze %dma_wait3A_329 : memref<1x512xf32, #tpu.memory_space<vmem>> -> memref<512xf32, #tpu.memory_space<vmem>>
    %dma_wait3A_331 = arith.constant 0 : i32
    %dma_wait3A_332 = tpu.memref_slice %arg6[%dma_wait3A_320, %dma_wait3A_331] : memref<24576x512xf32, #tpu.memory_space<hbm>> -> memref<1x512xf32, #tpu.memory_space<hbm>>
    %dma_wait3A_333 = tpu.memref_squeeze %dma_wait3A_332 : memref<1x512xf32, #tpu.memory_space<hbm>> -> memref<512xf32, #tpu.memory_space<hbm>>
    tpu.wait_dma2 semaphore(%arg18 : memref<!tpu.dma_semaphore, #tpu.memory_space<semaphore_mem>>) src(%dma_wait3A_333 : memref<512xf32, #tpu.memory_space<hbm>>) dst(%dma_wait3A_330 : memref<512xf32, #tpu.memory_space<vmem>>)
    %dma_wait3A_334 = arith.constant 0 : i32
    %dma_wait3A_335 = arith.constant 9 : i32
    %dma_wait3A_336 = arith.constant 0 : i32
    %dma_wait3A_337 = tpu.memref_slice %arg12[%dma_wait3A_335, %dma_wait3A_336] : memref<12x512xf32, #tpu.memory_space<vmem>> -> memref<1x512xf32, #tpu.memory_space<vmem>>
    %dma_wait3A_338 = tpu.memref_squeeze %dma_wait3A_337 : memref<1x512xf32, #tpu.memory_space<vmem>> -> memref<512xf32, #tpu.memory_space<vmem>>
    %dma_wait3A_339 = arith.constant 0 : i32
    %dma_wait3A_340 = tpu.memref_slice %arg6[%dma_wait3A_334, %dma_wait3A_339] : memref<24576x512xf32, #tpu.memory_space<hbm>> -> memref<1x512xf32, #tpu.memory_space<hbm>>
    %dma_wait3A_341 = tpu.memref_squeeze %dma_wait3A_340 : memref<1x512xf32, #tpu.memory_space<hbm>> -> memref<512xf32, #tpu.memory_space<hbm>>
    %dma_wait3A_342 = arith.constant 0 : i32
    %dma_wait3A_343 = tpu.memref_slice %arg12[%dma_wait3A_335, %dma_wait3A_342] : memref<12x512xf32, #tpu.memory_space<vmem>> -> memref<1x512xf32, #tpu.memory_space<vmem>>
    %dma_wait3A_344 = tpu.memref_squeeze %dma_wait3A_343 : memref<1x512xf32, #tpu.memory_space<vmem>> -> memref<512xf32, #tpu.memory_space<vmem>>
    %dma_wait3A_345 = arith.constant 0 : i32
    %dma_wait3A_346 = tpu.memref_slice %arg6[%dma_wait3A_334, %dma_wait3A_345] : memref<24576x512xf32, #tpu.memory_space<hbm>> -> memref<1x512xf32, #tpu.memory_space<hbm>>
    %dma_wait3A_347 = tpu.memref_squeeze %dma_wait3A_346 : memref<1x512xf32, #tpu.memory_space<hbm>> -> memref<512xf32, #tpu.memory_space<hbm>>
    tpu.wait_dma2 semaphore(%arg18 : memref<!tpu.dma_semaphore, #tpu.memory_space<semaphore_mem>>) src(%dma_wait3A_347 : memref<512xf32, #tpu.memory_space<hbm>>) dst(%dma_wait3A_344 : memref<512xf32, #tpu.memory_space<vmem>>)
    %dma_wait3A_348 = arith.constant 0 : i32
    %dma_wait3A_349 = arith.constant 10 : i32
    %dma_wait3A_350 = arith.constant 0 : i32
    %dma_wait3A_351 = tpu.memref_slice %arg12[%dma_wait3A_349, %dma_wait3A_350] : memref<12x512xf32, #tpu.memory_space<vmem>> -> memref<1x512xf32, #tpu.memory_space<vmem>>
    %dma_wait3A_352 = tpu.memref_squeeze %dma_wait3A_351 : memref<1x512xf32, #tpu.memory_space<vmem>> -> memref<512xf32, #tpu.memory_space<vmem>>
    %dma_wait3A_353 = arith.constant 0 : i32
    %dma_wait3A_354 = tpu.memref_slice %arg6[%dma_wait3A_348, %dma_wait3A_353] : memref<24576x512xf32, #tpu.memory_space<hbm>> -> memref<1x512xf32, #tpu.memory_space<hbm>>
    %dma_wait3A_355 = tpu.memref_squeeze %dma_wait3A_354 : memref<1x512xf32, #tpu.memory_space<hbm>> -> memref<512xf32, #tpu.memory_space<hbm>>
    %dma_wait3A_356 = arith.constant 0 : i32
    %dma_wait3A_357 = tpu.memref_slice %arg12[%dma_wait3A_349, %dma_wait3A_356] : memref<12x512xf32, #tpu.memory_space<vmem>> -> memref<1x512xf32, #tpu.memory_space<vmem>>
    %dma_wait3A_358 = tpu.memref_squeeze %dma_wait3A_357 : memref<1x512xf32, #tpu.memory_space<vmem>> -> memref<512xf32, #tpu.memory_space<vmem>>
    %dma_wait3A_359 = arith.constant 0 : i32
    %dma_wait3A_360 = tpu.memref_slice %arg6[%dma_wait3A_348, %dma_wait3A_359] : memref<24576x512xf32, #tpu.memory_space<hbm>> -> memref<1x512xf32, #tpu.memory_space<hbm>>
    %dma_wait3A_361 = tpu.memref_squeeze %dma_wait3A_360 : memref<1x512xf32, #tpu.memory_space<hbm>> -> memref<512xf32, #tpu.memory_space<hbm>>
    tpu.wait_dma2 semaphore(%arg18 : memref<!tpu.dma_semaphore, #tpu.memory_space<semaphore_mem>>) src(%dma_wait3A_361 : memref<512xf32, #tpu.memory_space<hbm>>) dst(%dma_wait3A_358 : memref<512xf32, #tpu.memory_space<vmem>>)
    %dma_wait3A_362 = arith.constant 0 : i32
    %dma_wait3A_363 = arith.constant 11 : i32
    %dma_wait3A_364 = arith.constant 0 : i32
    %dma_wait3A_365 = tpu.memref_slice %arg12[%dma_wait3A_363, %dma_wait3A_364] : memref<12x512xf32, #tpu.memory_space<vmem>> -> memref<1x512xf32, #tpu.memory_space<vmem>>
    %dma_wait3A_366 = tpu.memref_squeeze %dma_wait3A_365 : memref<1x512xf32, #tpu.memory_space<vmem>> -> memref<512xf32, #tpu.memory_space<vmem>>
    %dma_wait3A_367 = arith.constant 0 : i32
    %dma_wait3A_368 = tpu.memref_slice %arg6[%dma_wait3A_362, %dma_wait3A_367] : memref<24576x512xf32, #tpu.memory_space<hbm>> -> memref<1x512xf32, #tpu.memory_space<hbm>>
    %dma_wait3A_369 = tpu.memref_squeeze %dma_wait3A_368 : memref<1x512xf32, #tpu.memory_space<hbm>> -> memref<512xf32, #tpu.memory_space<hbm>>
    %dma_wait3A_370 = arith.constant 0 : i32
    %dma_wait3A_371 = tpu.memref_slice %arg12[%dma_wait3A_363, %dma_wait3A_370] : memref<12x512xf32, #tpu.memory_space<vmem>> -> memref<1x512xf32, #tpu.memory_space<vmem>>
    %dma_wait3A_372 = tpu.memref_squeeze %dma_wait3A_371 : memref<1x512xf32, #tpu.memory_space<vmem>> -> memref<512xf32, #tpu.memory_space<vmem>>
    %dma_wait3A_373 = arith.constant 0 : i32
    %dma_wait3A_374 = tpu.memref_slice %arg6[%dma_wait3A_362, %dma_wait3A_373] : memref<24576x512xf32, #tpu.memory_space<hbm>> -> memref<1x512xf32, #tpu.memory_space<hbm>>
    %dma_wait3A_375 = tpu.memref_squeeze %dma_wait3A_374 : memref<1x512xf32, #tpu.memory_space<hbm>> -> memref<512xf32, #tpu.memory_space<hbm>>
    tpu.wait_dma2 semaphore(%arg18 : memref<!tpu.dma_semaphore, #tpu.memory_space<semaphore_mem>>) src(%dma_wait3A_375 : memref<512xf32, #tpu.memory_space<hbm>>) dst(%dma_wait3A_372 : memref<512xf32, #tpu.memory_space<vmem>>)
    return
  }
}

module attributes {stable_mosaic.version = 14 : i64} {
  func.func @_ax_matmul_kernel(%arg0: i32, %arg1: memref<512x16xf32, #tpu.memory_space<vmem>>, %arg2: memref<1x16x1536xf32, #tpu.memory_space<vmem>>, %arg3: memref<1x512x768xi32, #tpu.memory_space<vmem>>) attributes {dimension_semantics = [#tpu.dimension_semantics<arbitrary>], iteration_bounds = array<i64: 4>, scalar_prefetch = 0 : i64, scratch_operands = 0 : i64, tpu.core_type = #tpu.core_type<tc>, window_params = [{pipeline_mode = #tpu.pipeline_mode<synchronous>, transform_indices = @transform_0, window_bounds = array<i64: 512, 16>}, {transform_indices = @transform_1, window_bounds = array<i64: 1, 16, 1536>}, {transform_indices = @transform_2, window_bounds = array<i64: 1, 512, 768>}]} {
    %get3A = arith.constant 0 : index
    %get3A_0 = arith.constant 0 : index
    %get3A_1 = vector.load %arg1[%get3A, %get3A_0] : memref<512x16xf32, #tpu.memory_space<vmem>>, vector<512x16xf32>
    %get3A_2 = arith.constant 0 : index
    %get3A_3 = arith.constant 0 : index
    %get3A_4 = arith.constant 0 : index
    %get3A_5 = vector.load %arg2[%get3A_2, %get3A_3, %get3A_4] : memref<1x16x1536xf32, #tpu.memory_space<vmem>>, vector<1x16x1536xf32>
    %get3A_6 = vector.shape_cast %get3A_5 : vector<1x16x1536xf32> to vector<16x1536xf32>
    %dot_general3A = arith.constant dense<0.000000e+00> : vector<512x1536xf32>
    %dot_general3A_7 = tpu.matmul %get3A_1, %get3A_6, %dot_general3A {dimension_numbers = #tpu.dot_dimension_numbers<[1], [0], [0], [1], [0, 0, 1, 1], [], []>, transpose_lhs_hint = false} : vector<512x16xf32>, vector<16x1536xf32>, vector<512x1536xf32> -> vector<512x1536xf32>
    %slice3A = vector.extract_strided_slice %dot_general3A_7 {offsets = [0, 0], sizes = [512, 128], strides = [1, 1]} : vector<512x1536xf32> to vector<512x128xf32>
    %slice3A_8 = vector.extract_strided_slice %dot_general3A_7 {offsets = [0, 128], sizes = [512, 128], strides = [1, 1]} : vector<512x1536xf32> to vector<512x128xf32>
    %convert_element_type3A = arith.truncf %slice3A : vector<512x128xf32> to vector<512x128xbf16>
    %bitcast_convert_type3A = tpu.bitcast %convert_element_type3A : vector<512x128xbf16> -> vector<512x128xi16>
    %convert_element_type3A_9 = arith.extui %bitcast_convert_type3A : vector<512x128xi16> to vector<512x128xi32>
    %convert_element_type3A_10 = arith.truncf %slice3A_8 : vector<512x128xf32> to vector<512x128xbf16>
    %bitcast_convert_type3A_11 = tpu.bitcast %convert_element_type3A_10 : vector<512x128xbf16> -> vector<512x128xi16>
    %convert_element_type3A_12 = arith.extui %bitcast_convert_type3A_11 : vector<512x128xi16> to vector<512x128xi32>
    %shift_left3A = arith.constant 16 : i32
    %shift_left3A_13 = vector.broadcast %shift_left3A : i32 to vector<512x128xi32>
    %shift_left3A_14 = arith.shli %convert_element_type3A_12, %shift_left3A_13 : vector<512x128xi32>
    %or3A = arith.ori %convert_element_type3A_9, %shift_left3A_14 : vector<512x128xi32>
    %bitcast_convert_type3A_15 = tpu.bitcast %or3A : vector<512x128xi32> -> vector<512x128xi32>
    %swap3A = arith.constant 0 : index
    %swap3A_16 = arith.constant 0 : index
    %swap3A_17 = arith.constant 0 : index
    %swap3A_18 = vector.load %arg3[%swap3A, %swap3A_16, %swap3A_17] : memref<1x512x768xi32, #tpu.memory_space<vmem>>, vector<1x512x128xi32>
    %swap3A_19 = vector.shape_cast %swap3A_18 : vector<1x512x128xi32> to vector<512x128xi32>
    %swap3A_20 = vector.shape_cast %bitcast_convert_type3A_15 : vector<512x128xi32> to vector<1x512x128xi32>
    tpu.vector_store %arg3[%swap3A, %swap3A_16, %swap3A_17], %swap3A_20 {strides = array<i32>} : memref<1x512x768xi32, #tpu.memory_space<vmem>>, vector<1x512x128xi32>,
    %slice3A_21 = vector.extract_strided_slice %dot_general3A_7 {offsets = [0, 256], sizes = [512, 128], strides = [1, 1]} : vector<512x1536xf32> to vector<512x128xf32>
    %slice3A_22 = vector.extract_strided_slice %dot_general3A_7 {offsets = [0, 384], sizes = [512, 128], strides = [1, 1]} : vector<512x1536xf32> to vector<512x128xf32>
    %convert_element_type3A_23 = arith.truncf %slice3A_21 : vector<512x128xf32> to vector<512x128xbf16>
    %bitcast_convert_type3A_24 = tpu.bitcast %convert_element_type3A_23 : vector<512x128xbf16> -> vector<512x128xi16>
    %convert_element_type3A_25 = arith.extui %bitcast_convert_type3A_24 : vector<512x128xi16> to vector<512x128xi32>
    %convert_element_type3A_26 = arith.truncf %slice3A_22 : vector<512x128xf32> to vector<512x128xbf16>
    %bitcast_convert_type3A_27 = tpu.bitcast %convert_element_type3A_26 : vector<512x128xbf16> -> vector<512x128xi16>
    %convert_element_type3A_28 = arith.extui %bitcast_convert_type3A_27 : vector<512x128xi16> to vector<512x128xi32>
    %shift_left3A_29 = arith.constant 16 : i32
    %shift_left3A_30 = vector.broadcast %shift_left3A_29 : i32 to vector<512x128xi32>
    %shift_left3A_31 = arith.shli %convert_element_type3A_28, %shift_left3A_30 : vector<512x128xi32>
    %or3A_32 = arith.ori %convert_element_type3A_25, %shift_left3A_31 : vector<512x128xi32>
    %bitcast_convert_type3A_33 = tpu.bitcast %or3A_32 : vector<512x128xi32> -> vector<512x128xi32>
    %swap3A_34 = arith.constant 0 : index
    %swap3A_35 = arith.constant 0 : index
    %swap3A_36 = arith.constant 128 : index
    %swap3A_37 = vector.load %arg3[%swap3A_34, %swap3A_35, %swap3A_36] : memref<1x512x768xi32, #tpu.memory_space<vmem>>, vector<1x512x128xi32>
    %swap3A_38 = vector.shape_cast %swap3A_37 : vector<1x512x128xi32> to vector<512x128xi32>
    %swap3A_39 = vector.shape_cast %bitcast_convert_type3A_33 : vector<512x128xi32> to vector<1x512x128xi32>
    tpu.vector_store %arg3[%swap3A_34, %swap3A_35, %swap3A_36], %swap3A_39 {strides = array<i32>} : memref<1x512x768xi32, #tpu.memory_space<vmem>>, vector<1x512x128xi32>,
    %slice3A_40 = vector.extract_strided_slice %dot_general3A_7 {offsets = [0, 512], sizes = [512, 128], strides = [1, 1]} : vector<512x1536xf32> to vector<512x128xf32>
    %slice3A_41 = vector.extract_strided_slice %dot_general3A_7 {offsets = [0, 640], sizes = [512, 128], strides = [1, 1]} : vector<512x1536xf32> to vector<512x128xf32>
    %convert_element_type3A_42 = arith.truncf %slice3A_40 : vector<512x128xf32> to vector<512x128xbf16>
    %bitcast_convert_type3A_43 = tpu.bitcast %convert_element_type3A_42 : vector<512x128xbf16> -> vector<512x128xi16>
    %convert_element_type3A_44 = arith.extui %bitcast_convert_type3A_43 : vector<512x128xi16> to vector<512x128xi32>
    %convert_element_type3A_45 = arith.truncf %slice3A_41 : vector<512x128xf32> to vector<512x128xbf16>
    %bitcast_convert_type3A_46 = tpu.bitcast %convert_element_type3A_45 : vector<512x128xbf16> -> vector<512x128xi16>
    %convert_element_type3A_47 = arith.extui %bitcast_convert_type3A_46 : vector<512x128xi16> to vector<512x128xi32>
    %shift_left3A_48 = arith.constant 16 : i32
    %shift_left3A_49 = vector.broadcast %shift_left3A_48 : i32 to vector<512x128xi32>
    %shift_left3A_50 = arith.shli %convert_element_type3A_47, %shift_left3A_49 : vector<512x128xi32>
    %or3A_51 = arith.ori %convert_element_type3A_44, %shift_left3A_50 : vector<512x128xi32>
    %bitcast_convert_type3A_52 = tpu.bitcast %or3A_51 : vector<512x128xi32> -> vector<512x128xi32>
    %swap3A_53 = arith.constant 0 : index
    %swap3A_54 = arith.constant 0 : index
    %swap3A_55 = arith.constant 256 : index
    %swap3A_56 = vector.load %arg3[%swap3A_53, %swap3A_54, %swap3A_55] : memref<1x512x768xi32, #tpu.memory_space<vmem>>, vector<1x512x128xi32>
    %swap3A_57 = vector.shape_cast %swap3A_56 : vector<1x512x128xi32> to vector<512x128xi32>
    %swap3A_58 = vector.shape_cast %bitcast_convert_type3A_52 : vector<512x128xi32> to vector<1x512x128xi32>
    tpu.vector_store %arg3[%swap3A_53, %swap3A_54, %swap3A_55], %swap3A_58 {strides = array<i32>} : memref<1x512x768xi32, #tpu.memory_space<vmem>>, vector<1x512x128xi32>,
    %slice3A_59 = vector.extract_strided_slice %dot_general3A_7 {offsets = [0, 768], sizes = [512, 128], strides = [1, 1]} : vector<512x1536xf32> to vector<512x128xf32>
    %slice3A_60 = vector.extract_strided_slice %dot_general3A_7 {offsets = [0, 896], sizes = [512, 128], strides = [1, 1]} : vector<512x1536xf32> to vector<512x128xf32>
    %convert_element_type3A_61 = arith.truncf %slice3A_59 : vector<512x128xf32> to vector<512x128xbf16>
    %bitcast_convert_type3A_62 = tpu.bitcast %convert_element_type3A_61 : vector<512x128xbf16> -> vector<512x128xi16>
    %convert_element_type3A_63 = arith.extui %bitcast_convert_type3A_62 : vector<512x128xi16> to vector<512x128xi32>
    %convert_element_type3A_64 = arith.truncf %slice3A_60 : vector<512x128xf32> to vector<512x128xbf16>
    %bitcast_convert_type3A_65 = tpu.bitcast %convert_element_type3A_64 : vector<512x128xbf16> -> vector<512x128xi16>
    %convert_element_type3A_66 = arith.extui %bitcast_convert_type3A_65 : vector<512x128xi16> to vector<512x128xi32>
    %shift_left3A_67 = arith.constant 16 : i32
    %shift_left3A_68 = vector.broadcast %shift_left3A_67 : i32 to vector<512x128xi32>
    %shift_left3A_69 = arith.shli %convert_element_type3A_66, %shift_left3A_68 : vector<512x128xi32>
    %or3A_70 = arith.ori %convert_element_type3A_63, %shift_left3A_69 : vector<512x128xi32>
    %bitcast_convert_type3A_71 = tpu.bitcast %or3A_70 : vector<512x128xi32> -> vector<512x128xi32>
    %swap3A_72 = arith.constant 0 : index
    %swap3A_73 = arith.constant 0 : index
    %swap3A_74 = arith.constant 384 : index
    %swap3A_75 = vector.load %arg3[%swap3A_72, %swap3A_73, %swap3A_74] : memref<1x512x768xi32, #tpu.memory_space<vmem>>, vector<1x512x128xi32>
    %swap3A_76 = vector.shape_cast %swap3A_75 : vector<1x512x128xi32> to vector<512x128xi32>
    %swap3A_77 = vector.shape_cast %bitcast_convert_type3A_71 : vector<512x128xi32> to vector<1x512x128xi32>
    tpu.vector_store %arg3[%swap3A_72, %swap3A_73, %swap3A_74], %swap3A_77 {strides = array<i32>} : memref<1x512x768xi32, #tpu.memory_space<vmem>>, vector<1x512x128xi32>,
    %slice3A_78 = vector.extract_strided_slice %dot_general3A_7 {offsets = [0, 1024], sizes = [512, 128], strides = [1, 1]} : vector<512x1536xf32> to vector<512x128xf32>
    %slice3A_79 = vector.extract_strided_slice %dot_general3A_7 {offsets = [0, 1152], sizes = [512, 128], strides = [1, 1]} : vector<512x1536xf32> to vector<512x128xf32>
    %convert_element_type3A_80 = arith.truncf %slice3A_78 : vector<512x128xf32> to vector<512x128xbf16>
    %bitcast_convert_type3A_81 = tpu.bitcast %convert_element_type3A_80 : vector<512x128xbf16> -> vector<512x128xi16>
    %convert_element_type3A_82 = arith.extui %bitcast_convert_type3A_81 : vector<512x128xi16> to vector<512x128xi32>
    %convert_element_type3A_83 = arith.truncf %slice3A_79 : vector<512x128xf32> to vector<512x128xbf16>
    %bitcast_convert_type3A_84 = tpu.bitcast %convert_element_type3A_83 : vector<512x128xbf16> -> vector<512x128xi16>
    %convert_element_type3A_85 = arith.extui %bitcast_convert_type3A_84 : vector<512x128xi16> to vector<512x128xi32>
    %shift_left3A_86 = arith.constant 16 : i32
    %shift_left3A_87 = vector.broadcast %shift_left3A_86 : i32 to vector<512x128xi32>
    %shift_left3A_88 = arith.shli %convert_element_type3A_85, %shift_left3A_87 : vector<512x128xi32>
    %or3A_89 = arith.ori %convert_element_type3A_82, %shift_left3A_88 : vector<512x128xi32>
    %bitcast_convert_type3A_90 = tpu.bitcast %or3A_89 : vector<512x128xi32> -> vector<512x128xi32>
    %swap3A_91 = arith.constant 0 : index
    %swap3A_92 = arith.constant 0 : index
    %swap3A_93 = arith.constant 512 : index
    %swap3A_94 = vector.load %arg3[%swap3A_91, %swap3A_92, %swap3A_93] : memref<1x512x768xi32, #tpu.memory_space<vmem>>, vector<1x512x128xi32>
    %swap3A_95 = vector.shape_cast %swap3A_94 : vector<1x512x128xi32> to vector<512x128xi32>
    %swap3A_96 = vector.shape_cast %bitcast_convert_type3A_90 : vector<512x128xi32> to vector<1x512x128xi32>
    tpu.vector_store %arg3[%swap3A_91, %swap3A_92, %swap3A_93], %swap3A_96 {strides = array<i32>} : memref<1x512x768xi32, #tpu.memory_space<vmem>>, vector<1x512x128xi32>,
    %slice3A_97 = vector.extract_strided_slice %dot_general3A_7 {offsets = [0, 1280], sizes = [512, 128], strides = [1, 1]} : vector<512x1536xf32> to vector<512x128xf32>
    %slice3A_98 = vector.extract_strided_slice %dot_general3A_7 {offsets = [0, 1408], sizes = [512, 128], strides = [1, 1]} : vector<512x1536xf32> to vector<512x128xf32>
    %convert_element_type3A_99 = arith.truncf %slice3A_97 : vector<512x128xf32> to vector<512x128xbf16>
    %bitcast_convert_type3A_100 = tpu.bitcast %convert_element_type3A_99 : vector<512x128xbf16> -> vector<512x128xi16>
    %convert_element_type3A_101 = arith.extui %bitcast_convert_type3A_100 : vector<512x128xi16> to vector<512x128xi32>
    %convert_element_type3A_102 = arith.truncf %slice3A_98 : vector<512x128xf32> to vector<512x128xbf16>
    %bitcast_convert_type3A_103 = tpu.bitcast %convert_element_type3A_102 : vector<512x128xbf16> -> vector<512x128xi16>
    %convert_element_type3A_104 = arith.extui %bitcast_convert_type3A_103 : vector<512x128xi16> to vector<512x128xi32>
    %shift_left3A_105 = arith.constant 16 : i32
    %shift_left3A_106 = vector.broadcast %shift_left3A_105 : i32 to vector<512x128xi32>
    %shift_left3A_107 = arith.shli %convert_element_type3A_104, %shift_left3A_106 : vector<512x128xi32>
    %or3A_108 = arith.ori %convert_element_type3A_101, %shift_left3A_107 : vector<512x128xi32>
    %bitcast_convert_type3A_109 = tpu.bitcast %or3A_108 : vector<512x128xi32> -> vector<512x128xi32>
    %swap3A_110 = arith.constant 0 : index
    %swap3A_111 = arith.constant 0 : index
    %swap3A_112 = arith.constant 640 : index
    %swap3A_113 = vector.load %arg3[%swap3A_110, %swap3A_111, %swap3A_112] : memref<1x512x768xi32, #tpu.memory_space<vmem>>, vector<1x512x128xi32>
    %swap3A_114 = vector.shape_cast %swap3A_113 : vector<1x512x128xi32> to vector<512x128xi32>
    %swap3A_115 = vector.shape_cast %bitcast_convert_type3A_109 : vector<512x128xi32> to vector<1x512x128xi32>
    tpu.vector_store %arg3[%swap3A_110, %swap3A_111, %swap3A_112], %swap3A_115 {strides = array<i32>} : memref<1x512x768xi32, #tpu.memory_space<vmem>>, vector<1x512x128xi32>,
    return
  }
  func.func @transform_0(%arg0: i32) -> (i32, i32) {
    %c0_i32 = arith.constant 0 : i32
    %c0_i32_0 = arith.constant 0 : i32
    %c0_i32_1 = arith.constant 0 : i32
    return %c0_i32, %c0_i32_0 : i32, i32
  }
  func.func @transform_1(%arg0: i32) -> (i32, i32, i32) {
    %c0_i32 = arith.constant 0 : i32
    %c0_i32_0 = arith.constant 0 : i32
    %c0_i32_1 = arith.constant 0 : i32
    return %arg0, %c0_i32, %c0_i32_0 : i32, i32, i32
  }
  func.func @transform_2(%arg0: i32) -> (i32, i32, i32) {
    %c0_i32 = arith.constant 0 : i32
    %c0_i32_0 = arith.constant 0 : i32
    %c0_i32_1 = arith.constant 0 : i32
    return %arg0, %c0_i32, %c0_i32_0 : i32, i32, i32
  }
}

</mosaic_0001>

<sc_bundles>
// kernel: kernel.4.cloned.1.call-start
scs
__scs_entry_jumppad:
0x0: {  	(pc) =	sbr.rel $0x88, $3  }
0x1: {  	(tag) =	ssettag $0x0;
	lr =	simm.s32 $0x1  }
0x2: {  	[smem:$0x3F9F] =	sst lr;
	_ =	strace $0xD0000000  }
0x3: {  	_ = 	snop  }
0x4: {  	_ = 	snop  }
0x5: {  	_ = 	snop  }
0x6: {  	_ = 	snop  }
0x7: {  	_ = 	snop  }
__scs_overlays_trampoline_lowered:
0x8: {  	[smem:$0x3FAE] =	sst s0  }
0x9: {  	[smem:$0x3FAF] =	sst s1  }
0xa: {  	[smem:$0x3FB0] =	sst s2  }
0xb: {  	[smem:$0x3FB1] =	sst s3  }
0xc: {  	[smem:$0x3FB2] =	sst s4  }
0xd: {  	[smem:$0x3FB3] =	sst s5  }
0xe: {  	[smem:$0x3FB4] =	sst s6  }
0xf: {  	[smem:$0x3FB5] =	sst s7  }
0x10: {  	[smem:$0x3FB6] =	sst s8  }
0x11: {  	[smem:$0x3FB7] =	sst s9;
	s0 =	simm.s32 @!p0 $0x0  }
0x12: {  	s1 =	sld [smem:$0x3F9D];
	s0 =	simm.s32 @p0 $0x1  }
0x13: {  	[smem:$0x3FB8] =	sst s0;
	s0 =	simm.s32 @!p1 $0x0  }
0x14: {  	s2 =	sld [smem:$0x3F9C];
	s0 =	simm.s32 @p1 $0x1  }
0x15: {  	[smem:$0x3FB9] =	sst s0;
	s0 =	simm.s32 @!p2 $0x0  }
0x16: {  	s3 =	sld [smem:$0x3FDB];
	s0 =	simm.s32 @p2 $0x1  }
0x17: {  	s4 =	simm.s32 $0x1BF5;
	[smem:$0x3FBB] =	sst s0  }
0x18: {  	s0 =	sld [smem:$0x3F9E];
	_ =	swait.ge [sflag:s4], $0x0  }
0x19: {  	s7 =	sld [smem:$0x3F9F]  }
0x1a: {  	s8 =	sadd.s32 $0xFFFFE003, lr  }
0x1b: {  	s9 =	sadd.s32 $0xFFFFFEF7, lr;
	s5 =	simm.s32 $0xFFFFFFFF;
	p2 =	slt.u32 s8, $0xFFFFF086  }
0x1c: {  	p1 =	slt.u32 s9, $0xF7A;
	s5 =	simm.s32 @!p2 $0x0  }
0x1d: {  	s5 =	simm.s32 @p1 $0x1;
	p0 =	seq.s32 s7, s2  }
0x1e: {  	s7 =	smul.u32 @!p0 $0xF7A, s2;
	p2 =	seq.s32 @!p0 s5, $0x0  }
0x1f: {  	s9 =	smul.u32 $0xF7A, s1;
	s8 =	simm.s32 @!p0 $0x1BF5;
	p2 =	por !p2, p0  }
0x20: {  	[sflag:s8] =	ssyncset.s32 @!p0 $0xFFFFF086;
	s6 =	sadd.s32 @!p0 s3, s7;
	s7 =	simm.s32 @!p0 $0x108  }
0x21: {  	s3 =	sadd.s32 s3, s9;
	s6 =	sadd.s32 @!p0 $0x88, s6;
	s7 =	simm.s32 @p2 $0x1082  }
0x22: {  	[simem:s7], [sflag:s8] =	dma.local @!p0 [hbm:s6], $0xF7A  }
0x23: {  	s9 =	sor.u32 $0xD0000000, s2;
	s6 =	simm.s32 $0x108;
	_ =	swait.ge @!p0 [sflag:s8], $0x0  }
0x24: {  	s3 =	sadd.s32 $0x88, s3;
	s6 =	simm.s32 @!p1 $0x1082;
	[sflag:s4] =	ssyncset.s32 $0xFFFFF086  }
0x25: {  	[simem:s6], [sflag:s4] =	dma.local [hbm:s3], $0xF7A  }
0x26: {  	[smem:$0x3F9F] =	sst s1;
	(tag) =	ssettag s2;
	_ =	strace s9  }
0x27: {  	s1 =	sld [smem:$0x3FAF]  }
0x28: {  	s2 =	sld [smem:$0x3FB0]  }
0x29: {  	s4 =	sld [smem:$0x3FB2]  }
0x2a: {  	p0 =	seq.s32 s5, $0x0;
	s5 =	sld [smem:$0x3FB3]  }
0x2b: {  	s6 =	sld [smem:$0x3FB4]  }
0x2c: {  	s7 =	sld [smem:$0x3FB5]  }
0x2d: {  	s3 =	simm.s32 $0x108;
	s8 =	sld [smem:$0x3FB6]  }
0x2e: {  	s3 =	simm.s32 @!p0 $0x1082;
	s9 =	sld [smem:$0x3FB7]  }
0x2f: {  	lr =	sadd.s32 s0, s3;
	s0 =	sld [smem:$0x3FAE]  }
0x30: {  	s3 =	sld [smem:$0x3FB1]  }
0x31: {  	[smem:$0x3FBA] =	sst s10  }
0x32: {  	s10 =	sld [smem:$0x3FB8];
	_ =	sdelay $0x3  }
0x33: {  	p0 =	seq.s32 s10, $0x1;
	s10 =	sld [smem:$0x3FBA];
	_ =	sdelay $0x3  }
0x34: {  	[smem:$0x3FBA] =	sst s10  }
0x35: {  	s10 =	sld [smem:$0x3FB9];
	_ =	sdelay $0x3  }
0x36: {  	p1 =	seq.s32 s10, $0x1;
	s10 =	sld [smem:$0x3FBA];
	_ =	sdelay $0x3  }
0x37: {  	[smem:$0x3FBA] =	sst s10  }
0x38: {  	s10 =	sld [smem:$0x3FBB]  }
0x39: {  	_ = 	snop;
	(pc) =	sbr.ind lr, $3  }
0x3a: {  	_ = 	snop  }
0x3b: {  	_ = 	snop  }
0x3c: {  	p2 =	seq.s32 s10, $0x1;
	s10 =	sld [smem:$0x3FBA]  }
0x3d: {  	_ =	shalt  }
0x3e: {  	_ =	shalt  }
0x3f: {  	_ =	shalt  }
0x40: {  	_ =	shalt  }
0x41: {  	_ =	shalt  }
0x42: {  	_ =	shalt  }
0x43: {  	_ =	shalt  }
0x44: {  	_ =	shalt  }
0x45: {  	_ =	shalt  }
0x46: {  	_ =	shalt  }
0x47: {  	_ =	shalt  }
0x48: {  	_ =	shalt  }
0x49: {  	_ =	shalt  }
0x4a: {  	_ =	shalt  }
0x4b: {  	_ =	shalt  }
0x4c: {  	_ =	shalt  }
0x4d: {  	_ =	shalt  }
0x4e: {  	_ =	shalt  }
0x4f: {  	_ =	shalt  }
0x50: {  	_ =	shalt  }
0x51: {  	_ =	shalt  }
0x52: {  	_ =	shalt  }
0x53: {  	_ =	shalt  }
0x54: {  	_ =	shalt  }
0x55: {  	_ =	shalt  }
0x56: {  	_ =	shalt  }
0x57: {  	_ =	shalt  }
0x58: {  	_ =	shalt  }
0x59: {  	_ =	shalt  }
0x5a: {  	_ =	shalt  }
0x5b: {  	_ =	shalt  }
0x5c: {  	_ =	shalt  }
0x5d: {  	_ =	shalt  }
0x5e: {  	_ =	shalt  }
0x5f: {  	_ =	shalt  }
0x60: {  	_ =	shalt  }
0x61: {  	_ =	shalt  }
0x62: {  	_ =	shalt  }
0x63: {  	_ =	shalt  }
0x64: {  	_ =	shalt  }
0x65: {  	_ =	shalt  }
0x66: {  	_ =	shalt  }
0x67: {  	_ =	shalt  }
0x68: {  	_ =	shalt  }
0x69: {  	_ =	shalt  }
0x6a: {  	_ =	shalt  }
0x6b: {  	_ =	shalt  }
0x6c: {  	_ =	shalt  }
0x6d: {  	_ =	shalt  }
0x6e: {  	_ =	shalt  }
0x6f: {  	_ =	shalt  }
0x70: {  	_ =	shalt  }
0x71: {  	_ =	shalt  }
0x72: {  	_ =	shalt  }
0x73: {  	_ =	shalt  }
0x74: {  	_ =	shalt  }
0x75: {  	_ =	shalt  }
0x76: {  	_ =	shalt  }
0x77: {  	_ =	shalt  }
0x78: {  	_ =	shalt  }
0x79: {  	_ =	shalt  }
0x7a: {  	_ =	shalt  }
0x7b: {  	_ =	shalt  }
0x7c: {  	_ =	shalt  }
0x7d: {  	_ =	shalt  }
0x7e: {  	_ =	shalt  }
0x7f: {  	_ =	shalt  }
0x80: {  	_ =	shalt  }
0x81: {  	_ =	shalt  }
0x82: {  	_ =	shalt  }
0x83: {  	_ =	shalt  }
0x84: {  	_ =	shalt  }
0x85: {  	_ =	shalt  }
0x86: {  	_ =	shalt  }
0x87: {  	_ =	shalt  }
.Lfunc_end0:
.L_simem_size_0:
called_computation_lowered:
.L_overlay_start_0:
0x88: {  	s2 =	sld [smem:$0x3FD9]  }
0x89: {  	s3 =	sld [smem:$0x3FFE];
	_ =	sdelay $0x1  }
0x8a: {  	s1 =	srdreg.scid  }
0x8b: {  	s0 =	sand.u32 $0x1, s1  }
0x8c: {  	s17 =	sshll.u32 s0, $0xA;
	s2 =	sadd.s32 s3, s2  }
0x8d: {  	s2 =	sadd.s32 s2, s17  }
0x8e: {  	[smem:$0x3FC6] =	sst s2  }
0x8f: {  	_ = 	snop  }
0x90: {  	s2 =	sld [smem:$0x3FD0];
	(tm) =	ssettm $0x1  }
0x91: {  	s18 =	sld [smem:$0x3FFB];
	_ =	sdelay $0x3  }
0x92: {  	_ =	strace s18  }
0x93: {  	s3 =	sld [smem:$0x3FFC];
	_ =	sdelay $0x3  }
0x94: {  	_ =	strace s3  }
0x95: {  	s3 =	sld [smem:$0x3FFD];
	_ =	sdelay $0x3  }
0x96: {  	_ =	strace s3  }
0x97: {  	_ =	strace $0x8FFFFFFF  }
0x98: {  	s19 =	sld [smem:$0x3FDB];
	_ =	sdelay $0x1  }
0x99: {  	s4 =	simm.s32 $_scs_section_size  }
0x9a: {  	s5 =	simm.s32 $_size__tile_overlayer_lowered;
	s6 =	simm.s32 $_tile_overlayer_lowered  }
0x9b: {  	s22 =	simm.s32 $0x1BFF;
	s21 =	sshll.u32 s6, $0x1;
	s3 =	sadd.s32 s4, s19  }
0x9c: {  	s7 =	simm.s32 $0x0;
	s20 =	sshll.u32 s5, $0x1;
	s5 =	sadd.s32 s21, s3  }
0x9d: {  	[timem:s7], [sflag:s22] =	dma.local [hbm:s5], s20  }
0x9e: {  	_ =	swait.ge [sflag:s22], s20  }
0x9f: {  	s4 =	ssub.s32 $0x0, s20;
	[sflag:s22] =	ssyncset.done $0x0  }
0xa0: {  	[sflag:s22] =	ssyncadd.s32 s4;
	_ =	sdelay $0x1  }
0xa1: {  	s23 =	simm.s32 $0x1B8B  }
0xa2: {  	_ =	swait.ge [sflag:s23], $0x1  }
0xa3: {  	[sflag:s23] =	ssyncset.done $0x0  }
0xa4: {  	s25 =	simm.s32 $0x1B8E;
	s24 =	sld [smem:$0x3FFE];
	[sflag:s23] =	ssyncadd.s32 $0xFFFFFFFF  }
0xa5: {  	s26 =	simm.s32 $execute0_lowered;
	[smem:$0x3FD2] =	sst s25  }
0xa6: {  	s5 =	sshll.u32 s26, $0x1;
	_ =	strace $0x80000046;
	[dreg:$0x1] =	wrdreg $0xFFFFFFFF  }
0xa7: {  	s28 =	simm.s32 $_size_execute0_lowered;
	s3 =	sadd.s32 s3, s5;
	[dreg:$0x0] =	wrdreg $0x0  }
0xa8: {  	s5 =	sshll.u32 s28, $0x1;
	[dreg:$0x2] =	wrdreg s3  }
0xa9: {  	[dreg:$0x3] =	wrdreg s5  }
0xaa: {  	[dreg:$0x4] =	wrdreg $0xC0  }
0xab: {  	_ =	task [dreg:s7], $0x5FFFF  }
0xac: {  	[dreg:$0x1] =	wrdreg $0xFFFFFFFF  }
0xad: {  	[dreg:$0x0] =	wrdreg $0x60  }
0xae: {  	[dreg:$0x2] =	wrdreg s24  }
0xaf: {  	[dreg:$0x3] =	wrdreg s2  }
0xb0: {  	[dreg:$0x4] =	wrdreg $0x9  }
0xb1: {  	_ =	task.clear_ibuf [dreg:s7], $0x5FFFF;
	_ =	strace $0x90000046  }
0xb2: {  	s29 =	simm.s32 $0x9;
	_ =	strace $0x80000048  }
0xb3: {  	_ =	swait.ge [sflag:s29], $0x1  }
0xb4: {  	[sflag:s29] =	ssyncadd.s32 $0xFFFFFFFF  }
0xb5: {  	_ =	strace $0x90000048  }
0xb6: {  	_ =	sfence  }
0xb7: {  	s30 =	sld [smem:$0x0];
	_ =	sdelay $0x2  }
0xb8: {  	s31 =	sshll.u32 s1, $0xD;
	s1 =	sshrl.u32 s1, $0x2  }
0xb9: {  	s3 =	sand.u32 $0x4000, s31;
	s1 =	sadd.s32 s1, s30  }
0xba: {  	s0 =	sor.u32 s3, s0;
	s1 =	sshll.u32 s1, $0x11  }
0xbb: {  	s0 =	sor.u32 s1, s0  }
0xbc: {  	s0 =	sadd.s32 $0x8F2B, s0  }
0xbd: {  	[sflag:s0] =	ssyncadd.remote.s32 $0x1  }
0xbe: {  	_ =	sfence.sel $0xFFFF  }
0xbf: {  	[dreg:$0x0] =	wrdreg $0xFFFFFFFF;
	(pc) =	sbr.abs _section_cstart, $3  }
0xc0: {  	[dreg:$0x1] =	wrdreg $0xFFFFFFFF  }
0xc1: {  	_ =	task.clear_ibuf [dreg:s7], $0x2FFFF;
	_ =	strace $0x9FFFFFFF  }
0xc2: {  	(tm) =	ssettm $0x7FFFFFFF  }
0xc3: {  	_ =	shalt  }
tec
execute0_lowered:
.L_overlay_start_1:
0x0: {  	(tag) =	ssettag $0x1  }
0x1: {  	s0 =	rddreg [dreg:$0x0]  }
0x2: {  	s5 =	rddreg [dreg:$0x1];
	s23 =	simm.s32 $0x0  }
0x3: {  	[smem:$0x7FF] =	sst s23  }
0x4: {  	s6 =	sadd.s32 $0x21200, s0;
	s7 =	sadd.s32 $0x1200, s0;
	s8 =	sadd.s32 $0xE00, s0  }
0x5: {  	s0 =	sadd.s32 $0x1000, s0;
	_ =	strace $0x80000047;
	[dreg:$0x14] =	wrdreg s8  }
0x6: {  	[dreg:$0x16] =	wrdreg s0  }
0x7: {  	[dreg:$0x12] =	wrdreg s6  }
0x8: {  	s17 =	sadd.s32 $0x8000, s5;
	[dreg:$0x13] =	wrdreg s7  }
0x9: {  	s18 =	sadd.s32 $0x10000, s5;
	[dreg:$0x1a] =	wrdreg s17  }
0xa: {  	s19 =	sadd.s32 $0x18000, s5;
	[dreg:$0x1b] =	wrdreg s18  }
0xb: {  	s1 =	srdreg.scid;
	s20 =	sadd.s32 $0x20000, s5;
	[dreg:$0x1c] =	wrdreg s19  }
0xc: {  	s4 =	stileid.u32;
	s21 =	sadd.s32 $0x28000, s5;
	[dreg:$0x1d] =	wrdreg s20  }
0xd: {  	s28 =	simm.s32 $0x100;
	s22 =	sadd.s32 $0x30000, s5;
	[dreg:$0x1e] =	wrdreg s21  }
0xe: {  	s30 =	simm.s32 $0x180;
	s24 =	sadd.s32 $0x38000, s5;
	[dreg:$0x1f] =	wrdreg s22  }
0xf: {  	s1 =	sand.u32 $0x1, s1;
	s25 =	sadd.s32 $0x40000, s5;
	[smem:$0x7F8] =	sst s24  }
0x10: {  	s2 =	sshll.u32 s4, $0x7;
	s26 =	sadd.s32 $0x48000, s5;
	[smem:$0x7F9] =	sst s25  }
0x11: {  	s11 =	sshrl.u32 s4, $0x2;
	s29 =	sadd.s32 $0x50000, s5;
	[smem:$0x7FA] =	sst s26  }
0x12: {  	s31 =	sadd.s32 $0x58000, s5;
	s5 =	simm.s32 $0x400;
	[smem:$0x7FB] =	sst s29  }
0x13: {  	s3 =	sshll.u32 s1, $0x6;
	s1 =	ssub.s32 $0x2, s1;
	[smem:$0x7FC] =	sst s31  }
0x14: {  	s10 =	sor.u32 s3, s2;
	s2 =	smul.u32 $0x1800, s11;
	s12 =	sshrl.u32 s1, $0x1  }
0x15: {  	s3 =	sshrl.u32 s10, $0x3;
	s0 =	ssub.s32 s1, s12;
	s13 =	sand.u32 $0x1C0, s10  }
0x16: {  	[dreg:$0x15] =	wrdreg s10;
	s14 =	sshll.u32 s10, $0x6;
	s1 =	sor.u32 s2, s13  }
0x17: {  	s3 =	smul.u32 $0x300, s3;
	s16 =	sadd.s32 s7, s14;
	[dreg:$0x17] =	wrdreg s1  }
0x18: {  	s4 =	simm.s32 $0x300;
	s0 =	smax.u32 s0, $0x1;
	[dreg:$0x19] =	wrdreg s16  }
0x19: {  	s25 =	simm.s32 $0x80;
	[smem:$0x7FD] =	sst s0;
	s15 =	sadd.s32 s6, s3  }
0x1a: {  	s7 =	simm.s32 $0x280;
	s2 =	simm.s32 $0x0;
	[dreg:$0x18] =	wrdreg s15  }
.LBB2_1:
0x1b: {  	[smem:$0x7F7] =	sst s2  }
0x1c: {  	s0 =	rddreg [dreg:$0x14];
	s1 =	simm.s32 $0x4A00;
	s21 =	simm.s32 $0x5  }
0x1d: {  	[tilespmem:s1], [sflag:$0x5] =	stream.linear.gather [hbm4b:s0+s23], $0x200, $0x38;
	[tilespmem:$0x4E00] =	vst v63  }
0x1e: {  	_ =	swait.ge [sflag:s21], $0x200  }
0x1f: {  	[sflag:s21] =	ssyncset.done $0x0  }
0x20: {  	s24 =	simm.s32 $0x4C00;
	s22 =	rddreg [dreg:$0x16];
	[sflag:s21] =	ssyncadd.s32 $0xFFFFFE00  }
0x21: {  	[tilespmem:s24], [sflag:$0x5] =	stream.linear.gather [hbm4b:s22+s23], $0x200, $0x38;
	[tilespmem:$0x4E00] =	vst v63  }
0x22: {  	_ =	swait.ge [sflag:s21], $0x200  }
0x23: {  	[sflag:s21] =	ssyncset.done $0x0  }
0x24: {  	s26 =	rddreg [dreg:$0x18];
	[sflag:s21] =	ssyncadd.s32 $0xFFFFFE00  }
0x25: {  	[tilespmem:s23], [sflag:$0x1] =	stream.strided.gather [hbm4b:s26+s25], $0x300, s5, s25, $0x38;
	[tilespmem:$0x4E00] =	vst v63  }
0x26: {  	s31 =	simm.s32 $0x600;
	s19 =	simm.s32 $0x0;
	s29 =	rddreg [dreg:$0x19]  }
0x27: {  	[tilespmem:s31], [sflag:$0x1] =	stream.strided.gather [hbm4b:s29+s25], $0x200, s5, s25, $0x38;
	[tilespmem:$0x4E00] =	vst v63  }
.LBB2_2:
0x28: {  	s1 =	sshll.u32 s19, $0x1;
	s0 =	rddreg [dreg:$0x15]  }
0x29: {  	s0 =	sor.u32 s0, s1  }
0x2a: {  	s3 =	sshll.u32 s19, $0x8;
	s0 =	sshrl.u32 s0, $0x3  }
0x2b: {  	[smem:$0x7F4] =	sst s1;
	s1 =	sand.u32 $0x300, s3;
	s2 =	smul.u32 $0x1800, s0  }
0x2c: {  	s1 =	sor.u32 $0x80, s1  }
0x2d: {  	s0 =	sshll.u32 s0, $0xC;
	s2 =	sor.u32 s1, s2  }
0x2e: {  	s3 =	rddreg [dreg:$0x12];
	s0 =	sor.u32 s1, s0;
	s2 =	sshrl.u32 s2, $0x3  }
0x2f: {  	s6 =	rddreg [dreg:$0x13];
	s0 =	sshrl.u32 s0, $0x3;
	s2 =	sadd.s32 s3, s2  }
0x30: {  	[tilespmem:s4], [sflag:$0x2] =	stream.strided.gather [hbm4b:s2+s25], $0x300, s5, s25, $0x38;
	[tilespmem:$0x4E00] =	vst v63  }
0x31: {  	s8 =	simm.s32 $0x800;
	s9 =	simm.s32 $0x1;
	s0 =	sadd.s32 s6, s0  }
0x32: {  	[tilespmem:s8], [sflag:$0x2] =	stream.strided.gather [hbm4b:s0+s25], $0x200, s5, s25, $0x38;
	[tilespmem:$0x4E00] =	vst v63  }
0x33: {  	_ =	swait.ge [sflag:s9], $0x300  }
0x34: {  	[sflag:s9] =	ssyncset.done $0x0  }
0x35: {  	[sflag:s9] =	ssyncadd.s32 $0xFFFFFD00  }
0x36: {  	_ =	swait.ge [sflag:s9], $0x200  }
0x37: {  	p0 =	seq.s32 s19, $0x0;
	[sflag:s9] =	ssyncset.done $0x0  }
0x38: {  	s0 =	simm.s32 @!p0 $0x3;
	[sflag:s9] =	ssyncadd.s32 $0xFFFFFE00  }
0x39: {  	_ =	swait.ge @!p0 [sflag:s0], $0x200  }
0x3a: {  	[sflag:s0] =	ssyncset.done @!p0 $0x0  }
0x3b: {  	[sflag:s0] =	ssyncadd.s32 @!p0 $0xFFFFFE00  }
0x3c: {  	_ =	swait.ge @!p0 [sflag:s0], $0x200  }
0x3d: {  	[sflag:s0] =	ssyncset.done @!p0 $0x0  }
0x3e: {  	[sflag:s0] =	ssyncadd.s32 @!p0 $0xFFFFFE00  }
0x3f: {  	_ =	swait.ge @!p0 [sflag:s0], $0x200  }
0x40: {  	[sflag:s0] =	ssyncset.done @!p0 $0x0  }
0x41: {  	[sflag:s0] =	ssyncadd.s32 @!p0 $0xFFFFFE00  }
0x42: {  	_ =	swait.ge @!p0 [sflag:s0], $0x200  }
0x43: {  	[sflag:s0] =	ssyncset.done @!p0 $0x0  }
0x44: {  	[sflag:s0] =	ssyncadd.s32 @!p0 $0xFFFFFE00  }
0x45: {  	_ =	swait.ge @!p0 [sflag:s0], $0x200  }
0x46: {  	[sflag:s0] =	ssyncset.done @!p0 $0x0  }
0x47: {  	[sflag:s0] =	ssyncadd.s32 @!p0 $0xFFFFFE00  }
0x48: {  	_ =	swait.ge @!p0 [sflag:s0], $0x200  }
0x49: {  	[sflag:s0] =	ssyncset.done @!p0 $0x0  }
0x4a: {  	[sflag:s0] =	ssyncadd.s32 @!p0 $0xFFFFFE00  }
0x4b: {  	_ =	swait.ge @!p0 [sflag:s0], $0x200  }
0x4c: {  	[sflag:s0] =	ssyncset.done @!p0 $0x0  }
0x4d: {  	[sflag:s0] =	ssyncadd.s32 @!p0 $0xFFFFFE00  }
0x4e: {  	_ =	swait.ge @!p0 [sflag:s0], $0x200  }
0x4f: {  	[sflag:s0] =	ssyncset.done @!p0 $0x0  }
0x50: {  	[sflag:s0] =	ssyncadd.s32 @!p0 $0xFFFFFE00  }
0x51: {  	_ =	swait.ge @!p0 [sflag:s0], $0x200  }
0x52: {  	[sflag:s0] =	ssyncset.done @!p0 $0x0  }
0x53: {  	[sflag:s0] =	ssyncadd.s32 @!p0 $0xFFFFFE00  }
0x54: {  	_ =	swait.ge @!p0 [sflag:s0], $0x200  }
0x55: {  	[sflag:s0] =	ssyncset.done @!p0 $0x0  }
0x56: {  	[sflag:s0] =	ssyncadd.s32 @!p0 $0xFFFFFE00  }
0x57: {  	_ =	swait.ge @!p0 [sflag:s0], $0x200  }
0x58: {  	[sflag:s0] =	ssyncset.done @!p0 $0x0  }
0x59: {  	[sflag:s0] =	ssyncadd.s32 @!p0 $0xFFFFFE00  }
0x5a: {  	_ =	swait.ge @!p0 [sflag:s0], $0x200  }
0x5b: {  	[sflag:s0] =	ssyncset.done @!p0 $0x0  }
0x5c: {  	s10 =	simm.s32 $0x600;
	[sflag:s0] =	ssyncadd.s32 @!p0 $0xFFFFFE00  }
0x5d: {  	v0 =	vld [tilespmem:s10+$0x0];
	_ =	sdelay $0x4  }
0x5e: {  	v0 =	vadd.f32 $1.000000000e+00, v0;
	_ =	sdelay $0x1  }
0x5f: {  	v0 =	vmul.f32 $3.500000000e+00, v0  }
0x60: {  	s11 =	simm.s32 $0x4A00  }
0x61: {  	s12 =	simm.s32 $0x4C00;
	s3 =	simm.s32 $0x0;
	v1 =	vld [tilespmem:s11+$0x0];
	v2 =	vtrunc.f32 v0  }
0x62: {  	v3 =	vld [tilespmem:s12+$0x0];
	s12 =	sand.u32 $0x40, s3;
	v2 =	vcvt.f32.s32 v2  }
0x63: {  	s13 =	sand.u32 $0x180, s3;
	s14 =	sor.u32 $0x30, s12  }
0x64: {  	s4 =	sor.u32 $0x10, s12;
	s15 =	sor.u32 s13, s14;
	vm0 =	vlt.s32 v2, $0x6  }
0x65: {  	s17 =	sor.u32 $0x20, s12;
	s16 =	sor.u32 s13, s4;
	v12 =	vld [tilespmem:s15+$0x600];
	v2 =	vnsel vm0, $0x6, v2  }
0x66: {  	s1 =	sor.u32 s13, s17;
	v25 =	vld [tilespmem:s16+$0x600];
	v1 =	vadd.s32 v1, v2  }
0x67: {  	v26 =	vld [tilespmem:s1+$0x600]  }
0x68: {  	v28 =	vld [tilespmem:s16+$0x4A00]  }
0x69: {  	v30 =	vld [tilespmem:s1+$0x4A00]  }
0x6a: {  	v32 =	vld [tilespmem:s1+$0x4C00]  }
0x6b: {  	v4 =	vld.idx.msk [tilespmem:v1+s23+$0x0], $0xffff  }
0x6c: {  	v5 =	vadd.s32 $0x1, v1;
	v6 =	vld.idx.msk [tilespmem:v1+s25+$0x0], $0xffff  }
0x6d: {  	v7 =	vadd.s32 $0x8, v1;
	v8 =	vld.idx.msk [tilespmem:v1+s28+$0x0], $0xffff  }
0x6e: {  	s29 =	simm.s32 $0x200;
	v9 =	vadd.s32 $0x9, v1;
	v10 =	vld.idx.msk [tilespmem:v1+s30+$0x0], $0xffff  }
0x6f: {  	v11 =	vld.idx.msk [tilespmem:v1+s29+$0x0], $0xffff  }
0x70: {  	v1 =	vld.idx.msk [tilespmem:v1+s7+$0x0], $0xffff  }
0x71: {  	v2 =	vcvt.s32.f32 v2;
	v13 =	vld.idx.msk [tilespmem:v5+s23+$0x0], $0xffff  }
0x72: {  	v15 =	vld.idx.msk [tilespmem:v7+s23+$0x0], $0xffff  }
0x73: {  	v0 =	vsub.f32 v0, v2;
	v16 =	vld.idx.msk [tilespmem:v9+s23+$0x0], $0xffff  }
0x74: {  	v17 =	vld.idx.msk [tilespmem:v5+s25+$0x0], $0xffff  }
0x75: {  	v14 =	vsub.f32 $1.000000000e+00, v3;
	v24 =	vsub.f32 $1.000000000e+00, v0;
	v18 =	vld.idx.msk [tilespmem:v7+s25+$0x0], $0xffff  }
0x76: {  	v29 =	vmul.f32 v0, v3;
	v19 =	vld.idx.msk [tilespmem:v9+s25+$0x0], $0xffff  }
0x77: {  	v20 =	vld.idx.msk [tilespmem:v5+s28+$0x0], $0xffff;
	v27 =	vmul.f32 v24, v14;
	v14 =	vmul.f32 v0, v14;
	v0 =	vadd.f32 $1.000000000e+00, v12  }
0x78: {  	s18 =	simm.s32 $0x4C40;
	v21 =	vld.idx.msk [tilespmem:v7+s28+$0x0], $0xffff  }
0x79: {  	v34 =	vmul.f32 $3.500000000e+00, v0;
	v0 =	vld [tilespmem:s18+$0x0]  }
0x7a: {  	v22 =	vld.idx.msk [tilespmem:v9+s28+$0x0], $0xffff  }
0x7b: {  	v23 =	vld.idx.msk [tilespmem:v5+s30+$0x0], $0xffff  }
0x7c: {  	v2 =	vld.idx.msk [tilespmem:v7+s30+$0x0], $0xffff  }
0x7d: {  	v3 =	vmul.f32 v24, v3;
	v24 =	vpack.i.f32.bf16 v27, v27;
	v27 =	vld [tilespmem:s16+$0x4C00]  }
0x7e: {  	s5 =	simm.s32 $0x4A40;
	v33 =	vmul.bf16 v8, v24;
	v8 =	vld.idx.msk [tilespmem:v9+s30+$0x0], $0xffff;
	[tilespmem:$0x1FFF0] =	vst v0  }
0x7f: {  	v0 =	vld [tilespmem:s5+$0x0];
	_ =	sdelay $0x2  }
0x80: {  	v35 =	vpack.i.f32.bf16 v14, v14;
	v31 =	vmul.bf16 v4, v24;
	v36 =	vmul.bf16 v10, v24  }
0x81: {  	v14 =	vmul.bf16 v11, v24;
	v10 =	vpack.i.f32.bf16 v3, v3;
	v3 =	vtrunc.f32 v34;
	v11 =	vld [tilespmem:s15+$0x4A00]  }
0x82: {  	s26 =	simm.s32 $0x640;
	v6 =	vmul.bf16 v6, v24;
	v3 =	vcvt.f32.s32 v3;
	[tilespmem:$0x1FFE0] =	vst v0  }
0x83: {  	v12 =	vmul.bf16 v1, v24;
	v24 =	vpack.i.f32.bf16 v29, v29;
	v29 =	vmul.bf16 v15, v10;
	v4 =	vld [tilespmem:s26+$0x0]  }
0x84: {  	v37 =	vmul.bf16 v16, v24;
	v15 =	vadd.f32 $1.000000000e+00, v25;
	vm12 =	vlt.s32 v3, $0x6;
	v25 =	vld.idx.msk [tilespmem:v5+s29+$0x0], $0xffff  }
0x85: {  	v16 =	vadd.f32 $1.000000000e+00, v26;
	v26 =	vmul.bf16 v18, v10;
	v38 =	vnsel vm12, $0x6, v3;
	v18 =	vld.idx.msk [tilespmem:v7+s29+$0x0], $0xffff  }
0x86: {  	v13 =	vmul.bf16 v13, v35;
	v41 =	vadd.s32 v11, v38;
	v40 =	vld.idx.msk [tilespmem:v9+s29+$0x0], $0xffff  }
0x87: {  	v15 =	vmul.f32 $3.500000000e+00, v15;
	v3 =	vmul.f32 $3.500000000e+00, v16;
	v5 =	vld.idx.msk [tilespmem:v5+s7+$0x0], $0xffff  }
0x88: {  	v17 =	vmul.bf16 v17, v35;
	v39 =	vmul.bf16 v19, v24;
	v7 =	vld.idx.msk [tilespmem:v7+s7+$0x0], $0xffff  }
0x89: {  	v16 =	vtrunc.f32 v3;
	v11 =	vtrunc.f32 v15;
	v44 =	vld.idx.msk [tilespmem:v9+s7+$0x0], $0xffff  }
0x8a: {  	v16 =	vcvt.f32.s32 v16;
	v11 =	vcvt.f32.s32 v11;
	v45 =	vld [tilespmem:s15+$0x4C00]  }
0x8b: {  	v50 =	vsub.f32 $1.000000000e+00, v32;
	v42 =	vmul.bf16 v20, v35;
	v43 =	vmul.bf16 v21, v10;
	v48 =	vld.idx.msk [tilespmem:v41+s23+$0x0], $0xffff  }
0x8c: {  	vm14 =	vlt.s32 v16, $0x6;
	v46 =	vadd.s32 $0x1, v41;
	vm13 =	vlt.s32 v11, $0x6;
	v49 =	vld.idx.msk [tilespmem:v41+s25+$0x0], $0xffff  }
0x8d: {  	v47 =	vadd.s32 $0x9, v41;
	v16 =	vnsel vm14, $0x6, v16;
	v9 =	vnsel vm13, $0x6, v11;
	v51 =	vld.idx.msk [tilespmem:v41+s28+$0x0], $0xffff  }
0x8e: {  	v52 =	vmul.bf16 v2, v10;
	v21 =	vcvt.s32.f32 v16;
	v2 =	vadd.s32 v28, v9;
	v28 =	vld.idx.msk [tilespmem:v41+s30+$0x0], $0xffff  }
0x8f: {  	v22 =	vmul.bf16 v22, v24;
	v37 =	vadd.bf16 v37, v29;
	v29 =	vadd.bf16 v42, v33;
	v42 =	vld.idx.msk [tilespmem:v41+s29+$0x0], $0xffff  }
0x90: {  	v53 =	vmul.bf16 v8, v24;
	v0 =	vadd.s32 $0x8, v41;
	v8 =	vsub.f32 v3, v21;
	v41 =	vld.idx.msk [tilespmem:v41+s7+$0x0], $0xffff  }
0x91: {  	v23 =	vmul.bf16 v23, v35;
	v3 =	vadd.s32 v30, v16;
	v11 =	vcvt.s32.f32 v9;
	v54 =	vld.idx.msk [tilespmem:v46+s23+$0x0], $0xffff  }
0x92: {  	v30 =	vld.idx.msk [tilespmem:v47+s23+$0x0], $0xffff;
	v16 =	vsub.f32 $1.000000000e+00, v8;
	v56 =	vmul.f32 v8, v50;
	v25 =	vmul.bf16 v25, v35  }
0x93: {  	v57 =	vld.idx.msk [tilespmem:v46+s25+$0x0], $0xffff;
	v63 =	vmul.bf16 v18, v10;
	v35 =	vmul.bf16 v5, v35;
	v9 =	vsub.f32 v15, v11  }
0x94: {  	v20 =	vsub.f32 $1.000000000e+00, v27;
	v59 =	vld.idx.msk [tilespmem:v47+s25+$0x0], $0xffff;
	v40 =	vmul.bf16 v40, v24;
	v18 =	vmul.bf16 v44, v24  }
0x95: {  	v61 =	vld.idx.msk [tilespmem:v46+s28+$0x0], $0xffff;
	v50 =	vmul.f32 v16, v50;
	v60 =	vmul.f32 v16, v32;
	v11 =	vsub.f32 $1.000000000e+00, v9  }
0x96: {  	v62 =	vld.idx.msk [tilespmem:v47+s28+$0x0], $0xffff;
	v32 =	vmul.f32 v8, v32;
	v16 =	vmul.bf16 v7, v10  }
0x97: {  	v19 =	vadd.s32 $0x1, v2;
	v1 =	vld.idx.msk [tilespmem:v47+s30+$0x0], $0xffff;
	v55 =	vmul.f32 v9, v27;
	v58 =	vmul.f32 v11, v20  }
0x98: {  	v21 =	vadd.s32 $0x8, v2;
	v24 =	vld.idx.msk [tilespmem:v46+s29+$0x0], $0xffff;
	v27 =	vmul.f32 v11, v27;
	v11 =	vcvt.s32.f32 v38  }
0x99: {  	v44 =	vld.idx.msk [tilespmem:v47+s29+$0x0], $0xffff;
	v10 =	vsub.f32 $1.000000000e+00, v45;
	v15 =	vmul.f32 v9, v20;
	v20 =	vadd.s32 $0x9, v2  }
0x9a: {  	v47 =	vld.idx.msk [tilespmem:v47+s7+$0x0], $0xffff;
	v5 =	vsub.f32 v34, v11;
	v34 =	vadd.bf16 v13, v31;
	v13 =	vpack.i.f32.bf16 v55, v55  }
0x9b: {  	v33 =	vld.idx.msk [tilespmem:v0+s23+$0x0], $0xffff;
	v7 =	vpack.i.f32.bf16 v58, v58;
	v55 =	vadd.bf16 v17, v6;
	v17 =	vpack.i.f32.bf16 v27, v27  }
0x9c: {  	v38 =	vld.idx.msk [tilespmem:v46+s30+$0x0], $0xffff;
	v27 =	vadd.bf16 v39, v26;
	v31 =	vadd.bf16 v22, v43;
	v6 =	vpack.i.f32.bf16 v50, v50  }
0x9d: {  	v46 =	vld.idx.msk [tilespmem:v46+s7+$0x0], $0xffff;
	v22 =	vadd.bf16 v25, v14;
	v58 =	vsub.f32 $1.000000000e+00, v5;
	v26 =	vmul.f32 v5, v10  }
0x9e: {  	v50 =	vld.idx.msk [tilespmem:v0+s25+$0x0], $0xffff;
	v25 =	vadd.bf16 v40, v63;
	v39 =	vmul.f32 v5, v45;
	v5 =	vpack.i.f32.bf16 v60, v60  }
0x9f: {  	v14 =	vld.idx.msk [tilespmem:v19+s23+$0x0], $0xffff;
	v43 =	vmul.f32 v58, v10;
	v10 =	vpack.i.f32.bf16 v56, v56;
	v56 =	vpack.i.f32.bf16 v26, v26  }
0xa0: {  	v40 =	vld.idx.msk [tilespmem:v0+s29+$0x0], $0xffff;
	v45 =	vmul.f32 v58, v45;
	v39 =	vpack.i.f32.bf16 v39, v39;
	v54 =	vmul.bf16 v54, v56  }
0xa1: {  	v63 =	vld.idx.msk [tilespmem:v20+s25+$0x0], $0xffff;
	v26 =	vadd.bf16 v23, v36;
	v58 =	vmul.bf16 v30, v39;
	v57 =	vmul.bf16 v57, v56  }
0xa2: {  	v36 =	vld.idx.msk [tilespmem:v0+s28+$0x0], $0xffff;
	v30 =	vadd.bf16 v53, v52;
	v53 =	vmul.bf16 v59, v39;
	v59 =	vmul.bf16 v61, v56  }
0xa3: {  	v23 =	vadd.bf16 v35, v12;
	v35 =	vld.idx.msk [tilespmem:v21+s23+$0x0], $0xffff;
	v60 =	vmul.bf16 v62, v39;
	v38 =	vmul.bf16 v38, v56  }
0xa4: {  	v52 =	vld.idx.msk [tilespmem:v0+s30+$0x0], $0xffff;
	v1 =	vmul.bf16 v1, v39;
	v24 =	vmul.bf16 v24, v56  }
0xa5: {  	v12 =	vpack.i.f32.bf16 v32, v32;
	v32 =	vmul.bf16 v44, v39;
	v44 =	vmul.bf16 v46, v56;
	v0 =	vld.idx.msk [tilespmem:v0+s7+$0x0], $0xffff  }
0xa6: {  	v39 =	vmul.bf16 v47, v39;
	v46 =	vld.idx.msk [tilespmem:v20+s23+$0x0], $0xffff;
	v43 =	vpack.i.f32.bf16 v43, v43;
	v45 =	vpack.i.f32.bf16 v45, v45  }
0xa7: {  	v47 =	vld.idx.msk [tilespmem:v19+s25+$0x0], $0xffff;
	v56 =	vmul.bf16 v48, v43;
	v33 =	vmul.bf16 v33, v45  }
0xa8: {  	v62 =	vld.idx.msk [tilespmem:v21+s25+$0x0], $0xffff;
	v48 =	vadd.bf16 v27, v55;
	v27 =	vmul.bf16 v49, v43;
	v61 =	vmul.bf16 v51, v43  }
0xa9: {  	v50 =	vmul.bf16 v50, v45;
	v28 =	vmul.bf16 v28, v43;
	v55 =	vld.idx.msk [tilespmem:v19+s28+$0x0], $0xffff  }
0xaa: {  	v42 =	vmul.bf16 v42, v43;
	v41 =	vmul.bf16 v41, v43;
	v43 =	vld.idx.msk [tilespmem:v20+s28+$0x0], $0xffff  }
0xab: {  	v9 =	vadd.s32 $0x1, v3;
	v33 =	vadd.bf16 v58, v33;
	v58 =	vadd.bf16 v53, v50;
	v50 =	vld.idx.msk [tilespmem:v21+s28+$0x0], $0xffff  }
0xac: {  	v8 =	vadd.s32 $0x8, v3;
	v53 =	vld.idx.msk [tilespmem:v19+s30+$0x0], $0xffff  }
0xad: {  	v24 =	vadd.bf16 v24, v42;
	v42 =	vld.idx.msk [tilespmem:v19+s29+$0x0], $0xffff  }
0xae: {  	v16 =	vadd.bf16 v18, v16;
	v15 =	vpack.i.f32.bf16 v15, v15;
	v28 =	vadd.bf16 v38, v28;
	v38 =	vld.idx.msk [tilespmem:v21+s29+$0x0], $0xffff  }
0xaf: {  	v11 =	vadd.s32 $0x9, v3;
	v34 =	vadd.bf16 v37, v34;
	v41 =	vadd.bf16 v44, v41;
	v44 =	vld.idx.msk [tilespmem:v20+s29+$0x0], $0xffff  }
0xb0: {  	v14 =	vmul.bf16 v14, v15;
	v16 =	vadd.bf16 v16, v23;
	v37 =	vadd.bf16 v54, v56;
	v56 =	vld.idx.msk [tilespmem:v9+s23+$0x0], $0xffff  }
0xb1: {  	v63 =	vmul.bf16 v63, v13;
	v51 =	vunpack.i.l.bf16.f32 v48;
	v18 =	vunpack.i.u.bf16.f32 v48;
	v48 =	vld.idx.msk [tilespmem:v8+s29+$0x0], $0xffff  }
0xb2: {  	v27 =	vadd.bf16 v57, v27;
	v36 =	vmul.bf16 v36, v45;
	v54 =	vld.idx.msk [tilespmem:v2+s25+$0x0], $0xffff;
	v52 =	vmul.bf16 v52, v45  }
0xb3: {  	s24 =	simm.s32 $0x0;
	v49 =	vadd.bf16 v59, v61;
	v0 =	vmul.bf16 v0, v45;
	v61 =	vmul.bf16 v46, v13;
	v46 =	vld.idx.msk [tilespmem:v21+s7+$0x0], $0xffff  }
0xb4: {  	s10 =	sand.u32 $0xC00, s24;
	v33 =	vadd.bf16 v33, v37;
	v36 =	vadd.bf16 v60, v36;
	v60 =	vmul.bf16 v40, v45;
	v40 =	vld.idx.msk [tilespmem:v21+s30+$0x0], $0xffff  }
0xb5: {  	s2 =	sadd.s32 $0xA00, s10;
	v62 =	vmul.bf16 v62, v17;
	v27 =	vadd.bf16 v58, v27;
	v45 =	vld.idx.msk [tilespmem:v19+s7+$0x0], $0xffff;
	v19 =	vmul.bf16 v47, v15  }
0xb6: {  	p1 =	por $0x0, $0x0;
	s6 =	simm.s32 $0x1;
	s9 =	sor.u32 s14, s2;
	v47 =	vld.idx.msk [tilespmem:v20+s7+$0x0], $0xffff;
	v1 =	vadd.bf16 v1, v52;
	v0 =	vadd.bf16 v39, v0;
	v59 =	vunpack.i.l.bf16.f32 v33  }
0xb7: {  	s6 =	simm.s32 @!p1 $0x0;
	v52 =	vld.idx.msk [tilespmem:v20+s30+$0x0], $0xffff;
	v20 =	vmul.bf16 v55, v15;
	v33 =	vunpack.i.u.bf16.f32 v33;
	v36 =	vadd.bf16 v36, v49;
	[tilespmem:s9+$0x0] =	vst v59  }
0xb8: {  	s6 =	sshll.u32 s6, $0x6;
	v58 =	vld.idx.msk [tilespmem:v8+s28+$0x0], $0xffff;
	v49 =	vunpack.i.l.bf16.f32 v27;
	v1 =	vadd.bf16 v1, v28;
	v28 =	vadd.bf16 v32, v60;
	[tilespmem:s9+$0x80] =	vst v33  }
0xb9: {  	s8 =	sadd.s32 $0x0, s6;
	v43 =	vmul.bf16 v43, v13;
	v55 =	vld.idx.msk [tilespmem:v9+s28+$0x0], $0xffff;
	v27 =	vunpack.i.u.bf16.f32 v27;
	v0 =	vadd.bf16 v0, v41;
	[tilespmem:s9+$0x100] =	vst v49  }
0xba: {  	s11 =	sadd.s32 $0x30, s8;
	v21 =	vmul.bf16 v53, v15;
	v49 =	vld.idx.msk [tilespmem:v11+s23+$0x0], $0xffff;
	v23 =	vmul.bf16 v56, v10;
	v24 =	vadd.bf16 v28, v24  }
0xbb: {  	s20 =	sor.u32 $0x200, s11;
	[tilespmem:s9+$0x180] =	vst v27;
	v59 =	vld.idx.msk [tilespmem:v9+s30+$0x0], $0xffff;
	v56 =	vmul.bf16 v48, v5;
	v32 =	vunpack.i.l.bf16.f32 v36;
	v28 =	vmul.bf16 v35, v17  }
0xbc: {  	s21 =	sor.u32 $0x280, s11;
	s22 =	sor.u32 $0x300, s11;
	s6 =	sadd.s32 $0x1A00, s10;
	v48 =	vld.idx.msk [tilespmem:v3+s30+$0x0], $0xffff;
	v36 =	vunpack.i.u.bf16.f32 v36;
	v39 =	vunpack.i.l.bf16.f32 v1;
	[tilespmem:s20+$0xA00] =	vst v32;
	v41 =	vunpack.i.l.bf16.f32 v24  }
0xbd: {  	s11 =	sor.u32 $0x380, s11;
	s31 =	sor.u32 s14, s6;
	s18 =	sadd.s32 $0x1B00, s10;
	[tilespmem:s21+$0xA00] =	vst v36;
	v60 =	vunpack.i.u.bf16.f32 v24;
	v24 =	vmul.bf16 v50, v17;
	v50 =	vld.idx.msk [tilespmem:v8+s23+$0x0], $0xffff;
	v27 =	vadd.bf16 v61, v28  }
0xbe: {  	s13 =	sor.u32 s14, s18;
	s9 =	sadd.s32 $0x1A80, s10;
	v1 =	vunpack.i.u.bf16.f32 v1;
	s21 =	sadd.s32 $0x1B80, s10;
	v61 =	vmul.bf16 v40, v17;
	v40 =	vld.idx.msk [tilespmem:v9+s25+$0x0], $0xffff;
	v28 =	vadd.bf16 v63, v62;
	[tilespmem:s22+$0xA00] =	vst v39  }
0xbf: {  	v53 =	vunpack.i.l.bf16.f32 v34;
	s1 =	sor.u32 s14, s9;
	v63 =	vadd.bf16 v31, v29;
	v29 =	vmul.bf16 v42, v15;
	v42 =	vld.idx.msk [tilespmem:v11+s25+$0x0], $0xffff;
	s0 =	sor.u32 s14, s21;
	s14 =	sor.u32 s12, s2;
	[tilespmem:s11+$0xA00] =	vst v1  }
0xc0: {  	v34 =	vunpack.i.u.bf16.f32 v34;
	v57 =	vmul.bf16 v44, v13;
	v1 =	vadd.bf16 v30, v26;
	v30 =	vld.idx.msk [tilespmem:v11+s28+$0x0], $0xffff;
	[tilespmem:s14+$0x0] =	vst v53  }
0xc1: {  	v62 =	vmul.bf16 v52, v13;
	v52 =	vmul.bf16 v38, v17;
	[tilespmem:s14+$0x80] =	vst v34;
	v53 =	vld.idx.msk [tilespmem:v2+s23+$0x0], $0xffff  }
0xc2: {  	v4 =	vadd.f32 $1.000000000e+00, v4;
	v15 =	vmul.bf16 v45, v15;
	[tilespmem:s14+$0x100] =	vst v51;
	v38 =	vmul.bf16 v59, v10;
	v59 =	vld.idx.msk [tilespmem:v2+s30+$0x0], $0xffff  }
0xc3: {  	v17 =	vmul.bf16 v46, v17;
	[tilespmem:s14+$0x180] =	vst v18;
	v24 =	vadd.bf16 v43, v24;
	v43 =	vld.idx.msk [tilespmem:v8+s25+$0x0], $0xffff  }
0xc4: {  	v4 =	vmul.f32 $3.500000000e+00, v4;
	v13 =	vmul.bf16 v47, v13;
	v31 =	vadd.bf16 v62, v61;
	[tilespmem:s31+$0x0] =	vst v41;
	v61 =	vld.idx.msk [tilespmem:v11+s30+$0x0], $0xffff  }
0xc5: {  	s15 =	sor.u32 $0x200, s8;
	v39 =	vmul.bf16 v58, v5;
	v26 =	vunpack.i.l.bf16.f32 v63;
	v32 =	vunpack.i.u.bf16.f32 v63;
	v63 =	vld.idx.msk [tilespmem:v9+s29+$0x0], $0xffff;
	[tilespmem:s1+$0x0] =	vst v60  }
0xc6: {  	v33 =	vunpack.i.l.bf16.f32 v0;
	v13 =	vadd.bf16 v13, v17;
	v17 =	vmul.bf16 v49, v12;
	v49 =	vld.idx.msk [tilespmem:v11+s29+$0x0], $0xffff;
	[tilespmem:s15+$0xA00] =	vst v26  }
0xc7: {  	s16 =	sor.u32 $0x280, s8;
	v22 =	vadd.bf16 v25, v22;
	v51 =	vtrunc.f32 v4;
	v18 =	vmul.bf16 v55, v10;
	v9 =	vld.idx.msk [tilespmem:v9+s7+$0x0], $0xffff;
	[tilespmem:s13+$0x0] =	vst v33  }
0xc8: {  	v0 =	vunpack.i.u.bf16.f32 v0;
	v36 =	vcvt.f32.s32 v51;
	v11 =	vld.idx.msk [tilespmem:v11+s7+$0x0], $0xffff;
	v41 =	vmul.bf16 v54, v7;
	[tilespmem:s16+$0xA00] =	vst v32  }
0xc9: {  	s20 =	sor.u32 s24, s3;
	s22 =	sor.u32 $0x300, s8;
	v35 =	vadd.bf16 v57, v52;
	v57 =	vld.idx.msk [tilespmem:v2+s28+$0x0], $0xffff;
	v25 =	vunpack.i.l.bf16.f32 v1;
	v1 =	vunpack.i.u.bf16.f32 v1;
	[tilespmem:s0+$0x0] =	vst v0  }
0xca: {  	v60 =	vld.idx.msk [tilespmem:v8+s30+$0x0], $0xffff;
	vm15 =	vlt.s32 v36, $0x6;
	v19 =	vadd.bf16 v19, v41;
	v0 =	vunpack.i.l.bf16.f32 v22;
	s0 =	sor.u32 $0x380, s20;
	[tilespmem:s22+$0xA00] =	vst v25  }
0xcb: {  	v8 =	vld.idx.msk [tilespmem:v8+s7+$0x0], $0xffff;
	v62 =	vmul.bf16 v50, v5;
	v40 =	vmul.bf16 v40, v10;
	v22 =	vunpack.i.u.bf16.f32 v22;
	[tilespmem:s0+$0xA00] =	vst v1  }
0xcc: {  	v50 =	vunpack.i.l.bf16.f32 v16;
	v42 =	vmul.bf16 v42, v12;
	v30 =	vmul.bf16 v30, v12;
	v1 =	vld [tilespmem:$0x1FFE0]  }
0xcd: {  	v19 =	vadd.bf16 v28, v19;
	v43 =	vmul.bf16 v43, v5;
	v33 =	vmul.bf16 v61, v12;
	v45 =	vld [tilespmem:$0x1FFF0]  }
0xce: {  	s31 =	sor.u32 s12, s6;
	v17 =	vadd.bf16 v17, v62;
	v55 =	vmul.bf16 v63, v10;
	v9 =	vmul.bf16 v9, v10;
	v10 =	vld.idx.msk [tilespmem:v2+s29+$0x0], $0xffff  }
0xcf: {  	v36 =	vnsel vm15, $0x6, v36;
	v58 =	vmul.bf16 v49, v12;
	v61 =	vld.idx.msk [tilespmem:v2+s7+$0x0], $0xffff;
	[tilespmem:s31+$0x0] =	vst v0;
	v0 =	vmul.bf16 v11, v12  }
0xd0: {  	v11 =	vld.idx.msk [tilespmem:v3+s23+$0x0], $0xffff;
	v12 =	vmul.bf16 v53, v7;
	v49 =	vmul.bf16 v59, v7;
	v30 =	vadd.bf16 v30, v39  }
0xd1: {  	s1 =	sor.u32 s12, s9;
	v62 =	vld.idx.msk [tilespmem:v3+s25+$0x0], $0xffff;
	v26 =	vmul.bf16 v60, v5;
	v8 =	vmul.bf16 v8, v5;
	v1 =	vadd.s32 v1, v36  }
0xd2: {  	s10 =	sor.u32 s12, s18;
	[tilespmem:s1+$0x0] =	vst v22;
	v52 =	vadd.bf16 v42, v43;
	v12 =	vadd.bf16 v14, v12;
	v14 =	vmul.bf16 v57, v7  }
0xd3: {  	v16 =	vunpack.i.u.bf16.f32 v16;
	[tilespmem:s10+$0x0] =	vst v50;
	v50 =	vld.idx.msk [tilespmem:v3+s29+$0x0], $0xffff;
	v25 =	vadd.bf16 v33, v26;
	v0 =	vadd.bf16 v0, v8  }
0xd4: {  	v26 =	vcvt.s32.f32 v36;
	v8 =	vld.idx.msk [tilespmem:v3+s28+$0x0], $0xffff;
	v12 =	vadd.bf16 v27, v12;
	v14 =	vadd.bf16 v20, v14  }
0xd5: {  	v3 =	vld.idx.msk [tilespmem:v3+s7+$0x0], $0xffff;
	v20 =	vadd.bf16 v21, v49;
	v60 =	vsub.f32 $1.000000000e+00, v45;
	v10 =	vmul.bf16 v10, v7  }
0xd6: {  	v26 =	vsub.f32 v4, v26;
	v7 =	vmul.bf16 v61, v7;
	v11 =	vmul.bf16 v11, v6;
	v21 =	vld.idx.msk [tilespmem:v1+s23+$0x0], $0xffff  }
0xd7: {  	v5 =	vadd.s32 $0x1, v1;
	v2 =	vadd.s32 $0x8, v1;
	v14 =	vadd.bf16 v24, v14;
	v24 =	vld.idx.msk [tilespmem:v1+s25+$0x0], $0xffff  }
0xd8: {  	v4 =	vadd.s32 $0x9, v1;
	v20 =	vadd.bf16 v31, v20;
	v22 =	vmul.f32 v26, v60;
	v28 =	vld.idx.msk [tilespmem:v1+s28+$0x0], $0xffff  }
0xd9: {  	s11 =	sor.u32 s12, s21;
	v7 =	vadd.bf16 v15, v7;
	v15 =	vmul.bf16 v62, v6;
	v11 =	vadd.bf16 v23, v11;
	v23 =	vld.idx.msk [tilespmem:v1+s30+$0x0], $0xffff  }
0xda: {  	[tilespmem:s11+$0x0] =	vst v16;
	v63 =	vsub.f32 $1.000000000e+00, v26;
	v10 =	vadd.bf16 v29, v10;
	v16 =	vmul.bf16 v50, v6;
	v29 =	vld.idx.msk [tilespmem:v1+s29+$0x0], $0xffff  }
0xdb: {  	v8 =	vmul.bf16 v8, v6;
	v7 =	vadd.bf16 v13, v7;
	v13 =	vadd.bf16 v40, v15;
	v31 =	vld.idx.msk [tilespmem:v1+s7+$0x0], $0xffff  }
0xdc: {  	s12 =	sor.u32 s4, s2;
	v3 =	vmul.bf16 v3, v6;
	v15 =	vmul.bf16 v48, v6;
	v1 =	vunpack.i.u.bf16.f32 v12;
	v51 =	vld.idx.msk [tilespmem:v5+s23+$0x0], $0xffff  }
0xdd: {  	v6 =	vunpack.i.l.bf16.f32 v12;
	v8 =	vadd.bf16 v18, v8;
	[tilespmem:s12+$0x80] =	vst v1;
	v1 =	vadd.bf16 v52, v13;
	v13 =	vld.idx.msk [tilespmem:v2+s23+$0x0], $0xffff  }
0xde: {  	[tilespmem:s12+$0x0] =	vst v6;
	v6 =	vunpack.i.l.bf16.f32 v19;
	v3 =	vadd.bf16 v9, v3;
	v12 =	vadd.bf16 v38, v15;
	v9 =	vld.idx.msk [tilespmem:v4+s23+$0x0], $0xffff  }
0xdf: {  	s13 =	sadd.s32 $0x10, s8;
	v11 =	vadd.bf16 v17, v11;
	v15 =	vadd.bf16 v55, v16;
	v16 =	vunpack.i.u.bf16.f32 v19;
	[tilespmem:s12+$0x100] =	vst v6;
	v52 =	vld.idx.msk [tilespmem:v4+s25+$0x0], $0xffff  }
0xe0: {  	s14 =	sor.u32 $0x200, s13;
	v53 =	vld.idx.msk [tilespmem:v5+s28+$0x0], $0xffff;
	v6 =	vadd.bf16 v30, v8;
	[tilespmem:s12+$0x180] =	vst v16;
	v8 =	vadd.bf16 v25, v12;
	v12 =	vunpack.i.l.bf16.f32 v14  }
0xe1: {  	s15 =	sor.u32 $0x280, s13;
	v55 =	vld.idx.msk [tilespmem:v2+s28+$0x0], $0xffff;
	v0 =	vadd.bf16 v0, v3;
	s12 =	simm.s32 $0x40;
	v3 =	vunpack.i.u.bf16.f32 v20;
	v14 =	vunpack.i.u.bf16.f32 v14;
	[tilespmem:s14+$0xA00] =	vst v12  }
0xe2: {  	s2 =	sor.u32 s17, s2;
	v62 =	vld.idx.msk [tilespmem:v4+s28+$0x0], $0xffff;
	v12 =	vunpack.i.l.bf16.f32 v20;
	v20 =	vunpack.i.u.bf16.f32 v11;
	v11 =	vunpack.i.l.bf16.f32 v11;
	[tilespmem:s15+$0xA00] =	vst v14;
	s15 =	sand.u32 $0x40, s12  }
0xe3: {  	v36 =	vmul.f32 v63, v60;
	v10 =	vadd.bf16 v35, v10;
	v30 =	vld.idx.msk [tilespmem:v2+s25+$0x0], $0xffff;
	s3 =	sand.u32 $0x180, s12;
	[tilespmem:s2+$0x0] =	vst v11;
	s14 =	sor.u32 $0x10, s15  }
0xe4: {  	s16 =	sor.u32 $0x300, s13;
	v33 =	vadd.bf16 v58, v56;
	v26 =	vmul.f32 v26, v45;
	v25 =	vld.idx.msk [tilespmem:v5+s25+$0x0], $0xffff;
	[tilespmem:s2+$0x80] =	vst v20;
	s22 =	sor.u32 s3, s14  }
0xe5: {  	s0 =	sor.u32 $0x380, s13;
	v27 =	vpack.i.f32.bf16 v22, v22;
	v60 =	vpack.i.f32.bf16 v36, v36;
	v16 =	vunpack.i.u.bf16.f32 v10;
	[tilespmem:s16+$0xA00] =	vst v12;
	v59 =	vld [tilespmem:s22+$0x600]  }
0xe6: {  	s20 =	sor.u32 s4, s6;
	v10 =	vunpack.i.l.bf16.f32 v10;
	v15 =	vadd.bf16 v33, v15;
	v54 =	vunpack.i.u.bf16.f32 v1;
	s16 =	sor.u32 $0x30, s15;
	[tilespmem:s0+$0xA00] =	vst v3;
	v19 =	vld [tilespmem:s22+$0x4A00]  }
0xe7: {  	s31 =	sor.u32 s4, s9;
	v56 =	vunpack.i.l.bf16.f32 v1;
	v1 =	vunpack.i.u.bf16.f32 v8;
	s13 =	sor.u32 $0x20, s15;
	v3 =	vunpack.i.l.bf16.f32 v8;
	s0 =	sor.u32 s3, s16;
	[tilespmem:s20+$0x0] =	vst v10;
	v8 =	vld [tilespmem:s22+$0x4C00]  }
0xe8: {  	s1 =	sor.u32 s4, s18;
	v57 =	vunpack.i.u.bf16.f32 v6;
	v14 =	vunpack.i.u.bf16.f32 v7;
	v7 =	vunpack.i.l.bf16.f32 v7;
	s3 =	sor.u32 s3, s13;
	v61 =	vld [tilespmem:s0+$0x600];
	[tilespmem:s31+$0x0] =	vst v16  }
0xe9: {  	s4 =	sor.u32 s4, s21;
	v58 =	vunpack.i.l.bf16.f32 v6;
	v18 =	vmul.bf16 v21, v60;
	v10 =	vmul.f32 v63, v45;
	v63 =	vld [tilespmem:s3+$0x600];
	[tilespmem:s1+$0x0] =	vst v7  }
0xea: {  	v6 =	vunpack.i.u.bf16.f32 v0;
	v17 =	vmul.bf16 v24, v60;
	v33 =	vmul.bf16 v51, v27;
	v20 =	vld [tilespmem:s3+$0x4A00];
	[tilespmem:s4+$0x0] =	vst v14  }
0xeb: {  	s10 =	sshllo.u32 s19, $0x1;
	v12 =	vunpack.i.u.bf16.f32 v15;
	v34 =	vmul.bf16 v53, v27;
	v11 =	vld [tilespmem:s3+$0x4C00];
	v25 =	vmul.bf16 v25, v27;
	[smem:$0x7F5] =	sst s19  }
0xec: {  	v16 =	vmul.bf16 v28, v60;
	v7 =	vunpack.i.l.bf16.f32 v15;
	v15 =	vmul.bf16 v23, v60;
	[smem:$0x7F6] =	sst s10  }
0xed: {  	v21 =	vpack.i.f32.bf16 v10, v10;
	v10 =	vmul.bf16 v31, v60;
	v23 =	vpack.i.f32.bf16 v26, v26;
	v24 =	vld.idx.msk [tilespmem:v5+s30+$0x0], $0xffff  }
0xee: {  	s11 =	sadd.s32 $0x20, s8;
	v14 =	vmul.bf16 v29, v60;
	v31 =	vmul.bf16 v13, v21;
	v13 =	vunpack.i.l.bf16.f32 v0;
	[tilespmem:s2+$0x100] =	vst v56  }
0xef: {  	s22 =	sor.u32 $0x200, s11;
	s3 =	sor.u32 s17, s6;
	s20 =	sor.u32 s17, s9;
	v36 =	vmul.bf16 v9, v23;
	v28 =	vmul.bf16 v30, v21;
	[tilespmem:s2+$0x180] =	vst v54;
	v0 =	vadd.f32 $1.000000000e+00, v61  }
0xf0: {  	s31 =	sor.u32 $0x280, s11;
	v29 =	vmul.bf16 v52, v23;
	v32 =	vmul.bf16 v55, v21;
	s19 =	sor.u32 s17, s18;
	s18 =	sor.u32 s17, s21;
	v22 =	vld.idx.msk [tilespmem:v2+s30+$0x0], $0xffff;
	v9 =	vadd.f32 $1.000000000e+00, v59;
	[tilespmem:s22+$0xA00] =	vst v58  }
0xf1: {  	v35 =	vmul.bf16 v62, v23;
	s21 =	sor.u32 $0x380, s11;
	s17 =	simm.s32 $0x4C80;
	v26 =	vld.idx.msk [tilespmem:v4+s30+$0x0], $0xffff;
	v30 =	vadd.f32 $1.000000000e+00, v63;
	s22 =	sor.u32 $0x300, s11;
	v37 =	vmul.f32 $3.500000000e+00, v0;
	[tilespmem:s31+$0xA00] =	vst v57  }
.LBB2_3:
0xf2: {  	v0 =	vld [tilespmem:s17+$0x0];
	v38 =	vmul.bf16 v24, v27;
	v24 =	vmul.f32 $3.500000000e+00, v9  }
0xf3: {  	[tilespmem:s22+$0xA00] =	vst v3;
	v39 =	vmul.f32 $3.500000000e+00, v30;
	v30 =	vld [tilespmem:s0+$0x4A00];
	v9 =	vtrunc.f32 v37  }
0xf4: {  	v45 =	vld.idx.msk [tilespmem:v2+s29+$0x0], $0xffff;
	[tilespmem:s21+$0xA00] =	vst v1;
	v41 =	vcvt.f32.s32 v9;
	v1 =	vtrunc.f32 v24  }
0xf5: {  	v46 =	vld.idx.msk [tilespmem:v4+s29+$0x0], $0xffff;
	[tilespmem:s3+$0x0] =	vst v7;
	v7 =	vtrunc.f32 v39;
	v1 =	vcvt.f32.s32 v1  }
0xf6: {  	v48 =	vld.idx.msk [tilespmem:v5+s7+$0x0], $0xffff;
	v43 =	vmul.bf16 v22, v21;
	v22 =	vcvt.f32.s32 v7;
	vm0 =	vlt.s32 v41, $0x6  }
0xf7: {  	v49 =	vld.idx.msk [tilespmem:v2+s7+$0x0], $0xffff;
	v41 =	vnsel vm0, $0x6, v41;
	vm1 =	vlt.s32 v1, $0x6  }
0xf8: {  	v50 =	vld.idx.msk [tilespmem:v4+s7+$0x0], $0xffff;
	vm14 =	vlt.s32 v22, $0x6;
	v47 =	vadd.s32 v30, v41;
	v1 =	vnsel vm1, $0x6, v1  }
0xf9: {  	s5 =	sadd.s32 $0x40, s5;
	[tilespmem:s20+$0x0] =	vst v12;
	v12 =	vld.idx.msk [tilespmem:v5+s29+$0x0], $0xffff;
	v5 =	vcvt.s32.f32 v1;
	v7 =	vadd.s32 v19, v1;
	v1 =	vnsel vm14, $0x6, v22  }
0xfa: {  	s26 =	sadd.s32 $0x40, s26;
	v3 =	vld [tilespmem:s5+$0x0];
	v2 =	vcvt.s32.f32 v1  }
0xfb: {  	v9 =	vld [tilespmem:s26+$0x0]  }
0xfc: {  	[tilespmem:s19+$0x0] =	vst v13;
	v51 =	vadd.s32 $0x1, v47;
	v13 =	vsub.f32 v39, v2;
	v39 =	vld [tilespmem:s0+$0x4C00]  }
0xfd: {  	v53 =	vld.idx.msk [tilespmem:v47+s23+$0x0], $0xffff  }
0xfe: {  	v52 =	vadd.s32 $0x9, v47;
	v54 =	vld.idx.msk [tilespmem:v47+s25+$0x0], $0xffff  }
0xff: {  	v33 =	vadd.bf16 v33, v18;
	v31 =	vadd.bf16 v36, v31;
	v56 =	vld.idx.msk [tilespmem:v47+s28+$0x0], $0xffff  }
0x100: {  	v28 =	vadd.bf16 v29, v28;
	v42 =	vsub.f32 $1.000000000e+00, v11;
	v58 =	vld.idx.msk [tilespmem:v47+s30+$0x0], $0xffff  }
0x101: {  	v40 =	vsub.f32 $1.000000000e+00, v8;
	v44 =	vmul.bf16 v26, v23;
	v36 =	vadd.s32 $0x8, v47;
	v59 =	vld.idx.msk [tilespmem:v51+s23+$0x0], $0xffff  }
0x102: {  	[tilespmem:s18+$0x0] =	vst v6;
	v45 =	vmul.bf16 v45, v21;
	v46 =	vmul.bf16 v46, v23;
	v30 =	vadd.s32 $0x1, v7;
	v60 =	vld.idx.msk [tilespmem:v51+s28+$0x0], $0xffff  }
0x103: {  	v48 =	vmul.bf16 v48, v27;
	v21 =	vmul.bf16 v49, v21;
	v6 =	vsub.f32 v24, v5;
	v49 =	vld.idx.msk [tilespmem:v52+s28+$0x0], $0xffff  }
0x104: {  	v33 =	vadd.bf16 v31, v33;
	v23 =	vmul.bf16 v50, v23;
	v41 =	vcvt.s32.f32 v41;
	v50 =	vld.idx.msk [tilespmem:v52+s30+$0x0], $0xffff  }
0x105: {  	v1 =	vadd.s32 v20, v1;
	v19 =	vsub.f32 $1.000000000e+00, v6;
	v20 =	vmul.f32 v6, v40;
	v29 =	vld.idx.msk [tilespmem:v52+s29+$0x0], $0xffff  }
0x106: {  	v6 =	vmul.f32 v6, v8;
	v63 =	vld.idx.msk [tilespmem:v36+s23+$0x0], $0xffff;
	v22 =	vsub.f32 $1.000000000e+00, v13;
	v55 =	vmul.f32 v13, v42  }
0x107: {  	v15 =	vadd.bf16 v38, v15;
	v62 =	vmul.f32 v13, v11;
	v40 =	vmul.f32 v19, v40;
	v31 =	vld.idx.msk [tilespmem:v30+s23+$0x0], $0xffff  }
0x108: {  	v57 =	vmul.f32 v19, v8;
	v19 =	vpack.i.f32.bf16 v6, v6;
	v6 =	vmul.f32 v22, v42;
	v42 =	vld.idx.msk [tilespmem:v51+s25+$0x0], $0xffff  }
0x109: {  	v13 =	vpack.i.f32.bf16 v55, v55;
	v55 =	vmul.bf16 v12, v27;
	v27 =	vsub.f32 v37, v41;
	v41 =	vld.idx.msk [tilespmem:v51+s30+$0x0], $0xffff  }
0x10a: {  	v26 =	vadd.s32 $0x8, v7;
	v61 =	vmul.f32 v22, v11;
	v12 =	vpack.i.f32.bf16 v62, v62;
	v62 =	vld.idx.msk [tilespmem:v51+s29+$0x0], $0xffff  }
0x10b: {  	v8 =	vpack.i.f32.bf16 v40, v40;
	v22 =	vpack.i.f32.bf16 v57, v57;
	v57 =	vld.idx.msk [tilespmem:v52+s23+$0x0], $0xffff;
	v37 =	vsub.f32 $1.000000000e+00, v39  }
0x10c: {  	v40 =	vld.idx.msk [tilespmem:v52+s25+$0x0], $0xffff;
	v11 =	vpack.i.f32.bf16 v61, v61;
	v61 =	vadd.bf16 v25, v17;
	v17 =	vsub.f32 $1.000000000e+00, v27  }
0x10d: {  	v24 =	vadd.s32 $0x9, v7;
	v52 =	vld.idx.msk [tilespmem:v52+s7+$0x0], $0xffff;
	v25 =	vadd.bf16 v34, v16;
	v16 =	vmul.f32 v27, v39  }
0x10e: {  	v18 =	vmul.f32 v27, v37;
	v27 =	vadd.bf16 v35, v32;
	v35 =	vld.idx.msk [tilespmem:v51+s7+$0x0], $0xffff;
	v32 =	vmul.f32 v17, v37  }
0x10f: {  	v37 =	vmul.f32 v17, v39;
	v39 =	vpack.i.f32.bf16 v16, v16;
	v16 =	vadd.bf16 v48, v10;
	v10 =	vld.idx.msk [tilespmem:v36+s28+$0x0], $0xffff  }
0x110: {  	v5 =	vadd.s32 $0x1, v1;
	v17 =	vadd.bf16 v46, v45;
	v48 =	vld.idx.msk [tilespmem:v36+s30+$0x0], $0xffff;
	v34 =	vpack.i.f32.bf16 v18, v18  }
0x111: {  	v18 =	vadd.bf16 v44, v43;
	v44 =	vld.idx.msk [tilespmem:v47+s29+$0x0], $0xffff;
	v49 =	vmul.bf16 v49, v39;
	v45 =	vmul.bf16 v50, v39  }
0x112: {  	v4 =	vadd.s32 $0x8, v1;
	v47 =	vld.idx.msk [tilespmem:v47+s7+$0x0], $0xffff;
	v51 =	vmul.bf16 v59, v34;
	v57 =	vmul.bf16 v57, v39  }
0x113: {  	v2 =	vadd.s32 $0x9, v1;
	v42 =	vmul.bf16 v42, v34;
	v43 =	vmul.bf16 v60, v34;
	v59 =	vld.idx.msk [tilespmem:v36+s25+$0x0], $0xffff  }
0x114: {  	v41 =	vmul.bf16 v41, v34;
	v46 =	vmul.bf16 v62, v34;
	v37 =	vpack.i.f32.bf16 v37, v37;
	v62 =	vld.idx.msk [tilespmem:v36+s29+$0x0], $0xffff  }
0x115: {  	v36 =	vld.idx.msk [tilespmem:v36+s7+$0x0], $0xffff;
	v38 =	vmul.bf16 v63, v37;
	v34 =	vmul.bf16 v35, v34;
	v35 =	vpack.i.f32.bf16 v32, v32  }
0x116: {  	v40 =	vmul.bf16 v40, v39;
	v32 =	vadd.bf16 v28, v61;
	v28 =	vmul.bf16 v54, v35;
	v54 =	vld.idx.msk [tilespmem:v26+s23+$0x0], $0xffff  }
0x117: {  	p1 =	por !p1, !p1;
	s4 =	simm.s32 $0x1;
	v60 =	vmul.bf16 v53, v35;
	v38 =	vadd.bf16 v57, v38;
	v57 =	vmul.bf16 v58, v35;
	v58 =	vld.idx.msk [tilespmem:v24+s23+$0x0], $0xffff  }
0x118: {  	s4 =	simm.s32 @!p1 $0x0;
	v20 =	vpack.i.f32.bf16 v20, v20;
	v61 =	vmul.bf16 v56, v35;
	v10 =	vmul.bf16 v10, v37;
	v53 =	vld.idx.msk [tilespmem:v26+s30+$0x0], $0xffff  }
0x119: {  	s24 =	sadd.s32 $0x200, s24;
	s4 =	sshll.u32 s4, $0x6;
	v27 =	vadd.bf16 v27, v25;
	v44 =	vmul.bf16 v44, v35;
	v35 =	vmul.bf16 v47, v35;
	v47 =	vld.idx.msk [tilespmem:v26+s25+$0x0], $0xffff  }
0x11a: {  	s6 =	sadd.s32 s4, s24;
	v48 =	vmul.bf16 v48, v37;
	v50 =	vadd.bf16 v51, v60;
	v63 =	vmul.bf16 v59, v37;
	v59 =	vld.idx.msk [tilespmem:v30+s25+$0x0], $0xffff  }
0x11b: {  	s3 =	sand.u32 $0xC00, s24;
	s4 =	sadd.s32 $0x20, s6;
	v28 =	vadd.bf16 v42, v28;
	v43 =	vadd.bf16 v43, v61;
	v61 =	vld.idx.msk [tilespmem:v24+s25+$0x0], $0xffff;
	v62 =	vmul.bf16 v62, v37  }
0x11c: {  	s2 =	sadd.s32 $0xA00, s3;
	s31 =	sor.u32 $0x200, s4;
	v36 =	vmul.bf16 v36, v37;
	v37 =	vld.idx.msk [tilespmem:v24+s28+$0x0], $0xffff;
	v38 =	vadd.bf16 v38, v50;
	v40 =	vadd.bf16 v40, v63  }
0x11d: {  	s11 =	sor.u32 s15, s2;
	[dreg:$0x6] =	wrdreg s31;
	s31 =	simm.s32 $0x200;
	v25 =	vunpack.i.u.bf16.f32 v33;
	v10 =	vadd.bf16 v49, v10;
	v41 =	vadd.bf16 v41, v57;
	v57 =	vld.idx.msk [tilespmem:v24+s30+$0x0], $0xffff  }
0x11e: {  	s9 =	sor.u32 s16, s2;
	v29 =	vmul.bf16 v29, v39;
	[tilespmem:s11+$0x80] =	vst v25;
	v49 =	vld.idx.msk [tilespmem:v24+s31+$0x0], $0xffff;
	v28 =	vadd.bf16 v40, v28;
	v60 =	vunpack.i.l.bf16.f32 v38  }
0x11f: {  	s19 =	sor.u32 s24, s12;
	v43 =	vadd.bf16 v10, v43;
	v10 =	vadd.bf16 v45, v48;
	v48 =	vld.idx.msk [tilespmem:v26+s28+$0x0], $0xffff;
	v38 =	vunpack.i.u.bf16.f32 v38;
	[tilespmem:s9+$0x0] =	vst v60  }
0x120: {  	s10 =	sor.u32 $0x380, s19;
	s19 =	sadd.s32 $0x30, s6;
	v14 =	vadd.bf16 v55, v14;
	v29 =	vadd.bf16 v29, v62;
	v62 =	vld.idx.msk [tilespmem:v26+s29+$0x0], $0xffff;
	[tilespmem:s9+$0x80] =	vst v38;
	v63 =	vunpack.i.l.bf16.f32 v28  }
0x121: {  	s8 =	sor.u32 s13, s2;
	s22 =	sor.u32 $0x200, s19;
	v44 =	vadd.bf16 v46, v44;
	v56 =	vmul.bf16 v58, v19;
	v58 =	vld.idx.msk [tilespmem:v30+s29+$0x0], $0xffff;
	v28 =	vunpack.i.u.bf16.f32 v28;
	[tilespmem:s9+$0x100] =	vst v63  }
0x122: {  	v51 =	vadd.bf16 v10, v41;
	v10 =	vmul.bf16 v31, v20;
	v31 =	vld.idx.msk [tilespmem:v30+s30+$0x0], $0xffff;
	s30 =	smov.u32 s26;
	s26 =	smov.u32 s5;
	s5 =	sadd.s32 $0x1B00, s3;
	[tilespmem:s9+$0x180] =	vst v28;
	v28 =	vunpack.i.l.bf16.f32 v43  }
0x123: {  	v39 =	vmul.bf16 v52, v39;
	s25 =	sor.u32 $0x280, s19;
	v53 =	vmul.bf16 v53, v22;
	v40 =	vld.idx.msk [tilespmem:v30+s28+$0x0], $0xffff;
	v52 =	vunpack.i.u.bf16.f32 v43;
	s28 =	simm.s32 $0x0;
	s31 =	sor.u32 s14, s5;
	[tilespmem:s22+$0xA00] =	vst v28  }
0x124: {  	v29 =	vadd.bf16 v29, v44;
	v55 =	vmul.bf16 v57, v19;
	v57 =	vld.idx.msk [tilespmem:v5+s28+$0x0], $0xffff;
	[dreg:$0x10] =	wrdreg s31;
	s31 =	simm.s32 $0x180;
	s9 =	sor.u32 $0x300, s19;
	v28 =	vunpack.i.l.bf16.f32 v51;
	[tilespmem:s25+$0xA00] =	vst v52  }
0x125: {  	s20 =	sadd.s32 $0x10, s6;
	s18 =	sadd.s32 $0x1A00, s3;
	v34 =	vadd.bf16 v34, v35;
	v36 =	vadd.bf16 v39, v36;
	v38 =	vunpack.i.u.bf16.f32 v51;
	s19 =	sor.u32 $0x380, s19;
	v44 =	vld.idx.msk [tilespmem:v5+s31+$0x0], $0xffff;
	[tilespmem:s9+$0xA00] =	vst v28  }
0x126: {  	s1 =	sor.u32 $0x200, s20;
	s21 =	sor.u32 $0x280, s20;
	v25 =	vadd.bf16 v55, v53;
	v55 =	vld.idx.msk [tilespmem:v7+s31+$0x0], $0xffff;
	v28 =	vmul.bf16 v59, v20;
	v59 =	vunpack.i.l.bf16.f32 v29;
	[tilespmem:s19+$0xA00] =	vst v38;
	s19 =	sor.u32 s16, s18  }
0x127: {  	[dreg:$0xd] =	wrdreg s1;
	s1 =	sadd.s32 $0x1A80, s3;
	v54 =	vmul.bf16 v54, v22;
	[tilespmem:s19+$0x0] =	vst v59;
	s19 =	simm.s32 $0x280;
	v59 =	vmul.bf16 v62, v22;
	v62 =	vld.idx.msk [tilespmem:v2+s28+$0x0], $0xffff  }
0x128: {  	v21 =	vadd.bf16 v23, v21;
	s0 =	sor.u32 s14, s2;
	s2 =	sor.u32 $0x380, s20;
	s7 =	sor.u32 $0x280, s4;
	v23 =	vunpack.i.u.bf16.f32 v32;
	v34 =	vadd.bf16 v36, v34;
	v51 =	vld.idx.msk [tilespmem:v30+s19+$0x0], $0xffff  }
0x129: {  	[dreg:$0x4] =	wrdreg s7;
	s23 =	sor.u32 $0x300, s20;
	s20 =	sor.u32 s16, s1;
	[tilespmem:s11+$0x180] =	vst v23;
	v23 =	vunpack.i.u.bf16.f32 v27;
	v63 =	vunpack.i.u.bf16.f32 v29;
	v30 =	vadd.bf16 v56, v54;
	v54 =	vld.idx.msk [tilespmem:v26+s19+$0x0], $0xffff  }
0x12a: {  	s7 =	sadd.s32 $0x1B80, s3;
	s29 =	simm.s32 $0x80;
	v60 =	vmul.bf16 v47, v22;
	v61 =	vmul.bf16 v61, v19;
	v50 =	vunpack.i.l.bf16.f32 v34;
	[tilespmem:s20+$0x0] =	vst v63;
	s20 =	sor.u32 s16, s5;
	v56 =	vld.idx.msk [tilespmem:v24+s19+$0x0], $0xffff  }
0x12b: {  	s3 =	sor.u32 s16, s7;
	v34 =	vunpack.i.u.bf16.f32 v34;
	v63 =	vadd.bf16 v18, v15;
	v18 =	vunpack.i.l.bf16.f32 v27;
	v27 =	vld.idx.msk [tilespmem:v4+s29+$0x0], $0xffff;
	[tilespmem:s20+$0x0] =	vst v50  }
0x12c: {  	v52 =	vunpack.i.l.bf16.f32 v33;
	[tilespmem:s3+$0x0] =	vst v34;
	v34 =	vadd.bf16 v61, v60;
	v60 =	vld.idx.msk [tilespmem:v4+s28+$0x0], $0xffff;
	s28 =	simm.s32 $0x100  }
0x12d: {  	v9 =	vadd.f32 $1.000000000e+00, v9;
	[tilespmem:s11+$0x0] =	vst v52;
	v24 =	vmul.bf16 v58, v20;
	v58 =	vunpack.i.l.bf16.f32 v32;
	v41 =	vld.idx.msk [tilespmem:v5+s28+$0x0], $0xffff  }
0x12e: {  	[dreg:$0xb] =	wrdreg s23;
	s23 =	sor.u32 $0x200, s6;
	[tilespmem:s11+$0x100] =	vst v58;
	v42 =	vld.idx.msk [tilespmem:v4+s28+$0x0], $0xffff  }
0x12f: {  	v9 =	vmul.f32 $3.500000000e+00, v9;
	v6 =	vpack.i.f32.bf16 v6, v6;
	v14 =	vadd.bf16 v17, v14;
	[tilespmem:s23+$0xA00] =	vst v18;
	s23 =	simm.s32 $0x0;
	v43 =	vld.idx.msk [tilespmem:v2+s28+$0x0], $0xffff  }
0x130: {  	v16 =	vadd.bf16 v21, v16;
	v37 =	vmul.bf16 v37, v19;
	v48 =	vmul.bf16 v48, v22;
	s25 =	sor.u32 $0x280, s6;
	v50 =	vld.idx.msk [tilespmem:v7+s23+$0x0], $0xffff  }
0x131: {  	v31 =	vmul.bf16 v31, v20;
	v61 =	vmul.bf16 v49, v19;
	[tilespmem:s25+$0xA00] =	vst v23;
	s25 =	simm.s32 $0x80;
	v53 =	vld.idx.msk [tilespmem:v7+s28+$0x0], $0xffff  }
0x132: {  	[dreg:$0x9] =	wrdreg s21;
	v29 =	vmul.bf16 v40, v20;
	v36 =	vmul.bf16 v44, v13;
	v26 =	vadd.bf16 v37, v48;
	v23 =	vld.idx.msk [tilespmem:v2+s25+$0x0], $0xffff  }
0x133: {  	s21 =	sor.u32 $0x380, s4;
	s22 =	sor.u32 $0x300, s4;
	s4 =	sor.u32 $0x300, s6;
	v48 =	vtrunc.f32 v9;
	v17 =	vunpack.i.l.bf16.f32 v63;
	v18 =	vadd.bf16 v61, v59;
	v59 =	vld.idx.msk [tilespmem:v1+s23+$0x0], $0xffff  }
0x134: {  	v38 =	vcvt.f32.s32 v48;
	v21 =	vunpack.i.u.bf16.f32 v63;
	[tilespmem:s4+$0xA00] =	vst v17;
	v15 =	vmul.bf16 v51, v20;
	v20 =	vld.idx.msk [tilespmem:v5+s29+$0x0], $0xffff  }
0x135: {  	s16 =	sor.u32 s15, s18;
	v22 =	vmul.bf16 v54, v22;
	s29 =	simm.s32 $0x200;
	v19 =	vmul.bf16 v56, v19;
	[tilespmem:s10+$0xA00] =	vst v21;
	v21 =	vunpack.i.l.bf16.f32 v14;
	v51 =	vld.idx.msk [tilespmem:v7+s25+$0x0], $0xffff  }
0x136: {  	s9 =	sor.u32 s14, s1;
	s20 =	sor.u32 s14, s7;
	vm15 =	vlt.s32 v38, $0x6;
	v17 =	vmul.bf16 v57, v13;
	v14 =	vunpack.i.u.bf16.f32 v14;
	[tilespmem:s16+$0x0] =	vst v21;
	v45 =	vld.idx.msk [tilespmem:v5+s29+$0x0], $0xffff  }
0x137: {  	[dreg:$0xe] =	wrdreg s20;
	s20 =	sor.u32 s13, s1;
	s1 =	sor.u32 s15, s1;
	v21 =	vmul.bf16 v62, v12;
	v47 =	vld.idx.msk [tilespmem:v2+s29+$0x0], $0xffff;
	v19 =	vadd.bf16 v19, v22;
	v22 =	vmul.bf16 v60, v11  }
0x138: {  	s6 =	sor.u32 s14, s18;
	s19 =	sor.u32 s13, s5;
	s5 =	sor.u32 s15, s5;
	v56 =	vld.idx.msk [tilespmem:v7+s29+$0x0], $0xffff;
	[tilespmem:s1+$0x0] =	vst v14;
	v14 =	vunpack.i.l.bf16.f32 v16;
	v16 =	vunpack.i.u.bf16.f32 v16;
	v35 =	vmul.bf16 v43, v12  }
0x139: {  	s3 =	sor.u32 s13, s18;
	s18 =	sor.u32 s13, s7;
	s7 =	sor.u32 s15, s7;
	[tilespmem:s5+$0x0] =	vst v14;
	v58 =	vmul.bf16 v50, v8;
	v61 =	vmul.bf16 v53, v8;
	v14 =	vadd.bf16 v21, v22  }
0x13a: {  	v54 =	vsub.f32 $1.000000000e+00, v0;
	v21 =	vmul.bf16 v27, v11;
	[tilespmem:s7+$0x0] =	vst v16;
	s7 =	simm.s32 $0x280;
	v16 =	vmul.bf16 v23, v12;
	v23 =	vld.idx.msk [tilespmem:v2+s31+$0x0], $0xffff  }
0x13b: {  	v27 =	vmul.bf16 v41, v13;
	v20 =	vmul.bf16 v20, v13;
	v49 =	vld.idx.msk [tilespmem:v2+s7+$0x0], $0xffff;
	v2 =	vnsel vm15, $0x6, v38  }
0x13c: {  	v46 =	vld.idx.msk [tilespmem:v4+s29+$0x0], $0xffff;
	v38 =	vmul.bf16 v51, v8;
	v10 =	vadd.bf16 v10, v58;
	v29 =	vadd.bf16 v29, v61  }
0x13d: {  	v22 =	vld.idx.msk [tilespmem:v4+s31+$0x0], $0xffff;
	v16 =	vadd.bf16 v16, v21;
	v21 =	vmul.bf16 v42, v11;
	v32 =	vmul.bf16 v45, v13  }
0x13e: {  	v5 =	vld.idx.msk [tilespmem:v5+s7+$0x0], $0xffff;
	v52 =	vcvt.s32.f32 v2;
	v37 =	vmul.bf16 v47, v12;
	v3 =	vadd.s32 v3, v2  }
0x13f: {  	v4 =	vld.idx.msk [tilespmem:v4+s7+$0x0], $0xffff;
	v47 =	vmul.bf16 v55, v8;
	v2 =	vadd.s32 $0x8, v3;
	v28 =	vadd.bf16 v28, v38  }
0x140: {  	v10 =	vadd.bf16 v30, v10;
	v30 =	vmul.bf16 v56, v8;
	v26 =	vadd.bf16 v26, v29  }
0x141: {  	v7 =	vld.idx.msk [tilespmem:v7+s7+$0x0], $0xffff;
	v29 =	vmul.bf16 v59, v6;
	v21 =	vadd.bf16 v35, v21;
	v9 =	vsub.f32 v9, v52  }
0x142: {  	v48 =	vld.idx.msk [tilespmem:v1+s31+$0x0], $0xffff;
	v31 =	vadd.bf16 v31, v47;
	v22 =	vmul.bf16 v22, v11;
	v28 =	vadd.bf16 v34, v28  }
0x143: {  	v62 =	vld.idx.msk [tilespmem:v1+s28+$0x0], $0xffff;
	v23 =	vmul.bf16 v23, v12;
	v24 =	vadd.bf16 v24, v30;
	v17 =	vadd.bf16 v17, v29  }
0x144: {  	v60 =	vld.idx.msk [tilespmem:v1+s25+$0x0], $0xffff;
	v13 =	vmul.bf16 v5, v13;
	v57 =	vmul.bf16 v4, v11;
	v5 =	vadd.s32 $0x1, v3  }
0x145: {  	v12 =	vmul.bf16 v49, v12;
	v4 =	vadd.s32 $0x9, v3;
	v43 =	vsub.f32 $1.000000000e+00, v9;
	v49 =	vld.idx.msk [tilespmem:v1+s29+$0x0], $0xffff  }
0x146: {  	v7 =	vmul.bf16 v7, v8;
	v1 =	vld.idx.msk [tilespmem:v1+s7+$0x0], $0xffff;
	v22 =	vadd.bf16 v23, v22;
	v23 =	vmul.bf16 v46, v11  }
0x147: {  	v25 =	vadd.bf16 v25, v31;
	v11 =	vmul.f32 v9, v54;
	v9 =	vmul.f32 v9, v0;
	v8 =	vld.idx.msk [tilespmem:v3+s23+$0x0], $0xffff  }
0x148: {  	v30 =	vld.idx.msk [tilespmem:v3+s25+$0x0], $0xffff;
	v18 =	vadd.bf16 v18, v24;
	v24 =	vmul.bf16 v62, v6;
	v14 =	vadd.bf16 v14, v17  }
0x149: {  	v31 =	vld.idx.msk [tilespmem:v3+s28+$0x0], $0xffff;
	v12 =	vadd.bf16 v12, v57;
	v63 =	vmul.f32 v43, v54;
	v7 =	vadd.bf16 v15, v7  }
0x14a: {  	v29 =	vld.idx.msk [tilespmem:v3+s31+$0x0], $0xffff;
	v15 =	vmul.bf16 v60, v6;
	v0 =	vmul.f32 v43, v0;
	v23 =	vadd.bf16 v37, v23  }
0x14b: {  	v50 =	vld.idx.msk [tilespmem:v3+s7+$0x0], $0xffff;
	v17 =	vadd.bf16 v27, v24;
	v55 =	vunpack.i.u.bf16.f32 v14;
	v56 =	vunpack.i.l.bf16.f32 v14  }
0x14c: {  	v51 =	vld.idx.msk [tilespmem:v2+s23+$0x0], $0xffff;
	v7 =	vadd.bf16 v19, v7;
	v15 =	vadd.bf16 v20, v15;
	v19 =	vmul.bf16 v48, v6  }
0x14d: {  	v58 =	vld.idx.msk [tilespmem:v2+s28+$0x0], $0xffff;
	v24 =	vmul.bf16 v49, v6;
	v1 =	vmul.bf16 v1, v6;
	v6 =	vunpack.i.u.bf16.f32 v10  }
0x14e: {  	v20 =	vld.idx.msk [tilespmem:v3+s29+$0x0], $0xffff;
	v10 =	vunpack.i.l.bf16.f32 v10;
	v3 =	vadd.bf16 v16, v15;
	v15 =	vadd.bf16 v36, v19;
	[tilespmem:s0+$0x80] =	vst v6  }
0x14f: {  	v52 =	vld.idx.msk [tilespmem:v4+s23+$0x0], $0xffff;
	v16 =	vadd.bf16 v21, v17;
	[tilespmem:s0+$0x0] =	vst v10;
	v10 =	vunpack.i.u.bf16.f32 v28;
	v17 =	vadd.bf16 v32, v24  }
0x150: {  	v53 =	vld.idx.msk [tilespmem:v4+s25+$0x0], $0xffff;
	v27 =	vunpack.i.l.bf16.f32 v7;
	v1 =	vadd.bf16 v13, v1;
	v13 =	vunpack.i.l.bf16.f32 v28;
	[tilespmem:s0+$0x180] =	vst v10  }
0x151: {  	s15 =	rddreg [dreg:$0xd];
	v54 =	vld.idx.msk [tilespmem:v5+s28+$0x0], $0xffff;
	v6 =	vadd.bf16 v22, v15;
	[tilespmem:s0+$0x100] =	vst v13;
	v15 =	vadd.bf16 v23, v17;
	v17 =	vunpack.i.l.bf16.f32 v26  }
0x152: {  	s16 =	rddreg [dreg:$0x9];
	v62 =	vld.idx.msk [tilespmem:v4+s28+$0x0], $0xffff;
	v10 =	vunpack.i.l.bf16.f32 v25;
	v13 =	vunpack.i.u.bf16.f32 v26;
	v57 =	vunpack.i.u.bf16.f32 v3;
	[tilespmem:s15+$0xA00] =	vst v17  }
0x153: {  	s12 =	sadd.s32 $0x40, s12;
	s1 =	rddreg [dreg:$0xb];
	v19 =	vld.idx.msk [tilespmem:v5+s23+$0x0], $0xffff;
	v59 =	vunpack.i.l.bf16.f32 v3;
	v60 =	vunpack.i.u.bf16.f32 v16;
	v61 =	vunpack.i.l.bf16.f32 v16;
	[tilespmem:s16+$0xA00] =	vst v13  }
0x154: {  	v28 =	vld.idx.msk [tilespmem:v5+s25+$0x0], $0xffff;
	v21 =	vadd.bf16 v12, v1;
	v1 =	vunpack.i.u.bf16.f32 v25;
	v23 =	vunpack.i.u.bf16.f32 v18;
	s15 =	sand.u32 $0x40, s12;
	[tilespmem:s1+$0xA00] =	vst v10  }
0x155: {  	s4 =	sand.u32 $0x180, s12;
	v24 =	vld.idx.msk [tilespmem:v5+s31+$0x0], $0xffff;
	v25 =	vunpack.i.u.bf16.f32 v7;
	v17 =	vunpack.i.l.bf16.f32 v18;
	v3 =	vunpack.i.l.bf16.f32 v6;
	s13 =	sor.u32 $0x20, s15;
	[tilespmem:s2+$0xA00] =	vst v1  }
0x156: {  	v26 =	vld.idx.msk [tilespmem:v2+s25+$0x0], $0xffff;
	v12 =	vunpack.i.u.bf16.f32 v15;
	s16 =	sor.u32 $0x30, s15;
	v13 =	vunpack.i.l.bf16.f32 v21;
	v10 =	vpack.i.f32.bf16 v63, v63;
	s1 =	sor.u32 s4, s13;
	[tilespmem:s6+$0x0] =	vst v17  }
0x157: {  	s14 =	sor.u32 $0x10, s15;
	s0 =	sor.u32 s4, s16;
	v1 =	vunpack.i.u.bf16.f32 v6;
	v6 =	vunpack.i.u.bf16.f32 v21;
	v21 =	vpack.i.f32.bf16 v0, v0;
	v0 =	vld [tilespmem:s1+$0x600];
	[tilespmem:s9+$0x0] =	vst v23;
	s9 =	rddreg [dreg:$0x10]  }
0x158: {  	v7 =	vunpack.i.l.bf16.f32 v15;
	v18 =	vmul.bf16 v8, v10;
	s6 =	sor.u32 s4, s14;
	v17 =	vmul.bf16 v30, v10;
	v30 =	vld [tilespmem:s0+$0x600];
	[tilespmem:s9+$0x0] =	vst v27  }
0x159: {  	v16 =	vmul.bf16 v31, v10;
	v15 =	vmul.bf16 v29, v10;
	[tilespmem:s8+$0x0] =	vst v56;
	v27 =	vpack.i.f32.bf16 v11, v11;
	v11 =	vld [tilespmem:s6+$0x600]  }
0x15a: {  	p2 =	slt.u32 s12, $0x1C0;
	s10 =	rddreg [dreg:$0xe];
	s5 =	smov.u32 s26;
	v22 =	vld.idx.msk [tilespmem:v2+s31+$0x0], $0xffff;
	v14 =	vmul.bf16 v20, v10;
	[tilespmem:s8+$0x80] =	vst v55;
	v10 =	vmul.bf16 v50, v10  }
.Ltmp0:
0x15b: {  	s26 =	smov.u32 s30;
	s30 =	simm.s32 $0x180;
	v31 =	vmul.bf16 v51, v21;
	v20 =	vld [tilespmem:s1+$0x4A00];
	[tilespmem:s8+$0x100] =	vst v59;
	v32 =	vmul.bf16 v58, v21;
	v23 =	vpack.i.f32.bf16 v9, v9;
	(pc) =	sbr.rel @p2 .LBB2_3-.Ltmp0, $4  }
0x15c: {  	[tilespmem:s10+$0x0] =	vst v25;
	v25 =	vmul.bf16 v28, v27;
	v28 =	vmul.bf16 v26, v21;
	v26 =	vld.idx.msk [tilespmem:v4+s30+$0x0], $0xffff  }
0x15d: {  	s11 =	rddreg [dreg:$0x6];
	[tilespmem:s8+$0x180] =	vst v57;
	v36 =	vmul.bf16 v52, v23;
	v33 =	vmul.bf16 v19, v27;
	v19 =	vld [tilespmem:s6+$0x4A00];
	v63 =	vadd.f32 $1.000000000e+00, v30  }
0x15e: {  	s31 =	rddreg [dreg:$0x4];
	v29 =	vmul.bf16 v53, v23;
	v35 =	vmul.bf16 v62, v23;
	v9 =	vadd.f32 $1.000000000e+00, v11;
	v11 =	vld [tilespmem:s1+$0x4C00];
	[tilespmem:s11+$0xA00] =	vst v61  }
0x15f: {  	s17 =	sadd.s32 $0x40, s17;
	v34 =	vmul.bf16 v54, v27;
	v8 =	vld [tilespmem:s6+$0x4C00];
	v30 =	vadd.f32 $1.000000000e+00, v0;
	v37 =	vmul.f32 $3.500000000e+00, v63;
	[tilespmem:s31+$0xA00] =	vst v60  }
0x160: {  	_ = 	snop  }
0x161: {  	v38 =	vld [tilespmem:s0+$0x4A00];
	v0 =	vtrunc.f32 v37  }
0x162: {  	v0 =	vcvt.f32.s32 v0;
	_ =	sdelay $0x1  }
0x163: {  	vm0 =	vlt.s32 v0, $0x6  }
0x164: {  	v41 =	vnsel vm0, $0x6, v0  }
0x165: {  	v38 =	vadd.s32 v38, v41;
	_ =	sdelay $0x2  }
0x166: {  	v47 =	vld.idx.msk [tilespmem:v4+s29+$0x0], $0xffff  }
0x167: {  	v40 =	vld.idx.msk [tilespmem:v4+s7+$0x0], $0xffff  }
0x168: {  	v4 =	vld.idx.msk [tilespmem:v38+s23+$0x0], $0xffff  }
0x169: {  	v39 =	vld.idx.msk [tilespmem:v5+s29+$0x0], $0xffff  }
0x16a: {  	v9 =	vmul.f32 $3.500000000e+00, v9;
	v49 =	vld.idx.msk [tilespmem:v2+s29+$0x0], $0xffff  }
0x16b: {  	v43 =	vld.idx.msk [tilespmem:v5+s7+$0x0], $0xffff  }
0x16c: {  	v44 =	vld.idx.msk [tilespmem:v2+s7+$0x0], $0xffff;
	v42 =	vtrunc.f32 v9  }
0x16d: {  	v5 =	vcvt.f32.s32 v42;
	v42 =	vld [tilespmem:s0+$0x4C00];
	[tilespmem:$0x1FFA0] =	vst v4  }
0x16e: {  	v0 =	vmul.f32 $3.500000000e+00, v30;
	v4 =	vld.idx.msk [tilespmem:v38+s25+$0x0], $0xffff;
	_ =	sdelay $0x1  }
0x16f: {  	v59 =	vtrunc.f32 v0  }
0x170: {  	vm9 =	vlt.s32 v5, $0x6;
	v45 =	vadd.s32 $0x1, v38;
	v2 =	vcvt.f32.s32 v59  }
0x171: {  	v5 =	vnsel vm9, $0x6, v5;
	v46 =	vadd.s32 $0x9, v38  }
0x172: {  	v48 =	vcvt.s32.f32 v5;
	vm10 =	vlt.s32 v2, $0x6;
	[tilespmem:$0x1FFB0] =	vst v4  }
0x173: {  	v50 =	vmul.bf16 v24, v27;
	v2 =	vnsel vm10, $0x6, v2;
	v52 =	vld.idx.msk [tilespmem:v38+s28+$0x0], $0xffff  }
0x174: {  	v54 =	vmul.bf16 v22, v21;
	v22 =	vsub.f32 v9, v48;
	v24 =	vcvt.s32.f32 v2;
	v48 =	vld.idx.msk [tilespmem:v38+s30+$0x0], $0xffff  }
0x175: {  	v53 =	vsub.f32 $1.000000000e+00, v11;
	v41 =	vcvt.s32.f32 v41;
	v56 =	vld.idx.msk [tilespmem:v45+s23+$0x0], $0xffff  }
0x176: {  	v51 =	vsub.f32 $1.000000000e+00, v8;
	v9 =	vadd.s32 v19, v5;
	v19 =	vsub.f32 v0, v24;
	v57 =	vld.idx.msk [tilespmem:v46+s23+$0x0], $0xffff  }
0x177: {  	v37 =	vsub.f32 v37, v41;
	v41 =	vadd.s32 $0x8, v38;
	v58 =	vmul.f32 v22, v8;
	v59 =	vld.idx.msk [tilespmem:v45+s25+$0x0], $0xffff  }
0x178: {  	v0 =	vadd.s32 v20, v2;
	v2 =	vsub.f32 $1.000000000e+00, v22;
	v5 =	vsub.f32 $1.000000000e+00, v19;
	v61 =	vld.idx.msk [tilespmem:v46+s25+$0x0], $0xffff  }
0x179: {  	v20 =	vmul.f32 v22, v51;
	v60 =	vmul.f32 v19, v53;
	v62 =	vld.idx.msk [tilespmem:v45+s28+$0x0], $0xffff  }
0x17a: {  	v51 =	vmul.f32 v2, v51;
	v53 =	vmul.f32 v5, v53;
	v4 =	vld.idx.msk [tilespmem:v46+s28+$0x0], $0xffff  }
0x17b: {  	v63 =	vmul.f32 v5, v11;
	[tilespmem:s22+$0xA00] =	vst v3;
	v3 =	vmul.f32 v19, v11;
	v11 =	vld.idx.msk [tilespmem:v45+s30+$0x0], $0xffff  }
0x17c: {  	v39 =	vmul.bf16 v39, v27;
	v5 =	vadd.bf16 v33, v18;
	v18 =	vpack.i.f32.bf16 v58, v58;
	v58 =	vld.idx.msk [tilespmem:v46+s29+$0x0], $0xffff  }
0x17d: {  	v33 =	vpack.i.f32.bf16 v51, v51;
	v51 =	vadd.bf16 v36, v31;
	v31 =	vpack.i.f32.bf16 v53, v53;
	v53 =	vld.idx.msk [tilespmem:v41+s23+$0x0], $0xffff  }
0x17e: {  	v28 =	vadd.bf16 v29, v28;
	v55 =	vmul.bf16 v26, v23;
	v43 =	vmul.bf16 v43, v27;
	v29 =	vld.idx.msk [tilespmem:v38+s29+$0x0], $0xffff  }
0x17f: {  	v15 =	vadd.bf16 v50, v15;
	v49 =	vmul.bf16 v49, v21;
	v14 =	vadd.bf16 v39, v14;
	v39 =	vld.idx.msk [tilespmem:v41+s29+$0x0], $0xffff  }
0x180: {  	v47 =	vmul.bf16 v47, v23;
	v10 =	vadd.bf16 v43, v10;
	[tilespmem:s21+$0xA00] =	vst v1;
	v1 =	vld.idx.msk [tilespmem:v46+s30+$0x0], $0xffff  }
0x181: {  	v26 =	vadd.s32 $0x8, v9;
	v24 =	vadd.s32 $0x1, v9;
	v22 =	vadd.s32 $0x9, v9;
	v46 =	vld.idx.msk [tilespmem:v46+s7+$0x0], $0xffff  }
0x182: {  	v30 =	vadd.s32 $0x8, v0;
	v27 =	vadd.s32 $0x9, v0;
	v2 =	vmul.f32 v2, v8;
	[tilespmem:s3+$0x0] =	vst v7;
	v7 =	vld.idx.msk [tilespmem:v45+s29+$0x0], $0xffff  }
0x183: {  	v5 =	vadd.bf16 v51, v5;
	v45 =	vld.idx.msk [tilespmem:v45+s7+$0x0], $0xffff;
	[tilespmem:s20+$0x0] =	vst v12;
	v12 =	vmul.bf16 v44, v21;
	v21 =	vsub.f32 $1.000000000e+00, v42  }
0x184: {  	v36 =	vpack.i.f32.bf16 v60, v60;
	v44 =	vadd.bf16 v25, v17;
	v17 =	vadd.bf16 v34, v16;
	v34 =	vld.idx.msk [tilespmem:v41+s25+$0x0], $0xffff  }
0x185: {  	[tilespmem:s19+$0x0] =	vst v13;
	v13 =	vmul.bf16 v40, v23;
	v40 =	vsub.f32 $1.000000000e+00, v37;
	v23 =	vadd.bf16 v35, v32;
	v32 =	vld.idx.msk [tilespmem:v38+s7+$0x0], $0xffff  }
0x186: {  	v19 =	vpack.i.f32.bf16 v20, v20;
	v16 =	vmul.f32 v37, v42;
	v60 =	vmul.f32 v37, v21;
	v51 =	vld [tilespmem:$0x1FFA0]  }
0x187: {  	v25 =	vpack.i.f32.bf16 v3, v3;
	v3 =	vmul.f32 v40, v21;
	v37 =	vmul.f32 v40, v42;
	v40 =	vld.idx.msk [tilespmem:v41+s28+$0x0], $0xffff  }
0x188: {  	v20 =	vpack.i.f32.bf16 v2, v2;
	v21 =	vadd.bf16 v55, v54;
	v55 =	vld.idx.msk [tilespmem:v24+s23+$0x0], $0xffff;
	v35 =	vpack.i.f32.bf16 v60, v60  }
0x189: {  	v2 =	vpack.i.f32.bf16 v63, v63;
	v54 =	vld.idx.msk [tilespmem:v26+s28+$0x0], $0xffff;
	v60 =	vpack.i.f32.bf16 v16, v16;
	v42 =	vmul.bf16 v56, v35  }
0x18a: {  	v17 =	vadd.bf16 v23, v17;
	v23 =	vld.idx.msk [tilespmem:v27+s25+$0x0], $0xffff;
	v50 =	vmul.bf16 v57, v60;
	v57 =	vmul.bf16 v59, v35  }
0x18b: {  	v16 =	vadd.bf16 v47, v49;
	v47 =	vld.idx.msk [tilespmem:v26+s23+$0x0], $0xffff;
	v61 =	vmul.bf16 v61, v60;
	v63 =	vmul.bf16 v62, v35  }
0x18c: {  	v8 =	vadd.s32 $0x1, v0;
	v49 =	vld.idx.msk [tilespmem:v24+s25+$0x0], $0xffff;
	v4 =	vmul.bf16 v4, v60;
	v11 =	vmul.bf16 v11, v35  }
0x18d: {  	v28 =	vadd.bf16 v28, v44;
	v56 =	vld.idx.msk [tilespmem:v41+s30+$0x0], $0xffff;
	v1 =	vmul.bf16 v1, v60;
	v7 =	vmul.bf16 v7, v35  }
0x18e: {  	v12 =	vadd.bf16 v13, v12;
	v43 =	vmul.bf16 v58, v60;
	v38 =	vmul.bf16 v46, v60;
	v60 =	vld [tilespmem:$0x1FFB0]  }
0x18f: {  	v41 =	vld.idx.msk [tilespmem:v41+s7+$0x0], $0xffff;
	v35 =	vmul.bf16 v45, v35;
	v3 =	vpack.i.f32.bf16 v3, v3;
	v37 =	vpack.i.f32.bf16 v37, v37  }
0x190: {  	v45 =	vld.idx.msk [tilespmem:v22+s23+$0x0], $0xffff;
	v13 =	vadd.bf16 v21, v15;
	v15 =	vunpack.i.l.bf16.f32 v17;
	v17 =	vunpack.i.u.bf16.f32 v17  }
0x191: {  	v21 =	vld.idx.msk [tilespmem:v27+s28+$0x0], $0xffff;
	v10 =	vadd.bf16 v12, v10;
	v58 =	vmul.bf16 v53, v37;
	v46 =	vmul.bf16 v51, v3  }
0x192: {  	v53 =	vld.idx.msk [tilespmem:v26+s25+$0x0], $0xffff;
	v52 =	vmul.bf16 v52, v3;
	v34 =	vmul.bf16 v34, v37;
	v14 =	vadd.bf16 v16, v14  }
0x193: {  	v16 =	vld.idx.msk [tilespmem:v9+s23+$0x0], $0xffff;
	v50 =	vadd.bf16 v50, v58;
	v42 =	vadd.bf16 v42, v46;
	v44 =	vmul.bf16 v60, v3  }
0x194: {  	s6 =	sadd.s32 $0x200, s24;
	v48 =	vmul.bf16 v48, v3;
	v29 =	vmul.bf16 v29, v3;
	v51 =	vld.idx.msk [tilespmem:v24+s28+$0x0], $0xffff;
	v34 =	vadd.bf16 v61, v34  }
0x195: {  	s5 =	sand.u32 $0xC00, s6;
	v40 =	vmul.bf16 v40, v37;
	v58 =	vld.idx.msk [tilespmem:v26+s30+$0x0], $0xffff;
	v42 =	vadd.bf16 v50, v42;
	v44 =	vadd.bf16 v57, v44  }
0x196: {  	p1 =	por !p1, !p1;
	s1 =	simm.s32 $0x1;
	s0 =	sadd.s32 $0xA00, s5;
	v39 =	vmul.bf16 v39, v37;
	v61 =	vadd.bf16 v63, v52;
	v52 =	vld.idx.msk [tilespmem:v8+s23+$0x0], $0xffff;
	v62 =	vmul.bf16 v56, v37  }
0x197: {  	s1 =	simm.s32 @!p1 $0x0;
	s2 =	sor.u32 s16, s0;
	[tilespmem:s18+$0x0] =	vst v6;
	v46 =	vld.idx.msk [tilespmem:v22+s25+$0x0], $0xffff;
	v4 =	vadd.bf16 v4, v40;
	v6 =	vunpack.i.l.bf16.f32 v42;
	v63 =	vadd.bf16 v34, v44  }
0x198: {  	s1 =	sshll.u32 s1, $0x6;
	v11 =	vadd.bf16 v11, v48;
	v7 =	vadd.bf16 v7, v29;
	v56 =	vld.idx.msk [tilespmem:v22+s28+$0x0], $0xffff;
	v42 =	vunpack.i.u.bf16.f32 v42;
	[tilespmem:s2+$0x0] =	vst v6  }
0x199: {  	s1 =	sadd.s32 s1, s6;
	v60 =	vld.idx.msk [tilespmem:v24+s29+$0x0], $0xffff;
	v4 =	vadd.bf16 v4, v61;
	v1 =	vadd.bf16 v1, v62;
	[tilespmem:s2+$0x80] =	vst v42;
	v59 =	vunpack.i.l.bf16.f32 v63  }
0x19a: {  	s10 =	sadd.s32 $0x30, s1;
	v3 =	vmul.bf16 v32, v3;
	v29 =	vmul.bf16 v41, v37;
	v57 =	vld.idx.msk [tilespmem:v24+s30+$0x0], $0xffff;
	v32 =	vunpack.i.u.bf16.f32 v63;
	[tilespmem:s2+$0x100] =	vst v59  }
0x19b: {  	s11 =	sor.u32 $0x200, s10;
	v61 =	vld.idx.msk [tilespmem:v26+s29+$0x0], $0xffff;
	v1 =	vadd.bf16 v1, v11;
	v11 =	vadd.bf16 v43, v39;
	v62 =	vunpack.i.l.bf16.f32 v4;
	[tilespmem:s2+$0x180] =	vst v32  }
0x19c: {  	s17 =	sor.u32 $0x280, s10;
	v41 =	vmul.bf16 v55, v19;
	v3 =	vadd.bf16 v35, v3;
	v24 =	vld.idx.msk [tilespmem:v24+s7+$0x0], $0xffff;
	v4 =	vunpack.i.u.bf16.f32 v4;
	[tilespmem:s11+$0xA00] =	vst v62  }
0x19d: {  	s4 =	sor.u32 $0x300, s10;
	v26 =	vld.idx.msk [tilespmem:v26+s7+$0x0], $0xffff;
	v7 =	vadd.bf16 v11, v7;
	v11 =	vadd.bf16 v38, v29;
	[tilespmem:s17+$0xA00] =	vst v4;
	v4 =	vunpack.i.l.bf16.f32 v1  }
0x19e: {  	s18 =	sor.u32 $0x380, s10;
	v48 =	vmul.bf16 v45, v18;
	v16 =	vmul.bf16 v16, v33;
	v6 =	vld.idx.msk [tilespmem:v22+s30+$0x0], $0xffff;
	s2 =	sadd.s32 $0x1A00, s5;
	v1 =	vunpack.i.u.bf16.f32 v1;
	[tilespmem:s4+$0xA00] =	vst v4  }
0x19f: {  	s3 =	sadd.s32 $0x1A80, s5;
	v55 =	vmul.bf16 v56, v18;
	v56 =	vld.idx.msk [tilespmem:v27+s23+$0x0], $0xffff;
	v3 =	vadd.bf16 v11, v3;
	s19 =	sor.u32 s16, s2;
	[tilespmem:s18+$0xA00] =	vst v1;
	v1 =	vunpack.i.l.bf16.f32 v7  }
0x1a0: {  	s20 =	sor.u32 s16, s3;
	v21 =	vmul.bf16 v21, v25;
	v37 =	vmul.bf16 v60, v19;
	v60 =	vld.idx.msk [tilespmem:v30+s28+$0x0], $0xffff;
	s4 =	sadd.s32 $0x1B00, s5;
	v7 =	vunpack.i.u.bf16.f32 v7;
	[tilespmem:s19+$0x0] =	vst v1  }
0x1a1: {  	v16 =	vadd.bf16 v41, v16;
	v63 =	vld.idx.msk [tilespmem:v22+s29+$0x0], $0xffff;
	v29 =	vmul.bf16 v47, v20;
	s5 =	sadd.s32 $0x1B80, s5;
	s21 =	sor.u32 s16, s4;
	[tilespmem:s20+$0x0] =	vst v7;
	v7 =	vunpack.i.l.bf16.f32 v3  }
0x1a2: {  	v50 =	vmul.bf16 v46, v18;
	v34 =	vmul.bf16 v57, v19;
	v11 =	vld.idx.msk [tilespmem:v22+s7+$0x0], $0xffff;
	s22 =	sor.u32 s16, s5;
	v3 =	vunpack.i.u.bf16.f32 v3;
	[tilespmem:s21+$0x0] =	vst v7  }
0x1a3: {  	s8 =	sor.u32 s15, s0;
	v57 =	vld.idx.msk [tilespmem:v8+s25+$0x0], $0xffff;
	v7 =	vadd.bf16 v48, v29;
	v29 =	vmul.bf16 v58, v20;
	v58 =	vunpack.i.l.bf16.f32 v5;
	[tilespmem:s22+$0x0] =	vst v3  }
0x1a4: {  	v39 =	vmul.bf16 v61, v20;
	v61 =	vld.idx.msk [tilespmem:v9+s28+$0x0], $0xffff;
	v22 =	vmul.bf16 v53, v20;
	v5 =	vunpack.i.u.bf16.f32 v5;
	[tilespmem:s8+$0x0] =	vst v58  }
0x1a5: {  	v53 =	vmul.bf16 v54, v20;
	v54 =	vld.idx.msk [tilespmem:v30+s23+$0x0], $0xffff;
	v6 =	vmul.bf16 v6, v18;
	[tilespmem:s8+$0x80] =	vst v5;
	v5 =	vunpack.i.l.bf16.f32 v28  }
0x1a6: {  	v62 =	vld.idx.msk [tilespmem:v9+s29+$0x0], $0xffff;
	v4 =	vmul.bf16 v49, v19;
	v35 =	vmul.bf16 v60, v2;
	v28 =	vunpack.i.u.bf16.f32 v28;
	[tilespmem:s8+$0x100] =	vst v5  }
0x1a7: {  	s24 =	sor.u32 $0x200, s1;
	v59 =	vadd.bf16 v55, v53;
	v11 =	vmul.bf16 v11, v18;
	v20 =	vmul.bf16 v26, v20;
	[tilespmem:s8+$0x180] =	vst v28  }
0x1a8: {  	s26 =	sor.u32 $0x280, s1;
	v12 =	vunpack.i.u.bf16.f32 v13;
	v1 =	vmul.bf16 v51, v19;
	v3 =	vadd.bf16 v50, v22;
	v22 =	vld.idx.msk [tilespmem:v30+s25+$0x0], $0xffff;
	[tilespmem:s24+$0xA00] =	vst v15  }
0x1a9: {  	s6 =	sor.u32 s6, s12;
	s31 =	sor.u32 $0x300, s1;
	v19 =	vmul.bf16 v24, v19;
	v11 =	vadd.bf16 v11, v20;
	v20 =	vld.idx.msk [tilespmem:v9+s25+$0x0], $0xffff;
	[tilespmem:s26+$0xA00] =	vst v17;
	v17 =	vunpack.i.l.bf16.f32 v13  }
0x1aa: {  	s6 =	sor.u32 $0x380, s6;
	v24 =	vmul.bf16 v56, v25;
	v6 =	vadd.bf16 v6, v29;
	v5 =	vmul.bf16 v63, v18;
	[tilespmem:s31+$0xA00] =	vst v17  }
0x1ab: {  	s10 =	sor.u32 s15, s2;
	v29 =	vld.idx.msk [tilespmem:v8+s28+$0x0], $0xffff;
	v18 =	vunpack.i.l.bf16.f32 v14;
	v28 =	vmul.bf16 v57, v36;
	v7 =	vadd.bf16 v7, v16;
	[tilespmem:s6+$0xA00] =	vst v12  }
0x1ac: {  	s11 =	sor.u32 s15, s3;
	v14 =	vunpack.i.u.bf16.f32 v14;
	v5 =	vadd.bf16 v5, v39;
	v13 =	vld.idx.msk [tilespmem:v30+s30+$0x0], $0xffff;
	v17 =	vmul.bf16 v52, v36;
	[tilespmem:s10+$0x0] =	vst v18  }
0x1ad: {  	v12 =	vmul.bf16 v54, v2;
	[tilespmem:s11+$0x0] =	vst v14;
	v14 =	vmul.bf16 v23, v25;
	v23 =	vld.idx.msk [tilespmem:v9+s30+$0x0], $0xffff  }
0x1ae: {  	s12 =	sor.u32 s15, s4;
	v26 =	vld.idx.msk [tilespmem:v27+s30+$0x0], $0xffff;
	v22 =	vmul.bf16 v22, v2;
	v18 =	vunpack.i.l.bf16.f32 v10;
	v20 =	vmul.bf16 v20, v33  }
0x1af: {  	v10 =	vunpack.i.u.bf16.f32 v10;
	v12 =	vadd.bf16 v24, v12;
	[tilespmem:s12+$0x0] =	vst v18;
	v18 =	vmul.bf16 v61, v33  }
0x1b0: {  	s9 =	simm.s32 $0x280;
	v16 =	vld.idx.msk [tilespmem:v30+s29+$0x0], $0xffff;
	v24 =	vmul.bf16 v29, v36;
	v4 =	vadd.bf16 v4, v20;
	v20 =	vadd.bf16 v21, v35  }
0x1b1: {  	s15 =	sor.u32 s15, s5;
	v9 =	vld.idx.msk [tilespmem:v9+s9+$0x0], $0xffff;
	v13 =	vmul.bf16 v13, v2;
	v14 =	vadd.bf16 v14, v22;
	v1 =	vadd.bf16 v1, v18  }
0x1b2: {  	s16 =	sor.u32 s14, s0;
	v15 =	vld.idx.msk [tilespmem:v8+s30+$0x0], $0xffff;
	[tilespmem:s15+$0x0] =	vst v10;
	v3 =	vadd.bf16 v3, v4;
	v4 =	vunpack.i.u.bf16.f32 v7;
	v22 =	vmul.bf16 v23, v33  }
0x1b3: {  	v21 =	vmul.bf16 v26, v25;
	v26 =	vmul.bf16 v62, v33;
	v10 =	vld.idx.msk [tilespmem:v0+s23+$0x0], $0xffff;
	v7 =	vunpack.i.l.bf16.f32 v7;
	[tilespmem:s16+$0x80] =	vst v4  }
0x1b4: {  	v4 =	vld.idx.msk [tilespmem:v0+s25+$0x0], $0xffff;
	[tilespmem:s16+$0x0] =	vst v7;
	v1 =	vadd.bf16 v59, v1;
	v7 =	vunpack.i.l.bf16.f32 v3;
	v22 =	vadd.bf16 v34, v22  }
0x1b5: {  	s17 =	sadd.s32 $0x10, s1;
	v29 =	vld.idx.msk [tilespmem:v8+s29+$0x0], $0xffff;
	v13 =	vadd.bf16 v21, v13;
	v21 =	vadd.bf16 v37, v26;
	v3 =	vunpack.i.u.bf16.f32 v3;
	[tilespmem:s16+$0x100] =	vst v7  }
0x1b6: {  	s18 =	sor.u32 $0x200, s17;
	v9 =	vmul.bf16 v9, v33;
	v7 =	vld.idx.msk [tilespmem:v0+s28+$0x0], $0xffff;
	[tilespmem:s16+$0x180] =	vst v3;
	v6 =	vadd.bf16 v6, v22;
	v22 =	vunpack.i.l.bf16.f32 v1  }
0x1b7: {  	s19 =	sor.u32 $0x280, s17;
	v15 =	vmul.bf16 v15, v36;
	v5 =	vadd.bf16 v5, v21;
	v1 =	vunpack.i.u.bf16.f32 v1;
	[tilespmem:s18+$0xA00] =	vst v22  }
0x1b8: {  	s20 =	sor.u32 $0x300, s17;
	v18 =	vld.idx.msk [tilespmem:v27+s29+$0x0], $0xffff;
	v10 =	vmul.bf16 v10, v31;
	v9 =	vadd.bf16 v19, v9;
	v19 =	vunpack.i.l.bf16.f32 v6;
	[tilespmem:s19+$0xA00] =	vst v1  }
0x1b9: {  	s6 =	sor.u32 $0x380, s17;
	v3 =	vmul.bf16 v16, v2;
	v16 =	vld.idx.msk [tilespmem:v0+s30+$0x0], $0xffff;
	v4 =	vmul.bf16 v4, v31;
	v6 =	vunpack.i.u.bf16.f32 v6;
	[tilespmem:s20+$0xA00] =	vst v19  }
0x1ba: {  	s21 =	sor.u32 s14, s2;
	v10 =	vadd.bf16 v17, v10;
	v9 =	vadd.bf16 v11, v9;
	v11 =	vunpack.i.l.bf16.f32 v5;
	v1 =	vld.idx.msk [tilespmem:v30+s9+$0x0], $0xffff;
	[tilespmem:s6+$0xA00] =	vst v6  }
0x1bb: {  	s22 =	sor.u32 s14, s3;
	v23 =	vmul.bf16 v29, v36;
	v5 =	vunpack.i.u.bf16.f32 v5;
	v7 =	vmul.bf16 v7, v31;
	v19 =	vld.idx.msk [tilespmem:v0+s29+$0x0], $0xffff;
	[tilespmem:s21+$0x0] =	vst v11  }
0x1bc: {  	s24 =	sor.u32 s14, s4;
	v8 =	vld.idx.msk [tilespmem:v8+s9+$0x0], $0xffff;
	v4 =	vadd.bf16 v28, v4;
	v10 =	vadd.bf16 v12, v10;
	v11 =	vunpack.i.l.bf16.f32 v9;
	[tilespmem:s22+$0x0] =	vst v5  }
0x1bd: {  	s25 =	sor.u32 s14, s5;
	v18 =	vmul.bf16 v18, v25;
	v0 =	vld.idx.msk [tilespmem:v0+s9+$0x0], $0xffff;
	v7 =	vadd.bf16 v24, v7;
	v9 =	vunpack.i.u.bf16.f32 v9;
	[tilespmem:s24+$0x0] =	vst v11  }
0x1be: {  	s0 =	sor.u32 s13, s0;
	v6 =	vld.idx.msk [tilespmem:v27+s9+$0x0], $0xffff;
	v4 =	vadd.bf16 v14, v4;
	v5 =	vmul.bf16 v16, v31;
	v11 =	vunpack.i.l.bf16.f32 v10;
	[tilespmem:s25+$0x0] =	vst v9  }
0x1bf: {  	v7 =	vadd.bf16 v20, v7;
	v1 =	vmul.bf16 v1, v2;
	v9 =	vunpack.i.u.bf16.f32 v10;
	[tilespmem:s0+$0x0] =	vst v11  }
0x1c0: {  	v2 =	vmul.bf16 v19, v31;
	v5 =	vadd.bf16 v15, v5;
	v10 =	vunpack.i.l.bf16.f32 v4;
	[tilespmem:s0+$0x80] =	vst v9  }
0x1c1: {  	s1 =	sadd.s32 $0x20, s1;
	v8 =	vmul.bf16 v8, v36;
	v3 =	vadd.bf16 v18, v3;
	v4 =	vunpack.i.u.bf16.f32 v4;
	[tilespmem:s0+$0x100] =	vst v10  }
0x1c2: {  	s26 =	sor.u32 $0x200, s1;
	v9 =	vunpack.i.l.bf16.f32 v7;
	[tilespmem:s0+$0x180] =	vst v4;
	v2 =	vadd.bf16 v23, v2;
	v5 =	vadd.bf16 v13, v5  }
0x1c3: {  	s30 =	sor.u32 $0x280, s1;
	v0 =	vmul.bf16 v0, v31;
	v6 =	vmul.bf16 v6, v25;
	v4 =	vunpack.i.u.bf16.f32 v7;
	[tilespmem:s26+$0xA00] =	vst v9  }
0x1c4: {  	s31 =	sor.u32 $0x300, s1;
	[tilespmem:s30+$0xA00] =	vst v4;
	v2 =	vadd.bf16 v3, v2;
	v3 =	vunpack.i.l.bf16.f32 v5  }
0x1c5: {  	s7 =	sor.u32 $0x380, s1;
	v0 =	vadd.bf16 v8, v0;
	v1 =	vadd.bf16 v6, v1;
	v4 =	vunpack.i.u.bf16.f32 v5;
	[tilespmem:s31+$0xA00] =	vst v3  }
0x1c6: {  	[tilespmem:s7+$0xA00] =	vst v4  }
0x1c7: {  	s8 =	sor.u32 s13, s2;
	v0 =	vadd.bf16 v1, v0;
	v1 =	vunpack.i.l.bf16.f32 v2;
	s0 =	rddreg [dreg:$0x17]  }
0x1c8: {  	s9 =	sld [smem:$0x7F4];
	[tilespmem:s8+$0x0] =	vst v1  }
0x1c9: {  	s6 =	sld [smem:$0x7F5];
	_ =	sdelay $0x1  }
0x1ca: {  	s0 =	sadd.s32 s0, s9  }
0x1cb: {  	s10 =	sor.u32 s13, s3;
	v2 =	vunpack.i.u.bf16.f32 v2;
	s0 =	sshll.u32 s0, $0x6;
	s11 =	sshll.u32 s6, $0x5  }
0x1cc: {  	s12 =	sor.u32 s13, s4;
	v1 =	vunpack.i.l.bf16.f32 v0;
	[tilespmem:s10+$0x0] =	vst v2;
	s7 =	sand.u32 $0xFFE7E00, s0;
	s0 =	sand.u32 $0x60, s11  }
0x1cd: {  	s15 =	rddreg [dreg:$0x1];
	s14 =	sor.u32 s13, s5;
	v0 =	vunpack.i.u.bf16.f32 v0;
	[tilespmem:s12+$0x0] =	vst v1;
	s2 =	sor.u32 s0, s7  }
0x1ce: {  	s16 =	simm.s32 $0xA00;
	[tilespmem:s14+$0x0] =	vst v0;
	s1 =	sadd.s32 s15, s2  }
0x1cf: {  	[hbm4b:s1+s23] =	stream.linear.scatter [tilespmem:s16], [sflag:$0x3], $0x80, $0x38;
	[tilespmem:$0x4E00] =	vst v63  }
0x1d0: {  	s18 =	simm.s32 $0xE00;
	s17 =	sadd.s32 $0x80, s1  }
0x1d1: {  	[hbm4b:s17+s23] =	stream.linear.scatter [tilespmem:s18], [sflag:$0x3], $0x80, $0x38;
	[tilespmem:$0x4E00] =	vst v63  }
0x1d2: {  	s20 =	simm.s32 $0x1200;
	s19 =	sadd.s32 $0x100, s1  }
0x1d3: {  	[hbm4b:s19+s23] =	stream.linear.scatter [tilespmem:s20], [sflag:$0x3], $0x80, $0x38;
	[tilespmem:$0x4E00] =	vst v63  }
0x1d4: {  	s21 =	simm.s32 $0x1600;
	s22 =	rddreg [dreg:$0x1a];
	s1 =	sadd.s32 $0x180, s1  }
0x1d5: {  	[hbm4b:s1+s23] =	stream.linear.scatter [tilespmem:s21], [sflag:$0x3], $0x80, $0x38;
	[tilespmem:$0x4E00] =	vst v63  }
0x1d6: {  	s24 =	simm.s32 $0xA80;
	s1 =	sadd.s32 s2, s22  }
0x1d7: {  	[hbm4b:s1+s23] =	stream.linear.scatter [tilespmem:s24], [sflag:$0x3], $0x80, $0x38;
	[tilespmem:$0x4E00] =	vst v63  }
0x1d8: {  	s26 =	simm.s32 $0xE80;
	s25 =	sadd.s32 $0x80, s1  }
0x1d9: {  	[hbm4b:s25+s23] =	stream.linear.scatter [tilespmem:s26], [sflag:$0x3], $0x80, $0x38;
	[tilespmem:$0x4E00] =	vst v63  }
0x1da: {  	s31 =	simm.s32 $0x1280;
	s30 =	sadd.s32 $0x100, s1  }
0x1db: {  	[hbm4b:s30+s23] =	stream.linear.scatter [tilespmem:s31], [sflag:$0x3], $0x80, $0x38;
	[tilespmem:$0x4E00] =	vst v63  }
0x1dc: {  	s4 =	simm.s32 $0x1680;
	s5 =	rddreg [dreg:$0x1b];
	s1 =	sadd.s32 $0x180, s1  }
0x1dd: {  	[hbm4b:s1+s23] =	stream.linear.scatter [tilespmem:s4], [sflag:$0x3], $0x80, $0x38;
	[tilespmem:$0x4E00] =	vst v63  }
0x1de: {  	s8 =	simm.s32 $0xB00;
	s1 =	sadd.s32 s2, s5  }
0x1df: {  	[hbm4b:s1+s23] =	stream.linear.scatter [tilespmem:s8], [sflag:$0x3], $0x80, $0x38;
	[tilespmem:$0x4E00] =	vst v63  }
0x1e0: {  	s10 =	simm.s32 $0xF00;
	s9 =	sadd.s32 $0x80, s1  }
0x1e1: {  	[hbm4b:s9+s23] =	stream.linear.scatter [tilespmem:s10], [sflag:$0x3], $0x80, $0x38;
	[tilespmem:$0x4E00] =	vst v63  }
0x1e2: {  	s12 =	simm.s32 $0x1300;
	s11 =	sadd.s32 $0x100, s1  }
0x1e3: {  	[hbm4b:s11+s23] =	stream.linear.scatter [tilespmem:s12], [sflag:$0x3], $0x80, $0x38;
	[tilespmem:$0x4E00] =	vst v63  }
0x1e4: {  	s13 =	simm.s32 $0x1700;
	s14 =	rddreg [dreg:$0x1c];
	s1 =	sadd.s32 $0x180, s1  }
0x1e5: {  	[hbm4b:s1+s23] =	stream.linear.scatter [tilespmem:s13], [sflag:$0x3], $0x80, $0x38;
	[tilespmem:$0x4E00] =	vst v63  }
0x1e6: {  	s15 =	simm.s32 $0xB80;
	s1 =	sadd.s32 s2, s14  }
0x1e7: {  	[hbm4b:s1+s23] =	stream.linear.scatter [tilespmem:s15], [sflag:$0x3], $0x80, $0x38;
	[tilespmem:$0x4E00] =	vst v63  }
0x1e8: {  	s17 =	simm.s32 $0xF80;
	s16 =	sadd.s32 $0x80, s1  }
0x1e9: {  	[hbm4b:s16+s23] =	stream.linear.scatter [tilespmem:s17], [sflag:$0x3], $0x80, $0x38;
	[tilespmem:$0x4E00] =	vst v63  }
0x1ea: {  	s19 =	simm.s32 $0x1380;
	s18 =	sadd.s32 $0x100, s1  }
0x1eb: {  	[hbm4b:s18+s23] =	stream.linear.scatter [tilespmem:s19], [sflag:$0x3], $0x80, $0x38;
	[tilespmem:$0x4E00] =	vst v63  }
0x1ec: {  	s20 =	simm.s32 $0x1780;
	s21 =	rddreg [dreg:$0x1d];
	s1 =	sadd.s32 $0x180, s1  }
0x1ed: {  	[hbm4b:s1+s23] =	stream.linear.scatter [tilespmem:s20], [sflag:$0x3], $0x80, $0x38;
	[tilespmem:$0x4E00] =	vst v63  }
0x1ee: {  	s1 =	sadd.s32 s0, s21  }
0x1ef: {  	s22 =	simm.s32 $0xC00;
	s1 =	sadd.s32 s7, s1  }
0x1f0: {  	[hbm4b:s1+s23] =	stream.linear.scatter [tilespmem:s22], [sflag:$0x3], $0x80, $0x38;
	[tilespmem:$0x4E00] =	vst v63  }
0x1f1: {  	s25 =	simm.s32 $0x1000;
	s24 =	sadd.s32 $0x80, s1  }
0x1f2: {  	[hbm4b:s24+s23] =	stream.linear.scatter [tilespmem:s25], [sflag:$0x3], $0x80, $0x38;
	[tilespmem:$0x4E00] =	vst v63  }
0x1f3: {  	s30 =	simm.s32 $0x1400;
	s26 =	sadd.s32 $0x100, s1  }
0x1f4: {  	[hbm4b:s26+s23] =	stream.linear.scatter [tilespmem:s30], [sflag:$0x3], $0x80, $0x38;
	[tilespmem:$0x4E00] =	vst v63  }
0x1f5: {  	s3 =	rddreg [dreg:$0x1e];
	s31 =	simm.s32 $0x1800;
	s1 =	sadd.s32 $0x180, s1  }
0x1f6: {  	[hbm4b:s1+s23] =	stream.linear.scatter [tilespmem:s31], [sflag:$0x3], $0x80, $0x38;
	[tilespmem:$0x4E00] =	vst v63  }
0x1f7: {  	s1 =	sadd.s32 s0, s3  }
0x1f8: {  	s4 =	simm.s32 $0xC80;
	s1 =	sadd.s32 s7, s1  }
0x1f9: {  	[hbm4b:s1+s23] =	stream.linear.scatter [tilespmem:s4], [sflag:$0x3], $0x80, $0x38;
	[tilespmem:$0x4E00] =	vst v63  }
0x1fa: {  	s8 =	simm.s32 $0x1080;
	s5 =	sadd.s32 $0x80, s1  }
0x1fb: {  	[hbm4b:s5+s23] =	stream.linear.scatter [tilespmem:s8], [sflag:$0x3], $0x80, $0x38;
	[tilespmem:$0x4E00] =	vst v63  }
0x1fc: {  	s10 =	simm.s32 $0x1480;
	s9 =	sadd.s32 $0x100, s1  }
0x1fd: {  	[hbm4b:s9+s23] =	stream.linear.scatter [tilespmem:s10], [sflag:$0x3], $0x80, $0x38;
	[tilespmem:$0x4E00] =	vst v63  }
0x1fe: {  	s11 =	simm.s32 $0x1880;
	s12 =	rddreg [dreg:$0x1f];
	s1 =	sadd.s32 $0x180, s1  }
0x1ff: {  	[hbm4b:s1+s23] =	stream.linear.scatter [tilespmem:s11], [sflag:$0x3], $0x80, $0x38;
	[tilespmem:$0x4E00] =	vst v63  }
0x200: {  	s1 =	sadd.s32 s0, s12  }
0x201: {  	s13 =	simm.s32 $0xD00;
	s1 =	sadd.s32 s7, s1  }
0x202: {  	[hbm4b:s1+s23] =	stream.linear.scatter [tilespmem:s13], [sflag:$0x3], $0x80, $0x38;
	[tilespmem:$0x4E00] =	vst v63  }
0x203: {  	s15 =	simm.s32 $0x1100;
	s14 =	sadd.s32 $0x80, s1  }
0x204: {  	[hbm4b:s14+s23] =	stream.linear.scatter [tilespmem:s15], [sflag:$0x3], $0x80, $0x38;
	[tilespmem:$0x4E00] =	vst v63  }
0x205: {  	s17 =	simm.s32 $0x1500;
	s19 =	sld [smem:$0x7F8];
	s16 =	sadd.s32 $0x100, s1  }
0x206: {  	[hbm4b:s16+s23] =	stream.linear.scatter [tilespmem:s17], [sflag:$0x3], $0x80, $0x38;
	[tilespmem:$0x4E00] =	vst v63  }
0x207: {  	s18 =	simm.s32 $0x1900;
	s1 =	sadd.s32 $0x180, s1  }
0x208: {  	[hbm4b:s1+s23] =	stream.linear.scatter [tilespmem:s18], [sflag:$0x3], $0x80, $0x38;
	[tilespmem:$0x4E00] =	vst v63  }
0x209: {  	s1 =	sadd.s32 s0, s19  }
0x20a: {  	s20 =	simm.s32 $0xD80;
	s1 =	sadd.s32 s7, s1  }
0x20b: {  	[hbm4b:s1+s23] =	stream.linear.scatter [tilespmem:s20], [sflag:$0x3], $0x80, $0x38;
	[tilespmem:$0x4E00] =	vst v63  }
0x20c: {  	s22 =	simm.s32 $0x1180;
	s21 =	sadd.s32 $0x80, s1  }
0x20d: {  	[hbm4b:s21+s23] =	stream.linear.scatter [tilespmem:s22], [sflag:$0x3], $0x80, $0x38;
	[tilespmem:$0x4E00] =	vst v63  }
0x20e: {  	s25 =	simm.s32 $0x1580;
	s30 =	sld [smem:$0x7F9];
	s24 =	sadd.s32 $0x100, s1  }
0x20f: {  	[hbm4b:s24+s23] =	stream.linear.scatter [tilespmem:s25], [sflag:$0x3], $0x80, $0x38;
	[tilespmem:$0x4E00] =	vst v63  }
0x210: {  	s26 =	simm.s32 $0x1980;
	s1 =	sadd.s32 $0x180, s1  }
0x211: {  	[hbm4b:s1+s23] =	stream.linear.scatter [tilespmem:s26], [sflag:$0x3], $0x80, $0x38;
	[tilespmem:$0x4E00] =	vst v63  }
0x212: {  	s1 =	sadd.s32 s0, s30  }
0x213: {  	s31 =	simm.s32 $0x1A00;
	s1 =	sadd.s32 s7, s1  }
0x214: {  	[hbm4b:s1+s23] =	stream.linear.scatter [tilespmem:s31], [sflag:$0x3], $0x80, $0x38;
	[tilespmem:$0x4E00] =	vst v63  }
0x215: {  	s4 =	simm.s32 $0x1E00;
	s3 =	sadd.s32 $0x80, s1  }
0x216: {  	[hbm4b:s3+s23] =	stream.linear.scatter [tilespmem:s4], [sflag:$0x3], $0x80, $0x38;
	[tilespmem:$0x4E00] =	vst v63  }
0x217: {  	s8 =	simm.s32 $0x2200;
	s10 =	sld [smem:$0x7FA];
	s5 =	sadd.s32 $0x100, s1  }
0x218: {  	[hbm4b:s5+s23] =	stream.linear.scatter [tilespmem:s8], [sflag:$0x3], $0x80, $0x38;
	[tilespmem:$0x4E00] =	vst v63  }
0x219: {  	s9 =	simm.s32 $0x2600;
	s1 =	sadd.s32 $0x180, s1  }
0x21a: {  	[hbm4b:s1+s23] =	stream.linear.scatter [tilespmem:s9], [sflag:$0x3], $0x80, $0x38;
	[tilespmem:$0x4E00] =	vst v63  }
0x21b: {  	s1 =	sadd.s32 s0, s10  }
0x21c: {  	s11 =	simm.s32 $0x1A80;
	s1 =	sadd.s32 s7, s1  }
0x21d: {  	[hbm4b:s1+s23] =	stream.linear.scatter [tilespmem:s11], [sflag:$0x3], $0x80, $0x38;
	[tilespmem:$0x4E00] =	vst v63  }
0x21e: {  	s13 =	simm.s32 $0x1E80;
	s12 =	sadd.s32 $0x80, s1  }
0x21f: {  	[hbm4b:s12+s23] =	stream.linear.scatter [tilespmem:s13], [sflag:$0x3], $0x80, $0x38;
	[tilespmem:$0x4E00] =	vst v63  }
0x220: {  	s15 =	simm.s32 $0x2280;
	s17 =	sld [smem:$0x7FB];
	s14 =	sadd.s32 $0x100, s1  }
0x221: {  	[hbm4b:s14+s23] =	stream.linear.scatter [tilespmem:s15], [sflag:$0x3], $0x80, $0x38;
	[tilespmem:$0x4E00] =	vst v63  }
0x222: {  	s16 =	simm.s32 $0x2680;
	s1 =	sadd.s32 $0x180, s1  }
0x223: {  	[hbm4b:s1+s23] =	stream.linear.scatter [tilespmem:s16], [sflag:$0x3], $0x80, $0x38;
	[tilespmem:$0x4E00] =	vst v63  }
0x224: {  	s1 =	sadd.s32 s0, s17  }
0x225: {  	s18 =	simm.s32 $0x1B00;
	s1 =	sadd.s32 s7, s1  }
0x226: {  	[hbm4b:s1+s23] =	stream.linear.scatter [tilespmem:s18], [sflag:$0x3], $0x80, $0x38;
	[tilespmem:$0x4E00] =	vst v63  }
0x227: {  	s20 =	simm.s32 $0x1F00;
	s25 =	sld [smem:$0x7FC];
	s19 =	sadd.s32 $0x80, s1  }
0x228: {  	[hbm4b:s19+s23] =	stream.linear.scatter [tilespmem:s20], [sflag:$0x3], $0x80, $0x38;
	[tilespmem:$0x4E00] =	vst v63  }
0x229: {  	s22 =	simm.s32 $0x2300;
	s21 =	sadd.s32 $0x100, s1  }
0x22a: {  	[hbm4b:s21+s23] =	stream.linear.scatter [tilespmem:s22], [sflag:$0x3], $0x80, $0x38;
	[tilespmem:$0x4E00] =	vst v63  }
0x22b: {  	s24 =	simm.s32 $0x2700;
	s0 =	sadd.s32 s0, s25;
	s1 =	sadd.s32 $0x180, s1  }
0x22c: {  	[hbm4b:s1+s23] =	stream.linear.scatter [tilespmem:s24], [sflag:$0x3], $0x80, $0x38;
	[tilespmem:$0x4E00] =	vst v63  }
0x22d: {  	s26 =	simm.s32 $0x1B80;
	s0 =	sadd.s32 s7, s0  }
0x22e: {  	[hbm4b:s0+s23] =	stream.linear.scatter [tilespmem:s26], [sflag:$0x3], $0x80, $0x38;
	[tilespmem:$0x4E00] =	vst v63  }
0x22f: {  	s31 =	simm.s32 $0x1F80;
	s30 =	sadd.s32 $0x80, s0  }
0x230: {  	[hbm4b:s30+s23] =	stream.linear.scatter [tilespmem:s31], [sflag:$0x3], $0x80, $0x38;
	[tilespmem:$0x4E00] =	vst v63  }
0x231: {  	s3 =	simm.s32 $0x2380;
	s2 =	sadd.s32 $0x100, s0  }
0x232: {  	[hbm4b:s2+s23] =	stream.linear.scatter [tilespmem:s3], [sflag:$0x3], $0x80, $0x38;
	[tilespmem:$0x4E00] =	vst v63  }
0x233: {  	s4 =	simm.s32 $0x2780;
	s1 =	sld [smem:$0x7F6];
	s0 =	sadd.s32 $0x180, s0  }
0x234: {  	[hbm4b:s0+s23] =	stream.linear.scatter [tilespmem:s4], [sflag:$0x3], $0x80, $0x38;
	[tilespmem:$0x4E00] =	vst v63  }
0x235: {  	p1 =	seq.s32 s6, $0x1F;
	s0 =	rddreg [dreg:$0x15]  }
0x236: {  	s0 =	sor.u32 @!p1 s0, s1  }
0x237: {  	s0 =	sadd.s32 @!p1 $0x1, s0  }
0x238: {  	s1 =	sshrl.u32 @!p1 s0, $0x3  }
0x239: {  	[smem:$0x7F3] =	sst s7;
	s0 =	sshll.u32 @!p1 s0, $0x7;
	s2 =	smul.u32 @!p1 $0x1800, s1  }
0x23a: {  	s5 =	simm.s32 @!p1 $0x0;
	s3 =	rddreg [dreg:$0x12];
	s0 =	sand.u32 @!p1 $0x300, s0  }
0x23b: {  	s4 =	simm.s32 @!p1 $0x400;
	s1 =	sshll.u32 @!p1 s1, $0xC;
	s2 =	sor.u32 @!p1 s0, s2  }
0x23c: {  	s0 =	sor.u32 @!p1 s0, s1;
	s1 =	rddreg [dreg:$0x13];
	s2 =	sshrl.u32 @!p1 s2, $0x3  }
0x23d: {  	s0 =	sshrl.u32 @!p1 s0, $0x3;
	s2 =	sadd.s32 @!p1 s3, s2;
	s3 =	simm.s32 @!p1 $0x80  }
0x23e: {  	[tilespmem:s5], [sflag:$0x1] =	stream.strided.gather @!p1 [hbm4b:s2+s3], $0x300, s4, s3, $0x38;
	[tilespmem:$0x4E00] =	vst v63  }
0x23f: {  	s0 =	sadd.s32 @!p1 s1, s0;
	s1 =	simm.s32 @!p1 $0x600;
	s5 =	simm.s32 $0x2  }
0x240: {  	[tilespmem:s1], [sflag:$0x1] =	stream.strided.gather @!p1 [hbm4b:s0+s3], $0x200, s4, s3, $0x38;
	[tilespmem:$0x4E00] =	vst v63  }
0x241: {  	_ =	swait.ge [sflag:s5], $0x300  }
0x242: {  	[sflag:s5] =	ssyncset.done $0x0  }
0x243: {  	[sflag:s5] =	ssyncadd.s32 $0xFFFFFD00  }
0x244: {  	_ =	swait.ge [sflag:s5], $0x200  }
0x245: {  	[sflag:s5] =	ssyncset.done $0x0  }
0x246: {  	s0 =	simm.s32 @!p0 $0x4;
	[sflag:s5] =	ssyncadd.s32 $0xFFFFFE00  }
0x247: {  	_ =	swait.ge @!p0 [sflag:s0], $0x200  }
0x248: {  	[sflag:s0] =	ssyncset.done @!p0 $0x0  }
0x249: {  	[sflag:s0] =	ssyncadd.s32 @!p0 $0xFFFFFE00  }
0x24a: {  	_ =	swait.ge @!p0 [sflag:s0], $0x200  }
0x24b: {  	[sflag:s0] =	ssyncset.done @!p0 $0x0  }
0x24c: {  	[sflag:s0] =	ssyncadd.s32 @!p0 $0xFFFFFE00  }
0x24d: {  	_ =	swait.ge @!p0 [sflag:s0], $0x200  }
0x24e: {  	[sflag:s0] =	ssyncset.done @!p0 $0x0  }
0x24f: {  	[sflag:s0] =	ssyncadd.s32 @!p0 $0xFFFFFE00  }
0x250: {  	_ =	swait.ge @!p0 [sflag:s0], $0x200  }
0x251: {  	[sflag:s0] =	ssyncset.done @!p0 $0x0  }
0x252: {  	[sflag:s0] =	ssyncadd.s32 @!p0 $0xFFFFFE00  }
0x253: {  	_ =	swait.ge @!p0 [sflag:s0], $0x200  }
0x254: {  	[sflag:s0] =	ssyncset.done @!p0 $0x0  }
0x255: {  	[sflag:s0] =	ssyncadd.s32 @!p0 $0xFFFFFE00  }
0x256: {  	_ =	swait.ge @!p0 [sflag:s0], $0x200  }
0x257: {  	[sflag:s0] =	ssyncset.done @!p0 $0x0  }
0x258: {  	[sflag:s0] =	ssyncadd.s32 @!p0 $0xFFFFFE00  }
0x259: {  	_ =	swait.ge @!p0 [sflag:s0], $0x200  }
0x25a: {  	[sflag:s0] =	ssyncset.done @!p0 $0x0  }
0x25b: {  	[sflag:s0] =	ssyncadd.s32 @!p0 $0xFFFFFE00  }
0x25c: {  	_ =	swait.ge @!p0 [sflag:s0], $0x200  }
0x25d: {  	[sflag:s0] =	ssyncset.done @!p0 $0x0  }
0x25e: {  	[sflag:s0] =	ssyncadd.s32 @!p0 $0xFFFFFE00  }
0x25f: {  	_ =	swait.ge @!p0 [sflag:s0], $0x200  }
0x260: {  	[sflag:s0] =	ssyncset.done @!p0 $0x0  }
0x261: {  	[sflag:s0] =	ssyncadd.s32 @!p0 $0xFFFFFE00  }
0x262: {  	_ =	swait.ge @!p0 [sflag:s0], $0x200  }
0x263: {  	[sflag:s0] =	ssyncset.done @!p0 $0x0  }
0x264: {  	[sflag:s0] =	ssyncadd.s32 @!p0 $0xFFFFFE00  }
0x265: {  	_ =	swait.ge @!p0 [sflag:s0], $0x200  }
0x266: {  	[sflag:s0] =	ssyncset.done @!p0 $0x0  }
0x267: {  	[sflag:s0] =	ssyncadd.s32 @!p0 $0xFFFFFE00  }
0x268: {  	_ =	swait.ge @!p0 [sflag:s0], $0x200  }
0x269: {  	[sflag:s0] =	ssyncset.done @!p0 $0x0  }
0x26a: {  	s6 =	simm.s32 $0x800;
	[sflag:s0] =	ssyncadd.s32 @!p0 $0xFFFFFE00  }
0x26b: {  	v0 =	vld [tilespmem:s6+$0x0];
	_ =	sdelay $0x4  }
0x26c: {  	v0 =	vadd.f32 $1.000000000e+00, v0;
	_ =	sdelay $0x1  }
0x26d: {  	v0 =	vmul.f32 $3.500000000e+00, v0  }
0x26e: {  	s7 =	simm.s32 $0x4A00  }
0x26f: {  	s1 =	simm.s32 $0x0;
	v1 =	vld [tilespmem:s7+$0x0];
	v2 =	vtrunc.f32 v0  }
0x270: {  	s12 =	sand.u32 $0x40, s1;
	v2 =	vcvt.f32.s32 v2  }
0x271: {  	s8 =	simm.s32 $0x4C00;
	s10 =	sand.u32 $0x180, s1;
	s13 =	sor.u32 $0x10, s12  }
0x272: {  	s17 =	sor.u32 $0x20, s12;
	s15 =	sor.u32 s10, s13;
	v3 =	vld [tilespmem:s8+$0x0];
	vm11 =	vlt.s32 v2, $0x6  }
0x273: {  	s3 =	sor.u32 s10, s17;
	v25 =	vld [tilespmem:s15+$0x800];
	v2 =	vnsel vm11, $0x6, v2  }
0x274: {  	v26 =	vld [tilespmem:s3+$0x800];
	v1 =	vadd.s32 v1, v2  }
0x275: {  	v28 =	vld [tilespmem:s15+$0x4A00]  }
0x276: {  	s0 =	sor.u32 $0x30, s12;
	v30 =	vld [tilespmem:s3+$0x4A00]  }
0x277: {  	s11 =	sor.u32 s10, s0;
	v32 =	vld [tilespmem:s3+$0x4C00]  }
0x278: {  	s14 =	simm.s32 $0x300;
	v12 =	vld [tilespmem:s11+$0x800]  }
0x279: {  	s23 =	simm.s32 $0x380;
	v4 =	vld.idx.msk [tilespmem:v1+s14+$0x0], $0xffff  }
0x27a: {  	s5 =	simm.s32 $0x400;
	v5 =	vadd.s32 $0x1, v1;
	v6 =	vld.idx.msk [tilespmem:v1+s23+$0x0], $0xffff  }
0x27b: {  	s25 =	simm.s32 $0x480;
	v7 =	vadd.s32 $0x8, v1;
	v8 =	vld.idx.msk [tilespmem:v1+s5+$0x0], $0xffff  }
0x27c: {  	s7 =	simm.s32 $0x500;
	v9 =	vadd.s32 $0x9, v1;
	v10 =	vld.idx.msk [tilespmem:v1+s25+$0x0], $0xffff  }
0x27d: {  	s9 =	simm.s32 $0x580;
	v11 =	vld.idx.msk [tilespmem:v1+s7+$0x0], $0xffff  }
0x27e: {  	v1 =	vld.idx.msk [tilespmem:v1+s9+$0x0], $0xffff  }
0x27f: {  	v2 =	vcvt.s32.f32 v2;
	v13 =	vld.idx.msk [tilespmem:v5+s14+$0x0], $0xffff  }
0x280: {  	v15 =	vld.idx.msk [tilespmem:v7+s14+$0x0], $0xffff  }
0x281: {  	v0 =	vsub.f32 v0, v2;
	v16 =	vld.idx.msk [tilespmem:v9+s14+$0x0], $0xffff  }
0x282: {  	v17 =	vld.idx.msk [tilespmem:v5+s23+$0x0], $0xffff  }
0x283: {  	v14 =	vsub.f32 $1.000000000e+00, v3;
	v24 =	vsub.f32 $1.000000000e+00, v0;
	v18 =	vld.idx.msk [tilespmem:v7+s23+$0x0], $0xffff  }
0x284: {  	v29 =	vmul.f32 v0, v3;
	v19 =	vld.idx.msk [tilespmem:v9+s23+$0x0], $0xffff  }
0x285: {  	v20 =	vld.idx.msk [tilespmem:v5+s5+$0x0], $0xffff;
	v27 =	vmul.f32 v24, v14;
	v14 =	vmul.f32 v0, v14;
	v0 =	vadd.f32 $1.000000000e+00, v12  }
0x286: {  	s16 =	simm.s32 $0x4C40;
	v21 =	vld.idx.msk [tilespmem:v7+s5+$0x0], $0xffff  }
0x287: {  	v34 =	vmul.f32 $3.500000000e+00, v0;
	v0 =	vld [tilespmem:s16+$0x0]  }
0x288: {  	v22 =	vld.idx.msk [tilespmem:v9+s5+$0x0], $0xffff  }
0x289: {  	v23 =	vld.idx.msk [tilespmem:v5+s25+$0x0], $0xffff  }
0x28a: {  	v2 =	vld.idx.msk [tilespmem:v7+s25+$0x0], $0xffff  }
0x28b: {  	v3 =	vmul.f32 v24, v3;
	v24 =	vpack.i.f32.bf16 v27, v27;
	v27 =	vld [tilespmem:s15+$0x4C00]  }
0x28c: {  	s26 =	simm.s32 $0x4A40;
	v33 =	vmul.bf16 v8, v24;
	v8 =	vld.idx.msk [tilespmem:v9+s25+$0x0], $0xffff;
	[tilespmem:$0x1FFD0] =	vst v0  }
0x28d: {  	v0 =	vld [tilespmem:s26+$0x0];
	_ =	sdelay $0x2  }
0x28e: {  	v35 =	vpack.i.f32.bf16 v14, v14;
	v31 =	vmul.bf16 v4, v24;
	v36 =	vmul.bf16 v10, v24  }
0x28f: {  	v14 =	vmul.bf16 v11, v24;
	v10 =	vpack.i.f32.bf16 v3, v3;
	v3 =	vtrunc.f32 v34;
	v11 =	vld [tilespmem:s11+$0x4A00]  }
0x290: {  	s29 =	simm.s32 $0x840;
	v6 =	vmul.bf16 v6, v24;
	v3 =	vcvt.f32.s32 v3;
	[tilespmem:$0x1FFC0] =	vst v0  }
0x291: {  	v12 =	vmul.bf16 v1, v24;
	v24 =	vpack.i.f32.bf16 v29, v29;
	v29 =	vmul.bf16 v15, v10;
	v4 =	vld [tilespmem:s29+$0x0]  }
0x292: {  	v37 =	vmul.bf16 v16, v24;
	v15 =	vadd.f32 $1.000000000e+00, v25;
	vm12 =	vlt.s32 v3, $0x6;
	v25 =	vld.idx.msk [tilespmem:v5+s7+$0x0], $0xffff  }
0x293: {  	v16 =	vadd.f32 $1.000000000e+00, v26;
	v26 =	vmul.bf16 v18, v10;
	v38 =	vnsel vm12, $0x6, v3;
	v18 =	vld.idx.msk [tilespmem:v7+s7+$0x0], $0xffff  }
0x294: {  	s4 =	simm.s32 $0x580;
	v41 =	vadd.s32 v11, v38;
	v40 =	vld.idx.msk [tilespmem:v9+s7+$0x0], $0xffff  }
0x295: {  	v15 =	vmul.f32 $3.500000000e+00, v15;
	v5 =	vld.idx.msk [tilespmem:v5+s4+$0x0], $0xffff  }
0x296: {  	v7 =	vld.idx.msk [tilespmem:v7+s4+$0x0], $0xffff  }
0x297: {  	v13 =	vmul.bf16 v13, v35;
	v3 =	vtrunc.f32 v15;
	v44 =	vld.idx.msk [tilespmem:v9+s4+$0x0], $0xffff  }
0x298: {  	v17 =	vmul.bf16 v17, v35;
	v3 =	vcvt.f32.s32 v3;
	v45 =	vld [tilespmem:s11+$0x4C00]  }
0x299: {  	v63 =	vsub.f32 $1.000000000e+00, v32;
	v39 =	vmul.bf16 v19, v24;
	v16 =	vmul.f32 $3.500000000e+00, v16;
	v48 =	vld.idx.msk [tilespmem:v41+s14+$0x0], $0xffff  }
0x29a: {  	v42 =	vmul.bf16 v20, v35;
	vm13 =	vlt.s32 v3, $0x6;
	v46 =	vadd.s32 $0x1, v41;
	v49 =	vld.idx.msk [tilespmem:v41+s23+$0x0], $0xffff  }
0x29b: {  	v11 =	vtrunc.f32 v16;
	v3 =	vnsel vm13, $0x6, v3;
	v47 =	vadd.s32 $0x9, v41;
	v51 =	vld.idx.msk [tilespmem:v41+s5+$0x0], $0xffff  }
0x29c: {  	v11 =	vcvt.f32.s32 v11;
	v9 =	vcvt.s32.f32 v3;
	v3 =	vadd.s32 v28, v3;
	v28 =	vld.idx.msk [tilespmem:v41+s25+$0x0], $0xffff  }
0x29d: {  	v43 =	vmul.bf16 v21, v10;
	v37 =	vadd.bf16 v37, v29;
	v29 =	vadd.bf16 v42, v33;
	v42 =	vld.idx.msk [tilespmem:v41+s7+$0x0], $0xffff  }
0x29e: {  	v22 =	vmul.bf16 v22, v24;
	v0 =	vadd.s32 $0x8, v41;
	vm14 =	vlt.s32 v11, $0x6;
	v41 =	vld.idx.msk [tilespmem:v41+s4+$0x0], $0xffff  }
0x29f: {  	v23 =	vmul.bf16 v23, v35;
	v52 =	vmul.bf16 v2, v10;
	v11 =	vnsel vm14, $0x6, v11;
	v54 =	vld.idx.msk [tilespmem:v46+s14+$0x0], $0xffff  }
0x2a0: {  	v20 =	vsub.f32 $1.000000000e+00, v27;
	v9 =	vsub.f32 v15, v9;
	v2 =	vadd.s32 v30, v11;
	v30 =	vld.idx.msk [tilespmem:v47+s14+$0x0], $0xffff  }
0x2a1: {  	v53 =	vmul.bf16 v8, v24;
	v19 =	vadd.s32 $0x1, v3;
	v21 =	vcvt.s32.f32 v11;
	v57 =	vld.idx.msk [tilespmem:v46+s23+$0x0], $0xffff  }
0x2a2: {  	v11 =	vsub.f32 $1.000000000e+00, v9;
	v15 =	vmul.f32 v9, v20;
	v55 =	vmul.f32 v9, v27;
	v59 =	vld.idx.msk [tilespmem:v47+s23+$0x0], $0xffff  }
0x2a3: {  	v61 =	vld.idx.msk [tilespmem:v46+s5+$0x0], $0xffff;
	v9 =	vadd.s32 $0x1, v2;
	v25 =	vmul.bf16 v25, v35;
	v35 =	vmul.bf16 v5, v35  }
0x2a4: {  	v62 =	vld.idx.msk [tilespmem:v47+s5+$0x0], $0xffff;
	v40 =	vmul.bf16 v40, v24;
	v8 =	vsub.f32 v16, v21;
	v58 =	vmul.f32 v11, v20  }
0x2a5: {  	v1 =	vld.idx.msk [tilespmem:v47+s25+$0x0], $0xffff;
	v4 =	vadd.f32 $1.000000000e+00, v4;
	v27 =	vmul.f32 v11, v27;
	v11 =	vcvt.s32.f32 v38  }
0x2a6: {  	v33 =	vld.idx.msk [tilespmem:v0+s14+$0x0], $0xffff;
	v21 =	vadd.s32 $0x8, v3;
	v20 =	vadd.s32 $0x9, v3;
	v16 =	vsub.f32 $1.000000000e+00, v8  }
0x2a7: {  	v38 =	vld.idx.msk [tilespmem:v46+s25+$0x0], $0xffff;
	v56 =	vmul.f32 v8, v63;
	v5 =	vsub.f32 v34, v11;
	v34 =	vadd.bf16 v13, v31  }
0x2a8: {  	v31 =	vadd.bf16 v22, v43;
	v22 =	vadd.bf16 v25, v14;
	v14 =	vld.idx.msk [tilespmem:v19+s14+$0x0], $0xffff;
	v50 =	vmul.f32 v16, v63  }
0x2a9: {  	v13 =	vpack.i.f32.bf16 v55, v55;
	v63 =	vmul.bf16 v18, v10;
	v18 =	vmul.bf16 v44, v24;
	v24 =	vld.idx.msk [tilespmem:v46+s7+$0x0], $0xffff  }
0x2aa: {  	v55 =	vadd.bf16 v17, v6;
	v17 =	vpack.i.f32.bf16 v27, v27;
	v27 =	vadd.bf16 v39, v26;
	v44 =	vld.idx.msk [tilespmem:v47+s7+$0x0], $0xffff  }
0x2ab: {  	v60 =	vmul.f32 v16, v32;
	v16 =	vmul.bf16 v7, v10;
	v10 =	vsub.f32 $1.000000000e+00, v45;
	v46 =	vld.idx.msk [tilespmem:v46+s4+$0x0], $0xffff  }
0x2ac: {  	v32 =	vmul.f32 v8, v32;
	v7 =	vpack.i.f32.bf16 v58, v58;
	v6 =	vsub.f32 $1.000000000e+00, v5;
	v47 =	vld.idx.msk [tilespmem:v47+s4+$0x0], $0xffff  }
0x2ad: {  	v39 =	vmul.f32 v5, v45;
	v26 =	vmul.f32 v5, v10;
	v5 =	vpack.i.f32.bf16 v50, v50;
	v50 =	vld.idx.msk [tilespmem:v0+s23+$0x0], $0xffff  }
0x2ae: {  	v43 =	vmul.f32 v6, v10;
	v45 =	vmul.f32 v6, v45;
	v25 =	vadd.bf16 v40, v63;
	v40 =	vld.idx.msk [tilespmem:v0+s7+$0x0], $0xffff  }
0x2af: {  	v10 =	vpack.i.f32.bf16 v56, v56;
	v6 =	vpack.i.f32.bf16 v60, v60;
	v39 =	vpack.i.f32.bf16 v39, v39;
	v63 =	vld.idx.msk [tilespmem:v20+s23+$0x0], $0xffff  }
0x2b0: {  	v58 =	vmul.bf16 v30, v39;
	v30 =	vadd.bf16 v53, v52;
	v52 =	vld.idx.msk [tilespmem:v0+s25+$0x0], $0xffff;
	v53 =	vmul.bf16 v59, v39  }
0x2b1: {  	v60 =	vmul.bf16 v62, v39;
	v1 =	vmul.bf16 v1, v39;
	v62 =	vld.idx.msk [tilespmem:v21+s23+$0x0], $0xffff;
	v56 =	vpack.i.f32.bf16 v26, v26  }
0x2b2: {  	v26 =	vadd.bf16 v23, v36;
	v36 =	vld.idx.msk [tilespmem:v0+s5+$0x0], $0xffff;
	v54 =	vmul.bf16 v54, v56;
	v57 =	vmul.bf16 v57, v56  }
0x2b3: {  	v23 =	vadd.bf16 v35, v12;
	v35 =	vld.idx.msk [tilespmem:v21+s14+$0x0], $0xffff;
	v59 =	vmul.bf16 v61, v56;
	v38 =	vmul.bf16 v38, v56  }
0x2b4: {  	v12 =	vpack.i.f32.bf16 v32, v32;
	v0 =	vld.idx.msk [tilespmem:v0+s4+$0x0], $0xffff;
	v24 =	vmul.bf16 v24, v56;
	v32 =	vmul.bf16 v44, v39  }
0x2b5: {  	v43 =	vpack.i.f32.bf16 v43, v43;
	v44 =	vmul.bf16 v46, v56;
	v39 =	vmul.bf16 v47, v39;
	v46 =	vld.idx.msk [tilespmem:v20+s14+$0x0], $0xffff  }
0x2b6: {  	v56 =	vmul.bf16 v48, v43;
	v47 =	vld.idx.msk [tilespmem:v19+s23+$0x0], $0xffff;
	v48 =	vadd.bf16 v27, v55;
	v27 =	vmul.bf16 v49, v43  }
0x2b7: {  	v15 =	vpack.i.f32.bf16 v15, v15;
	v61 =	vmul.bf16 v51, v43;
	v42 =	vmul.bf16 v42, v43;
	v55 =	vld.idx.msk [tilespmem:v19+s5+$0x0], $0xffff  }
0x2b8: {  	v8 =	vadd.s32 $0x8, v2;
	v28 =	vmul.bf16 v28, v43;
	v41 =	vmul.bf16 v41, v43;
	v43 =	vld.idx.msk [tilespmem:v20+s5+$0x0], $0xffff  }
0x2b9: {  	v4 =	vmul.f32 $3.500000000e+00, v4;
	v34 =	vadd.bf16 v37, v34;
	v24 =	vadd.bf16 v24, v42;
	v42 =	vld.idx.msk [tilespmem:v19+s7+$0x0], $0xffff  }
0x2ba: {  	v11 =	vadd.s32 $0x9, v2;
	v16 =	vadd.bf16 v18, v16;
	v28 =	vadd.bf16 v38, v28;
	v38 =	vld.idx.msk [tilespmem:v21+s7+$0x0], $0xffff  }
0x2bb: {  	v45 =	vpack.i.f32.bf16 v45, v45;
	v22 =	vadd.bf16 v25, v22;
	v41 =	vadd.bf16 v44, v41;
	v44 =	vld.idx.msk [tilespmem:v20+s7+$0x0], $0xffff  }
0x2bc: {  	s24 =	simm.s32 $0x0;
	v33 =	vmul.bf16 v33, v45;
	v16 =	vadd.bf16 v16, v23;
	v37 =	vadd.bf16 v54, v56;
	v56 =	vld.idx.msk [tilespmem:v9+s14+$0x0], $0xffff  }
0x2bd: {  	s10 =	sand.u32 $0xC00, s24;
	v50 =	vmul.bf16 v50, v45;
	v51 =	vunpack.i.l.bf16.f32 v48;
	v18 =	vunpack.i.u.bf16.f32 v48;
	v48 =	vld.idx.msk [tilespmem:v8+s7+$0x0], $0xffff  }
0x2be: {  	s2 =	sadd.s32 $0x2A00, s10;
	v14 =	vmul.bf16 v14, v15;
	v33 =	vadd.bf16 v58, v33;
	v27 =	vadd.bf16 v57, v27;
	v54 =	vld.idx.msk [tilespmem:v3+s23+$0x0], $0xffff  }
0x2bf: {  	s15 =	sor.u32 s12, s2;
	v63 =	vmul.bf16 v63, v13;
	v52 =	vmul.bf16 v52, v45;
	v58 =	vadd.bf16 v53, v50;
	v50 =	vld.idx.msk [tilespmem:v21+s5+$0x0], $0xffff  }
0x2c0: {  	v49 =	vadd.bf16 v59, v61;
	v62 =	vmul.bf16 v62, v17;
	[tilespmem:s15+$0x100] =	vst v51;
	v51 =	vtrunc.f32 v4;
	v53 =	vld.idx.msk [tilespmem:v19+s25+$0x0], $0xffff  }
0x2c1: {  	v36 =	vmul.bf16 v36, v45;
	v0 =	vmul.bf16 v0, v45;
	v1 =	vadd.bf16 v1, v52;
	v52 =	vld.idx.msk [tilespmem:v20+s25+$0x0], $0xffff  }
0x2c2: {  	v33 =	vadd.bf16 v33, v37;
	v61 =	vmul.bf16 v46, v13;
	v46 =	vld.idx.msk [tilespmem:v21+s4+$0x0], $0xffff;
	v43 =	vmul.bf16 v43, v13  }
0x2c3: {  	v27 =	vadd.bf16 v58, v27;
	v36 =	vadd.bf16 v60, v36;
	v60 =	vmul.bf16 v40, v45;
	v40 =	vld.idx.msk [tilespmem:v21+s25+$0x0], $0xffff  }
0x2c4: {  	s18 =	sor.u32 s0, s2;
	[tilespmem:s15+$0x180] =	vst v18;
	v59 =	vunpack.i.l.bf16.f32 v33;
	v0 =	vadd.bf16 v39, v0;
	v45 =	vld.idx.msk [tilespmem:v19+s4+$0x0], $0xffff;
	v19 =	vmul.bf16 v47, v15  }
0x2c5: {  	p0 =	por $0x0, $0x0;
	s3 =	simm.s32 $0x1;
	v33 =	vunpack.i.u.bf16.f32 v33;
	v47 =	vld.idx.msk [tilespmem:v20+s4+$0x0], $0xffff;
	v20 =	vmul.bf16 v55, v15;
	v1 =	vadd.bf16 v1, v28;
	[tilespmem:s18+$0x0] =	vst v59  }
0x2c6: {  	s3 =	simm.s32 @!p0 $0x0;
	v55 =	vld.idx.msk [tilespmem:v9+s5+$0x0], $0xffff;
	[tilespmem:s18+$0x80] =	vst v33;
	v57 =	vmul.bf16 v44, v13;
	v36 =	vadd.bf16 v36, v49;
	v49 =	vunpack.i.l.bf16.f32 v27  }
0x2c7: {  	s3 =	sshll.u32 s3, $0x6;
	v58 =	vld.idx.msk [tilespmem:v8+s5+$0x0], $0xffff;
	v23 =	vmul.bf16 v56, v10;
	v27 =	vunpack.i.u.bf16.f32 v27;
	v28 =	vadd.bf16 v32, v60;
	[tilespmem:s18+$0x100] =	vst v49  }
0x2c8: {  	s3 =	sadd.s32 $0x0, s3;
	v59 =	vld.idx.msk [tilespmem:v9+s25+$0x0], $0xffff;
	v56 =	vmul.bf16 v48, v6;
	v21 =	vmul.bf16 v53, v15;
	[tilespmem:s18+$0x180] =	vst v27;
	v53 =	vunpack.i.l.bf16.f32 v34  }
0x2c9: {  	s19 =	sadd.s32 $0x30, s3;
	v0 =	vadd.bf16 v0, v41;
	v49 =	vld.idx.msk [tilespmem:v11+s14+$0x0], $0xffff;
	v34 =	vunpack.i.u.bf16.f32 v34;
	v24 =	vadd.bf16 v28, v24;
	[tilespmem:s15+$0x0] =	vst v53  }
0x2ca: {  	s20 =	sor.u32 $0x200, s19;
	v32 =	vunpack.i.l.bf16.f32 v36;
	v36 =	vunpack.i.u.bf16.f32 v36;
	v28 =	vmul.bf16 v35, v17;
	[tilespmem:s15+$0x80] =	vst v34;
	v53 =	vld.idx.msk [tilespmem:v3+s14+$0x0], $0xffff  }
0x2cb: {  	[tilespmem:s20+$0x2A00] =	vst v32;
	v41 =	vunpack.i.l.bf16.f32 v24;
	v60 =	vunpack.i.u.bf16.f32 v24;
	v24 =	vmul.bf16 v50, v17;
	v50 =	vld.idx.msk [tilespmem:v8+s14+$0x0], $0xffff  }
0x2cc: {  	v27 =	vadd.bf16 v61, v28;
	v61 =	vmul.bf16 v40, v17;
	v40 =	vld.idx.msk [tilespmem:v9+s23+$0x0], $0xffff;
	v28 =	vadd.bf16 v63, v62  }
0x2cd: {  	s21 =	sor.u32 $0x280, s19;
	v62 =	vmul.bf16 v52, v13;
	v63 =	vadd.bf16 v31, v29;
	v29 =	vmul.bf16 v42, v15;
	v42 =	vld.idx.msk [tilespmem:v11+s23+$0x0], $0xffff  }
0x2ce: {  	s22 =	sor.u32 $0x300, s19;
	v39 =	vunpack.i.l.bf16.f32 v1;
	[tilespmem:s21+$0x2A00] =	vst v36;
	v52 =	vmul.bf16 v38, v17;
	v38 =	vmul.bf16 v59, v10;
	v59 =	vld.idx.msk [tilespmem:v3+s25+$0x0], $0xffff  }
0x2cf: {  	s30 =	sor.u32 $0x380, s19;
	v1 =	vunpack.i.u.bf16.f32 v1;
	v18 =	vmul.bf16 v55, v10;
	[tilespmem:s22+$0x2A00] =	vst v39;
	v24 =	vadd.bf16 v43, v24;
	v43 =	vld.idx.msk [tilespmem:v8+s23+$0x0], $0xffff  }
0x2d0: {  	s6 =	sadd.s32 $0x3A00, s10;
	v33 =	vunpack.i.l.bf16.f32 v0;
	v15 =	vmul.bf16 v45, v15;
	[tilespmem:s30+$0x2A00] =	vst v1;
	v1 =	vadd.bf16 v30, v26;
	v30 =	vld.idx.msk [tilespmem:v11+s5+$0x0], $0xffff  }
0x2d1: {  	s11 =	sor.u32 s0, s6;
	v17 =	vmul.bf16 v46, v17;
	v13 =	vmul.bf16 v47, v13;
	v31 =	vadd.bf16 v62, v61;
	v61 =	vld.idx.msk [tilespmem:v11+s25+$0x0], $0xffff  }
0x2d2: {  	s8 =	sadd.s32 $0x3A80, s10;
	s16 =	sor.u32 $0x200, s3;
	v36 =	vcvt.f32.s32 v51;
	v26 =	vunpack.i.l.bf16.f32 v63;
	v32 =	vunpack.i.u.bf16.f32 v63;
	v63 =	vld.idx.msk [tilespmem:v9+s7+$0x0], $0xffff;
	[tilespmem:s11+$0x0] =	vst v41  }
0x2d3: {  	s31 =	sor.u32 s0, s8;
	v0 =	vunpack.i.u.bf16.f32 v0;
	v13 =	vadd.bf16 v13, v17;
	v17 =	vmul.bf16 v49, v12;
	v49 =	vld.idx.msk [tilespmem:v11+s7+$0x0], $0xffff;
	[tilespmem:s16+$0x2A00] =	vst v26  }
0x2d4: {  	s19 =	sor.u32 $0x280, s3;
	s9 =	sadd.s32 $0x3B00, s10;
	v39 =	vmul.bf16 v58, v6;
	v35 =	vadd.bf16 v57, v52;
	v9 =	vld.idx.msk [tilespmem:v9+s4+$0x0], $0xffff;
	vm15 =	vlt.s32 v36, $0x6;
	[tilespmem:s31+$0x0] =	vst v60  }
0x2d5: {  	v11 =	vld.idx.msk [tilespmem:v11+s4+$0x0], $0xffff;
	s11 =	sor.u32 s0, s9;
	v36 =	vnsel vm15, $0x6, v36;
	v41 =	vmul.bf16 v54, v7;
	v25 =	vunpack.i.l.bf16.f32 v1;
	[tilespmem:s19+$0x2A00] =	vst v32  }
0x2d6: {  	s18 =	sadd.s32 $0x3B80, s10;
	s21 =	sor.u32 $0x300, s3;
	v57 =	vld.idx.msk [tilespmem:v3+s5+$0x0], $0xffff;
	v1 =	vunpack.i.u.bf16.f32 v1;
	[tilespmem:s11+$0x0] =	vst v33;
	v62 =	vmul.bf16 v50, v6;
	v40 =	vmul.bf16 v40, v10  }
0x2d7: {  	s20 =	sor.u32 s24, s1;
	s0 =	sor.u32 s0, s18;
	v60 =	vld.idx.msk [tilespmem:v8+s25+$0x0], $0xffff;
	v50 =	vunpack.i.l.bf16.f32 v16;
	v42 =	vmul.bf16 v42, v12;
	v16 =	vunpack.i.u.bf16.f32 v16;
	[tilespmem:s21+$0x2A00] =	vst v25  }
0x2d8: {  	v8 =	vld.idx.msk [tilespmem:v8+s4+$0x0], $0xffff;
	v19 =	vadd.bf16 v19, v41;
	[tilespmem:s0+$0x0] =	vst v0;
	v0 =	vunpack.i.l.bf16.f32 v22;
	s0 =	sor.u32 $0x380, s20;
	v43 =	vmul.bf16 v43, v6  }
0x2d9: {  	v22 =	vunpack.i.u.bf16.f32 v22;
	v55 =	vmul.bf16 v63, v10;
	[tilespmem:s0+$0x2A00] =	vst v1;
	v9 =	vmul.bf16 v9, v10;
	v10 =	vld.idx.msk [tilespmem:v3+s7+$0x0], $0xffff  }
0x2da: {  	v30 =	vmul.bf16 v30, v12;
	v17 =	vadd.bf16 v17, v62;
	v33 =	vmul.bf16 v61, v12;
	v1 =	vld [tilespmem:$0x1FFC0]  }
0x2db: {  	s22 =	sor.u32 s12, s6;
	v58 =	vmul.bf16 v49, v12;
	v61 =	vld.idx.msk [tilespmem:v3+s4+$0x0], $0xffff;
	v49 =	vmul.bf16 v59, v7;
	v19 =	vadd.bf16 v28, v19  }
0x2dc: {  	s30 =	sor.u32 s12, s8;
	v45 =	vld [tilespmem:$0x1FFD0];
	[tilespmem:s22+$0x0] =	vst v0;
	v0 =	vmul.bf16 v11, v12;
	v52 =	vadd.bf16 v42, v43;
	v26 =	vmul.bf16 v60, v6  }
0x2dd: {  	v30 =	vadd.bf16 v30, v39;
	v8 =	vmul.bf16 v8, v6;
	[tilespmem:s30+$0x0] =	vst v22;
	v22 =	vmul.bf16 v53, v7  }
0x2de: {  	v11 =	vld.idx.msk [tilespmem:v2+s14+$0x0], $0xffff;
	v21 =	vadd.bf16 v21, v49;
	v25 =	vadd.bf16 v33, v26;
	v26 =	vcvt.s32.f32 v36  }
0x2df: {  	v48 =	vld.idx.msk [tilespmem:v2+s25+$0x0], $0xffff;
	v33 =	vadd.bf16 v58, v56;
	v0 =	vadd.bf16 v0, v8;
	v1 =	vadd.s32 v1, v36  }
0x2e0: {  	s31 =	sor.u32 s12, s9;
	v62 =	vld.idx.msk [tilespmem:v2+s23+$0x0], $0xffff;
	v14 =	vadd.bf16 v14, v22;
	v22 =	vmul.bf16 v57, v7;
	v21 =	vadd.bf16 v31, v21  }
0x2e1: {  	[tilespmem:s31+$0x0] =	vst v50;
	v50 =	vld.idx.msk [tilespmem:v2+s7+$0x0], $0xffff;
	v10 =	vmul.bf16 v10, v7;
	v60 =	vsub.f32 $1.000000000e+00, v45;
	v26 =	vsub.f32 v4, v26  }
0x2e2: {  	v8 =	vld.idx.msk [tilespmem:v2+s5+$0x0], $0xffff;
	v7 =	vmul.bf16 v61, v7;
	v14 =	vadd.bf16 v27, v14;
	v20 =	vadd.bf16 v20, v22  }
0x2e3: {  	v2 =	vld.idx.msk [tilespmem:v2+s4+$0x0], $0xffff;
	v11 =	vmul.bf16 v11, v5;
	v6 =	vadd.s32 $0x1, v1;
	v3 =	vadd.s32 $0x8, v1  }
0x2e4: {  	v4 =	vadd.s32 $0x9, v1;
	v10 =	vadd.bf16 v29, v10;
	v7 =	vadd.bf16 v15, v7;
	v22 =	vld.idx.msk [tilespmem:v1+s14+$0x0], $0xffff  }
0x2e5: {  	s1 =	sor.u32 s12, s18;
	v15 =	vmul.bf16 v62, v5;
	v12 =	vmul.f32 v26, v60;
	v20 =	vadd.bf16 v24, v20;
	v24 =	vld.idx.msk [tilespmem:v1+s23+$0x0], $0xffff  }
0x2e6: {  	[tilespmem:s1+$0x0] =	vst v16;
	v63 =	vsub.f32 $1.000000000e+00, v26;
	v26 =	vmul.f32 v26, v45;
	v11 =	vadd.bf16 v23, v11;
	v27 =	vld.idx.msk [tilespmem:v1+s5+$0x0], $0xffff  }
0x2e7: {  	v16 =	vmul.bf16 v50, v5;
	v10 =	vadd.bf16 v35, v10;
	v8 =	vmul.bf16 v8, v5;
	v23 =	vld.idx.msk [tilespmem:v1+s25+$0x0], $0xffff  }
0x2e8: {  	v7 =	vadd.bf16 v13, v7;
	v13 =	vadd.bf16 v40, v15;
	v15 =	vmul.bf16 v48, v5;
	v28 =	vld.idx.msk [tilespmem:v1+s7+$0x0], $0xffff  }
0x2e9: {  	s10 =	sor.u32 s13, s2;
	v2 =	vmul.bf16 v2, v5;
	v5 =	vunpack.i.l.bf16.f32 v14;
	v36 =	vmul.f32 v63, v60;
	v31 =	vld.idx.msk [tilespmem:v1+s4+$0x0], $0xffff  }
0x2ea: {  	v11 =	vadd.bf16 v17, v11;
	[tilespmem:s10+$0x0] =	vst v5;
	v8 =	vadd.bf16 v18, v8;
	v1 =	vunpack.i.u.bf16.f32 v14;
	v51 =	vld.idx.msk [tilespmem:v6+s14+$0x0], $0xffff  }
0x2eb: {  	v5 =	vunpack.i.l.bf16.f32 v19;
	v14 =	vadd.bf16 v55, v16;
	[tilespmem:s10+$0x80] =	vst v1;
	v1 =	vadd.bf16 v52, v13;
	v52 =	vld.idx.msk [tilespmem:v3+s14+$0x0], $0xffff  }
0x2ec: {  	v2 =	vadd.bf16 v9, v2;
	v16 =	vunpack.i.u.bf16.f32 v10;
	v13 =	vadd.bf16 v38, v15;
	v9 =	vld.idx.msk [tilespmem:v4+s14+$0x0], $0xffff  }
0x2ed: {  	s11 =	sadd.s32 $0x10, s3;
	[tilespmem:s10+$0x100] =	vst v5;
	v10 =	vunpack.i.l.bf16.f32 v10;
	v15 =	vunpack.i.u.bf16.f32 v19;
	v53 =	vld.idx.msk [tilespmem:v3+s23+$0x0], $0xffff;
	v61 =	vpack.i.f32.bf16 v36, v36  }
0x2ee: {  	s15 =	sor.u32 $0x280, s11;
	s14 =	sor.u32 $0x200, s11;
	v54 =	vld.idx.msk [tilespmem:v6+s5+$0x0], $0xffff;
	v5 =	vadd.bf16 v30, v8;
	[tilespmem:s10+$0x180] =	vst v15;
	v8 =	vadd.bf16 v25, v13;
	v13 =	vunpack.i.l.bf16.f32 v20  }
0x2ef: {  	s16 =	sor.u32 $0x300, s11;
	s0 =	sor.u32 $0x380, s11;
	v56 =	vld.idx.msk [tilespmem:v3+s5+$0x0], $0xffff;
	s11 =	sor.u32 s17, s2;
	v14 =	vadd.bf16 v33, v14;
	v15 =	vunpack.i.u.bf16.f32 v20;
	v20 =	vunpack.i.l.bf16.f32 v11;
	[tilespmem:s14+$0x2A00] =	vst v13  }
0x2f0: {  	s12 =	simm.s32 $0x40;
	v62 =	vld.idx.msk [tilespmem:v4+s5+$0x0], $0xffff;
	v0 =	vadd.bf16 v0, v2;
	v2 =	vunpack.i.u.bf16.f32 v21;
	v55 =	vunpack.i.u.bf16.f32 v1;
	[tilespmem:s11+$0x0] =	vst v20  }
0x2f1: {  	v30 =	vld.idx.msk [tilespmem:v6+s23+$0x0], $0xffff;
	v57 =	vunpack.i.l.bf16.f32 v1;
	v25 =	vpack.i.f32.bf16 v12, v12;
	v13 =	vunpack.i.l.bf16.f32 v21;
	[tilespmem:s15+$0x2A00] =	vst v15;
	s15 =	sand.u32 $0x40, s12  }
0x2f2: {  	s19 =	sand.u32 $0x180, s12;
	v21 =	vld.idx.msk [tilespmem:v4+s23+$0x0], $0xffff;
	v58 =	vunpack.i.u.bf16.f32 v5;
	v59 =	vunpack.i.l.bf16.f32 v5;
	v1 =	vunpack.i.u.bf16.f32 v14;
	[tilespmem:s11+$0x100] =	vst v57;
	s14 =	sor.u32 $0x10, s15  }
0x2f3: {  	v5 =	vunpack.i.u.bf16.f32 v0;
	v15 =	vunpack.i.u.bf16.f32 v7;
	v18 =	vmul.bf16 v22, v61;
	v22 =	vld.idx.msk [tilespmem:v6+s25+$0x0], $0xffff;
	[tilespmem:s16+$0x2A00] =	vst v13;
	s16 =	sor.u32 $0x30, s15;
	s21 =	sor.u32 s19, s14  }
0x2f4: {  	s20 =	sor.u32 s13, s6;
	s22 =	sor.u32 s13, s8;
	v7 =	vunpack.i.l.bf16.f32 v7;
	v17 =	vmul.bf16 v24, v61;
	v12 =	vmul.bf16 v31, v61;
	[tilespmem:s0+$0x2A00] =	vst v2;
	s28 =	sor.u32 s19, s16;
	v60 =	vld [tilespmem:s21+$0x800]  }
0x2f5: {  	s30 =	sor.u32 s13, s9;
	s31 =	sor.u32 s13, s18;
	v13 =	vunpack.i.u.bf16.f32 v11;
	s13 =	sor.u32 $0x20, s15;
	v35 =	vmul.bf16 v54, v25;
	[tilespmem:s20+$0x0] =	vst v10;
	v10 =	vmul.f32 v63, v45;
	v24 =	vld [tilespmem:s28+$0x800]  }
0x2f6: {  	v2 =	vunpack.i.u.bf16.f32 v8;
	s1 =	sor.u32 s19, s13;
	v30 =	vmul.bf16 v30, v25;
	v19 =	vld [tilespmem:s21+$0x4A00];
	[tilespmem:s22+$0x0] =	vst v16;
	v16 =	vmul.bf16 v27, v61  }
0x2f7: {  	v63 =	vld [tilespmem:s1+$0x800];
	[tilespmem:s30+$0x0] =	vst v7;
	v7 =	vunpack.i.l.bf16.f32 v14;
	v29 =	vpack.i.f32.bf16 v10, v10;
	v14 =	vmul.bf16 v28, v61  }
0x2f8: {  	v11 =	vld [tilespmem:s21+$0x4C00];
	v28 =	vmul.bf16 v51, v25;
	v10 =	vunpack.i.l.bf16.f32 v0;
	[tilespmem:s31+$0x0] =	vst v15;
	v15 =	vmul.bf16 v23, v61  }
0x2f9: {  	[tilespmem:s11+$0x180] =	vst v55;
	s19 =	sadd.s32 $0x20, s3;
	v20 =	vld [tilespmem:s1+$0x4A00];
	v23 =	vpack.i.f32.bf16 v26, v26;
	v27 =	vmul.bf16 v52, v29;
	v31 =	vmul.bf16 v53, v29  }
0x2fa: {  	s18 =	sor.u32 s17, s18;
	[tilespmem:s11+$0x80] =	vst v13;
	s3 =	sor.u32 s17, s6;
	v13 =	vld [tilespmem:s1+$0x4C00];
	s30 =	sor.u32 $0x200, s19;
	v32 =	vmul.bf16 v56, v29;
	v33 =	vmul.bf16 v9, v23;
	v0 =	vadd.f32 $1.000000000e+00, v24  }
0x2fb: {  	v8 =	vunpack.i.l.bf16.f32 v8;
	s21 =	sor.u32 s17, s9;
	s20 =	sor.u32 $0x300, s19;
	s31 =	sor.u32 $0x280, s19;
	[tilespmem:s30+$0x2A00] =	vst v59;
	v34 =	vmul.bf16 v21, v23;
	v21 =	vld.idx.msk [tilespmem:v3+s25+$0x0], $0xffff;
	v36 =	vmul.bf16 v62, v23  }
0x2fc: {  	s22 =	sor.u32 s17, s8;
	s17 =	simm.s32 $0x4C80;
	s19 =	sor.u32 $0x380, s19;
	[tilespmem:s31+$0x2A00] =	vst v58;
	v9 =	vadd.f32 $1.000000000e+00, v60;
	v24 =	vld.idx.msk [tilespmem:v4+s25+$0x0], $0xffff;
	v26 =	vadd.f32 $1.000000000e+00, v63;
	v37 =	vmul.f32 $3.500000000e+00, v0  }
.LBB2_5:
0x2fd: {  	_ = 	snop  }
0x2fe: {  	v0 =	vld [tilespmem:s17+$0x0];
	[tilespmem:s20+$0x2A00] =	vst v8;
	v8 =	vmul.f32 $3.500000000e+00, v26;
	v38 =	vmul.bf16 v22, v25  }
0x2ff: {  	v26 =	vld [tilespmem:s28+$0x4A00];
	v22 =	vmul.f32 $3.500000000e+00, v9;
	v9 =	vtrunc.f32 v37  }
0x300: {  	v44 =	vld.idx.msk [tilespmem:v6+s7+$0x0], $0xffff;
	v41 =	vcvt.f32.s32 v9  }
0x301: {  	v45 =	vld.idx.msk [tilespmem:v3+s7+$0x0], $0xffff  }
0x302: {  	v46 =	vld.idx.msk [tilespmem:v4+s7+$0x0], $0xffff;
	vm0 =	vlt.s32 v41, $0x6  }
0x303: {  	v48 =	vld.idx.msk [tilespmem:v6+s4+$0x0], $0xffff;
	v41 =	vnsel vm0, $0x6, v41  }
0x304: {  	v49 =	vld.idx.msk [tilespmem:v3+s4+$0x0], $0xffff;
	v47 =	vadd.s32 v26, v41  }
0x305: {  	v50 =	vld.idx.msk [tilespmem:v4+s4+$0x0], $0xffff;
	v33 =	vadd.bf16 v33, v27;
	v30 =	vadd.bf16 v30, v17  }
0x306: {  	s26 =	sadd.s32 $0x40, s26;
	v51 =	vld [tilespmem:s28+$0x4C00];
	[tilespmem:s19+$0x2A00] =	vst v2;
	v31 =	vadd.bf16 v34, v31;
	v27 =	vadd.bf16 v35, v16  }
0x307: {  	s29 =	sadd.s32 $0x40, s29;
	v2 =	vld [tilespmem:s26+$0x0];
	[tilespmem:s3+$0x0] =	vst v7;
	v62 =	vtrunc.f32 v8;
	v42 =	vsub.f32 $1.000000000e+00, v13;
	v43 =	vmul.bf16 v21, v29  }
0x308: {  	[dreg:$0x3] =	wrdreg s29;
	[tilespmem:s22+$0x0] =	vst v1;
	v9 =	vld [tilespmem:s29+$0x0];
	v1 =	vcvt.f32.s32 v62;
	s29 =	simm.s32 $0x300;
	v39 =	vtrunc.f32 v22;
	v52 =	vadd.s32 $0x1, v47  }
0x309: {  	v40 =	vsub.f32 $1.000000000e+00, v11;
	v44 =	vmul.bf16 v44, v25;
	v45 =	vmul.bf16 v45, v29;
	v54 =	vld.idx.msk [tilespmem:v47+s29+$0x0], $0xffff  }
0x30a: {  	v46 =	vmul.bf16 v46, v23;
	v48 =	vmul.bf16 v48, v25;
	v53 =	vadd.s32 $0x9, v47;
	v55 =	vld.idx.msk [tilespmem:v47+s23+$0x0], $0xffff  }
0x30b: {  	v25 =	vmul.bf16 v49, v29;
	v15 =	vadd.bf16 v38, v15;
	v7 =	vcvt.f32.s32 v39;
	v57 =	vld.idx.msk [tilespmem:v47+s5+$0x0], $0xffff  }
0x30c: {  	v39 =	vmul.bf16 v24, v23;
	vm14 =	vlt.s32 v1, $0x6;
	v23 =	vmul.bf16 v50, v23;
	v58 =	vld.idx.msk [tilespmem:v47+s25+$0x0], $0xffff  }
0x30d: {  	v50 =	vadd.bf16 v28, v18;
	v28 =	vadd.bf16 v36, v32;
	v1 =	vnsel vm14, $0x6, v1;
	v59 =	vld.idx.msk [tilespmem:v52+s29+$0x0], $0xffff  }
0x30e: {  	[tilespmem:s21+$0x0] =	vst v10;
	v14 =	vadd.bf16 v44, v14;
	vm1 =	vlt.s32 v7, $0x6;
	v3 =	vcvt.s32.f32 v1;
	v60 =	vld.idx.msk [tilespmem:v52+s5+$0x0], $0xffff  }
0x30f: {  	[tilespmem:s18+$0x0] =	vst v5;
	v41 =	vcvt.s32.f32 v41;
	v5 =	vnsel vm1, $0x6, v7;
	v61 =	vadd.s32 $0x8, v47;
	v29 =	vld.idx.msk [tilespmem:v53+s5+$0x0], $0xffff  }
0x310: {  	v1 =	vadd.s32 v20, v1;
	v6 =	vcvt.s32.f32 v5;
	v10 =	vsub.f32 v8, v3;
	v49 =	vld.idx.msk [tilespmem:v52+s25+$0x0], $0xffff  }
0x311: {  	v7 =	vadd.s32 v19, v5;
	v37 =	vsub.f32 v37, v41;
	v41 =	vsub.f32 $1.000000000e+00, v51;
	v62 =	vld.idx.msk [tilespmem:v53+s25+$0x0], $0xffff  }
0x312: {  	v5 =	vsub.f32 v22, v6;
	v21 =	vsub.f32 $1.000000000e+00, v10;
	v56 =	vmul.f32 v10, v42;
	v34 =	vld.idx.msk [tilespmem:v53+s7+$0x0], $0xffff  }
0x313: {  	v17 =	vsub.f32 $1.000000000e+00, v37;
	v18 =	vmul.f32 v37, v41;
	v16 =	vmul.f32 v37, v51;
	v36 =	vld.idx.msk [tilespmem:v52+s4+$0x0], $0xffff  }
0x314: {  	v8 =	vsub.f32 $1.000000000e+00, v5;
	v19 =	vmul.f32 v5, v40;
	v5 =	vmul.f32 v5, v11;
	v38 =	vld.idx.msk [tilespmem:v61+s29+$0x0], $0xffff  }
0x315: {  	v32 =	vmul.f32 v17, v41;
	v41 =	vpack.i.f32.bf16 v16, v16;
	v16 =	vadd.bf16 v48, v12;
	v12 =	vld.idx.msk [tilespmem:v61+s5+$0x0], $0xffff  }
0x316: {  	v26 =	vadd.s32 $0x1, v7;
	v48 =	vld.idx.msk [tilespmem:v61+s25+$0x0], $0xffff;
	v40 =	vmul.f32 v8, v40;
	v11 =	vmul.f32 v8, v11  }
0x317: {  	v20 =	vpack.i.f32.bf16 v19, v19;
	v19 =	vpack.i.f32.bf16 v5, v5;
	v5 =	vmul.f32 v21, v42;
	v42 =	vld.idx.msk [tilespmem:v52+s23+$0x0], $0xffff  }
0x318: {  	v33 =	vadd.bf16 v33, v50;
	v63 =	vmul.f32 v21, v13;
	v8 =	vpack.i.f32.bf16 v40, v40;
	v40 =	vld.idx.msk [tilespmem:v53+s29+$0x0], $0xffff  }
0x319: {  	v21 =	vpack.i.f32.bf16 v11, v11;
	v11 =	vmul.f32 v10, v13;
	v13 =	vpack.i.f32.bf16 v56, v56;
	v56 =	vld.idx.msk [tilespmem:v53+s23+$0x0], $0xffff  }
0x31a: {  	v35 =	vpack.i.f32.bf16 v18, v18;
	v37 =	vmul.f32 v17, v51;
	v10 =	vpack.i.f32.bf16 v63, v63;
	v63 =	vld.idx.msk [tilespmem:v52+s7+$0x0], $0xffff  }
0x31b: {  	v18 =	vadd.bf16 v39, v43;
	v52 =	vld.idx.msk [tilespmem:v53+s4+$0x0], $0xffff;
	v51 =	vmul.bf16 v59, v35;
	v43 =	vmul.bf16 v60, v35  }
0x31c: {  	v24 =	vadd.s32 $0x8, v7;
	v50 =	vld.idx.msk [tilespmem:v26+s29+$0x0], $0xffff;
	v29 =	vmul.bf16 v29, v41;
	v49 =	vmul.bf16 v49, v35  }
0x31d: {  	v17 =	vadd.bf16 v46, v45;
	v53 =	vld.idx.msk [tilespmem:v47+s7+$0x0], $0xffff;
	v45 =	vmul.bf16 v62, v41;
	v34 =	vmul.bf16 v34, v41  }
0x31e: {  	v22 =	vadd.s32 $0x9, v7;
	v59 =	vld.idx.msk [tilespmem:v61+s23+$0x0], $0xffff;
	v42 =	vmul.bf16 v42, v35;
	v40 =	vmul.bf16 v40, v41  }
0x31f: {  	v37 =	vpack.i.f32.bf16 v37, v37;
	v47 =	vld.idx.msk [tilespmem:v47+s4+$0x0], $0xffff;
	v39 =	vmul.bf16 v56, v41;
	v46 =	vmul.bf16 v63, v35  }
0x320: {  	v35 =	vmul.bf16 v36, v35;
	v36 =	vpack.i.f32.bf16 v32, v32;
	v41 =	vmul.bf16 v52, v41;
	v52 =	vld.idx.msk [tilespmem:v26+s25+$0x0], $0xffff  }
0x321: {  	v4 =	vadd.s32 $0x8, v1;
	v38 =	vmul.bf16 v38, v37;
	v60 =	vmul.bf16 v54, v36;
	v54 =	vld.idx.msk [tilespmem:v61+s7+$0x0], $0xffff  }
0x322: {  	v12 =	vmul.bf16 v12, v37;
	v32 =	vadd.bf16 v31, v30;
	v30 =	vmul.bf16 v55, v36;
	v55 =	vld.idx.msk [tilespmem:v24+s29+$0x0], $0xffff  }
0x323: {  	v3 =	vadd.s32 $0x9, v1;
	v31 =	vmul.bf16 v57, v36;
	v62 =	vmul.bf16 v59, v37;
	v57 =	vld.idx.msk [tilespmem:v61+s4+$0x0], $0xffff  }
0x324: {  	v63 =	vmul.bf16 v58, v36;
	v58 =	vld.idx.msk [tilespmem:v22+s29+$0x0], $0xffff;
	v38 =	vadd.bf16 v40, v38;
	v51 =	vadd.bf16 v51, v60  }
0x325: {  	s24 =	sadd.s32 $0x200, s24;
	v12 =	vadd.bf16 v29, v12;
	v56 =	vmul.bf16 v53, v36;
	v59 =	vld.idx.msk [tilespmem:v26+s23+$0x0], $0xffff;
	v30 =	vadd.bf16 v42, v30  }
0x326: {  	s3 =	sand.u32 $0xC00, s24;
	v36 =	vmul.bf16 v47, v36;
	v61 =	vld.idx.msk [tilespmem:v24+s23+$0x0], $0xffff;
	v39 =	vadd.bf16 v39, v62;
	v38 =	vadd.bf16 v38, v51  }
0x327: {  	p0 =	por !p0, !p0;
	s0 =	sor.u32 s24, s12;
	s1 =	sadd.s32 $0x2A00, s3;
	v31 =	vadd.bf16 v43, v31;
	v60 =	vmul.bf16 v48, v37;
	v62 =	vld.idx.msk [tilespmem:v22+s23+$0x0], $0xffff;
	v42 =	vadd.bf16 v49, v63  }
0x328: {  	s10 =	sor.u32 $0x380, s0;
	s0 =	simm.s32 $0x1;
	s2 =	sor.u32 s16, s1;
	v49 =	vld.idx.msk [tilespmem:v26+s5+$0x0], $0xffff;
	v35 =	vadd.bf16 v35, v36;
	v30 =	vadd.bf16 v39, v30;
	v29 =	vunpack.i.l.bf16.f32 v38  }
0x329: {  	s0 =	simm.s32 @!p0 $0x0;
	v36 =	vld.idx.msk [tilespmem:v24+s25+$0x0], $0xffff;
	v63 =	vmul.bf16 v54, v37;
	v37 =	vmul.bf16 v57, v37;
	v38 =	vunpack.i.u.bf16.f32 v38;
	[tilespmem:s2+$0x0] =	vst v29  }
0x32a: {  	s0 =	sshll.u32 s0, $0x6;
	v57 =	vmul.bf16 v58, v19;
	v58 =	vld.idx.msk [tilespmem:v22+s25+$0x0], $0xffff;
	v29 =	vadd.bf16 v12, v31;
	[tilespmem:s2+$0x80] =	vst v38;
	v31 =	vunpack.i.l.bf16.f32 v30  }
0x32b: {  	s6 =	sadd.s32 s0, s24;
	v28 =	vadd.bf16 v28, v27;
	v23 =	vadd.bf16 v23, v25;
	v38 =	vld.idx.msk [tilespmem:v24+s5+$0x0], $0xffff;
	v30 =	vunpack.i.u.bf16.f32 v30;
	[tilespmem:s2+$0x100] =	vst v31  }
0x32c: {  	s19 =	sadd.s32 $0x20, s6;
	v51 =	vadd.bf16 v46, v56;
	v12 =	vadd.bf16 v45, v60;
	v31 =	vld.idx.msk [tilespmem:v22+s5+$0x0], $0xffff;
	[tilespmem:s2+$0x180] =	vst v30;
	s2 =	simm.s32 $0x400  }
0x32d: {  	s21 =	sadd.s32 $0x30, s6;
	s22 =	sor.u32 $0x280, s19;
	v34 =	vadd.bf16 v34, v63;
	v54 =	vadd.bf16 v41, v37;
	v43 =	vld.idx.msk [tilespmem:v4+s2+$0x0], $0xffff  }
0x32e: {  	s31 =	sor.u32 $0x200, s21;
	[dreg:$0x5] =	wrdreg s22;
	s22 =	simm.s32 $0x580;
	v27 =	vunpack.i.u.bf16.f32 v33;
	v42 =	vadd.bf16 v12, v42;
	v30 =	vunpack.i.l.bf16.f32 v29;
	v44 =	vld.idx.msk [tilespmem:v3+s2+$0x0], $0xffff  }
0x32f: {  	s18 =	sor.u32 $0x280, s21;
	v29 =	vunpack.i.u.bf16.f32 v29;
	[tilespmem:s31+$0x2A00] =	vst v30;
	v30 =	vadd.bf16 v34, v51;
	v34 =	vadd.bf16 v54, v35;
	s31 =	simm.s32 $0x500;
	v54 =	vld.idx.msk [tilespmem:v24+s22+$0x0], $0xffff  }
0x330: {  	v6 =	vadd.s32 $0x1, v1;
	s23 =	sor.u32 $0x300, s21;
	v39 =	vmul.bf16 v62, v19;
	[tilespmem:s18+$0x2A00] =	vst v29;
	v29 =	vunpack.i.l.bf16.f32 v42;
	v62 =	vld.idx.msk [tilespmem:v24+s31+$0x0], $0xffff  }
0x331: {  	s11 =	sor.u32 s15, s1;
	v53 =	vunpack.i.l.bf16.f32 v33;
	v56 =	vmul.bf16 v55, v21;
	[tilespmem:s23+$0x2A00] =	vst v29;
	v29 =	vmul.bf16 v59, v20;
	v59 =	vld.idx.msk [tilespmem:v26+s7+$0x0], $0xffff  }
0x332: {  	[tilespmem:s11+$0x80] =	vst v27;
	v60 =	vunpack.i.l.bf16.f32 v30;
	v63 =	vunpack.i.u.bf16.f32 v30;
	v30 =	vmul.bf16 v49, v20;
	v49 =	vld.idx.msk [tilespmem:v22+s31+$0x0], $0xffff  }
0x333: {  	[tilespmem:s11+$0x0] =	vst v53;
	v25 =	vunpack.i.u.bf16.f32 v32;
	v51 =	vmul.bf16 v31, v19;
	v31 =	vmul.bf16 v52, v20;
	v52 =	vld.idx.msk [tilespmem:v26+s22+$0x0], $0xffff  }
0x334: {  	s9 =	sor.u32 s14, s1;
	s8 =	sor.u32 s13, s1;
	s0 =	sadd.s32 $0x10, s6;
	[tilespmem:s11+$0x180] =	vst v25;
	v55 =	vmul.bf16 v58, v19;
	v58 =	vunpack.i.l.bf16.f32 v32;
	v26 =	vadd.bf16 v57, v56;
	v56 =	vld.idx.msk [tilespmem:v22+s22+$0x0], $0xffff  }
0x335: {  	s30 =	sor.u32 $0x280, s0;
	s25 =	sor.u32 $0x380, s21;
	s18 =	sadd.s32 $0x3A00, s3;
	v42 =	vunpack.i.u.bf16.f32 v42;
	[tilespmem:s11+$0x100] =	vst v58;
	v57 =	vld.idx.msk [tilespmem:v6+s29+$0x0], $0xffff  }
0x336: {  	s1 =	sadd.s32 $0x3A80, s3;
	[dreg:$0xa] =	wrdreg s30;
	s30 =	sor.u32 s16, s18;
	v48 =	vmul.bf16 v38, v21;
	[tilespmem:s25+$0x2A00] =	vst v42;
	v42 =	vld.idx.msk [tilespmem:v6+s2+$0x0], $0xffff  }
0x337: {  	v9 =	vadd.f32 $1.000000000e+00, v9;
	v12 =	vmul.bf16 v50, v20;
	[tilespmem:s30+$0x0] =	vst v60;
	s30 =	sor.u32 s16, s1;
	v60 =	vld.idx.msk [tilespmem:v4+s29+$0x0], $0xffff  }
0x338: {  	s4 =	sadd.s32 $0x3B00, s3;
	s23 =	sor.u32 $0x200, s6;
	[tilespmem:s30+$0x0] =	vst v63;
	v24 =	vadd.bf16 v51, v48;
	v63 =	vadd.bf16 v18, v15;
	v18 =	vunpack.i.l.bf16.f32 v28;
	v51 =	vld.idx.msk [tilespmem:v7+s29+$0x0], $0xffff  }
0x339: {  	v50 =	vunpack.i.l.bf16.f32 v34;
	s31 =	sor.u32 s16, s4;
	[tilespmem:s23+$0x2A00] =	vst v18;
	s23 =	simm.s32 $0x380;
	v22 =	vmul.bf16 v59, v20;
	v59 =	vmul.bf16 v62, v21;
	v62 =	vld.idx.msk [tilespmem:v3+s29+$0x0], $0xffff  }
0x33a: {  	v14 =	vadd.bf16 v17, v14;
	v16 =	vadd.bf16 v23, v16;
	v25 =	vunpack.i.u.bf16.f32 v28;
	s25 =	sor.u32 $0x280, s6;
	[tilespmem:s31+$0x0] =	vst v50;
	v28 =	vld.idx.msk [tilespmem:v4+s23+$0x0], $0xffff  }
0x33b: {  	v9 =	vmul.f32 $3.500000000e+00, v9;
	v5 =	vpack.i.f32.bf16 v5, v5;
	v36 =	vmul.bf16 v36, v21;
	s5 =	sor.u32 $0x300, s0;
	s31 =	simm.s32 $0x480;
	[tilespmem:s25+$0x2A00] =	vst v25;
	v25 =	vld.idx.msk [tilespmem:v3+s23+$0x0], $0xffff  }
0x33c: {  	s28 =	sor.u32 $0x200, s0;
	v11 =	vpack.i.f32.bf16 v11, v11;
	v61 =	vmul.bf16 v61, v21;
	[dreg:$0xc] =	wrdreg s5;
	s5 =	sadd.s32 $0x3B80, s3;
	v34 =	vunpack.i.u.bf16.f32 v34;
	v45 =	vld.idx.msk [tilespmem:v6+s31+$0x0], $0xffff  }
0x33d: {  	s0 =	sor.u32 $0x380, s0;
	s3 =	sor.u32 s16, s5;
	s7 =	simm.s32 $0x380;
	v27 =	vadd.bf16 v55, v36;
	v35 =	vmul.bf16 v44, v11;
	v21 =	vmul.bf16 v54, v21;
	v54 =	vld.idx.msk [tilespmem:v7+s2+$0x0], $0xffff  }
0x33e: {  	s21 =	sor.u32 s14, s4;
	[dreg:$0x8] =	wrdreg s0;
	s0 =	sor.u32 $0x300, s6;
	[tilespmem:s3+$0x0] =	vst v34;
	v34 =	vadd.bf16 v39, v61;
	v17 =	vunpack.i.l.bf16.f32 v63;
	v15 =	vmul.bf16 v52, v20;
	v20 =	vld.idx.msk [tilespmem:v6+s7+$0x0], $0xffff  }
0x33f: {  	[dreg:$0x11] =	wrdreg s21;
	s21 =	sor.u32 s14, s5;
	v61 =	vmul.bf16 v49, v19;
	v23 =	vunpack.i.u.bf16.f32 v63;
	v49 =	vtrunc.f32 v9;
	[tilespmem:s0+$0x2A00] =	vst v17;
	v52 =	vld.idx.msk [tilespmem:v7+s23+$0x0], $0xffff  }
0x340: {  	[dreg:$0xf] =	wrdreg s21;
	s16 =	sor.u32 s15, s18;
	s7 =	simm.s32 $0x500;
	v19 =	vmul.bf16 v56, v19;
	v17 =	vmul.bf16 v57, v13;
	v56 =	vld.idx.msk [tilespmem:v7+s31+$0x0], $0xffff;
	[tilespmem:s10+$0x2A00] =	vst v23;
	v23 =	vunpack.i.l.bf16.f32 v14  }
0x341: {  	s22 =	sor.u32 s13, s1;
	s30 =	sor.u32 s14, s1;
	s1 =	sor.u32 s15, s1;
	v38 =	vcvt.f32.s32 v49;
	v18 =	vadd.bf16 v61, v59;
	v14 =	vunpack.i.u.bf16.f32 v14;
	v46 =	vld.idx.msk [tilespmem:v6+s7+$0x0], $0xffff;
	[tilespmem:s16+$0x0] =	vst v23  }
0x342: {  	s21 =	sor.u32 s13, s4;
	s4 =	sor.u32 s15, s4;
	s6 =	sor.u32 s14, s18;
	v48 =	vld.idx.msk [tilespmem:v3+s7+$0x0], $0xffff;
	v19 =	vadd.bf16 v19, v21;
	v21 =	vmul.bf16 v60, v10;
	[tilespmem:s1+$0x0] =	vst v14;
	v14 =	vunpack.i.l.bf16.f32 v16  }
0x343: {  	s3 =	sor.u32 s13, s18;
	s18 =	sor.u32 s13, s5;
	s5 =	sor.u32 s15, s5;
	v57 =	vld.idx.msk [tilespmem:v7+s7+$0x0], $0xffff;
	v58 =	vmul.bf16 v51, v8;
	v16 =	vunpack.i.u.bf16.f32 v16;
	v23 =	vmul.bf16 v62, v11;
	[tilespmem:s4+$0x0] =	vst v14  }
0x344: {  	vm15 =	vlt.s32 v38, $0x6;
	s4 =	simm.s32 $0x580;
	v36 =	vmul.bf16 v45, v13;
	[tilespmem:s5+$0x0] =	vst v16;
	v16 =	vmul.bf16 v25, v11;
	v25 =	vld.idx.msk [tilespmem:v3+s31+$0x0], $0xffff  }
0x345: {  	v61 =	vmul.bf16 v54, v8;
	v20 =	vmul.bf16 v20, v13;
	v50 =	vld.idx.msk [tilespmem:v3+s4+$0x0], $0xffff;
	v3 =	vnsel vm15, $0x6, v38  }
0x346: {  	v49 =	vld.idx.msk [tilespmem:v1+s31+$0x0], $0xffff;
	v38 =	vmul.bf16 v52, v8;
	v14 =	vadd.bf16 v23, v21;
	v21 =	vmul.bf16 v28, v10  }
0x347: {  	v47 =	vld.idx.msk [tilespmem:v4+s7+$0x0], $0xffff;
	v12 =	vadd.bf16 v12, v58;
	v28 =	vmul.bf16 v42, v13;
	v32 =	vmul.bf16 v46, v13  }
0x348: {  	v55 =	vsub.f32 $1.000000000e+00, v0;
	v59 =	vld.idx.msk [tilespmem:v1+s29+$0x0], $0xffff;
	v53 =	vcvt.s32.f32 v3;
	v37 =	vmul.bf16 v48, v11  }
0x349: {  	v6 =	vld.idx.msk [tilespmem:v6+s4+$0x0], $0xffff;
	v2 =	vadd.s32 v2, v3;
	v48 =	vmul.bf16 v56, v8;
	v12 =	vadd.bf16 v26, v12  }
0x34a: {  	v60 =	vld.idx.msk [tilespmem:v1+s23+$0x0], $0xffff;
	v26 =	vadd.bf16 v30, v61;
	v30 =	vmul.bf16 v57, v8;
	v29 =	vadd.bf16 v29, v38  }
0x34b: {  	v7 =	vld.idx.msk [tilespmem:v7+s4+$0x0], $0xffff;
	v16 =	vadd.bf16 v16, v21;
	v21 =	vmul.bf16 v43, v10;
	v9 =	vsub.f32 v9, v53  }
0x34c: {  	v62 =	vld.idx.msk [tilespmem:v1+s2+$0x0], $0xffff;
	v3 =	vadd.s32 $0x8, v2;
	v31 =	vadd.bf16 v31, v48;
	v22 =	vadd.bf16 v22, v30  }
0x34d: {  	v23 =	vld.idx.msk [tilespmem:v4+s31+$0x0], $0xffff;
	v29 =	vadd.bf16 v34, v29;
	v21 =	vadd.bf16 v35, v21;
	v25 =	vmul.bf16 v25, v11  }
0x34e: {  	v4 =	vld.idx.msk [tilespmem:v4+s4+$0x0], $0xffff;
	v13 =	vmul.bf16 v6, v13;
	v6 =	vadd.s32 $0x1, v2;
	v35 =	vmul.bf16 v50, v11  }
0x34f: {  	v11 =	vmul.f32 v9, v55;
	v43 =	vsub.f32 $1.000000000e+00, v9;
	v9 =	vmul.f32 v9, v0;
	v50 =	vld.idx.msk [tilespmem:v1+s7+$0x0], $0xffff  }
0x350: {  	v7 =	vmul.bf16 v7, v8;
	v1 =	vld.idx.msk [tilespmem:v1+s4+$0x0], $0xffff;
	v8 =	vadd.bf16 v24, v26;
	v24 =	vmul.bf16 v59, v5  }
0x351: {  	v27 =	vadd.bf16 v27, v31;
	v18 =	vadd.bf16 v18, v22;
	v22 =	vmul.bf16 v62, v5;
	v51 =	vld.idx.msk [tilespmem:v2+s29+$0x0], $0xffff  }
0x352: {  	v23 =	vmul.bf16 v23, v10;
	v26 =	vld.idx.msk [tilespmem:v2+s23+$0x0], $0xffff;
	v63 =	vmul.f32 v43, v55;
	v7 =	vadd.bf16 v15, v7  }
0x353: {  	v30 =	vld.idx.msk [tilespmem:v2+s2+$0x0], $0xffff;
	v15 =	vmul.bf16 v60, v5;
	v17 =	vadd.bf16 v17, v24;
	v0 =	vmul.f32 v43, v0  }
0x354: {  	v24 =	vld.idx.msk [tilespmem:v2+s31+$0x0], $0xffff;
	v23 =	vadd.bf16 v25, v23;
	v25 =	vmul.bf16 v47, v10;
	v10 =	vmul.bf16 v4, v10  }
0x355: {  	v31 =	vld.idx.msk [tilespmem:v3+s29+$0x0], $0xffff;
	v4 =	vadd.s32 $0x9, v2;
	v7 =	vadd.bf16 v19, v7;
	v15 =	vadd.bf16 v20, v15  }
0x356: {  	v59 =	vld.idx.msk [tilespmem:v3+s2+$0x0], $0xffff;
	v19 =	vmul.bf16 v49, v5;
	v14 =	vadd.bf16 v14, v17;
	v17 =	vadd.bf16 v28, v22  }
0x357: {  	s12 =	sadd.s32 $0x40, s12;
	v20 =	vld.idx.msk [tilespmem:v2+s7+$0x0], $0xffff;
	v22 =	vmul.bf16 v50, v5;
	v1 =	vmul.bf16 v1, v5;
	v5 =	vunpack.i.u.bf16.f32 v12  }
0x358: {  	s15 =	sand.u32 $0x40, s12;
	v28 =	vld.idx.msk [tilespmem:v2+s4+$0x0], $0xffff;
	v25 =	vadd.bf16 v37, v25;
	v10 =	vadd.bf16 v35, v10;
	v12 =	vunpack.i.l.bf16.f32 v12;
	[tilespmem:s9+$0x80] =	vst v5  }
0x359: {  	s13 =	sor.u32 $0x20, s15;
	v55 =	vld.idx.msk [tilespmem:v6+s2+$0x0], $0xffff;
	s2 =	sand.u32 $0x180, s12;
	v2 =	vadd.bf16 v16, v15;
	v15 =	vadd.bf16 v36, v19;
	[tilespmem:s9+$0x0] =	vst v12;
	v12 =	vunpack.i.u.bf16.f32 v29  }
0x35a: {  	v53 =	vld.idx.msk [tilespmem:v3+s23+$0x0], $0xffff;
	v16 =	vadd.bf16 v21, v17;
	v56 =	vunpack.i.u.bf16.f32 v14;
	v57 =	vunpack.i.l.bf16.f32 v14;
	s0 =	sor.u32 s2, s13;
	[tilespmem:s9+$0x180] =	vst v12  }
0x35b: {  	v5 =	vadd.bf16 v23, v15;
	v15 =	vunpack.i.l.bf16.f32 v29;
	v29 =	vpack.i.f32.bf16 v0, v0;
	v0 =	vld [tilespmem:s0+$0x800];
	[tilespmem:s8+$0x0] =	vst v57  }
0x35c: {  	v52 =	vld.idx.msk [tilespmem:v6+s23+$0x0], $0xffff;
	v17 =	vadd.bf16 v32, v22;
	v1 =	vadd.bf16 v13, v1;
	[tilespmem:s8+$0x80] =	vst v56  }
0x35d: {  	v19 =	vld.idx.msk [tilespmem:v6+s29+$0x0], $0xffff;
	v12 =	vunpack.i.l.bf16.f32 v27;
	[tilespmem:s9+$0x100] =	vst v15;
	v15 =	vunpack.i.u.bf16.f32 v8;
	v8 =	vunpack.i.l.bf16.f32 v8  }
0x35e: {  	s16 =	rddreg [dreg:$0xa];
	v21 =	vld.idx.msk [tilespmem:v3+s31+$0x0], $0xffff;
	v23 =	vunpack.i.u.bf16.f32 v18;
	v18 =	vunpack.i.l.bf16.f32 v18;
	v58 =	vunpack.i.u.bf16.f32 v2;
	[tilespmem:s28+$0x2A00] =	vst v8  }
0x35f: {  	s25 =	rddreg [dreg:$0xc];
	v22 =	vld.idx.msk [tilespmem:v6+s31+$0x0], $0xffff;
	v60 =	vunpack.i.l.bf16.f32 v2;
	v61 =	vunpack.i.u.bf16.f32 v16;
	v62 =	vunpack.i.l.bf16.f32 v16;
	[tilespmem:s16+$0x2A00] =	vst v15  }
0x360: {  	s1 =	rddreg [dreg:$0x8];
	v13 =	vld.idx.msk [tilespmem:v4+s29+$0x0], $0xffff;
	v17 =	vadd.bf16 v25, v17;
	v10 =	vadd.bf16 v10, v1;
	v1 =	vunpack.i.u.bf16.f32 v27;
	[tilespmem:s25+$0x2A00] =	vst v12  }
0x361: {  	s5 =	simm.s32 $0x400;
	v54 =	vld.idx.msk [tilespmem:v4+s23+$0x0], $0xffff;
	v27 =	vunpack.i.u.bf16.f32 v7;
	v25 =	vunpack.i.l.bf16.f32 v7;
	v32 =	vmul.bf16 v59, v29;
	s16 =	sor.u32 $0x30, s15;
	[tilespmem:s1+$0x2A00] =	vst v1  }
0x362: {  	v46 =	vld.idx.msk [tilespmem:v4+s5+$0x0], $0xffff;
	v2 =	vunpack.i.u.bf16.f32 v5;
	v7 =	vunpack.i.l.bf16.f32 v17;
	v12 =	vpack.i.f32.bf16 v63, v63;
	s28 =	sor.u32 s2, s16;
	[tilespmem:s6+$0x0] =	vst v18  }
0x363: {  	s14 =	sor.u32 $0x10, s15;
	s10 =	rddreg [dreg:$0x11];
	v1 =	vunpack.i.u.bf16.f32 v17;
	v17 =	vmul.bf16 v26, v12;
	v26 =	vld [tilespmem:s28+$0x800];
	v16 =	vmul.bf16 v30, v12;
	[tilespmem:s30+$0x0] =	vst v23  }
0x364: {  	s9 =	sor.u32 s2, s14;
	v8 =	vunpack.i.l.bf16.f32 v5;
	v15 =	vmul.bf16 v24, v12;
	v14 =	vmul.bf16 v20, v12;
	v20 =	vld [tilespmem:s0+$0x4A00];
	[tilespmem:s10+$0x0] =	vst v25  }
0x365: {  	p1 =	slt.u32 s12, $0x1C0;
	[tilespmem:s8+$0x100] =	vst v60;
	v18 =	vmul.bf16 v51, v12;
	v12 =	vmul.bf16 v28, v12;
	v23 =	vpack.i.f32.bf16 v9, v9;
	v24 =	vld [tilespmem:s9+$0x800]  }
.Ltmp1:
0x366: {  	s20 =	sor.u32 $0x200, s19;
	s11 =	rddreg [dreg:$0xf];
	[tilespmem:s8+$0x180] =	vst v58;
	v25 =	vpack.i.f32.bf16 v11, v11;
	v33 =	vmul.bf16 v13, v23;
	v34 =	vmul.bf16 v54, v23;
	(pc) =	sbr.rel @p1 .LBB2_5-.Ltmp1, $4  }
0x367: {  	[dreg:$0x7] =	wrdreg s20;
	v5 =	vunpack.i.u.bf16.f32 v10;
	v13 =	vld [tilespmem:s0+$0x4C00];
	v36 =	vmul.bf16 v46, v23;
	[tilespmem:s11+$0x0] =	vst v27;
	v28 =	vmul.bf16 v19, v25  }
0x368: {  	s30 =	rddreg [dreg:$0x7];
	v27 =	vmul.bf16 v31, v29;
	v30 =	vmul.bf16 v52, v25;
	v19 =	vld [tilespmem:s9+$0x4A00];
	v63 =	vadd.f32 $1.000000000e+00, v26  }
0x369: {  	s17 =	sadd.s32 $0x40, s17;
	s31 =	rddreg [dreg:$0x5];
	v10 =	vunpack.i.l.bf16.f32 v10;
	s25 =	simm.s32 $0x480;
	[tilespmem:s30+$0x2A00] =	vst v62;
	v31 =	vmul.bf16 v53, v29;
	v35 =	vmul.bf16 v55, v25;
	v11 =	vld [tilespmem:s9+$0x4C00]  }
0x36a: {  	s20 =	sor.u32 $0x300, s19;
	s19 =	sor.u32 $0x380, s19;
	s29 =	rddreg [dreg:$0x3];
	[tilespmem:s31+$0x2A00] =	vst v61;
	v26 =	vadd.f32 $1.000000000e+00, v0;
	v37 =	vmul.f32 $3.500000000e+00, v63;
	v9 =	vadd.f32 $1.000000000e+00, v24;
	v24 =	vld.idx.msk [tilespmem:v4+s25+$0x0], $0xffff  }
0x36b: {  	_ = 	snop  }
0x36c: {  	v38 =	vld [tilespmem:s28+$0x4A00];
	v0 =	vtrunc.f32 v37  }
0x36d: {  	v0 =	vcvt.f32.s32 v0;
	_ =	sdelay $0x1  }
0x36e: {  	v39 =	vld.idx.msk [tilespmem:v6+s7+$0x0], $0xffff;
	vm0 =	vlt.s32 v0, $0x6  }
0x36f: {  	v40 =	vld.idx.msk [tilespmem:v3+s7+$0x0], $0xffff;
	v41 =	vnsel vm0, $0x6, v0  }
0x370: {  	v43 =	vld.idx.msk [tilespmem:v6+s4+$0x0], $0xffff;
	v9 =	vmul.f32 $3.500000000e+00, v9;
	v60 =	vmul.f32 $3.500000000e+00, v26;
	v38 =	vadd.s32 v38, v41  }
0x371: {  	v3 =	vld.idx.msk [tilespmem:v3+s4+$0x0], $0xffff  }
0x372: {  	v44 =	vld.idx.msk [tilespmem:v4+s4+$0x0], $0xffff;
	v42 =	vtrunc.f32 v9;
	v62 =	vtrunc.f32 v60  }
0x373: {  	v45 =	vld [tilespmem:s28+$0x4C00];
	v61 =	vcvt.f32.s32 v42;
	v42 =	vcvt.f32.s32 v62  }
0x374: {  	s11 =	simm.s32 $0x300;
	v26 =	vld.idx.msk [tilespmem:v4+s7+$0x0], $0xffff;
	v46 =	vadd.s32 $0x1, v38  }
0x375: {  	vm15 =	vlt.s32 v42, $0x6;
	v47 =	vadd.s32 $0x9, v38;
	v48 =	vld.idx.msk [tilespmem:v38+s11+$0x0], $0xffff  }
0x376: {  	v42 =	vnsel vm15, $0x6, v42;
	v49 =	vld.idx.msk [tilespmem:v38+s23+$0x0], $0xffff  }
0x377: {  	v51 =	vcvt.s32.f32 v42;
	v52 =	vld.idx.msk [tilespmem:v38+s5+$0x0], $0xffff  }
0x378: {  	v22 =	vmul.bf16 v22, v25;
	v54 =	vmul.bf16 v21, v29;
	v28 =	vadd.bf16 v28, v18;
	v55 =	vld.idx.msk [tilespmem:v38+s25+$0x0], $0xffff  }
0x379: {  	[tilespmem:s20+$0x2A00] =	vst v8;
	v30 =	vadd.bf16 v30, v17;
	vm14 =	vlt.s32 v61, $0x6;
	v4 =	vsub.f32 v60, v51;
	v51 =	vld.idx.msk [tilespmem:v46+s11+$0x0], $0xffff  }
0x37a: {  	v34 =	vadd.bf16 v34, v31;
	v53 =	vsub.f32 $1.000000000e+00, v13;
	[tilespmem:s19+$0x2A00] =	vst v2;
	v63 =	vnsel vm14, $0x6, v61;
	v58 =	vld.idx.msk [tilespmem:v47+s11+$0x0], $0xffff  }
0x37b: {  	[tilespmem:s3+$0x0] =	vst v7;
	v7 =	vadd.bf16 v33, v27;
	v56 =	vmul.bf16 v24, v23;
	v6 =	vcvt.s32.f32 v63;
	v61 =	vld.idx.msk [tilespmem:v46+s23+$0x0], $0xffff  }
0x37c: {  	v50 =	vsub.f32 $1.000000000e+00, v11;
	v39 =	vmul.bf16 v39, v25;
	v8 =	vmul.bf16 v43, v25;
	v62 =	vld.idx.msk [tilespmem:v47+s23+$0x0], $0xffff  }
0x37d: {  	v43 =	vadd.s32 $0x8, v38;
	v9 =	vsub.f32 v9, v6;
	v6 =	vadd.s32 v19, v63;
	v63 =	vld.idx.msk [tilespmem:v46+s5+$0x0], $0xffff  }
0x37e: {  	v40 =	vmul.bf16 v40, v29;
	v29 =	vmul.bf16 v3, v29;
	v0 =	vadd.s32 v20, v42;
	v20 =	vld.idx.msk [tilespmem:v47+s5+$0x0], $0xffff  }
0x37f: {  	v17 =	vmul.bf16 v26, v23;
	v24 =	vsub.f32 $1.000000000e+00, v9;
	v57 =	vmul.f32 v9, v50;
	v25 =	vld.idx.msk [tilespmem:v47+s25+$0x0], $0xffff  }
0x380: {  	v59 =	vsub.f32 $1.000000000e+00, v4;
	v9 =	vmul.f32 v9, v11;
	v60 =	vmul.f32 v4, v53;
	v33 =	vld.idx.msk [tilespmem:v47+s7+$0x0], $0xffff  }
0x381: {  	v26 =	vadd.bf16 v35, v16;
	v35 =	vld.idx.msk [tilespmem:v47+s4+$0x0], $0xffff;
	v42 =	vmul.f32 v24, v50;
	v50 =	vmul.f32 v24, v11  }
0x382: {  	v27 =	vadd.bf16 v36, v32;
	v32 =	vld.idx.msk [tilespmem:v43+s11+$0x0], $0xffff;
	v53 =	vmul.f32 v59, v53;
	v59 =	vmul.f32 v59, v13  }
0x383: {  	v18 =	vadd.bf16 v22, v15;
	v47 =	vld.idx.msk [tilespmem:v38+s7+$0x0], $0xffff;
	v11 =	vmul.f32 v4, v13;
	v13 =	vcvt.s32.f32 v41  }
0x384: {  	[tilespmem:s22+$0x0] =	vst v1;
	v1 =	vsub.f32 $1.000000000e+00, v45;
	v14 =	vadd.bf16 v39, v14;
	v19 =	vadd.s32 $0x1, v6;
	v38 =	vld.idx.msk [tilespmem:v38+s4+$0x0], $0xffff  }
0x385: {  	v31 =	vmul.bf16 v44, v23;
	v12 =	vadd.bf16 v8, v12;
	v39 =	vld.idx.msk [tilespmem:v43+s25+$0x0], $0xffff;
	v13 =	vsub.f32 v37, v13  }
0x386: {  	v22 =	vadd.bf16 v17, v40;
	v21 =	vadd.s32 $0x9, v6;
	v24 =	vadd.s32 $0x8, v6;
	v41 =	vld.idx.msk [tilespmem:v46+s25+$0x0], $0xffff  }
0x387: {  	[tilespmem:s21+$0x0] =	vst v10;
	v16 =	vpack.i.f32.bf16 v57, v57;
	v37 =	vld.idx.msk [tilespmem:v46+s7+$0x0], $0xffff;
	v10 =	vsub.f32 $1.000000000e+00, v13;
	v23 =	vmul.f32 v13, v1  }
0x388: {  	v46 =	vld.idx.msk [tilespmem:v46+s4+$0x0], $0xffff;
	v15 =	vpack.i.f32.bf16 v50, v50;
	v8 =	vpack.i.f32.bf16 v59, v59;
	v44 =	vmul.f32 v13, v45  }
0x389: {  	v17 =	vld.idx.msk [tilespmem:v19+s11+$0x0], $0xffff;
	v36 =	vmul.f32 v10, v1;
	v45 =	vmul.f32 v10, v45;
	v50 =	vpack.i.f32.bf16 v23, v23  }
0x38a: {  	v59 =	vld.idx.msk [tilespmem:v19+s23+$0x0], $0xffff;
	v10 =	vpack.i.f32.bf16 v42, v42;
	v44 =	vpack.i.f32.bf16 v44, v44;
	v51 =	vmul.bf16 v51, v50  }
0x38b: {  	v42 =	vld.idx.msk [tilespmem:v43+s23+$0x0], $0xffff;
	v23 =	vadd.bf16 v56, v54;
	v54 =	vmul.bf16 v58, v44;
	v56 =	vmul.bf16 v61, v50  }
0x38c: {  	v1 =	vpack.i.f32.bf16 v53, v53;
	v53 =	vld.idx.msk [tilespmem:v43+s5+$0x0], $0xffff;
	v57 =	vmul.bf16 v62, v44;
	v58 =	vmul.bf16 v63, v50  }
0x38d: {  	v13 =	vpack.i.f32.bf16 v9, v9;
	v20 =	vmul.bf16 v20, v44;
	v40 =	vmul.bf16 v41, v50;
	v41 =	vld.idx.msk [tilespmem:v43+s7+$0x0], $0xffff  }
0x38e: {  	v9 =	vpack.i.f32.bf16 v60, v60;
	v37 =	vmul.bf16 v37, v50;
	v46 =	vmul.bf16 v46, v50;
	v50 =	vld.idx.msk [tilespmem:v24+s11+$0x0], $0xffff  }
0x38f: {  	v25 =	vmul.bf16 v25, v44;
	v33 =	vmul.bf16 v33, v44;
	v43 =	vld.idx.msk [tilespmem:v43+s4+$0x0], $0xffff;
	v36 =	vpack.i.f32.bf16 v36, v36  }
0x390: {  	v35 =	vmul.bf16 v35, v44;
	v45 =	vpack.i.f32.bf16 v45, v45;
	v60 =	vmul.bf16 v48, v36;
	v48 =	vld.idx.msk [tilespmem:v21+s11+$0x0], $0xffff  }
0x391: {  	v32 =	vmul.bf16 v32, v45;
	v61 =	vmul.bf16 v49, v36;
	v49 =	vld.idx.msk [tilespmem:v24+s23+$0x0], $0xffff  }
0x392: {  	v3 =	vadd.s32 $0x8, v0;
	v62 =	vmul.bf16 v52, v36;
	v52 =	vld.idx.msk [tilespmem:v21+s23+$0x0], $0xffff;
	v63 =	vmul.bf16 v55, v36  }
0x393: {  	v2 =	vadd.s32 $0x9, v0;
	v47 =	vmul.bf16 v47, v36;
	v55 =	vld.idx.msk [tilespmem:v19+s5+$0x0], $0xffff;
	v39 =	vmul.bf16 v39, v45  }
0x394: {  	v36 =	vmul.bf16 v38, v36;
	v38 =	vld.idx.msk [tilespmem:v21+s5+$0x0], $0xffff;
	v44 =	vadd.bf16 v51, v60;
	v42 =	vmul.bf16 v42, v45  }
0x395: {  	v40 =	vadd.bf16 v40, v63;
	v25 =	vadd.bf16 v25, v39;
	v39 =	vld.idx.msk [tilespmem:v21+s25+$0x0], $0xffff  }
0x396: {  	v32 =	vadd.bf16 v54, v32;
	v42 =	vadd.bf16 v57, v42;
	v57 =	vmul.bf16 v53, v45;
	v53 =	vld.idx.msk [tilespmem:v24+s5+$0x0], $0xffff  }
0x397: {  	v25 =	vadd.bf16 v25, v40;
	v40 =	vld.idx.msk [tilespmem:v24+s7+$0x0], $0xffff  }
0x398: {  	v43 =	vmul.bf16 v43, v45;
	v32 =	vadd.bf16 v32, v44;
	v44 =	vld.idx.msk [tilespmem:v3+s11+$0x0], $0xffff  }
0x399: {  	v28 =	vadd.bf16 v7, v28;
	v7 =	vpack.i.f32.bf16 v11, v11;
	v41 =	vmul.bf16 v41, v45;
	v45 =	vld.idx.msk [tilespmem:v2+s11+$0x0], $0xffff  }
0x39a: {  	s6 =	sadd.s32 $0x200, s24;
	v11 =	vadd.bf16 v56, v61;
	v35 =	vadd.bf16 v35, v43;
	v43 =	vmul.bf16 v55, v16;
	v55 =	vld.idx.msk [tilespmem:v3+s5+$0x0], $0xffff  }
0x39b: {  	s8 =	sand.u32 $0xC00, s6;
	v33 =	vadd.bf16 v33, v41;
	v41 =	vld.idx.msk [tilespmem:v2+s25+$0x0], $0xffff  }
0x39c: {  	s0 =	sadd.s32 $0x2A00, s8;
	v4 =	vadd.s32 $0x1, v0;
	v51 =	vadd.bf16 v58, v62;
	v60 =	vadd.bf16 v42, v11;
	v42 =	vld.idx.msk [tilespmem:v19+s25+$0x0], $0xffff  }
0x39d: {  	s2 =	sor.u32 s16, s0;
	v61 =	vadd.bf16 v20, v57;
	v62 =	vunpack.i.l.bf16.f32 v32;
	v32 =	vunpack.i.u.bf16.f32 v32;
	v20 =	vld.idx.msk [tilespmem:v24+s25+$0x0], $0xffff  }
0x39e: {  	s10 =	simm.s32 $0x580;
	v30 =	vadd.bf16 v34, v30;
	v29 =	vadd.bf16 v31, v29;
	[tilespmem:s2+$0x80] =	vst v32;
	v32 =	vld.idx.msk [tilespmem:v19+s7+$0x0], $0xffff  }
0x39f: {  	[tilespmem:s18+$0x0] =	vst v5;
	v26 =	vadd.bf16 v27, v26;
	v14 =	vadd.bf16 v22, v14;
	v19 =	vld.idx.msk [tilespmem:v19+s10+$0x0], $0xffff;
	v5 =	vunpack.i.u.bf16.f32 v60  }
0x3a0: {  	p0 =	por !p0, !p0;
	s1 =	simm.s32 $0x1;
	s22 =	sor.u32 s15, s0;
	v12 =	vadd.bf16 v29, v12;
	v56 =	vmul.bf16 v50, v15;
	v50 =	vunpack.i.u.bf16.f32 v28;
	[tilespmem:s2+$0x180] =	vst v5;
	v5 =	vld.idx.msk [tilespmem:v21+s7+$0x0], $0xffff  }
0x3a1: {  	s1 =	simm.s32 @!p0 $0x0;
	v22 =	vunpack.i.l.bf16.f32 v14;
	[tilespmem:s22+$0x80] =	vst v50;
	v11 =	vadd.bf16 v61, v51;
	v51 =	vadd.bf16 v46, v36;
	v21 =	vld.idx.msk [tilespmem:v21+s10+$0x0], $0xffff  }
0x3a2: {  	s1 =	sshll.u32 s1, $0x6;
	v14 =	vunpack.i.u.bf16.f32 v14;
	[tilespmem:s2+$0x0] =	vst v62;
	v63 =	vunpack.i.l.bf16.f32 v60;
	v62 =	vmul.bf16 v53, v15;
	v53 =	vld.idx.msk [tilespmem:v4+s5+$0x0], $0xffff  }
0x3a3: {  	s1 =	sadd.s32 s1, s6;
	v34 =	vadd.bf16 v35, v51;
	v35 =	vmul.bf16 v59, v16;
	v59 =	vmul.bf16 v49, v15;
	v49 =	vld.idx.msk [tilespmem:v3+s23+$0x0], $0xffff  }
0x3a4: {  	s29 =	sadd.s32 $0x30, s1;
	v17 =	vmul.bf16 v17, v16;
	v18 =	vadd.bf16 v23, v18;
	[tilespmem:s2+$0x100] =	vst v63;
	v63 =	vunpack.i.l.bf16.f32 v28;
	v51 =	vld.idx.msk [tilespmem:v2+s23+$0x0], $0xffff  }
0x3a5: {  	s31 =	sor.u32 $0x200, s29;
	v37 =	vadd.bf16 v37, v47;
	v38 =	vmul.bf16 v38, v13;
	v47 =	vunpack.i.l.bf16.f32 v11;
	[tilespmem:s22+$0x0] =	vst v63;
	v63 =	vld.idx.msk [tilespmem:v6+s23+$0x0], $0xffff  }
0x3a6: {  	s4 =	sor.u32 $0x280, s29;
	v54 =	vunpack.i.l.bf16.f32 v25;
	v57 =	vmul.bf16 v48, v13;
	v11 =	vunpack.i.u.bf16.f32 v11;
	[tilespmem:s31+$0x2A00] =	vst v47;
	v47 =	vld.idx.msk [tilespmem:v4+s23+$0x0], $0xffff  }
0x3a7: {  	v33 =	vadd.bf16 v33, v37;
	v60 =	vmul.bf16 v52, v13;
	v52 =	vunpack.i.l.bf16.f32 v30;
	[tilespmem:s4+$0x2A00] =	vst v11;
	v11 =	vld.idx.msk [tilespmem:v24+s10+$0x0], $0xffff  }
0x3a8: {  	v48 =	vmul.bf16 v39, v13;
	v30 =	vunpack.i.u.bf16.f32 v30;
	[tilespmem:s22+$0x100] =	vst v52;
	v24 =	vadd.bf16 v57, v56;
	v57 =	vld.idx.msk [tilespmem:v2+s5+$0x0], $0xffff  }
0x3a9: {  	s9 =	sor.u32 $0x300, s29;
	v25 =	vunpack.i.u.bf16.f32 v25;
	[tilespmem:s22+$0x180] =	vst v30;
	v27 =	vmul.bf16 v55, v8;
	v36 =	vadd.bf16 v60, v59;
	v59 =	vld.idx.msk [tilespmem:v4+s25+$0x0], $0xffff  }
0x3aa: {  	s17 =	sor.u32 $0x380, s29;
	v58 =	vunpack.i.l.bf16.f32 v33;
	v42 =	vmul.bf16 v42, v16;
	v20 =	vmul.bf16 v20, v15;
	v60 =	vld.idx.msk [tilespmem:v6+s11+$0x0], $0xffff;
	[tilespmem:s9+$0x2A00] =	vst v54  }
0x3ab: {  	v32 =	vmul.bf16 v32, v16;
	v56 =	vunpack.i.l.bf16.f32 v26;
	v16 =	vmul.bf16 v19, v16;
	s9 =	simm.s32 $0x500;
	[tilespmem:s17+$0x2A00] =	vst v25;
	v25 =	vld.idx.msk [tilespmem:v4+s11+$0x0], $0xffff  }
0x3ac: {  	s24 =	sor.u32 $0x200, s1;
	s2 =	sadd.s32 $0x3A00, s8;
	v20 =	vadd.bf16 v48, v20;
	v54 =	vmul.bf16 v40, v15;
	v40 =	vmul.bf16 v45, v7;
	v52 =	vld.idx.msk [tilespmem:v6+s9+$0x0], $0xffff  }
0x3ad: {  	s3 =	sadd.s32 $0x3A80, s8;
	v33 =	vunpack.i.u.bf16.f32 v33;
	s18 =	sor.u32 s16, s2;
	[tilespmem:s24+$0x2A00] =	vst v56;
	v5 =	vmul.bf16 v5, v13;
	v46 =	vmul.bf16 v49, v8;
	v49 =	vld.idx.msk [tilespmem:v6+s25+$0x0], $0xffff  }
0x3ae: {  	s19 =	sor.u32 s16, s3;
	v61 =	vunpack.i.l.bf16.f32 v34;
	v13 =	vmul.bf16 v21, v13;
	[tilespmem:s18+$0x0] =	vst v58;
	v48 =	vmul.bf16 v51, v7;
	v51 =	vld.idx.msk [tilespmem:v4+s9+$0x0], $0xffff  }
0x3af: {  	s26 =	sor.u32 $0x280, s1;
	s4 =	sadd.s32 $0x3B00, s8;
	v50 =	vmul.bf16 v53, v9;
	v58 =	vunpack.i.u.bf16.f32 v26;
	v26 =	vmul.bf16 v41, v7;
	v4 =	vld.idx.msk [tilespmem:v4+s10+$0x0], $0xffff;
	[tilespmem:s19+$0x0] =	vst v33  }
0x3b0: {  	s8 =	sadd.s32 $0x3B80, s8;
	v34 =	vunpack.i.u.bf16.f32 v34;
	s20 =	sor.u32 s16, s4;
	v33 =	vadd.bf16 v38, v62;
	v5 =	vadd.bf16 v5, v54;
	[tilespmem:s26+$0x2A00] =	vst v58;
	v62 =	vld.idx.msk [tilespmem:v3+s25+$0x0], $0xffff  }
0x3b1: {  	s21 =	sor.u32 s16, s8;
	v38 =	vmul.bf16 v44, v8;
	v44 =	vunpack.i.l.bf16.f32 v12;
	v45 =	vmul.bf16 v47, v9;
	v47 =	vld.idx.msk [tilespmem:v6+s5+$0x0], $0xffff;
	[tilespmem:s20+$0x0] =	vst v61  }
0x3b2: {  	s6 =	sor.u32 s6, s12;
	s29 =	sor.u32 $0x300, s1;
	v6 =	vld.idx.msk [tilespmem:v6+s10+$0x0], $0xffff;
	v11 =	vmul.bf16 v11, v15;
	v61 =	vunpack.i.l.bf16.f32 v18;
	v15 =	vmul.bf16 v60, v10;
	[tilespmem:s21+$0x0] =	vst v34  }
0x3b3: {  	s6 =	sor.u32 $0x380, s6;
	v12 =	vunpack.i.u.bf16.f32 v12;
	v18 =	vunpack.i.u.bf16.f32 v18;
	v30 =	vmul.bf16 v57, v7;
	v57 =	vld.idx.msk [tilespmem:v0+s11+$0x0], $0xffff;
	[tilespmem:s29+$0x2A00] =	vst v61  }
0x3b4: {  	s31 =	sor.u32 s15, s2;
	v11 =	vadd.bf16 v13, v11;
	[tilespmem:s6+$0x2A00] =	vst v18;
	v13 =	vmul.bf16 v63, v10;
	v15 =	vadd.bf16 v17, v15  }
0x3b5: {  	s7 =	sor.u32 s15, s3;
	v19 =	vmul.bf16 v25, v9;
	v18 =	vadd.bf16 v40, v38;
	v17 =	vmul.bf16 v59, v9;
	[tilespmem:s31+$0x0] =	vst v22  }
0x3b6: {  	s12 =	sor.u32 s15, s4;
	[tilespmem:s7+$0x0] =	vst v14;
	v53 =	vmul.bf16 v47, v10;
	v13 =	vadd.bf16 v35, v13;
	v15 =	vadd.bf16 v24, v15  }
0x3b7: {  	s16 =	sor.u32 s15, s8;
	v55 =	vadd.bf16 v30, v27;
	v61 =	vmul.bf16 v52, v10;
	v56 =	vmul.bf16 v49, v10;
	[tilespmem:s12+$0x0] =	vst v44  }
0x3b8: {  	s17 =	sor.u32 s14, s0;
	v54 =	vld.idx.msk [tilespmem:v3+s9+$0x0], $0xffff;
	[tilespmem:s16+$0x0] =	vst v12;
	v22 =	vadd.bf16 v43, v53;
	v13 =	vadd.bf16 v36, v13;
	v58 =	vunpack.i.u.bf16.f32 v15  }
0x3b9: {  	v3 =	vld.idx.msk [tilespmem:v3+s10+$0x0], $0xffff;
	v21 =	vmul.bf16 v62, v8;
	v15 =	vunpack.i.l.bf16.f32 v15;
	v12 =	vmul.bf16 v57, v1;
	[tilespmem:s17+$0x80] =	vst v58  }
0x3ba: {  	v59 =	vld.idx.msk [tilespmem:v2+s9+$0x0], $0xffff;
	v27 =	vadd.bf16 v42, v56;
	[tilespmem:s17+$0x0] =	vst v15;
	v22 =	vadd.bf16 v33, v22;
	v63 =	vunpack.i.l.bf16.f32 v13  }
0x3bb: {  	s18 =	sadd.s32 $0x10, s1;
	v62 =	vld.idx.msk [tilespmem:v0+s23+$0x0], $0xffff;
	v21 =	vadd.bf16 v26, v21;
	v26 =	vunpack.i.u.bf16.f32 v13;
	v12 =	vadd.bf16 v19, v12;
	[tilespmem:s17+$0x100] =	vst v63  }
0x3bc: {  	s19 =	sor.u32 $0x200, s18;
	v38 =	vld.idx.msk [tilespmem:v0+s25+$0x0], $0xffff;
	v14 =	vadd.bf16 v48, v46;
	v35 =	vadd.bf16 v20, v27;
	[tilespmem:s17+$0x180] =	vst v26;
	v36 =	vunpack.i.l.bf16.f32 v22  }
0x3bd: {  	s20 =	sor.u32 $0x280, s18;
	v6 =	vmul.bf16 v6, v10;
	v33 =	vld.idx.msk [tilespmem:v0+s5+$0x0], $0xffff;
	v22 =	vunpack.i.u.bf16.f32 v22;
	v46 =	vadd.bf16 v18, v12;
	[tilespmem:s19+$0x2A00] =	vst v36  }
0x3be: {  	s21 =	sor.u32 $0x300, s18;
	v2 =	vld.idx.msk [tilespmem:v2+s10+$0x0], $0xffff;
	v34 =	vadd.bf16 v32, v61;
	v39 =	vunpack.i.l.bf16.f32 v35;
	[tilespmem:s20+$0x2A00] =	vst v22  }
0x3bf: {  	s0 =	sor.u32 s13, s0;
	v60 =	vmul.bf16 v51, v9;
	v42 =	vld.idx.msk [tilespmem:v0+s9+$0x0], $0xffff;
	v6 =	vadd.bf16 v16, v6;
	v51 =	vunpack.i.l.bf16.f32 v46;
	[tilespmem:s21+$0x2A00] =	vst v39  }
0x3c0: {  	v5 =	vadd.bf16 v5, v34;
	v0 =	vld.idx.msk [tilespmem:v0+s10+$0x0], $0xffff;
	v41 =	vmul.bf16 v62, v1;
	v10 =	vunpack.i.u.bf16.f32 v46;
	[tilespmem:s0+$0x0] =	vst v51  }
0x3c1: {  	s6 =	sor.u32 $0x380, s18;
	v4 =	vmul.bf16 v4, v9;
	v6 =	vadd.bf16 v11, v6;
	v15 =	vunpack.i.u.bf16.f32 v35;
	[tilespmem:s0+$0x80] =	vst v10  }
0x3c2: {  	s22 =	sor.u32 s14, s2;
	v43 =	vunpack.i.l.bf16.f32 v5;
	v45 =	vadd.bf16 v45, v41;
	v44 =	vmul.bf16 v33, v1;
	[tilespmem:s6+$0x2A00] =	vst v15  }
0x3c3: {  	v37 =	vmul.bf16 v54, v8;
	s23 =	sor.u32 s14, s3;
	v49 =	vmul.bf16 v38, v1;
	v5 =	vunpack.i.u.bf16.f32 v5;
	[tilespmem:s22+$0x0] =	vst v43  }
0x3c4: {  	s24 =	sor.u32 s14, s4;
	v47 =	vunpack.i.l.bf16.f32 v6;
	v50 =	vadd.bf16 v50, v44;
	[tilespmem:s23+$0x0] =	vst v5;
	v5 =	vadd.bf16 v14, v45  }
0x3c5: {  	s25 =	sor.u32 s14, s8;
	v40 =	vmul.bf16 v59, v7;
	v53 =	vadd.bf16 v17, v49;
	v6 =	vunpack.i.u.bf16.f32 v6;
	[tilespmem:s24+$0x0] =	vst v47  }
0x3c6: {  	v52 =	vmul.bf16 v42, v1;
	[tilespmem:s25+$0x0] =	vst v6;
	v6 =	vadd.bf16 v55, v50;
	v54 =	vunpack.i.l.bf16.f32 v5  }
0x3c7: {  	s1 =	sadd.s32 $0x20, s1;
	v3 =	vmul.bf16 v3, v8;
	v48 =	vadd.bf16 v40, v37;
	v55 =	vunpack.i.u.bf16.f32 v5;
	[tilespmem:s0+$0x100] =	vst v54  }
0x3c8: {  	s26 =	sor.u32 $0x200, s1;
	v57 =	vadd.bf16 v21, v53;
	v56 =	vadd.bf16 v60, v52;
	[tilespmem:s0+$0x180] =	vst v55;
	v58 =	vunpack.i.l.bf16.f32 v6  }
0x3c9: {  	s29 =	sor.u32 $0x280, s1;
	v2 =	vmul.bf16 v2, v7;
	v0 =	vmul.bf16 v0, v1;
	v59 =	vunpack.i.u.bf16.f32 v6;
	[tilespmem:s26+$0x2A00] =	vst v58  }
0x3ca: {  	s31 =	sor.u32 $0x300, s1;
	v60 =	vunpack.i.l.bf16.f32 v57;
	v1 =	vadd.bf16 v48, v56;
	[tilespmem:s29+$0x2A00] =	vst v59  }
0x3cb: {  	s1 =	sor.u32 $0x380, s1;
	v2 =	vadd.bf16 v2, v3;
	v61 =	vunpack.i.u.bf16.f32 v57;
	v0 =	vadd.bf16 v4, v0;
	[tilespmem:s31+$0x2A00] =	vst v60  }
0x3cc: {  	s2 =	sor.u32 s13, s2;
	v62 =	vunpack.i.l.bf16.f32 v1;
	[tilespmem:s1+$0x2A00] =	vst v61  }
0x3cd: {  	v0 =	vadd.bf16 v2, v0;
	[tilespmem:s2+$0x0] =	vst v62  }
0x3ce: {  	s3 =	sor.u32 s13, s3;
	v1 =	vunpack.i.u.bf16.f32 v1;
	s6 =	sld [smem:$0x7F6]  }
0x3cf: {  	s7 =	sor.u32 s13, s4;
	v63 =	vunpack.i.l.bf16.f32 v0;
	[tilespmem:s3+$0x0] =	vst v1  }
0x3d0: {  	[tilespmem:s7+$0x0] =	vst v63  }
0x3d1: {  	s1 =	sshll.u32 s6, $0x4;
	s6 =	sld [smem:$0x7F3];
	_ =	sdelay $0x1  }
0x3d2: {  	s0 =	sand.u32 $0x70, s1  }
0x3d3: {  	s9 =	sor.u32 s13, s8;
	s10 =	rddreg [dreg:$0x1];
	v0 =	vunpack.i.u.bf16.f32 v0;
	s2 =	sor.u32 s0, s6  }
0x3d4: {  	s11 =	simm.s32 $0x2A00;
	s23 =	simm.s32 $0x0;
	[tilespmem:s9+$0x0] =	vst v0;
	s1 =	sadd.s32 s10, s2  }
0x3d5: {  	[hbm4b:s1+s23] =	stream.linear.scatter [tilespmem:s11], [sflag:$0x4], $0x80, $0x38;
	[tilespmem:$0x4E00] =	vst v63  }
0x3d6: {  	s13 =	simm.s32 $0x2E00;
	s12 =	sadd.s32 $0x80, s1  }
0x3d7: {  	[hbm4b:s12+s23] =	stream.linear.scatter [tilespmem:s13], [sflag:$0x4], $0x80, $0x38;
	[tilespmem:$0x4E00] =	vst v63  }
0x3d8: {  	s15 =	simm.s32 $0x3200;
	s14 =	sadd.s32 $0x100, s1  }
0x3d9: {  	[hbm4b:s14+s23] =	stream.linear.scatter [tilespmem:s15], [sflag:$0x4], $0x80, $0x38;
	[tilespmem:$0x4E00] =	vst v63  }
0x3da: {  	s16 =	simm.s32 $0x3600;
	s17 =	rddreg [dreg:$0x1a];
	s1 =	sadd.s32 $0x180, s1  }
0x3db: {  	[hbm4b:s1+s23] =	stream.linear.scatter [tilespmem:s16], [sflag:$0x4], $0x80, $0x38;
	[tilespmem:$0x4E00] =	vst v63  }
0x3dc: {  	s18 =	simm.s32 $0x2A80;
	s1 =	sadd.s32 s2, s17  }
0x3dd: {  	[hbm4b:s1+s23] =	stream.linear.scatter [tilespmem:s18], [sflag:$0x4], $0x80, $0x38;
	[tilespmem:$0x4E00] =	vst v63  }
0x3de: {  	s20 =	simm.s32 $0x2E80;
	s19 =	sadd.s32 $0x80, s1  }
0x3df: {  	[hbm4b:s19+s23] =	stream.linear.scatter [tilespmem:s20], [sflag:$0x4], $0x80, $0x38;
	[tilespmem:$0x4E00] =	vst v63  }
0x3e0: {  	s22 =	simm.s32 $0x3280;
	s21 =	sadd.s32 $0x100, s1  }
0x3e1: {  	[hbm4b:s21+s23] =	stream.linear.scatter [tilespmem:s22], [sflag:$0x4], $0x80, $0x38;
	[tilespmem:$0x4E00] =	vst v63  }
0x3e2: {  	s24 =	simm.s32 $0x3680;
	s25 =	rddreg [dreg:$0x1b];
	s1 =	sadd.s32 $0x180, s1  }
0x3e3: {  	[hbm4b:s1+s23] =	stream.linear.scatter [tilespmem:s24], [sflag:$0x4], $0x80, $0x38;
	[tilespmem:$0x4E00] =	vst v63  }
0x3e4: {  	s26 =	simm.s32 $0x2B00;
	s1 =	sadd.s32 s2, s25  }
0x3e5: {  	[hbm4b:s1+s23] =	stream.linear.scatter [tilespmem:s26], [sflag:$0x4], $0x80, $0x38;
	[tilespmem:$0x4E00] =	vst v63  }
0x3e6: {  	s31 =	simm.s32 $0x2F00;
	s29 =	sadd.s32 $0x80, s1  }
0x3e7: {  	[hbm4b:s29+s23] =	stream.linear.scatter [tilespmem:s31], [sflag:$0x4], $0x80, $0x38;
	[tilespmem:$0x4E00] =	vst v63  }
0x3e8: {  	s8 =	simm.s32 $0x3300;
	s7 =	sadd.s32 $0x100, s1  }
0x3e9: {  	[hbm4b:s7+s23] =	stream.linear.scatter [tilespmem:s8], [sflag:$0x4], $0x80, $0x38;
	[tilespmem:$0x4E00] =	vst v63  }
0x3ea: {  	s9 =	simm.s32 $0x3700;
	s10 =	rddreg [dreg:$0x1c];
	s1 =	sadd.s32 $0x180, s1  }
0x3eb: {  	[hbm4b:s1+s23] =	stream.linear.scatter [tilespmem:s9], [sflag:$0x4], $0x80, $0x38;
	[tilespmem:$0x4E00] =	vst v63  }
0x3ec: {  	s11 =	simm.s32 $0x2B80;
	s1 =	sadd.s32 s2, s10  }
0x3ed: {  	[hbm4b:s1+s23] =	stream.linear.scatter [tilespmem:s11], [sflag:$0x4], $0x80, $0x38;
	[tilespmem:$0x4E00] =	vst v63  }
0x3ee: {  	s13 =	simm.s32 $0x2F80;
	s12 =	sadd.s32 $0x80, s1  }
0x3ef: {  	[hbm4b:s12+s23] =	stream.linear.scatter [tilespmem:s13], [sflag:$0x4], $0x80, $0x38;
	[tilespmem:$0x4E00] =	vst v63  }
0x3f0: {  	s15 =	simm.s32 $0x3380;
	s14 =	sadd.s32 $0x100, s1  }
0x3f1: {  	[hbm4b:s14+s23] =	stream.linear.scatter [tilespmem:s15], [sflag:$0x4], $0x80, $0x38;
	[tilespmem:$0x4E00] =	vst v63  }
0x3f2: {  	s16 =	simm.s32 $0x3780;
	s17 =	rddreg [dreg:$0x1d];
	s1 =	sadd.s32 $0x180, s1  }
0x3f3: {  	[hbm4b:s1+s23] =	stream.linear.scatter [tilespmem:s16], [sflag:$0x4], $0x80, $0x38;
	[tilespmem:$0x4E00] =	vst v63  }
0x3f4: {  	s1 =	sadd.s32 s6, s17  }
0x3f5: {  	s18 =	simm.s32 $0x2C00;
	s1 =	sadd.s32 s0, s1  }
0x3f6: {  	[hbm4b:s1+s23] =	stream.linear.scatter [tilespmem:s18], [sflag:$0x4], $0x80, $0x38;
	[tilespmem:$0x4E00] =	vst v63  }
0x3f7: {  	s20 =	simm.s32 $0x3000;
	s19 =	sadd.s32 $0x80, s1  }
0x3f8: {  	[hbm4b:s19+s23] =	stream.linear.scatter [tilespmem:s20], [sflag:$0x4], $0x80, $0x38;
	[tilespmem:$0x4E00] =	vst v63  }
0x3f9: {  	s22 =	simm.s32 $0x3400;
	s21 =	sadd.s32 $0x100, s1  }
0x3fa: {  	[hbm4b:s21+s23] =	stream.linear.scatter [tilespmem:s22], [sflag:$0x4], $0x80, $0x38;
	[tilespmem:$0x4E00] =	vst v63  }
0x3fb: {  	s24 =	simm.s32 $0x3800;
	s25 =	rddreg [dreg:$0x1e];
	s1 =	sadd.s32 $0x180, s1  }
0x3fc: {  	[hbm4b:s1+s23] =	stream.linear.scatter [tilespmem:s24], [sflag:$0x4], $0x80, $0x38;
	[tilespmem:$0x4E00] =	vst v63  }
0x3fd: {  	s1 =	sadd.s32 s6, s25  }
0x3fe: {  	s26 =	simm.s32 $0x2C80;
	s1 =	sadd.s32 s0, s1  }
0x3ff: {  	[hbm4b:s1+s23] =	stream.linear.scatter [tilespmem:s26], [sflag:$0x4], $0x80, $0x38;
	[tilespmem:$0x4E00] =	vst v63  }
0x400: {  	s31 =	simm.s32 $0x3080;
	s29 =	sadd.s32 $0x80, s1  }
0x401: {  	[hbm4b:s29+s23] =	stream.linear.scatter [tilespmem:s31], [sflag:$0x4], $0x80, $0x38;
	[tilespmem:$0x4E00] =	vst v63  }
0x402: {  	s4 =	simm.s32 $0x3480;
	s3 =	sadd.s32 $0x100, s1  }
0x403: {  	[hbm4b:s3+s23] =	stream.linear.scatter [tilespmem:s4], [sflag:$0x4], $0x80, $0x38;
	[tilespmem:$0x4E00] =	vst v63  }
0x404: {  	s7 =	simm.s32 $0x3880;
	s8 =	rddreg [dreg:$0x1f];
	s1 =	sadd.s32 $0x180, s1  }
0x405: {  	[hbm4b:s1+s23] =	stream.linear.scatter [tilespmem:s7], [sflag:$0x4], $0x80, $0x38;
	[tilespmem:$0x4E00] =	vst v63  }
0x406: {  	s1 =	sadd.s32 s6, s8  }
0x407: {  	s9 =	simm.s32 $0x2D00;
	s1 =	sadd.s32 s0, s1  }
0x408: {  	[hbm4b:s1+s23] =	stream.linear.scatter [tilespmem:s9], [sflag:$0x4], $0x80, $0x38;
	[tilespmem:$0x4E00] =	vst v63  }
0x409: {  	s11 =	simm.s32 $0x3100;
	s10 =	sadd.s32 $0x80, s1  }
0x40a: {  	[hbm4b:s10+s23] =	stream.linear.scatter [tilespmem:s11], [sflag:$0x4], $0x80, $0x38;
	[tilespmem:$0x4E00] =	vst v63  }
0x40b: {  	s13 =	simm.s32 $0x3500;
	s15 =	sld [smem:$0x7F8];
	s12 =	sadd.s32 $0x100, s1  }
0x40c: {  	[hbm4b:s12+s23] =	stream.linear.scatter [tilespmem:s13], [sflag:$0x4], $0x80, $0x38;
	[tilespmem:$0x4E00] =	vst v63  }
0x40d: {  	s14 =	simm.s32 $0x3900;
	s1 =	sadd.s32 $0x180, s1  }
0x40e: {  	[hbm4b:s1+s23] =	stream.linear.scatter [tilespmem:s14], [sflag:$0x4], $0x80, $0x38;
	[tilespmem:$0x4E00] =	vst v63  }
0x40f: {  	s1 =	sadd.s32 s6, s15  }
0x410: {  	s16 =	simm.s32 $0x2D80;
	s1 =	sadd.s32 s0, s1  }
0x411: {  	[hbm4b:s1+s23] =	stream.linear.scatter [tilespmem:s16], [sflag:$0x4], $0x80, $0x38;
	[tilespmem:$0x4E00] =	vst v63  }
0x412: {  	s18 =	simm.s32 $0x3180;
	s17 =	sadd.s32 $0x80, s1  }
0x413: {  	[hbm4b:s17+s23] =	stream.linear.scatter [tilespmem:s18], [sflag:$0x4], $0x80, $0x38;
	[tilespmem:$0x4E00] =	vst v63  }
0x414: {  	s20 =	simm.s32 $0x3580;
	s22 =	sld [smem:$0x7F9];
	s19 =	sadd.s32 $0x100, s1  }
0x415: {  	[hbm4b:s19+s23] =	stream.linear.scatter [tilespmem:s20], [sflag:$0x4], $0x80, $0x38;
	[tilespmem:$0x4E00] =	vst v63  }
0x416: {  	s21 =	simm.s32 $0x3980;
	s1 =	sadd.s32 $0x180, s1  }
0x417: {  	[hbm4b:s1+s23] =	stream.linear.scatter [tilespmem:s21], [sflag:$0x4], $0x80, $0x38;
	[tilespmem:$0x4E00] =	vst v63  }
0x418: {  	s1 =	sadd.s32 s6, s22  }
0x419: {  	s24 =	simm.s32 $0x3A00;
	s1 =	sadd.s32 s0, s1  }
0x41a: {  	[hbm4b:s1+s23] =	stream.linear.scatter [tilespmem:s24], [sflag:$0x4], $0x80, $0x38;
	[tilespmem:$0x4E00] =	vst v63  }
0x41b: {  	s26 =	simm.s32 $0x3E00;
	s25 =	sadd.s32 $0x80, s1  }
0x41c: {  	[hbm4b:s25+s23] =	stream.linear.scatter [tilespmem:s26], [sflag:$0x4], $0x80, $0x38;
	[tilespmem:$0x4E00] =	vst v63  }
0x41d: {  	s31 =	simm.s32 $0x4200;
	s7 =	sld [smem:$0x7FA];
	s29 =	sadd.s32 $0x100, s1  }
0x41e: {  	[hbm4b:s29+s23] =	stream.linear.scatter [tilespmem:s31], [sflag:$0x4], $0x80, $0x38;
	[tilespmem:$0x4E00] =	vst v63  }
0x41f: {  	s4 =	simm.s32 $0x4600;
	s1 =	sadd.s32 $0x180, s1  }
0x420: {  	[hbm4b:s1+s23] =	stream.linear.scatter [tilespmem:s4], [sflag:$0x4], $0x80, $0x38;
	[tilespmem:$0x4E00] =	vst v63  }
0x421: {  	s1 =	sadd.s32 s6, s7  }
0x422: {  	s8 =	simm.s32 $0x3A80;
	s1 =	sadd.s32 s0, s1  }
0x423: {  	[hbm4b:s1+s23] =	stream.linear.scatter [tilespmem:s8], [sflag:$0x4], $0x80, $0x38;
	[tilespmem:$0x4E00] =	vst v63  }
0x424: {  	s10 =	simm.s32 $0x3E80;
	s9 =	sadd.s32 $0x80, s1  }
0x425: {  	[hbm4b:s9+s23] =	stream.linear.scatter [tilespmem:s10], [sflag:$0x4], $0x80, $0x38;
	[tilespmem:$0x4E00] =	vst v63  }
0x426: {  	s12 =	simm.s32 $0x4280;
	s14 =	sld [smem:$0x7FB];
	s11 =	sadd.s32 $0x100, s1  }
0x427: {  	[hbm4b:s11+s23] =	stream.linear.scatter [tilespmem:s12], [sflag:$0x4], $0x80, $0x38;
	[tilespmem:$0x4E00] =	vst v63  }
0x428: {  	s13 =	simm.s32 $0x4680;
	s1 =	sadd.s32 $0x180, s1  }
0x429: {  	[hbm4b:s1+s23] =	stream.linear.scatter [tilespmem:s13], [sflag:$0x4], $0x80, $0x38;
	[tilespmem:$0x4E00] =	vst v63  }
0x42a: {  	s1 =	sadd.s32 s6, s14  }
0x42b: {  	s15 =	simm.s32 $0x3B00;
	s1 =	sadd.s32 s0, s1  }
0x42c: {  	[hbm4b:s1+s23] =	stream.linear.scatter [tilespmem:s15], [sflag:$0x4], $0x80, $0x38;
	[tilespmem:$0x4E00] =	vst v63  }
0x42d: {  	s17 =	simm.s32 $0x3F00;
	s16 =	sadd.s32 $0x80, s1  }
0x42e: {  	[hbm4b:s16+s23] =	stream.linear.scatter [tilespmem:s17], [sflag:$0x4], $0x80, $0x38;
	[tilespmem:$0x4E00] =	vst v63  }
0x42f: {  	s19 =	simm.s32 $0x4300;
	s21 =	sld [smem:$0x7FC];
	s18 =	sadd.s32 $0x100, s1  }
0x430: {  	[hbm4b:s18+s23] =	stream.linear.scatter [tilespmem:s19], [sflag:$0x4], $0x80, $0x38;
	[tilespmem:$0x4E00] =	vst v63  }
0x431: {  	s20 =	simm.s32 $0x4700;
	s1 =	sadd.s32 $0x180, s1;
	s19 =	sld [smem:$0x7F5]  }
0x432: {  	[hbm4b:s1+s23] =	stream.linear.scatter [tilespmem:s20], [sflag:$0x4], $0x80, $0x38;
	[tilespmem:$0x4E00] =	vst v63  }
0x433: {  	s28 =	simm.s32 $0x100;
	s1 =	sadd.s32 s6, s21  }
0x434: {  	s22 =	simm.s32 $0x3B80;
	s0 =	sadd.s32 s0, s1;
	s19 =	sadd.s32 $0x1, s19  }
0x435: {  	[hbm4b:s0+s23] =	stream.linear.scatter [tilespmem:s22], [sflag:$0x4], $0x80, $0x38;
	[tilespmem:$0x4E00] =	vst v63  }
0x436: {  	s25 =	simm.s32 $0x3F80;
	s24 =	sadd.s32 $0x80, s0;
	p0 =	sne.s32 s19, $0x20  }
0x437: {  	[hbm4b:s24+s23] =	stream.linear.scatter [tilespmem:s25], [sflag:$0x4], $0x80, $0x38;
	[tilespmem:$0x4E00] =	vst v63  }
.Ltmp2:
0x438: {  	s30 =	simm.s32 $0x180;
	s29 =	simm.s32 $0x4380;
	(pc) =	sbr.rel @p0 .LBB2_2-.Ltmp2, $4  }
0x439: {  	s31 =	simm.s32 $0x4780;
	s4 =	simm.s32 $0x300;
	s26 =	sadd.s32 $0x100, s0  }
0x43a: {  	[hbm4b:s26+s23] =	stream.linear.scatter [tilespmem:s29], [sflag:$0x4], $0x80, $0x38;
	[tilespmem:$0x4E00] =	vst v63  }
0x43b: {  	s7 =	simm.s32 $0x280;
	s0 =	sadd.s32 $0x180, s0;
	s25 =	simm.s32 $0x80  }
0x43c: {  	[hbm4b:s0+s23] =	stream.linear.scatter [tilespmem:s31], [sflag:$0x4], $0x80, $0x38;
	[tilespmem:$0x4E00] =	vst v63  }
0x43d: {  	s0 =	simm.s32 $0x3  }
0x43e: {  	_ =	swait.ge [sflag:s0], $0x200  }
0x43f: {  	[sflag:s0] =	ssyncset.done $0x0  }
0x440: {  	[sflag:s0] =	ssyncadd.s32 $0xFFFFFE00  }
0x441: {  	_ =	swait.ge [sflag:s0], $0x200  }
0x442: {  	[sflag:s0] =	ssyncset.done $0x0  }
0x443: {  	[sflag:s0] =	ssyncadd.s32 $0xFFFFFE00  }
0x444: {  	_ =	swait.ge [sflag:s0], $0x200  }
0x445: {  	[sflag:s0] =	ssyncset.done $0x0  }
0x446: {  	[sflag:s0] =	ssyncadd.s32 $0xFFFFFE00  }
0x447: {  	_ =	swait.ge [sflag:s0], $0x200  }
0x448: {  	[sflag:s0] =	ssyncset.done $0x0  }
0x449: {  	[sflag:s0] =	ssyncadd.s32 $0xFFFFFE00  }
0x44a: {  	_ =	swait.ge [sflag:s0], $0x200  }
0x44b: {  	[sflag:s0] =	ssyncset.done $0x0  }
0x44c: {  	[sflag:s0] =	ssyncadd.s32 $0xFFFFFE00  }
0x44d: {  	_ =	swait.ge [sflag:s0], $0x200  }
0x44e: {  	[sflag:s0] =	ssyncset.done $0x0  }
0x44f: {  	[sflag:s0] =	ssyncadd.s32 $0xFFFFFE00  }
0x450: {  	_ =	swait.ge [sflag:s0], $0x200  }
0x451: {  	[sflag:s0] =	ssyncset.done $0x0  }
0x452: {  	[sflag:s0] =	ssyncadd.s32 $0xFFFFFE00  }
0x453: {  	_ =	swait.ge [sflag:s0], $0x200  }
0x454: {  	[sflag:s0] =	ssyncset.done $0x0  }
0x455: {  	[sflag:s0] =	ssyncadd.s32 $0xFFFFFE00  }
0x456: {  	_ =	swait.ge [sflag:s0], $0x200  }
0x457: {  	[sflag:s0] =	ssyncset.done $0x0  }
0x458: {  	[sflag:s0] =	ssyncadd.s32 $0xFFFFFE00  }
0x459: {  	_ =	swait.ge [sflag:s0], $0x200  }
0x45a: {  	[sflag:s0] =	ssyncset.done $0x0  }
0x45b: {  	[sflag:s0] =	ssyncadd.s32 $0xFFFFFE00  }
0x45c: {  	_ =	swait.ge [sflag:s0], $0x200  }
0x45d: {  	[sflag:s0] =	ssyncset.done $0x0  }
0x45e: {  	[sflag:s0] =	ssyncadd.s32 $0xFFFFFE00  }
0x45f: {  	_ =	swait.ge [sflag:s0], $0x200  }
0x460: {  	[sflag:s0] =	ssyncset.done $0x0  }
0x461: {  	s1 =	simm.s32 $0x4;
	[sflag:s0] =	ssyncadd.s32 $0xFFFFFE00  }
0x462: {  	_ =	swait.ge [sflag:s1], $0x200  }
0x463: {  	[sflag:s1] =	ssyncset.done $0x0  }
0x464: {  	[sflag:s1] =	ssyncadd.s32 $0xFFFFFE00  }
0x465: {  	_ =	swait.ge [sflag:s1], $0x200  }
0x466: {  	[sflag:s1] =	ssyncset.done $0x0  }
0x467: {  	[sflag:s1] =	ssyncadd.s32 $0xFFFFFE00  }
0x468: {  	_ =	swait.ge [sflag:s1], $0x200  }
0x469: {  	[sflag:s1] =	ssyncset.done $0x0  }
0x46a: {  	[sflag:s1] =	ssyncadd.s32 $0xFFFFFE00  }
0x46b: {  	_ =	swait.ge [sflag:s1], $0x200  }
0x46c: {  	[sflag:s1] =	ssyncset.done $0x0  }
0x46d: {  	[sflag:s1] =	ssyncadd.s32 $0xFFFFFE00  }
0x46e: {  	_ =	swait.ge [sflag:s1], $0x200  }
0x46f: {  	[sflag:s1] =	ssyncset.done $0x0  }
0x470: {  	[sflag:s1] =	ssyncadd.s32 $0xFFFFFE00  }
0x471: {  	_ =	swait.ge [sflag:s1], $0x200  }
0x472: {  	[sflag:s1] =	ssyncset.done $0x0  }
0x473: {  	[sflag:s1] =	ssyncadd.s32 $0xFFFFFE00  }
0x474: {  	_ =	swait.ge [sflag:s1], $0x200  }
0x475: {  	[sflag:s1] =	ssyncset.done $0x0  }
0x476: {  	[sflag:s1] =	ssyncadd.s32 $0xFFFFFE00  }
0x477: {  	_ =	swait.ge [sflag:s1], $0x200  }
0x478: {  	[sflag:s1] =	ssyncset.done $0x0  }
0x479: {  	[sflag:s1] =	ssyncadd.s32 $0xFFFFFE00  }
0x47a: {  	_ =	swait.ge [sflag:s1], $0x200  }
0x47b: {  	[sflag:s1] =	ssyncset.done $0x0  }
0x47c: {  	[sflag:s1] =	ssyncadd.s32 $0xFFFFFE00  }
0x47d: {  	_ =	swait.ge [sflag:s1], $0x200  }
0x47e: {  	[sflag:s1] =	ssyncset.done $0x0  }
0x47f: {  	[sflag:s1] =	ssyncadd.s32 $0xFFFFFE00  }
0x480: {  	_ =	swait.ge [sflag:s1], $0x200  }
0x481: {  	[sflag:s1] =	ssyncset.done $0x0  }
0x482: {  	[sflag:s1] =	ssyncadd.s32 $0xFFFFFE00  }
0x483: {  	_ =	swait.ge [sflag:s1], $0x200  }
0x484: {  	s2 =	sld [smem:$0x7F7]  }
0x485: {  	s31 =	sld [smem:$0x7FD];
	_ =	sdelay $0x1  }
0x486: {  	s2 =	sadd.s32 $0x1, s2  }
0x487: {  	p0 =	sne.s32 s2, s31  }
.Ltmp3:
0x488: {  	_ = 	snop;
	(pc) =	sbr.rel @p0 .LBB2_1-.Ltmp3, $3  }
0x489: {  	_ =	sdelay $0x1  }
0x48a: {  	[sflag:s1] =	ssyncset.done $0x0  }
0x48b: {  	[sflag:s1] =	ssyncadd.s32 $0xFFFFFE00  }
0x48c: {  	_ =	sfence.sel $0x180000  }
0x48d: {  	[bflag:$0x0] =	sbarrier.arrive $0xFFFF  }
0x48e: {  	_ =	strace $0x90000047  }
0x48f: {  	s0 =	stileid.u32;
	[bflag:$0x2] =	sbarrier.arrive $0xFFFF  }
0x490: {  	p0 =	sne.s32 s0, $0x0;
	s0 =	rddreg [dreg:$0x2]  }
0x491: {  	s0 =	sadd.s32 @!p0 $0x100000, s0  }
0x492: {  	[sflag:s0] =	ssyncadd.tile.s32 @!p0 $0x1;
	_ =	shalt  }
.Lfunc_end2:
_tile_overlayer_lowered:
.L_overlay_start_2:
0x493: {  	(tag) =	ssettag $0x2  }
0x494: {  	s0 =	rddreg [dreg:$0x0];
	s2 =	stileid.u32  }
0x495: {  	s1 =	rddreg [dreg:$0x1];
	p0 =	sne.s32 s2, $0x0  }
0x496: {  	s3 =	rddreg [dreg:$0x2];
	[bflag:$0x3] =	sbarrier.arrive $0xFFFF;
	s2 =	simm.s32 @!p0 $0x1C05  }
0x497: {  	[timem:s3], [sflag:s2] =	dma.local @!p0 [hbm:s0], s1  }
0x498: {  	s0 =	simm.s32 @!p0 $0x5  }
0x499: {  	_ =	swait.ge @!p0 [sflag:s0], s1  }
0x49a: {  	s1 =	ssub.s32 @!p0 $0x0, s1;
	[sflag:s0] =	ssyncset.done @!p0 $0x0  }
0x49b: {  	[sflag:s0] =	ssyncadd.s32 @!p0 s1  }
0x49c: {  	[bflag:$0x3] =	sbarrier.arrive $0xFFFF  }
0x49d: {  	_ =	shalt  }

</sc_bundles>
